<compile_context>
chip_gen: v7x
topology: tpu7x:2x2x1
jax: 0.10.2.dev20260603
libtpu: 0.0.44.dev20260713+nightly
codegen_flags: <defaults>
</compile_context>

<pallas_src>
import jax
import jax.numpy as jnp
from jax import lax
from jax.experimental import pallas as pl
from jax.experimental.pallas import tpu as pltpu
from jax.experimental.pallas import tpu_sc as plsc

VOCAB = 100000
D = 128
B = 4096
N = 50

NC = 2
NS = 16
NW = NC * NS

CHUNK = B // NW
TPC = 2
NCH = N // TPC
NBUF = 3


def _body(table_hbm, idx_hbm, out_hbm, idx_v, rows_v, gsem, wsem):
    wid = lax.axis_index("s") * NC + lax.axis_index("c")
    b0 = wid * CHUNK
    pltpu.sync_copy(idx_hbm.at[pl.ds(0, 8), pl.ds(b0, CHUNK)],
                    idx_v.at[pl.ds(0, 8)])

    def gather(c, b):
        pltpu.async_copy(
            table_hbm.at[idx_v.at[c * TPC]], rows_v.at[b, 0], gsem.at[b])
        pltpu.async_copy(
            table_hbm.at[idx_v.at[c * TPC + 1]], rows_v.at[b, 1], gsem.at[b])

    def wait_gather(b):
        pltpu.make_async_copy(
            table_hbm.at[idx_v.at[0]], rows_v.at[b], gsem.at[b]).wait()

    def write(c, b):
        pltpu.async_copy(
            rows_v.at[b],
            out_hbm.at[pl.ds(c * TPC, TPC), pl.ds(b0, CHUNK)], wsem.at[b])

    def wait_write(b):
        pltpu.make_async_copy(
            rows_v.at[b],
            out_hbm.at[pl.ds(0, TPC), pl.ds(b0, CHUNK)], wsem.at[b]).wait()

    for b in range(NBUF):
        gather(b, b)
    pltpu.sync_copy(idx_hbm.at[pl.ds(8, N - 8), pl.ds(b0, CHUNK)],
                    idx_v.at[pl.ds(8, N - 8)])
    for c in range(NCH):
        b = c % NBUF
        wait_gather(b)
        write(c, b)
        if c + NBUF < NCH:
            wait_write(b)
            gather(c + NBUF, b)
    for c in range(NCH - NBUF, NCH):
        wait_write(c % NBUF)


@jax.jit
def kernel(x, table):
    idx = x.astype(jnp.int32).T
    mesh = plsc.VectorSubcoreMesh(core_axis_name="c", subcore_axis_name="s")
    out_t = pl.kernel(
        _body,
        out_type=jax.ShapeDtypeStruct((N, B, D), jnp.float32),
        mesh=mesh,
        scratch_types=[
            pltpu.VMEM((N, CHUNK), jnp.int32),
            pltpu.VMEM((NBUF, TPC, CHUNK, D), jnp.float32),
            pltpu.SemaphoreType.DMA((NBUF,)),
            pltpu.SemaphoreType.DMA((NBUF,)),
        ],
    )(table, idx)
    return out_t.transpose(1, 0, 2)

# --- scband reference (transcript-rebuilt; emitter-appended) ---
"""Pipeline reference for scband-input-embedding-33913061769957 (READ-ONLY COPY).

The authoritative reference and input builder live on the scoring server;
editing this copy changes nothing except your own understanding.
"""

import jax, jax.numpy as jnp
import numpy as np

VOCAB = 100000
D_MODEL = 128
B = 4096
N = 50

def setup_inputs(seed: int = 0) -> dict:
    key = jax.random.key(seed)
    k1, k2 = jax.random.split(key)
    x = jax.random.randint(k1, (B, N), 0, VOCAB, dtype=jnp.int64 if jax.config.jax_enable_x64 else jnp.int32)
    table = jax.random.normal(k2, (VOCAB, D_MODEL), dtype=jnp.float32)
    return {"x": x, "table": table}

def reference(x, table):
    # nn.Embedding lookup: gather rows of the table by token id
    return jnp.take(table, x, axis=0)

if __name__ == "__main__":
    import jax
    _d = setup_inputs()
    print(jax.jit(kernel)(*tuple(_d.values())))

</pallas_src>

<mosaic_0001>
#map = affine_map<(d0, d1) -> (0, 0)>
#map1 = affine_map<(d0, d1) -> (0, 0, 0)>
module attributes {stable_mosaic.version = 14 : i64} {
  func.func @_body(%arg0: i32, %arg1: i32, %arg2: memref<100000x128xf32, #tpu.memory_space<hbm>>, %arg3: memref<50x4096xi32, #tpu.memory_space<hbm>>, %arg4: memref<50x4096x128xf32, #tpu.memory_space<hbm>>, %arg5: memref<50x128xi32, #tpu.memory_space<vmem>>, %arg6: memref<3x2x128x128xf32, #tpu.memory_space<vmem>>, %arg7: memref<3x!tpu.dma_semaphore, #tpu.memory_space<semaphore_mem>>, %arg8: memref<3x!tpu.dma_semaphore, #tpu.memory_space<semaphore_mem>>) attributes {dimension_semantics = [#tpu.dimension_semantics<core_parallel>, #tpu.dimension_semantics<subcore_parallel>], iteration_bounds = array<i64: 2, 16>, scalar_prefetch = 0 : i64, scratch_operands = 4 : i64, tpu.core_type = #tpu.core_type<sc_vector_subcore>, window_params = [{transform_indices = #map}, {transform_indices = #map}, {transform_indices = #map1}]} {
    %mul3A = arith.constant 2 : i32
    %mul3A_0 = arith.muli %arg1, %mul3A : i32
    %add3A = arith.addi %mul3A_0, %arg0 : i32
    %mul3A_1 = arith.constant 128 : i32
    %mul3A_2 = arith.muli %add3A, %mul3A_1 : i32
    "tpu.region"() ({
      %run_scoped3A = tpu.sem_alloc : memref<!tpu.dma_semaphore, #tpu.memory_space<semaphore_mem>>
      %dma_start3A_2201 = arith.constant 0 : i32
      %dma_start3A_2202 = arith.constant 0 : i32
      %dma_start3A_2203 = tpu.memref_slice %arg5[%dma_start3A_2201, %dma_start3A_2202] : memref<50x128xi32, #tpu.memory_space<vmem>> -> memref<8x128xi32, #tpu.memory_space<vmem>>
      %dma_start3A_2204 = arith.constant 0 : i32
      %dma_start3A_2205 = tpu.memref_slice %arg3[%dma_start3A_2204, %mul3A_2] : memref<50x4096xi32, #tpu.memory_space<hbm>> -> memref<8x128xi32, #tpu.memory_space<hbm>>
      %dma_start3A_2206 = arith.constant 0 : i32
      %dma_start3A_2207 = arith.constant 0 : i32
      %dma_start3A_2208 = tpu.memref_slice %arg5[%dma_start3A_2206, %dma_start3A_2207] : memref<50x128xi32, #tpu.memory_space<vmem>> -> memref<8x128xi32, #tpu.memory_space<vmem>>
      %dma_start3A_2209 = arith.constant 0 : i32
      %dma_start3A_2210 = tpu.memref_slice %arg3[%dma_start3A_2209, %mul3A_2] : memref<50x4096xi32, #tpu.memory_space<hbm>> -> memref<8x128xi32, #tpu.memory_space<hbm>>
      tpu.enqueue_dma source(%dma_start3A_2210 : memref<8x128xi32, #tpu.memory_space<hbm>>) target(%dma_start3A_2208 : memref<8x128xi32, #tpu.memory_space<vmem>>) target_semaphore(%run_scoped3A : memref<!tpu.dma_semaphore, #tpu.memory_space<semaphore_mem>>)
      %dma_wait3A_2211 = arith.constant 0 : i32
      %dma_wait3A_2212 = arith.constant 0 : i32
      %dma_wait3A_2213 = tpu.memref_slice %arg5[%dma_wait3A_2211, %dma_wait3A_2212] : memref<50x128xi32, #tpu.memory_space<vmem>> -> memref<8x128xi32, #tpu.memory_space<vmem>>
      %dma_wait3A_2214 = arith.constant 0 : i32
      %dma_wait3A_2215 = tpu.memref_slice %arg3[%dma_wait3A_2214, %mul3A_2] : memref<50x4096xi32, #tpu.memory_space<hbm>> -> memref<8x128xi32, #tpu.memory_space<hbm>>
      %dma_wait3A_2216 = arith.constant 0 : i32
      %dma_wait3A_2217 = arith.constant 0 : i32
      %dma_wait3A_2218 = tpu.memref_slice %arg5[%dma_wait3A_2216, %dma_wait3A_2217] : memref<50x128xi32, #tpu.memory_space<vmem>> -> memref<8x128xi32, #tpu.memory_space<vmem>>
      %dma_wait3A_2219 = arith.constant 0 : i32
      %dma_wait3A_2220 = tpu.memref_slice %arg3[%dma_wait3A_2219, %mul3A_2] : memref<50x4096xi32, #tpu.memory_space<hbm>> -> memref<8x128xi32, #tpu.memory_space<hbm>>
      tpu.wait_dma2 semaphore(%run_scoped3A : memref<!tpu.dma_semaphore, #tpu.memory_space<semaphore_mem>>) src(%dma_wait3A_2220 : memref<8x128xi32, #tpu.memory_space<hbm>>) dst(%dma_wait3A_2218 : memref<8x128xi32, #tpu.memory_space<vmem>>)
      tpu.yield
    }) : () -> ()
    %dma_start3A = arith.constant 0 : i32
    %dma_start3A_3 = arith.constant 0 : i32
    %dma_start3A_4 = arith.constant 0 : i32
    %dma_start3A_5 = arith.constant 0 : i32
    %dma_start3A_6 = arith.constant 0 : i32
    %dma_start3A_7 = arith.constant 0 : i32
    %dma_start3A_8 = tpu.memref_slice %arg6[%dma_start3A_3, %dma_start3A_4, %dma_start3A_6, %dma_start3A_7] : memref<3x2x128x128xf32, #tpu.memory_space<vmem>> -> memref<1x1x128x128xf32, #tpu.memory_space<vmem>>
    %dma_start3A_9 = tpu.memref_squeeze %dma_start3A_8 : memref<1x1x128x128xf32, #tpu.memory_space<vmem>> -> memref<128x128xf32, #tpu.memory_space<vmem>>
    %dma_start3A_10 = arith.constant 0 : i32
    %dma_start3A_11 = tpu.memref_slice %arg5[%dma_start3A, %dma_start3A_10] : memref<50x128xi32, #tpu.memory_space<vmem>> -> memref<1x128xi32, #tpu.memory_space<vmem>>
    %dma_start3A_12 = tpu.memref_squeeze %dma_start3A_11 : memref<1x128xi32, #tpu.memory_space<vmem>> -> memref<128xi32, #tpu.memory_space<vmem>>
    %dma_start3A_13 = arith.constant 0 : i32
    %dma_start3A_14 = arith.constant 0 : i32
    %dma_start3A_15 = tpu.memref_slice %arg2[%dma_start3A_13, %dma_start3A_14] : memref<100000x128xf32, #tpu.memory_space<hbm>> -> memref<100000x128xf32, #tpu.memory_space<hbm>>
    %dma_start3A_16 = tpu.memref_slice %arg7[%dma_start3A_5] : memref<3x!tpu.dma_semaphore, #tpu.memory_space<semaphore_mem>> -> memref<1x!tpu.dma_semaphore, #tpu.memory_space<semaphore_mem>>
    %dma_start3A_17 = tpu.memref_squeeze %dma_start3A_16 : memref<1x!tpu.dma_semaphore, #tpu.memory_space<semaphore_mem>> -> memref<!tpu.dma_semaphore, #tpu.memory_space<semaphore_mem>>
    tpu.enqueue_indirect_dma source(%dma_start3A_15 : memref<100000x128xf32, #tpu.memory_space<hbm>>) target(%dma_start3A_9 : memref<128x128xf32, #tpu.memory_space<vmem>>) offsets(%dma_start3A_12 : memref<128xi32, #tpu.memory_space<vmem>>) semaphore(%dma_start3A_17 : memref<!tpu.dma_semaphore, #tpu.memory_space<semaphore_mem>>)
    %dma_start3A_18 = arith.constant 1 : i32
    %dma_start3A_19 = arith.constant 0 : i32
    %dma_start3A_20 = arith.constant 1 : i32
    %dma_start3A_21 = arith.constant 0 : i32
    %dma_start3A_22 = arith.constant 0 : i32
    %dma_start3A_23 = arith.constant 0 : i32
    %dma_start3A_24 = tpu.memref_slice %arg6[%dma_start3A_19, %dma_start3A_20, %dma_start3A_22, %dma_start3A_23] : memref<3x2x128x128xf32, #tpu.memory_space<vmem>> -> memref<1x1x128x128xf32, #tpu.memory_space<vmem>>
    %dma_start3A_25 = tpu.memref_squeeze %dma_start3A_24 : memref<1x1x128x128xf32, #tpu.memory_space<vmem>> -> memref<128x128xf32, #tpu.memory_space<vmem>>
    %dma_start3A_26 = arith.constant 0 : i32
    %dma_start3A_27 = tpu.memref_slice %arg5[%dma_start3A_18, %dma_start3A_26] : memref<50x128xi32, #tpu.memory_space<vmem>> -> memref<1x128xi32, #tpu.memory_space<vmem>>
    %dma_start3A_28 = tpu.memref_squeeze %dma_start3A_27 : memref<1x128xi32, #tpu.memory_space<vmem>> -> memref<128xi32, #tpu.memory_space<vmem>>
    %dma_start3A_29 = arith.constant 0 : i32
    %dma_start3A_30 = arith.constant 0 : i32
    %dma_start3A_31 = tpu.memref_slice %arg2[%dma_start3A_29, %dma_start3A_30] : memref<100000x128xf32, #tpu.memory_space<hbm>> -> memref<100000x128xf32, #tpu.memory_space<hbm>>
    %dma_start3A_32 = tpu.memref_slice %arg7[%dma_start3A_21] : memref<3x!tpu.dma_semaphore, #tpu.memory_space<semaphore_mem>> -> memref<1x!tpu.dma_semaphore, #tpu.memory_space<semaphore_mem>>
    %dma_start3A_33 = tpu.memref_squeeze %dma_start3A_32 : memref<1x!tpu.dma_semaphore, #tpu.memory_space<semaphore_mem>> -> memref<!tpu.dma_semaphore, #tpu.memory_space<semaphore_mem>>
    tpu.enqueue_indirect_dma source(%dma_start3A_31 : memref<100000x128xf32, #tpu.memory_space<hbm>>) target(%dma_start3A_25 : memref<128x128xf32, #tpu.memory_space<vmem>>) offsets(%dma_start3A_28 : memref<128xi32, #tpu.memory_space<vmem>>) semaphore(%dma_start3A_33 : memref<!tpu.dma_semaphore, #tpu.memory_space<semaphore_mem>>)
    %dma_start3A_34 = arith.constant 2 : i32
    %dma_start3A_35 = arith.constant 1 : i32
    %dma_start3A_36 = arith.constant 0 : i32
    %dma_start3A_37 = arith.constant 1 : i32
    %dma_start3A_38 = arith.constant 0 : i32
    %dma_start3A_39 = arith.constant 0 : i32
    %dma_start3A_40 = tpu.memref_slice %arg6[%dma_start3A_35, %dma_start3A_36, %dma_start3A_38, %dma_start3A_39] : memref<3x2x128x128xf32, #tpu.memory_space<vmem>> -> memref<1x1x128x128xf32, #tpu.memory_space<vmem>>
    %dma_start3A_41 = tpu.memref_squeeze %dma_start3A_40 : memref<1x1x128x128xf32, #tpu.memory_space<vmem>> -> memref<128x128xf32, #tpu.memory_space<vmem>>
    %dma_start3A_42 = arith.constant 0 : i32
    %dma_start3A_43 = tpu.memref_slice %arg5[%dma_start3A_34, %dma_start3A_42] : memref<50x128xi32, #tpu.memory_space<vmem>> -> memref<1x128xi32, #tpu.memory_space<vmem>>
    %dma_start3A_44 = tpu.memref_squeeze %dma_start3A_43 : memref<1x128xi32, #tpu.memory_space<vmem>> -> memref<128xi32, #tpu.memory_space<vmem>>
    %dma_start3A_45 = arith.constant 0 : i32
    %dma_start3A_46 = arith.constant 0 : i32
    %dma_start3A_47 = tpu.memref_slice %arg2[%dma_start3A_45, %dma_start3A_46] : memref<100000x128xf32, #tpu.memory_space<hbm>> -> memref<100000x128xf32, #tpu.memory_space<hbm>>
    %dma_start3A_48 = tpu.memref_slice %arg7[%dma_start3A_37] : memref<3x!tpu.dma_semaphore, #tpu.memory_space<semaphore_mem>> -> memref<1x!tpu.dma_semaphore, #tpu.memory_space<semaphore_mem>>
    %dma_start3A_49 = tpu.memref_squeeze %dma_start3A_48 : memref<1x!tpu.dma_semaphore, #tpu.memory_space<semaphore_mem>> -> memref<!tpu.dma_semaphore, #tpu.memory_space<semaphore_mem>>
    tpu.enqueue_indirect_dma source(%dma_start3A_47 : memref<100000x128xf32, #tpu.memory_space<hbm>>) target(%dma_start3A_41 : memref<128x128xf32, #tpu.memory_space<vmem>>) offsets(%dma_start3A_44 : memref<128xi32, #tpu.memory_space<vmem>>) semaphore(%dma_start3A_49 : memref<!tpu.dma_semaphore, #tpu.memory_space<semaphore_mem>>)
    %dma_start3A_50 = arith.constant 3 : i32
    %dma_start3A_51 = arith.constant 1 : i32
    %dma_start3A_52 = arith.constant 1 : i32
    %dma_start3A_53 = arith.constant 1 : i32
    %dma_start3A_54 = arith.constant 0 : i32
    %dma_start3A_55 = arith.constant 0 : i32
    %dma_start3A_56 = tpu.memref_slice %arg6[%dma_start3A_51, %dma_start3A_52, %dma_start3A_54, %dma_start3A_55] : memref<3x2x128x128xf32, #tpu.memory_space<vmem>> -> memref<1x1x128x128xf32, #tpu.memory_space<vmem>>
    %dma_start3A_57 = tpu.memref_squeeze %dma_start3A_56 : memref<1x1x128x128xf32, #tpu.memory_space<vmem>> -> memref<128x128xf32, #tpu.memory_space<vmem>>
    %dma_start3A_58 = arith.constant 0 : i32
    %dma_start3A_59 = tpu.memref_slice %arg5[%dma_start3A_50, %dma_start3A_58] : memref<50x128xi32, #tpu.memory_space<vmem>> -> memref<1x128xi32, #tpu.memory_space<vmem>>
    %dma_start3A_60 = tpu.memref_squeeze %dma_start3A_59 : memref<1x128xi32, #tpu.memory_space<vmem>> -> memref<128xi32, #tpu.memory_space<vmem>>
    %dma_start3A_61 = arith.constant 0 : i32
    %dma_start3A_62 = arith.constant 0 : i32
    %dma_start3A_63 = tpu.memref_slice %arg2[%dma_start3A_61, %dma_start3A_62] : memref<100000x128xf32, #tpu.memory_space<hbm>> -> memref<100000x128xf32, #tpu.memory_space<hbm>>
    %dma_start3A_64 = tpu.memref_slice %arg7[%dma_start3A_53] : memref<3x!tpu.dma_semaphore, #tpu.memory_space<semaphore_mem>> -> memref<1x!tpu.dma_semaphore, #tpu.memory_space<semaphore_mem>>
    %dma_start3A_65 = tpu.memref_squeeze %dma_start3A_64 : memref<1x!tpu.dma_semaphore, #tpu.memory_space<semaphore_mem>> -> memref<!tpu.dma_semaphore, #tpu.memory_space<semaphore_mem>>
    tpu.enqueue_indirect_dma source(%dma_start3A_63 : memref<100000x128xf32, #tpu.memory_space<hbm>>) target(%dma_start3A_57 : memref<128x128xf32, #tpu.memory_space<vmem>>) offsets(%dma_start3A_60 : memref<128xi32, #tpu.memory_space<vmem>>) semaphore(%dma_start3A_65 : memref<!tpu.dma_semaphore, #tpu.memory_space<semaphore_mem>>)
    %dma_start3A_66 = arith.constant 4 : i32
    %dma_start3A_67 = arith.constant 2 : i32
    %dma_start3A_68 = arith.constant 0 : i32
    %dma_start3A_69 = arith.constant 2 : i32
    %dma_start3A_70 = arith.constant 0 : i32
    %dma_start3A_71 = arith.constant 0 : i32
    %dma_start3A_72 = tpu.memref_slice %arg6[%dma_start3A_67, %dma_start3A_68, %dma_start3A_70, %dma_start3A_71] : memref<3x2x128x128xf32, #tpu.memory_space<vmem>> -> memref<1x1x128x128xf32, #tpu.memory_space<vmem>>
    %dma_start3A_73 = tpu.memref_squeeze %dma_start3A_72 : memref<1x1x128x128xf32, #tpu.memory_space<vmem>> -> memref<128x128xf32, #tpu.memory_space<vmem>>
    %dma_start3A_74 = arith.constant 0 : i32
    %dma_start3A_75 = tpu.memref_slice %arg5[%dma_start3A_66, %dma_start3A_74] : memref<50x128xi32, #tpu.memory_space<vmem>> -> memref<1x128xi32, #tpu.memory_space<vmem>>
    %dma_start3A_76 = tpu.memref_squeeze %dma_start3A_75 : memref<1x128xi32, #tpu.memory_space<vmem>> -> memref<128xi32, #tpu.memory_space<vmem>>
    %dma_start3A_77 = arith.constant 0 : i32
    %dma_start3A_78 = arith.constant 0 : i32
    %dma_start3A_79 = tpu.memref_slice %arg2[%dma_start3A_77, %dma_start3A_78] : memref<100000x128xf32, #tpu.memory_space<hbm>> -> memref<100000x128xf32, #tpu.memory_space<hbm>>
    %dma_start3A_80 = tpu.memref_slice %arg7[%dma_start3A_69] : memref<3x!tpu.dma_semaphore, #tpu.memory_space<semaphore_mem>> -> memref<1x!tpu.dma_semaphore, #tpu.memory_space<semaphore_mem>>
    %dma_start3A_81 = tpu.memref_squeeze %dma_start3A_80 : memref<1x!tpu.dma_semaphore, #tpu.memory_space<semaphore_mem>> -> memref<!tpu.dma_semaphore, #tpu.memory_space<semaphore_mem>>
    tpu.enqueue_indirect_dma source(%dma_start3A_79 : memref<100000x128xf32, #tpu.memory_space<hbm>>) target(%dma_start3A_73 : memref<128x128xf32, #tpu.memory_space<vmem>>) offsets(%dma_start3A_76 : memref<128xi32, #tpu.memory_space<vmem>>) semaphore(%dma_start3A_81 : memref<!tpu.dma_semaphore, #tpu.memory_space<semaphore_mem>>)
    %dma_start3A_82 = arith.constant 5 : i32
    %dma_start3A_83 = arith.constant 2 : i32
    %dma_start3A_84 = arith.constant 1 : i32
    %dma_start3A_85 = arith.constant 2 : i32
    %dma_start3A_86 = arith.constant 0 : i32
    %dma_start3A_87 = arith.constant 0 : i32
    %dma_start3A_88 = tpu.memref_slice %arg6[%dma_start3A_83, %dma_start3A_84, %dma_start3A_86, %dma_start3A_87] : memref<3x2x128x128xf32, #tpu.memory_space<vmem>> -> memref<1x1x128x128xf32, #tpu.memory_space<vmem>>
    %dma_start3A_89 = tpu.memref_squeeze %dma_start3A_88 : memref<1x1x128x128xf32, #tpu.memory_space<vmem>> -> memref<128x128xf32, #tpu.memory_space<vmem>>
    %dma_start3A_90 = arith.constant 0 : i32
    %dma_start3A_91 = tpu.memref_slice %arg5[%dma_start3A_82, %dma_start3A_90] : memref<50x128xi32, #tpu.memory_space<vmem>> -> memref<1x128xi32, #tpu.memory_space<vmem>>
    %dma_start3A_92 = tpu.memref_squeeze %dma_start3A_91 : memref<1x128xi32, #tpu.memory_space<vmem>> -> memref<128xi32, #tpu.memory_space<vmem>>
    %dma_start3A_93 = arith.constant 0 : i32
    %dma_start3A_94 = arith.constant 0 : i32
    %dma_start3A_95 = tpu.memref_slice %arg2[%dma_start3A_93, %dma_start3A_94] : memref<100000x128xf32, #tpu.memory_space<hbm>> -> memref<100000x128xf32, #tpu.memory_space<hbm>>
    %dma_start3A_96 = tpu.memref_slice %arg7[%dma_start3A_85] : memref<3x!tpu.dma_semaphore, #tpu.memory_space<semaphore_mem>> -> memref<1x!tpu.dma_semaphore, #tpu.memory_space<semaphore_mem>>
    %dma_start3A_97 = tpu.memref_squeeze %dma_start3A_96 : memref<1x!tpu.dma_semaphore, #tpu.memory_space<semaphore_mem>> -> memref<!tpu.dma_semaphore, #tpu.memory_space<semaphore_mem>>
    tpu.enqueue_indirect_dma source(%dma_start3A_95 : memref<100000x128xf32, #tpu.memory_space<hbm>>) target(%dma_start3A_89 : memref<128x128xf32, #tpu.memory_space<vmem>>) offsets(%dma_start3A_92 : memref<128xi32, #tpu.memory_space<vmem>>) semaphore(%dma_start3A_97 : memref<!tpu.dma_semaphore, #tpu.memory_space<semaphore_mem>>)
    "tpu.region"() ({
      %run_scoped3A = tpu.sem_alloc : memref<!tpu.dma_semaphore, #tpu.memory_space<semaphore_mem>>
      %dma_start3A_2201 = arith.constant 8 : i32
      %dma_start3A_2202 = arith.constant 0 : i32
      %dma_start3A_2203 = tpu.memref_slice %arg5[%dma_start3A_2201, %dma_start3A_2202] : memref<50x128xi32, #tpu.memory_space<vmem>> -> memref<42x128xi32, #tpu.memory_space<vmem>>
      %dma_start3A_2204 = arith.constant 8 : i32
      %dma_start3A_2205 = tpu.memref_slice %arg3[%dma_start3A_2204, %mul3A_2] : memref<50x4096xi32, #tpu.memory_space<hbm>> -> memref<42x128xi32, #tpu.memory_space<hbm>>
      %dma_start3A_2206 = arith.constant 8 : i32
      %dma_start3A_2207 = arith.constant 0 : i32
      %dma_start3A_2208 = tpu.memref_slice %arg5[%dma_start3A_2206, %dma_start3A_2207] : memref<50x128xi32, #tpu.memory_space<vmem>> -> memref<42x128xi32, #tpu.memory_space<vmem>>
      %dma_start3A_2209 = arith.constant 8 : i32
      %dma_start3A_2210 = tpu.memref_slice %arg3[%dma_start3A_2209, %mul3A_2] : memref<50x4096xi32, #tpu.memory_space<hbm>> -> memref<42x128xi32, #tpu.memory_space<hbm>>
      tpu.enqueue_dma source(%dma_start3A_2210 : memref<42x128xi32, #tpu.memory_space<hbm>>) target(%dma_start3A_2208 : memref<42x128xi32, #tpu.memory_space<vmem>>) target_semaphore(%run_scoped3A : memref<!tpu.dma_semaphore, #tpu.memory_space<semaphore_mem>>)
      %dma_wait3A_2211 = arith.constant 8 : i32
      %dma_wait3A_2212 = arith.constant 0 : i32
      %dma_wait3A_2213 = tpu.memref_slice %arg5[%dma_wait3A_2211, %dma_wait3A_2212] : memref<50x128xi32, #tpu.memory_space<vmem>> -> memref<42x128xi32, #tpu.memory_space<vmem>>
      %dma_wait3A_2214 = arith.constant 8 : i32
      %dma_wait3A_2215 = tpu.memref_slice %arg3[%dma_wait3A_2214, %mul3A_2] : memref<50x4096xi32, #tpu.memory_space<hbm>> -> memref<42x128xi32, #tpu.memory_space<hbm>>
      %dma_wait3A_2216 = arith.constant 8 : i32
      %dma_wait3A_2217 = arith.constant 0 : i32
      %dma_wait3A_2218 = tpu.memref_slice %arg5[%dma_wait3A_2216, %dma_wait3A_2217] : memref<50x128xi32, #tpu.memory_space<vmem>> -> memref<42x128xi32, #tpu.memory_space<vmem>>
      %dma_wait3A_2219 = arith.constant 8 : i32
      %dma_wait3A_2220 = tpu.memref_slice %arg3[%dma_wait3A_2219, %mul3A_2] : memref<50x4096xi32, #tpu.memory_space<hbm>> -> memref<42x128xi32, #tpu.memory_space<hbm>>
      tpu.wait_dma2 semaphore(%run_scoped3A : memref<!tpu.dma_semaphore, #tpu.memory_space<semaphore_mem>>) src(%dma_wait3A_2220 : memref<42x128xi32, #tpu.memory_space<hbm>>) dst(%dma_wait3A_2218 : memref<42x128xi32, #tpu.memory_space<vmem>>)
      tpu.yield
    }) : () -> ()
    %dma_wait3A = arith.constant 0 : i32
    %dma_wait3A_98 = arith.constant 0 : i32
    %dma_wait3A_99 = arith.constant 0 : i32
    %dma_wait3A_100 = arith.constant 0 : i32
    %dma_wait3A_101 = arith.constant 0 : i32
    %dma_wait3A_102 = arith.constant 0 : i32
    %dma_wait3A_103 = tpu.memref_slice %arg6[%dma_wait3A_98, %dma_wait3A_100, %dma_wait3A_101, %dma_wait3A_102] : memref<3x2x128x128xf32, #tpu.memory_space<vmem>> -> memref<1x2x128x128xf32, #tpu.memory_space<vmem>>
    %dma_wait3A_104 = tpu.memref_squeeze %dma_wait3A_103 : memref<1x2x128x128xf32, #tpu.memory_space<vmem>> -> memref<2x128x128xf32, #tpu.memory_space<vmem>>
    %dma_wait3A_105 = arith.constant 0 : i32
    %dma_wait3A_106 = tpu.memref_slice %arg5[%dma_wait3A, %dma_wait3A_105] : memref<50x128xi32, #tpu.memory_space<vmem>> -> memref<1x128xi32, #tpu.memory_space<vmem>>
    %dma_wait3A_107 = tpu.memref_squeeze %dma_wait3A_106 : memref<1x128xi32, #tpu.memory_space<vmem>> -> memref<128xi32, #tpu.memory_space<vmem>>
    %dma_wait3A_108 = arith.constant 0 : i32
    %dma_wait3A_109 = arith.constant 0 : i32
    %dma_wait3A_110 = tpu.memref_slice %arg2[%dma_wait3A_108, %dma_wait3A_109] : memref<100000x128xf32, #tpu.memory_space<hbm>> -> memref<100000x128xf32, #tpu.memory_space<hbm>>
    %dma_wait3A_111 = tpu.memref_slice %arg7[%dma_wait3A_99] : memref<3x!tpu.dma_semaphore, #tpu.memory_space<semaphore_mem>> -> memref<1x!tpu.dma_semaphore, #tpu.memory_space<semaphore_mem>>
    %dma_wait3A_112 = tpu.memref_squeeze %dma_wait3A_111 : memref<1x!tpu.dma_semaphore, #tpu.memory_space<semaphore_mem>> -> memref<!tpu.dma_semaphore, #tpu.memory_space<semaphore_mem>>
    tpu.wait_indirect_dma semaphore(%dma_wait3A_112 : memref<!tpu.dma_semaphore, #tpu.memory_space<semaphore_mem>>) src(%dma_wait3A_110 : memref<100000x128xf32, #tpu.memory_space<hbm>>) dst(%dma_wait3A_104 : memref<2x128x128xf32, #tpu.memory_space<vmem>>)
    %dma_start3A_113 = arith.constant 0 : i32
    %dma_start3A_114 = arith.constant 0 : i32
    %dma_start3A_115 = arith.constant 0 : i32
    %dma_start3A_116 = arith.constant 0 : i32
    %dma_start3A_117 = arith.constant 0 : i32
    %dma_start3A_118 = tpu.memref_slice %arg6[%dma_start3A_113, %dma_start3A_115, %dma_start3A_116, %dma_start3A_117] : memref<3x2x128x128xf32, #tpu.memory_space<vmem>> -> memref<1x2x128x128xf32, #tpu.memory_space<vmem>>
    %dma_start3A_119 = tpu.memref_squeeze %dma_start3A_118 : memref<1x2x128x128xf32, #tpu.memory_space<vmem>> -> memref<2x128x128xf32, #tpu.memory_space<vmem>>
    %dma_start3A_120 = arith.constant 0 : i32
    %dma_start3A_121 = arith.constant 0 : i32
    %dma_start3A_122 = tpu.memref_slice %arg4[%dma_start3A_120, %mul3A_2, %dma_start3A_121] : memref<50x4096x128xf32, #tpu.memory_space<hbm>> -> memref<2x128x128xf32, #tpu.memory_space<hbm>>
    %dma_start3A_123 = tpu.memref_slice %arg8[%dma_start3A_114] : memref<3x!tpu.dma_semaphore, #tpu.memory_space<semaphore_mem>> -> memref<1x!tpu.dma_semaphore, #tpu.memory_space<semaphore_mem>>
    %dma_start3A_124 = tpu.memref_squeeze %dma_start3A_123 : memref<1x!tpu.dma_semaphore, #tpu.memory_space<semaphore_mem>> -> memref<!tpu.dma_semaphore, #tpu.memory_space<semaphore_mem>>
    %dma_start3A_125 = arith.constant 0 : i32
    %dma_start3A_126 = arith.constant 0 : i32
    %dma_start3A_127 = tpu.memref_slice %arg4[%dma_start3A_125, %mul3A_2, %dma_start3A_126] : memref<50x4096x128xf32, #tpu.memory_space<hbm>> -> memref<2x128x128xf32, #tpu.memory_space<hbm>>
    %dma_start3A_128 = arith.constant 0 : i32
    %dma_start3A_129 = arith.constant 0 : i32
    %dma_start3A_130 = arith.constant 0 : i32
    %dma_start3A_131 = tpu.memref_slice %arg6[%dma_start3A_113, %dma_start3A_128, %dma_start3A_129, %dma_start3A_130] : memref<3x2x128x128xf32, #tpu.memory_space<vmem>> -> memref<1x2x128x128xf32, #tpu.memory_space<vmem>>
    %dma_start3A_132 = tpu.memref_squeeze %dma_start3A_131 : memref<1x2x128x128xf32, #tpu.memory_space<vmem>> -> memref<2x128x128xf32, #tpu.memory_space<vmem>>
    tpu.enqueue_dma source(%dma_start3A_132 : memref<2x128x128xf32, #tpu.memory_space<vmem>>) target(%dma_start3A_127 : memref<2x128x128xf32, #tpu.memory_space<hbm>>) target_semaphore(%dma_start3A_124 : memref<!tpu.dma_semaphore, #tpu.memory_space<semaphore_mem>>)
    %dma_wait3A_133 = arith.constant 0 : i32
    %dma_wait3A_134 = arith.constant 0 : i32
    %dma_wait3A_135 = arith.constant 0 : i32
    %dma_wait3A_136 = arith.constant 0 : i32
    %dma_wait3A_137 = arith.constant 0 : i32
    %dma_wait3A_138 = tpu.memref_slice %arg6[%dma_wait3A_133, %dma_wait3A_135, %dma_wait3A_136, %dma_wait3A_137] : memref<3x2x128x128xf32, #tpu.memory_space<vmem>> -> memref<1x2x128x128xf32, #tpu.memory_space<vmem>>
    %dma_wait3A_139 = tpu.memref_squeeze %dma_wait3A_138 : memref<1x2x128x128xf32, #tpu.memory_space<vmem>> -> memref<2x128x128xf32, #tpu.memory_space<vmem>>
    %dma_wait3A_140 = arith.constant 0 : i32
    %dma_wait3A_141 = arith.constant 0 : i32
    %dma_wait3A_142 = tpu.memref_slice %arg4[%dma_wait3A_140, %mul3A_2, %dma_wait3A_141] : memref<50x4096x128xf32, #tpu.memory_space<hbm>> -> memref<2x128x128xf32, #tpu.memory_space<hbm>>
    %dma_wait3A_143 = tpu.memref_slice %arg8[%dma_wait3A_134] : memref<3x!tpu.dma_semaphore, #tpu.memory_space<semaphore_mem>> -> memref<1x!tpu.dma_semaphore, #tpu.memory_space<semaphore_mem>>
    %dma_wait3A_144 = tpu.memref_squeeze %dma_wait3A_143 : memref<1x!tpu.dma_semaphore, #tpu.memory_space<semaphore_mem>> -> memref<!tpu.dma_semaphore, #tpu.memory_space<semaphore_mem>>
    %dma_wait3A_145 = arith.constant 0 : i32
    %dma_wait3A_146 = arith.constant 0 : i32
    %dma_wait3A_147 = tpu.memref_slice %arg4[%dma_wait3A_145, %mul3A_2, %dma_wait3A_146] : memref<50x4096x128xf32, #tpu.memory_space<hbm>> -> memref<2x128x128xf32, #tpu.memory_space<hbm>>
    %dma_wait3A_148 = arith.constant 0 : i32
    %dma_wait3A_149 = arith.constant 0 : i32
    %dma_wait3A_150 = arith.constant 0 : i32
    %dma_wait3A_151 = tpu.memref_slice %arg6[%dma_wait3A_133, %dma_wait3A_148, %dma_wait3A_149, %dma_wait3A_150] : memref<3x2x128x128xf32, #tpu.memory_space<vmem>> -> memref<1x2x128x128xf32, #tpu.memory_space<vmem>>
    %dma_wait3A_152 = tpu.memref_squeeze %dma_wait3A_151 : memref<1x2x128x128xf32, #tpu.memory_space<vmem>> -> memref<2x128x128xf32, #tpu.memory_space<vmem>>
    tpu.wait_dma2 semaphore(%dma_wait3A_144 : memref<!tpu.dma_semaphore, #tpu.memory_space<semaphore_mem>>) src(%dma_wait3A_152 : memref<2x128x128xf32, #tpu.memory_space<vmem>>) dst(%dma_wait3A_147 : memref<2x128x128xf32, #tpu.memory_space<hbm>>)
    %dma_start3A_153 = arith.constant 6 : i32
    %dma_start3A_154 = arith.constant 0 : i32
    %dma_start3A_155 = arith.constant 0 : i32
    %dma_start3A_156 = arith.constant 0 : i32
    %dma_start3A_157 = arith.constant 0 : i32
    %dma_start3A_158 = arith.constant 0 : i32
    %dma_start3A_159 = tpu.memref_slice %arg6[%dma_start3A_154, %dma_start3A_155, %dma_start3A_157, %dma_start3A_158] : memref<3x2x128x128xf32, #tpu.memory_space<vmem>> -> memref<1x1x128x128xf32, #tpu.memory_space<vmem>>
    %dma_start3A_160 = tpu.memref_squeeze %dma_start3A_159 : memref<1x1x128x128xf32, #tpu.memory_space<vmem>> -> memref<128x128xf32, #tpu.memory_space<vmem>>
    %dma_start3A_161 = arith.constant 0 : i32
    %dma_start3A_162 = tpu.memref_slice %arg5[%dma_start3A_153, %dma_start3A_161] : memref<50x128xi32, #tpu.memory_space<vmem>> -> memref<1x128xi32, #tpu.memory_space<vmem>>
    %dma_start3A_163 = tpu.memref_squeeze %dma_start3A_162 : memref<1x128xi32, #tpu.memory_space<vmem>> -> memref<128xi32, #tpu.memory_space<vmem>>
    %dma_start3A_164 = arith.constant 0 : i32
    %dma_start3A_165 = arith.constant 0 : i32
    %dma_start3A_166 = tpu.memref_slice %arg2[%dma_start3A_164, %dma_start3A_165] : memref<100000x128xf32, #tpu.memory_space<hbm>> -> memref<100000x128xf32, #tpu.memory_space<hbm>>
    %dma_start3A_167 = tpu.memref_slice %arg7[%dma_start3A_156] : memref<3x!tpu.dma_semaphore, #tpu.memory_space<semaphore_mem>> -> memref<1x!tpu.dma_semaphore, #tpu.memory_space<semaphore_mem>>
    %dma_start3A_168 = tpu.memref_squeeze %dma_start3A_167 : memref<1x!tpu.dma_semaphore, #tpu.memory_space<semaphore_mem>> -> memref<!tpu.dma_semaphore, #tpu.memory_space<semaphore_mem>>
    tpu.enqueue_indirect_dma source(%dma_start3A_166 : memref<100000x128xf32, #tpu.memory_space<hbm>>) target(%dma_start3A_160 : memref<128x128xf32, #tpu.memory_space<vmem>>) offsets(%dma_start3A_163 : memref<128xi32, #tpu.memory_space<vmem>>) semaphore(%dma_start3A_168 : memref<!tpu.dma_semaphore, #tpu.memory_space<semaphore_mem>>)
    %dma_start3A_169 = arith.constant 7 : i32
    %dma_start3A_170 = arith.constant 0 : i32
    %dma_start3A_171 = arith.constant 1 : i32
    %dma_start3A_172 = arith.constant 0 : i32
    %dma_start3A_173 = arith.constant 0 : i32
    %dma_start3A_174 = arith.constant 0 : i32
    %dma_start3A_175 = tpu.memref_slice %arg6[%dma_start3A_170, %dma_start3A_171, %dma_start3A_173, %dma_start3A_174] : memref<3x2x128x128xf32, #tpu.memory_space<vmem>> -> memref<1x1x128x128xf32, #tpu.memory_space<vmem>>
    %dma_start3A_176 = tpu.memref_squeeze %dma_start3A_175 : memref<1x1x128x128xf32, #tpu.memory_space<vmem>> -> memref<128x128xf32, #tpu.memory_space<vmem>>
    %dma_start3A_177 = arith.constant 0 : i32
    %dma_start3A_178 = tpu.memref_slice %arg5[%dma_start3A_169, %dma_start3A_177] : memref<50x128xi32, #tpu.memory_space<vmem>> -> memref<1x128xi32, #tpu.memory_space<vmem>>
    %dma_start3A_179 = tpu.memref_squeeze %dma_start3A_178 : memref<1x128xi32, #tpu.memory_space<vmem>> -> memref<128xi32, #tpu.memory_space<vmem>>
    %dma_start3A_180 = arith.constant 0 : i32
    %dma_start3A_181 = arith.constant 0 : i32
    %dma_start3A_182 = tpu.memref_slice %arg2[%dma_start3A_180, %dma_start3A_181] : memref<100000x128xf32, #tpu.memory_space<hbm>> -> memref<100000x128xf32, #tpu.memory_space<hbm>>
    %dma_start3A_183 = tpu.memref_slice %arg7[%dma_start3A_172] : memref<3x!tpu.dma_semaphore, #tpu.memory_space<semaphore_mem>> -> memref<1x!tpu.dma_semaphore, #tpu.memory_space<semaphore_mem>>
    %dma_start3A_184 = tpu.memref_squeeze %dma_start3A_183 : memref<1x!tpu.dma_semaphore, #tpu.memory_space<semaphore_mem>> -> memref<!tpu.dma_semaphore, #tpu.memory_space<semaphore_mem>>
    tpu.enqueue_indirect_dma source(%dma_start3A_182 : memref<100000x128xf32, #tpu.memory_space<hbm>>) target(%dma_start3A_176 : memref<128x128xf32, #tpu.memory_space<vmem>>) offsets(%dma_start3A_179 : memref<128xi32, #tpu.memory_space<vmem>>) semaphore(%dma_start3A_184 : memref<!tpu.dma_semaphore, #tpu.memory_space<semaphore_mem>>)
    %dma_wait3A_185 = arith.constant 0 : i32
    %dma_wait3A_186 = arith.constant 1 : i32
    %dma_wait3A_187 = arith.constant 1 : i32
    %dma_wait3A_188 = arith.constant 0 : i32
    %dma_wait3A_189 = arith.constant 0 : i32
    %dma_wait3A_190 = arith.constant 0 : i32
    %dma_wait3A_191 = tpu.memref_slice %arg6[%dma_wait3A_186, %dma_wait3A_188, %dma_wait3A_189, %dma_wait3A_190] : memref<3x2x128x128xf32, #tpu.memory_space<vmem>> -> memref<1x2x128x128xf32, #tpu.memory_space<vmem>>
    %dma_wait3A_192 = tpu.memref_squeeze %dma_wait3A_191 : memref<1x2x128x128xf32, #tpu.memory_space<vmem>> -> memref<2x128x128xf32, #tpu.memory_space<vmem>>
    %dma_wait3A_193 = arith.constant 0 : i32
    %dma_wait3A_194 = tpu.memref_slice %arg5[%dma_wait3A_185, %dma_wait3A_193] : memref<50x128xi32, #tpu.memory_space<vmem>> -> memref<1x128xi32, #tpu.memory_space<vmem>>
    %dma_wait3A_195 = tpu.memref_squeeze %dma_wait3A_194 : memref<1x128xi32, #tpu.memory_space<vmem>> -> memref<128xi32, #tpu.memory_space<vmem>>
    %dma_wait3A_196 = arith.constant 0 : i32
    %dma_wait3A_197 = arith.constant 0 : i32
    %dma_wait3A_198 = tpu.memref_slice %arg2[%dma_wait3A_196, %dma_wait3A_197] : memref<100000x128xf32, #tpu.memory_space<hbm>> -> memref<100000x128xf32, #tpu.memory_space<hbm>>
    %dma_wait3A_199 = tpu.memref_slice %arg7[%dma_wait3A_187] : memref<3x!tpu.dma_semaphore, #tpu.memory_space<semaphore_mem>> -> memref<1x!tpu.dma_semaphore, #tpu.memory_space<semaphore_mem>>
    %dma_wait3A_200 = tpu.memref_squeeze %dma_wait3A_199 : memref<1x!tpu.dma_semaphore, #tpu.memory_space<semaphore_mem>> -> memref<!tpu.dma_semaphore, #tpu.memory_space<semaphore_mem>>
    tpu.wait_indirect_dma semaphore(%dma_wait3A_200 : memref<!tpu.dma_semaphore, #tpu.memory_space<semaphore_mem>>) src(%dma_wait3A_198 : memref<100000x128xf32, #tpu.memory_space<hbm>>) dst(%dma_wait3A_192 : memref<2x128x128xf32, #tpu.memory_space<vmem>>)
    %dma_start3A_201 = arith.constant 1 : i32
    %dma_start3A_202 = arith.constant 1 : i32
    %dma_start3A_203 = arith.constant 0 : i32
    %dma_start3A_204 = arith.constant 0 : i32
    %dma_start3A_205 = arith.constant 0 : i32
    %dma_start3A_206 = tpu.memref_slice %arg6[%dma_start3A_201, %dma_start3A_203, %dma_start3A_204, %dma_start3A_205] : memref<3x2x128x128xf32, #tpu.memory_space<vmem>> -> memref<1x2x128x128xf32, #tpu.memory_space<vmem>>
    %dma_start3A_207 = tpu.memref_squeeze %dma_start3A_206 : memref<1x2x128x128xf32, #tpu.memory_space<vmem>> -> memref<2x128x128xf32, #tpu.memory_space<vmem>>
    %dma_start3A_208 = arith.constant 2 : i32
    %dma_start3A_209 = arith.constant 0 : i32
    %dma_start3A_210 = tpu.memref_slice %arg4[%dma_start3A_208, %mul3A_2, %dma_start3A_209] : memref<50x4096x128xf32, #tpu.memory_space<hbm>> -> memref<2x128x128xf32, #tpu.memory_space<hbm>>
    %dma_start3A_211 = tpu.memref_slice %arg8[%dma_start3A_202] : memref<3x!tpu.dma_semaphore, #tpu.memory_space<semaphore_mem>> -> memref<1x!tpu.dma_semaphore, #tpu.memory_space<semaphore_mem>>
    %dma_start3A_212 = tpu.memref_squeeze %dma_start3A_211 : memref<1x!tpu.dma_semaphore, #tpu.memory_space<semaphore_mem>> -> memref<!tpu.dma_semaphore, #tpu.memory_space<semaphore_mem>>
    %dma_start3A_213 = arith.constant 2 : i32
    %dma_start3A_214 = arith.constant 0 : i32
    %dma_start3A_215 = tpu.memref_slice %arg4[%dma_start3A_213, %mul3A_2, %dma_start3A_214] : memref<50x4096x128xf32, #tpu.memory_space<hbm>> -> memref<2x128x128xf32, #tpu.memory_space<hbm>>
    %dma_start3A_216 = arith.constant 0 : i32
    %dma_start3A_217 = arith.constant 0 : i32
    %dma_start3A_218 = arith.constant 0 : i32
    %dma_start3A_219 = tpu.memref_slice %arg6[%dma_start3A_201, %dma_start3A_216, %dma_start3A_217, %dma_start3A_218] : memref<3x2x128x128xf32, #tpu.memory_space<vmem>> -> memref<1x2x128x128xf32, #tpu.memory_space<vmem>>
    %dma_start3A_220 = tpu.memref_squeeze %dma_start3A_219 : memref<1x2x128x128xf32, #tpu.memory_space<vmem>> -> memref<2x128x128xf32, #tpu.memory_space<vmem>>
    tpu.enqueue_dma source(%dma_start3A_220 : memref<2x128x128xf32, #tpu.memory_space<vmem>>) target(%dma_start3A_215 : memref<2x128x128xf32, #tpu.memory_space<hbm>>) target_semaphore(%dma_start3A_212 : memref<!tpu.dma_semaphore, #tpu.memory_space<semaphore_mem>>)
    %dma_wait3A_221 = arith.constant 1 : i32
    %dma_wait3A_222 = arith.constant 1 : i32
    %dma_wait3A_223 = arith.constant 0 : i32
    %dma_wait3A_224 = arith.constant 0 : i32
    %dma_wait3A_225 = arith.constant 0 : i32
    %dma_wait3A_226 = tpu.memref_slice %arg6[%dma_wait3A_221, %dma_wait3A_223, %dma_wait3A_224, %dma_wait3A_225] : memref<3x2x128x128xf32, #tpu.memory_space<vmem>> -> memref<1x2x128x128xf32, #tpu.memory_space<vmem>>
    %dma_wait3A_227 = tpu.memref_squeeze %dma_wait3A_226 : memref<1x2x128x128xf32, #tpu.memory_space<vmem>> -> memref<2x128x128xf32, #tpu.memory_space<vmem>>
    %dma_wait3A_228 = arith.constant 0 : i32
    %dma_wait3A_229 = arith.constant 0 : i32
    %dma_wait3A_230 = tpu.memref_slice %arg4[%dma_wait3A_228, %mul3A_2, %dma_wait3A_229] : memref<50x4096x128xf32, #tpu.memory_space<hbm>> -> memref<2x128x128xf32, #tpu.memory_space<hbm>>
    %dma_wait3A_231 = tpu.memref_slice %arg8[%dma_wait3A_222] : memref<3x!tpu.dma_semaphore, #tpu.memory_space<semaphore_mem>> -> memref<1x!tpu.dma_semaphore, #tpu.memory_space<semaphore_mem>>
    %dma_wait3A_232 = tpu.memref_squeeze %dma_wait3A_231 : memref<1x!tpu.dma_semaphore, #tpu.memory_space<semaphore_mem>> -> memref<!tpu.dma_semaphore, #tpu.memory_space<semaphore_mem>>
    %dma_wait3A_233 = arith.constant 0 : i32
    %dma_wait3A_234 = arith.constant 0 : i32
    %dma_wait3A_235 = tpu.memref_slice %arg4[%dma_wait3A_233, %mul3A_2, %dma_wait3A_234] : memref<50x4096x128xf32, #tpu.memory_space<hbm>> -> memref<2x128x128xf32, #tpu.memory_space<hbm>>
    %dma_wait3A_236 = arith.constant 0 : i32
    %dma_wait3A_237 = arith.constant 0 : i32
    %dma_wait3A_238 = arith.constant 0 : i32
    %dma_wait3A_239 = tpu.memref_slice %arg6[%dma_wait3A_221, %dma_wait3A_236, %dma_wait3A_237, %dma_wait3A_238] : memref<3x2x128x128xf32, #tpu.memory_space<vmem>> -> memref<1x2x128x128xf32, #tpu.memory_space<vmem>>
    %dma_wait3A_240 = tpu.memref_squeeze %dma_wait3A_239 : memref<1x2x128x128xf32, #tpu.memory_space<vmem>> -> memref<2x128x128xf32, #tpu.memory_space<vmem>>
    tpu.wait_dma2 semaphore(%dma_wait3A_232 : memref<!tpu.dma_semaphore, #tpu.memory_space<semaphore_mem>>) src(%dma_wait3A_240 : memref<2x128x128xf32, #tpu.memory_space<vmem>>) dst(%dma_wait3A_235 : memref<2x128x128xf32, #tpu.memory_space<hbm>>)
    %dma_start3A_241 = arith.constant 8 : i32
    %dma_start3A_242 = arith.constant 1 : i32
    %dma_start3A_243 = arith.constant 0 : i32
    %dma_start3A_244 = arith.constant 1 : i32
    %dma_start3A_245 = arith.constant 0 : i32
    %dma_start3A_246 = arith.constant 0 : i32
    %dma_start3A_247 = tpu.memref_slice %arg6[%dma_start3A_242, %dma_start3A_243, %dma_start3A_245, %dma_start3A_246] : memref<3x2x128x128xf32, #tpu.memory_space<vmem>> -> memref<1x1x128x128xf32, #tpu.memory_space<vmem>>
    %dma_start3A_248 = tpu.memref_squeeze %dma_start3A_247 : memref<1x1x128x128xf32, #tpu.memory_space<vmem>> -> memref<128x128xf32, #tpu.memory_space<vmem>>
    %dma_start3A_249 = arith.constant 0 : i32
    %dma_start3A_250 = tpu.memref_slice %arg5[%dma_start3A_241, %dma_start3A_249] : memref<50x128xi32, #tpu.memory_space<vmem>> -> memref<1x128xi32, #tpu.memory_space<vmem>>
    %dma_start3A_251 = tpu.memref_squeeze %dma_start3A_250 : memref<1x128xi32, #tpu.memory_space<vmem>> -> memref<128xi32, #tpu.memory_space<vmem>>
    %dma_start3A_252 = arith.constant 0 : i32
    %dma_start3A_253 = arith.constant 0 : i32
    %dma_start3A_254 = tpu.memref_slice %arg2[%dma_start3A_252, %dma_start3A_253] : memref<100000x128xf32, #tpu.memory_space<hbm>> -> memref<100000x128xf32, #tpu.memory_space<hbm>>
    %dma_start3A_255 = tpu.memref_slice %arg7[%dma_start3A_244] : memref<3x!tpu.dma_semaphore, #tpu.memory_space<semaphore_mem>> -> memref<1x!tpu.dma_semaphore, #tpu.memory_space<semaphore_mem>>
    %dma_start3A_256 = tpu.memref_squeeze %dma_start3A_255 : memref<1x!tpu.dma_semaphore, #tpu.memory_space<semaphore_mem>> -> memref<!tpu.dma_semaphore, #tpu.memory_space<semaphore_mem>>
    tpu.enqueue_indirect_dma source(%dma_start3A_254 : memref<100000x128xf32, #tpu.memory_space<hbm>>) target(%dma_start3A_248 : memref<128x128xf32, #tpu.memory_space<vmem>>) offsets(%dma_start3A_251 : memref<128xi32, #tpu.memory_space<vmem>>) semaphore(%dma_start3A_256 : memref<!tpu.dma_semaphore, #tpu.memory_space<semaphore_mem>>)
    %dma_start3A_257 = arith.constant 9 : i32
    %dma_start3A_258 = arith.constant 1 : i32
    %dma_start3A_259 = arith.constant 1 : i32
    %dma_start3A_260 = arith.constant 1 : i32
    %dma_start3A_261 = arith.constant 0 : i32
    %dma_start3A_262 = arith.constant 0 : i32
    %dma_start3A_263 = tpu.memref_slice %arg6[%dma_start3A_258, %dma_start3A_259, %dma_start3A_261, %dma_start3A_262] : memref<3x2x128x128xf32, #tpu.memory_space<vmem>> -> memref<1x1x128x128xf32, #tpu.memory_space<vmem>>
    %dma_start3A_264 = tpu.memref_squeeze %dma_start3A_263 : memref<1x1x128x128xf32, #tpu.memory_space<vmem>> -> memref<128x128xf32, #tpu.memory_space<vmem>>
    %dma_start3A_265 = arith.constant 0 : i32
    %dma_start3A_266 = tpu.memref_slice %arg5[%dma_start3A_257, %dma_start3A_265] : memref<50x128xi32, #tpu.memory_space<vmem>> -> memref<1x128xi32, #tpu.memory_space<vmem>>
    %dma_start3A_267 = tpu.memref_squeeze %dma_start3A_266 : memref<1x128xi32, #tpu.memory_space<vmem>> -> memref<128xi32, #tpu.memory_space<vmem>>
    %dma_start3A_268 = arith.constant 0 : i32
    %dma_start3A_269 = arith.constant 0 : i32
    %dma_start3A_270 = tpu.memref_slice %arg2[%dma_start3A_268, %dma_start3A_269] : memref<100000x128xf32, #tpu.memory_space<hbm>> -> memref<100000x128xf32, #tpu.memory_space<hbm>>
    %dma_start3A_271 = tpu.memref_slice %arg7[%dma_start3A_260] : memref<3x!tpu.dma_semaphore, #tpu.memory_space<semaphore_mem>> -> memref<1x!tpu.dma_semaphore, #tpu.memory_space<semaphore_mem>>
    %dma_start3A_272 = tpu.memref_squeeze %dma_start3A_271 : memref<1x!tpu.dma_semaphore, #tpu.memory_space<semaphore_mem>> -> memref<!tpu.dma_semaphore, #tpu.memory_space<semaphore_mem>>
    tpu.enqueue_indirect_dma source(%dma_start3A_270 : memref<100000x128xf32, #tpu.memory_space<hbm>>) target(%dma_start3A_264 : memref<128x128xf32, #tpu.memory_space<vmem>>) offsets(%dma_start3A_267 : memref<128xi32, #tpu.memory_space<vmem>>) semaphore(%dma_start3A_272 : memref<!tpu.dma_semaphore, #tpu.memory_space<semaphore_mem>>)
    %dma_wait3A_273 = arith.constant 0 : i32
    %dma_wait3A_274 = arith.constant 2 : i32
    %dma_wait3A_275 = arith.constant 2 : i32
    %dma_wait3A_276 = arith.constant 0 : i32
    %dma_wait3A_277 = arith.constant 0 : i32
    %dma_wait3A_278 = arith.constant 0 : i32
    %dma_wait3A_279 = tpu.memref_slice %arg6[%dma_wait3A_274, %dma_wait3A_276, %dma_wait3A_277, %dma_wait3A_278] : memref<3x2x128x128xf32, #tpu.memory_space<vmem>> -> memref<1x2x128x128xf32, #tpu.memory_space<vmem>>
    %dma_wait3A_280 = tpu.memref_squeeze %dma_wait3A_279 : memref<1x2x128x128xf32, #tpu.memory_space<vmem>> -> memref<2x128x128xf32, #tpu.memory_space<vmem>>
    %dma_wait3A_281 = arith.constant 0 : i32
    %dma_wait3A_282 = tpu.memref_slice %arg5[%dma_wait3A_273, %dma_wait3A_281] : memref<50x128xi32, #tpu.memory_space<vmem>> -> memref<1x128xi32, #tpu.memory_space<vmem>>
    %dma_wait3A_283 = tpu.memref_squeeze %dma_wait3A_282 : memref<1x128xi32, #tpu.memory_space<vmem>> -> memref<128xi32, #tpu.memory_space<vmem>>
    %dma_wait3A_284 = arith.constant 0 : i32
    %dma_wait3A_285 = arith.constant 0 : i32
    %dma_wait3A_286 = tpu.memref_slice %arg2[%dma_wait3A_284, %dma_wait3A_285] : memref<100000x128xf32, #tpu.memory_space<hbm>> -> memref<100000x128xf32, #tpu.memory_space<hbm>>
    %dma_wait3A_287 = tpu.memref_slice %arg7[%dma_wait3A_275] : memref<3x!tpu.dma_semaphore, #tpu.memory_space<semaphore_mem>> -> memref<1x!tpu.dma_semaphore, #tpu.memory_space<semaphore_mem>>
    %dma_wait3A_288 = tpu.memref_squeeze %dma_wait3A_287 : memref<1x!tpu.dma_semaphore, #tpu.memory_space<semaphore_mem>> -> memref<!tpu.dma_semaphore, #tpu.memory_space<semaphore_mem>>
    tpu.wait_indirect_dma semaphore(%dma_wait3A_288 : memref<!tpu.dma_semaphore, #tpu.memory_space<semaphore_mem>>) src(%dma_wait3A_286 : memref<100000x128xf32, #tpu.memory_space<hbm>>) dst(%dma_wait3A_280 : memref<2x128x128xf32, #tpu.memory_space<vmem>>)
    %dma_start3A_289 = arith.constant 2 : i32
    %dma_start3A_290 = arith.constant 2 : i32
    %dma_start3A_291 = arith.constant 0 : i32
    %dma_start3A_292 = arith.constant 0 : i32
    %dma_start3A_293 = arith.constant 0 : i32
    %dma_start3A_294 = tpu.memref_slice %arg6[%dma_start3A_289, %dma_start3A_291, %dma_start3A_292, %dma_start3A_293] : memref<3x2x128x128xf32, #tpu.memory_space<vmem>> -> memref<1x2x128x128xf32, #tpu.memory_space<vmem>>
    %dma_start3A_295 = tpu.memref_squeeze %dma_start3A_294 : memref<1x2x128x128xf32, #tpu.memory_space<vmem>> -> memref<2x128x128xf32, #tpu.memory_space<vmem>>
    %dma_start3A_296 = arith.constant 4 : i32
    %dma_start3A_297 = arith.constant 0 : i32
    %dma_start3A_298 = tpu.memref_slice %arg4[%dma_start3A_296, %mul3A_2, %dma_start3A_297] : memref<50x4096x128xf32, #tpu.memory_space<hbm>> -> memref<2x128x128xf32, #tpu.memory_space<hbm>>
    %dma_start3A_299 = tpu.memref_slice %arg8[%dma_start3A_290] : memref<3x!tpu.dma_semaphore, #tpu.memory_space<semaphore_mem>> -> memref<1x!tpu.dma_semaphore, #tpu.memory_space<semaphore_mem>>
    %dma_start3A_300 = tpu.memref_squeeze %dma_start3A_299 : memref<1x!tpu.dma_semaphore, #tpu.memory_space<semaphore_mem>> -> memref<!tpu.dma_semaphore, #tpu.memory_space<semaphore_mem>>
    %dma_start3A_301 = arith.constant 4 : i32
    %dma_start3A_302 = arith.constant 0 : i32
    %dma_start3A_303 = tpu.memref_slice %arg4[%dma_start3A_301, %mul3A_2, %dma_start3A_302] : memref<50x4096x128xf32, #tpu.memory_space<hbm>> -> memref<2x128x128xf32, #tpu.memory_space<hbm>>
    %dma_start3A_304 = arith.constant 0 : i32
    %dma_start3A_305 = arith.constant 0 : i32
    %dma_start3A_306 = arith.constant 0 : i32
    %dma_start3A_307 = tpu.memref_slice %arg6[%dma_start3A_289, %dma_start3A_304, %dma_start3A_305, %dma_start3A_306] : memref<3x2x128x128xf32, #tpu.memory_space<vmem>> -> memref<1x2x128x128xf32, #tpu.memory_space<vmem>>
    %dma_start3A_308 = tpu.memref_squeeze %dma_start3A_307 : memref<1x2x128x128xf32, #tpu.memory_space<vmem>> -> memref<2x128x128xf32, #tpu.memory_space<vmem>>
    tpu.enqueue_dma source(%dma_start3A_308 : memref<2x128x128xf32, #tpu.memory_space<vmem>>) target(%dma_start3A_303 : memref<2x128x128xf32, #tpu.memory_space<hbm>>) target_semaphore(%dma_start3A_300 : memref<!tpu.dma_semaphore, #tpu.memory_space<semaphore_mem>>)
    %dma_wait3A_309 = arith.constant 2 : i32
    %dma_wait3A_310 = arith.constant 2 : i32
    %dma_wait3A_311 = arith.constant 0 : i32
    %dma_wait3A_312 = arith.constant 0 : i32
    %dma_wait3A_313 = arith.constant 0 : i32
    %dma_wait3A_314 = tpu.memref_slice %arg6[%dma_wait3A_309, %dma_wait3A_311, %dma_wait3A_312, %dma_wait3A_313] : memref<3x2x128x128xf32, #tpu.memory_space<vmem>> -> memref<1x2x128x128xf32, #tpu.memory_space<vmem>>
    %dma_wait3A_315 = tpu.memref_squeeze %dma_wait3A_314 : memref<1x2x128x128xf32, #tpu.memory_space<vmem>> -> memref<2x128x128xf32, #tpu.memory_space<vmem>>
    %dma_wait3A_316 = arith.constant 0 : i32
    %dma_wait3A_317 = arith.constant 0 : i32
    %dma_wait3A_318 = tpu.memref_slice %arg4[%dma_wait3A_316, %mul3A_2, %dma_wait3A_317] : memref<50x4096x128xf32, #tpu.memory_space<hbm>> -> memref<2x128x128xf32, #tpu.memory_space<hbm>>
    %dma_wait3A_319 = tpu.memref_slice %arg8[%dma_wait3A_310] : memref<3x!tpu.dma_semaphore, #tpu.memory_space<semaphore_mem>> -> memref<1x!tpu.dma_semaphore, #tpu.memory_space<semaphore_mem>>
    %dma_wait3A_320 = tpu.memref_squeeze %dma_wait3A_319 : memref<1x!tpu.dma_semaphore, #tpu.memory_space<semaphore_mem>> -> memref<!tpu.dma_semaphore, #tpu.memory_space<semaphore_mem>>
    %dma_wait3A_321 = arith.constant 0 : i32
    %dma_wait3A_322 = arith.constant 0 : i32
    %dma_wait3A_323 = tpu.memref_slice %arg4[%dma_wait3A_321, %mul3A_2, %dma_wait3A_322] : memref<50x4096x128xf32, #tpu.memory_space<hbm>> -> memref<2x128x128xf32, #tpu.memory_space<hbm>>
    %dma_wait3A_324 = arith.constant 0 : i32
    %dma_wait3A_325 = arith.constant 0 : i32
    %dma_wait3A_326 = arith.constant 0 : i32
    %dma_wait3A_327 = tpu.memref_slice %arg6[%dma_wait3A_309, %dma_wait3A_324, %dma_wait3A_325, %dma_wait3A_326] : memref<3x2x128x128xf32, #tpu.memory_space<vmem>> -> memref<1x2x128x128xf32, #tpu.memory_space<vmem>>
    %dma_wait3A_328 = tpu.memref_squeeze %dma_wait3A_327 : memref<1x2x128x128xf32, #tpu.memory_space<vmem>> -> memref<2x128x128xf32, #tpu.memory_space<vmem>>
    tpu.wait_dma2 semaphore(%dma_wait3A_320 : memref<!tpu.dma_semaphore, #tpu.memory_space<semaphore_mem>>) src(%dma_wait3A_328 : memref<2x128x128xf32, #tpu.memory_space<vmem>>) dst(%dma_wait3A_323 : memref<2x128x128xf32, #tpu.memory_space<hbm>>)
    %dma_start3A_329 = arith.constant 10 : i32
    %dma_start3A_330 = arith.constant 2 : i32
    %dma_start3A_331 = arith.constant 0 : i32
    %dma_start3A_332 = arith.constant 2 : i32
    %dma_start3A_333 = arith.constant 0 : i32
    %dma_start3A_334 = arith.constant 0 : i32
    %dma_start3A_335 = tpu.memref_slice %arg6[%dma_start3A_330, %dma_start3A_331, %dma_start3A_333, %dma_start3A_334] : memref<3x2x128x128xf32, #tpu.memory_space<vmem>> -> memref<1x1x128x128xf32, #tpu.memory_space<vmem>>
    %dma_start3A_336 = tpu.memref_squeeze %dma_start3A_335 : memref<1x1x128x128xf32, #tpu.memory_space<vmem>> -> memref<128x128xf32, #tpu.memory_space<vmem>>
    %dma_start3A_337 = arith.constant 0 : i32
    %dma_start3A_338 = tpu.memref_slice %arg5[%dma_start3A_329, %dma_start3A_337] : memref<50x128xi32, #tpu.memory_space<vmem>> -> memref<1x128xi32, #tpu.memory_space<vmem>>
    %dma_start3A_339 = tpu.memref_squeeze %dma_start3A_338 : memref<1x128xi32, #tpu.memory_space<vmem>> -> memref<128xi32, #tpu.memory_space<vmem>>
    %dma_start3A_340 = arith.constant 0 : i32
    %dma_start3A_341 = arith.constant 0 : i32
    %dma_start3A_342 = tpu.memref_slice %arg2[%dma_start3A_340, %dma_start3A_341] : memref<100000x128xf32, #tpu.memory_space<hbm>> -> memref<100000x128xf32, #tpu.memory_space<hbm>>
    %dma_start3A_343 = tpu.memref_slice %arg7[%dma_start3A_332] : memref<3x!tpu.dma_semaphore, #tpu.memory_space<semaphore_mem>> -> memref<1x!tpu.dma_semaphore, #tpu.memory_space<semaphore_mem>>
    %dma_start3A_344 = tpu.memref_squeeze %dma_start3A_343 : memref<1x!tpu.dma_semaphore, #tpu.memory_space<semaphore_mem>> -> memref<!tpu.dma_semaphore, #tpu.memory_space<semaphore_mem>>
    tpu.enqueue_indirect_dma source(%dma_start3A_342 : memref<100000x128xf32, #tpu.memory_space<hbm>>) target(%dma_start3A_336 : memref<128x128xf32, #tpu.memory_space<vmem>>) offsets(%dma_start3A_339 : memref<128xi32, #tpu.memory_space<vmem>>) semaphore(%dma_start3A_344 : memref<!tpu.dma_semaphore, #tpu.memory_space<semaphore_mem>>)
    %dma_start3A_345 = arith.constant 11 : i32
    %dma_start3A_346 = arith.constant 2 : i32
    %dma_start3A_347 = arith.constant 1 : i32
    %dma_start3A_348 = arith.constant 2 : i32
    %dma_start3A_349 = arith.constant 0 : i32
    %dma_start3A_350 = arith.constant 0 : i32
    %dma_start3A_351 = tpu.memref_slice %arg6[%dma_start3A_346, %dma_start3A_347, %dma_start3A_349, %dma_start3A_350] : memref<3x2x128x128xf32, #tpu.memory_space<vmem>> -> memref<1x1x128x128xf32, #tpu.memory_space<vmem>>
    %dma_start3A_352 = tpu.memref_squeeze %dma_start3A_351 : memref<1x1x128x128xf32, #tpu.memory_space<vmem>> -> memref<128x128xf32, #tpu.memory_space<vmem>>
    %dma_start3A_353 = arith.constant 0 : i32
    %dma_start3A_354 = tpu.memref_slice %arg5[%dma_start3A_345, %dma_start3A_353] : memref<50x128xi32, #tpu.memory_space<vmem>> -> memref<1x128xi32, #tpu.memory_space<vmem>>
    %dma_start3A_355 = tpu.memref_squeeze %dma_start3A_354 : memref<1x128xi32, #tpu.memory_space<vmem>> -> memref<128xi32, #tpu.memory_space<vmem>>
    %dma_start3A_356 = arith.constant 0 : i32
    %dma_start3A_357 = arith.constant 0 : i32
    %dma_start3A_358 = tpu.memref_slice %arg2[%dma_start3A_356, %dma_start3A_357] : memref<100000x128xf32, #tpu.memory_space<hbm>> -> memref<100000x128xf32, #tpu.memory_space<hbm>>
    %dma_start3A_359 = tpu.memref_slice %arg7[%dma_start3A_348] : memref<3x!tpu.dma_semaphore, #tpu.memory_space<semaphore_mem>> -> memref<1x!tpu.dma_semaphore, #tpu.memory_space<semaphore_mem>>
    %dma_start3A_360 = tpu.memref_squeeze %dma_start3A_359 : memref<1x!tpu.dma_semaphore, #tpu.memory_space<semaphore_mem>> -> memref<!tpu.dma_semaphore, #tpu.memory_space<semaphore_mem>>
    tpu.enqueue_indirect_dma source(%dma_start3A_358 : memref<100000x128xf32, #tpu.memory_space<hbm>>) target(%dma_start3A_352 : memref<128x128xf32, #tpu.memory_space<vmem>>) offsets(%dma_start3A_355 : memref<128xi32, #tpu.memory_space<vmem>>) semaphore(%dma_start3A_360 : memref<!tpu.dma_semaphore, #tpu.memory_space<semaphore_mem>>)
    %dma_wait3A_361 = arith.constant 0 : i32
    %dma_wait3A_362 = arith.constant 0 : i32
    %dma_wait3A_363 = arith.constant 0 : i32
    %dma_wait3A_364 = arith.constant 0 : i32
    %dma_wait3A_365 = arith.constant 0 : i32
    %dma_wait3A_366 = arith.constant 0 : i32
    %dma_wait3A_367 = tpu.memref_slice %arg6[%dma_wait3A_362, %dma_wait3A_364, %dma_wait3A_365, %dma_wait3A_366] : memref<3x2x128x128xf32, #tpu.memory_space<vmem>> -> memref<1x2x128x128xf32, #tpu.memory_space<vmem>>
    %dma_wait3A_368 = tpu.memref_squeeze %dma_wait3A_367 : memref<1x2x128x128xf32, #tpu.memory_space<vmem>> -> memref<2x128x128xf32, #tpu.memory_space<vmem>>
    %dma_wait3A_369 = arith.constant 0 : i32
    %dma_wait3A_370 = tpu.memref_slice %arg5[%dma_wait3A_361, %dma_wait3A_369] : memref<50x128xi32, #tpu.memory_space<vmem>> -> memref<1x128xi32, #tpu.memory_space<vmem>>
    %dma_wait3A_371 = tpu.memref_squeeze %dma_wait3A_370 : memref<1x128xi32, #tpu.memory_space<vmem>> -> memref<128xi32, #tpu.memory_space<vmem>>
    %dma_wait3A_372 = arith.constant 0 : i32
    %dma_wait3A_373 = arith.constant 0 : i32
    %dma_wait3A_374 = tpu.memref_slice %arg2[%dma_wait3A_372, %dma_wait3A_373] : memref<100000x128xf32, #tpu.memory_space<hbm>> -> memref<100000x128xf32, #tpu.memory_space<hbm>>
    %dma_wait3A_375 = tpu.memref_slice %arg7[%dma_wait3A_363] : memref<3x!tpu.dma_semaphore, #tpu.memory_space<semaphore_mem>> -> memref<1x!tpu.dma_semaphore, #tpu.memory_space<semaphore_mem>>
    %dma_wait3A_376 = tpu.memref_squeeze %dma_wait3A_375 : memref<1x!tpu.dma_semaphore, #tpu.memory_space<semaphore_mem>> -> memref<!tpu.dma_semaphore, #tpu.memory_space<semaphore_mem>>
    tpu.wait_indirect_dma semaphore(%dma_wait3A_376 : memref<!tpu.dma_semaphore, #tpu.memory_space<semaphore_mem>>) src(%dma_wait3A_374 : memref<100000x128xf32, #tpu.memory_space<hbm>>) dst(%dma_wait3A_368 : memref<2x128x128xf32, #tpu.memory_space<vmem>>)
    %dma_start3A_377 = arith.constant 0 : i32
    %dma_start3A_378 = arith.constant 0 : i32
    %dma_start3A_379 = arith.constant 0 : i32
    %dma_start3A_380 = arith.constant 0 : i32
    %dma_start3A_381 = arith.constant 0 : i32
    %dma_start3A_382 = tpu.memref_slice %arg6[%dma_start3A_377, %dma_start3A_379, %dma_start3A_380, %dma_start3A_381] : memref<3x2x128x128xf32, #tpu.memory_space<vmem>> -> memref<1x2x128x128xf32, #tpu.memory_space<vmem>>
    %dma_start3A_383 = tpu.memref_squeeze %dma_start3A_382 : memref<1x2x128x128xf32, #tpu.memory_space<vmem>> -> memref<2x128x128xf32, #tpu.memory_space<vmem>>
    %dma_start3A_384 = arith.constant 6 : i32
    %dma_start3A_385 = arith.constant 0 : i32
    %dma_start3A_386 = tpu.memref_slice %arg4[%dma_start3A_384, %mul3A_2, %dma_start3A_385] : memref<50x4096x128xf32, #tpu.memory_space<hbm>> -> memref<2x128x128xf32, #tpu.memory_space<hbm>>
    %dma_start3A_387 = tpu.memref_slice %arg8[%dma_start3A_378] : memref<3x!tpu.dma_semaphore, #tpu.memory_space<semaphore_mem>> -> memref<1x!tpu.dma_semaphore, #tpu.memory_space<semaphore_mem>>
    %dma_start3A_388 = tpu.memref_squeeze %dma_start3A_387 : memref<1x!tpu.dma_semaphore, #tpu.memory_space<semaphore_mem>> -> memref<!tpu.dma_semaphore, #tpu.memory_space<semaphore_mem>>
    %dma_start3A_389 = arith.constant 6 : i32
    %dma_start3A_390 = arith.constant 0 : i32
    %dma_start3A_391 = tpu.memref_slice %arg4[%dma_start3A_389, %mul3A_2, %dma_start3A_390] : memref<50x4096x128xf32, #tpu.memory_space<hbm>> -> memref<2x128x128xf32, #tpu.memory_space<hbm>>
    %dma_start3A_392 = arith.constant 0 : i32
    %dma_start3A_393 = arith.constant 0 : i32
    %dma_start3A_394 = arith.constant 0 : i32
    %dma_start3A_395 = tpu.memref_slice %arg6[%dma_start3A_377, %dma_start3A_392, %dma_start3A_393, %dma_start3A_394] : memref<3x2x128x128xf32, #tpu.memory_space<vmem>> -> memref<1x2x128x128xf32, #tpu.memory_space<vmem>>
    %dma_start3A_396 = tpu.memref_squeeze %dma_start3A_395 : memref<1x2x128x128xf32, #tpu.memory_space<vmem>> -> memref<2x128x128xf32, #tpu.memory_space<vmem>>
    tpu.enqueue_dma source(%dma_start3A_396 : memref<2x128x128xf32, #tpu.memory_space<vmem>>) target(%dma_start3A_391 : memref<2x128x128xf32, #tpu.memory_space<hbm>>) target_semaphore(%dma_start3A_388 : memref<!tpu.dma_semaphore, #tpu.memory_space<semaphore_mem>>)
    %dma_wait3A_397 = arith.constant 0 : i32
    %dma_wait3A_398 = arith.constant 0 : i32
    %dma_wait3A_399 = arith.constant 0 : i32
    %dma_wait3A_400 = arith.constant 0 : i32
    %dma_wait3A_401 = arith.constant 0 : i32
    %dma_wait3A_402 = tpu.memref_slice %arg6[%dma_wait3A_397, %dma_wait3A_399, %dma_wait3A_400, %dma_wait3A_401] : memref<3x2x128x128xf32, #tpu.memory_space<vmem>> -> memref<1x2x128x128xf32, #tpu.memory_space<vmem>>
    %dma_wait3A_403 = tpu.memref_squeeze %dma_wait3A_402 : memref<1x2x128x128xf32, #tpu.memory_space<vmem>> -> memref<2x128x128xf32, #tpu.memory_space<vmem>>
    %dma_wait3A_404 = arith.constant 0 : i32
    %dma_wait3A_405 = arith.constant 0 : i32
    %dma_wait3A_406 = tpu.memref_slice %arg4[%dma_wait3A_404, %mul3A_2, %dma_wait3A_405] : memref<50x4096x128xf32, #tpu.memory_space<hbm>> -> memref<2x128x128xf32, #tpu.memory_space<hbm>>
    %dma_wait3A_407 = tpu.memref_slice %arg8[%dma_wait3A_398] : memref<3x!tpu.dma_semaphore, #tpu.memory_space<semaphore_mem>> -> memref<1x!tpu.dma_semaphore, #tpu.memory_space<semaphore_mem>>
    %dma_wait3A_408 = tpu.memref_squeeze %dma_wait3A_407 : memref<1x!tpu.dma_semaphore, #tpu.memory_space<semaphore_mem>> -> memref<!tpu.dma_semaphore, #tpu.memory_space<semaphore_mem>>
    %dma_wait3A_409 = arith.constant 0 : i32
    %dma_wait3A_410 = arith.constant 0 : i32
    %dma_wait3A_411 = tpu.memref_slice %arg4[%dma_wait3A_409, %mul3A_2, %dma_wait3A_410] : memref<50x4096x128xf32, #tpu.memory_space<hbm>> -> memref<2x128x128xf32, #tpu.memory_space<hbm>>
    %dma_wait3A_412 = arith.constant 0 : i32
    %dma_wait3A_413 = arith.constant 0 : i32
    %dma_wait3A_414 = arith.constant 0 : i32
    %dma_wait3A_415 = tpu.memref_slice %arg6[%dma_wait3A_397, %dma_wait3A_412, %dma_wait3A_413, %dma_wait3A_414] : memref<3x2x128x128xf32, #tpu.memory_space<vmem>> -> memref<1x2x128x128xf32, #tpu.memory_space<vmem>>
    %dma_wait3A_416 = tpu.memref_squeeze %dma_wait3A_415 : memref<1x2x128x128xf32, #tpu.memory_space<vmem>> -> memref<2x128x128xf32, #tpu.memory_space<vmem>>
    tpu.wait_dma2 semaphore(%dma_wait3A_408 : memref<!tpu.dma_semaphore, #tpu.memory_space<semaphore_mem>>) src(%dma_wait3A_416 : memref<2x128x128xf32, #tpu.memory_space<vmem>>) dst(%dma_wait3A_411 : memref<2x128x128xf32, #tpu.memory_space<hbm>>)
    %dma_start3A_417 = arith.constant 12 : i32
    %dma_start3A_418 = arith.constant 0 : i32
    %dma_start3A_419 = arith.constant 0 : i32
    %dma_start3A_420 = arith.constant 0 : i32
    %dma_start3A_421 = arith.constant 0 : i32
    %dma_start3A_422 = arith.constant 0 : i32
    %dma_start3A_423 = tpu.memref_slice %arg6[%dma_start3A_418, %dma_start3A_419, %dma_start3A_421, %dma_start3A_422] : memref<3x2x128x128xf32, #tpu.memory_space<vmem>> -> memref<1x1x128x128xf32, #tpu.memory_space<vmem>>
    %dma_start3A_424 = tpu.memref_squeeze %dma_start3A_423 : memref<1x1x128x128xf32, #tpu.memory_space<vmem>> -> memref<128x128xf32, #tpu.memory_space<vmem>>
    %dma_start3A_425 = arith.constant 0 : i32
    %dma_start3A_426 = tpu.memref_slice %arg5[%dma_start3A_417, %dma_start3A_425] : memref<50x128xi32, #tpu.memory_space<vmem>> -> memref<1x128xi32, #tpu.memory_space<vmem>>
    %dma_start3A_427 = tpu.memref_squeeze %dma_start3A_426 : memref<1x128xi32, #tpu.memory_space<vmem>> -> memref<128xi32, #tpu.memory_space<vmem>>
    %dma_start3A_428 = arith.constant 0 : i32
    %dma_start3A_429 = arith.constant 0 : i32
    %dma_start3A_430 = tpu.memref_slice %arg2[%dma_start3A_428, %dma_start3A_429] : memref<100000x128xf32, #tpu.memory_space<hbm>> -> memref<100000x128xf32, #tpu.memory_space<hbm>>
    %dma_start3A_431 = tpu.memref_slice %arg7[%dma_start3A_420] : memref<3x!tpu.dma_semaphore, #tpu.memory_space<semaphore_mem>> -> memref<1x!tpu.dma_semaphore, #tpu.memory_space<semaphore_mem>>
    %dma_start3A_432 = tpu.memref_squeeze %dma_start3A_431 : memref<1x!tpu.dma_semaphore, #tpu.memory_space<semaphore_mem>> -> memref<!tpu.dma_semaphore, #tpu.memory_space<semaphore_mem>>
    tpu.enqueue_indirect_dma source(%dma_start3A_430 : memref<100000x128xf32, #tpu.memory_space<hbm>>) target(%dma_start3A_424 : memref<128x128xf32, #tpu.memory_space<vmem>>) offsets(%dma_start3A_427 : memref<128xi32, #tpu.memory_space<vmem>>) semaphore(%dma_start3A_432 : memref<!tpu.dma_semaphore, #tpu.memory_space<semaphore_mem>>)
    %dma_start3A_433 = arith.constant 13 : i32
    %dma_start3A_434 = arith.constant 0 : i32
    %dma_start3A_435 = arith.constant 1 : i32
    %dma_start3A_436 = arith.constant 0 : i32
    %dma_start3A_437 = arith.constant 0 : i32
    %dma_start3A_438 = arith.constant 0 : i32
    %dma_start3A_439 = tpu.memref_slice %arg6[%dma_start3A_434, %dma_start3A_435, %dma_start3A_437, %dma_start3A_438] : memref<3x2x128x128xf32, #tpu.memory_space<vmem>> -> memref<1x1x128x128xf32, #tpu.memory_space<vmem>>
    %dma_start3A_440 = tpu.memref_squeeze %dma_start3A_439 : memref<1x1x128x128xf32, #tpu.memory_space<vmem>> -> memref<128x128xf32, #tpu.memory_space<vmem>>
    %dma_start3A_441 = arith.constant 0 : i32
    %dma_start3A_442 = tpu.memref_slice %arg5[%dma_start3A_433, %dma_start3A_441] : memref<50x128xi32, #tpu.memory_space<vmem>> -> memref<1x128xi32, #tpu.memory_space<vmem>>
    %dma_start3A_443 = tpu.memref_squeeze %dma_start3A_442 : memref<1x128xi32, #tpu.memory_space<vmem>> -> memref<128xi32, #tpu.memory_space<vmem>>
    %dma_start3A_444 = arith.constant 0 : i32
    %dma_start3A_445 = arith.constant 0 : i32
    %dma_start3A_446 = tpu.memref_slice %arg2[%dma_start3A_444, %dma_start3A_445] : memref<100000x128xf32, #tpu.memory_space<hbm>> -> memref<100000x128xf32, #tpu.memory_space<hbm>>
    %dma_start3A_447 = tpu.memref_slice %arg7[%dma_start3A_436] : memref<3x!tpu.dma_semaphore, #tpu.memory_space<semaphore_mem>> -> memref<1x!tpu.dma_semaphore, #tpu.memory_space<semaphore_mem>>
    %dma_start3A_448 = tpu.memref_squeeze %dma_start3A_447 : memref<1x!tpu.dma_semaphore, #tpu.memory_space<semaphore_mem>> -> memref<!tpu.dma_semaphore, #tpu.memory_space<semaphore_mem>>
    tpu.enqueue_indirect_dma source(%dma_start3A_446 : memref<100000x128xf32, #tpu.memory_space<hbm>>) target(%dma_start3A_440 : memref<128x128xf32, #tpu.memory_space<vmem>>) offsets(%dma_start3A_443 : memref<128xi32, #tpu.memory_space<vmem>>) semaphore(%dma_start3A_448 : memref<!tpu.dma_semaphore, #tpu.memory_space<semaphore_mem>>)
    %dma_wait3A_449 = arith.constant 0 : i32
    %dma_wait3A_450 = arith.constant 1 : i32
    %dma_wait3A_451 = arith.constant 1 : i32
    %dma_wait3A_452 = arith.constant 0 : i32
    %dma_wait3A_453 = arith.constant 0 : i32
    %dma_wait3A_454 = arith.constant 0 : i32
    %dma_wait3A_455 = tpu.memref_slice %arg6[%dma_wait3A_450, %dma_wait3A_452, %dma_wait3A_453, %dma_wait3A_454] : memref<3x2x128x128xf32, #tpu.memory_space<vmem>> -> memref<1x2x128x128xf32, #tpu.memory_space<vmem>>
    %dma_wait3A_456 = tpu.memref_squeeze %dma_wait3A_455 : memref<1x2x128x128xf32, #tpu.memory_space<vmem>> -> memref<2x128x128xf32, #tpu.memory_space<vmem>>
    %dma_wait3A_457 = arith.constant 0 : i32
    %dma_wait3A_458 = tpu.memref_slice %arg5[%dma_wait3A_449, %dma_wait3A_457] : memref<50x128xi32, #tpu.memory_space<vmem>> -> memref<1x128xi32, #tpu.memory_space<vmem>>
    %dma_wait3A_459 = tpu.memref_squeeze %dma_wait3A_458 : memref<1x128xi32, #tpu.memory_space<vmem>> -> memref<128xi32, #tpu.memory_space<vmem>>
    %dma_wait3A_460 = arith.constant 0 : i32
    %dma_wait3A_461 = arith.constant 0 : i32
    %dma_wait3A_462 = tpu.memref_slice %arg2[%dma_wait3A_460, %dma_wait3A_461] : memref<100000x128xf32, #tpu.memory_space<hbm>> -> memref<100000x128xf32, #tpu.memory_space<hbm>>
    %dma_wait3A_463 = tpu.memref_slice %arg7[%dma_wait3A_451] : memref<3x!tpu.dma_semaphore, #tpu.memory_space<semaphore_mem>> -> memref<1x!tpu.dma_semaphore, #tpu.memory_space<semaphore_mem>>
    %dma_wait3A_464 = tpu.memref_squeeze %dma_wait3A_463 : memref<1x!tpu.dma_semaphore, #tpu.memory_space<semaphore_mem>> -> memref<!tpu.dma_semaphore, #tpu.memory_space<semaphore_mem>>
    tpu.wait_indirect_dma semaphore(%dma_wait3A_464 : memref<!tpu.dma_semaphore, #tpu.memory_space<semaphore_mem>>) src(%dma_wait3A_462 : memref<100000x128xf32, #tpu.memory_space<hbm>>) dst(%dma_wait3A_456 : memref<2x128x128xf32, #tpu.memory_space<vmem>>)
    %dma_start3A_465 = arith.constant 1 : i32
    %dma_start3A_466 = arith.constant 1 : i32
    %dma_start3A_467 = arith.constant 0 : i32
    %dma_start3A_468 = arith.constant 0 : i32
    %dma_start3A_469 = arith.constant 0 : i32
    %dma_start3A_470 = tpu.memref_slice %arg6[%dma_start3A_465, %dma_start3A_467, %dma_start3A_468, %dma_start3A_469] : memref<3x2x128x128xf32, #tpu.memory_space<vmem>> -> memref<1x2x128x128xf32, #tpu.memory_space<vmem>>
    %dma_start3A_471 = tpu.memref_squeeze %dma_start3A_470 : memref<1x2x128x128xf32, #tpu.memory_space<vmem>> -> memref<2x128x128xf32, #tpu.memory_space<vmem>>
    %dma_start3A_472 = arith.constant 8 : i32
    %dma_start3A_473 = arith.constant 0 : i32
    %dma_start3A_474 = tpu.memref_slice %arg4[%dma_start3A_472, %mul3A_2, %dma_start3A_473] : memref<50x4096x128xf32, #tpu.memory_space<hbm>> -> memref<2x128x128xf32, #tpu.memory_space<hbm>>
    %dma_start3A_475 = tpu.memref_slice %arg8[%dma_start3A_466] : memref<3x!tpu.dma_semaphore, #tpu.memory_space<semaphore_mem>> -> memref<1x!tpu.dma_semaphore, #tpu.memory_space<semaphore_mem>>
    %dma_start3A_476 = tpu.memref_squeeze %dma_start3A_475 : memref<1x!tpu.dma_semaphore, #tpu.memory_space<semaphore_mem>> -> memref<!tpu.dma_semaphore, #tpu.memory_space<semaphore_mem>>
    %dma_start3A_477 = arith.constant 8 : i32
    %dma_start3A_478 = arith.constant 0 : i32
    %dma_start3A_479 = tpu.memref_slice %arg4[%dma_start3A_477, %mul3A_2, %dma_start3A_478] : memref<50x4096x128xf32, #tpu.memory_space<hbm>> -> memref<2x128x128xf32, #tpu.memory_space<hbm>>
    %dma_start3A_480 = arith.constant 0 : i32
    %dma_start3A_481 = arith.constant 0 : i32
    %dma_start3A_482 = arith.constant 0 : i32
    %dma_start3A_483 = tpu.memref_slice %arg6[%dma_start3A_465, %dma_start3A_480, %dma_start3A_481, %dma_start3A_482] : memref<3x2x128x128xf32, #tpu.memory_space<vmem>> -> memref<1x2x128x128xf32, #tpu.memory_space<vmem>>
    %dma_start3A_484 = tpu.memref_squeeze %dma_start3A_483 : memref<1x2x128x128xf32, #tpu.memory_space<vmem>> -> memref<2x128x128xf32, #tpu.memory_space<vmem>>
    tpu.enqueue_dma source(%dma_start3A_484 : memref<2x128x128xf32, #tpu.memory_space<vmem>>) target(%dma_start3A_479 : memref<2x128x128xf32, #tpu.memory_space<hbm>>) target_semaphore(%dma_start3A_476 : memref<!tpu.dma_semaphore, #tpu.memory_space<semaphore_mem>>)
    %dma_wait3A_485 = arith.constant 1 : i32
    %dma_wait3A_486 = arith.constant 1 : i32
    %dma_wait3A_487 = arith.constant 0 : i32
    %dma_wait3A_488 = arith.constant 0 : i32
    %dma_wait3A_489 = arith.constant 0 : i32
    %dma_wait3A_490 = tpu.memref_slice %arg6[%dma_wait3A_485, %dma_wait3A_487, %dma_wait3A_488, %dma_wait3A_489] : memref<3x2x128x128xf32, #tpu.memory_space<vmem>> -> memref<1x2x128x128xf32, #tpu.memory_space<vmem>>
    %dma_wait3A_491 = tpu.memref_squeeze %dma_wait3A_490 : memref<1x2x128x128xf32, #tpu.memory_space<vmem>> -> memref<2x128x128xf32, #tpu.memory_space<vmem>>
    %dma_wait3A_492 = arith.constant 0 : i32
    %dma_wait3A_493 = arith.constant 0 : i32
    %dma_wait3A_494 = tpu.memref_slice %arg4[%dma_wait3A_492, %mul3A_2, %dma_wait3A_493] : memref<50x4096x128xf32, #tpu.memory_space<hbm>> -> memref<2x128x128xf32, #tpu.memory_space<hbm>>
    %dma_wait3A_495 = tpu.memref_slice %arg8[%dma_wait3A_486] : memref<3x!tpu.dma_semaphore, #tpu.memory_space<semaphore_mem>> -> memref<1x!tpu.dma_semaphore, #tpu.memory_space<semaphore_mem>>
    %dma_wait3A_496 = tpu.memref_squeeze %dma_wait3A_495 : memref<1x!tpu.dma_semaphore, #tpu.memory_space<semaphore_mem>> -> memref<!tpu.dma_semaphore, #tpu.memory_space<semaphore_mem>>
    %dma_wait3A_497 = arith.constant 0 : i32
    %dma_wait3A_498 = arith.constant 0 : i32
    %dma_wait3A_499 = tpu.memref_slice %arg4[%dma_wait3A_497, %mul3A_2, %dma_wait3A_498] : memref<50x4096x128xf32, #tpu.memory_space<hbm>> -> memref<2x128x128xf32, #tpu.memory_space<hbm>>
    %dma_wait3A_500 = arith.constant 0 : i32
    %dma_wait3A_501 = arith.constant 0 : i32
    %dma_wait3A_502 = arith.constant 0 : i32
    %dma_wait3A_503 = tpu.memref_slice %arg6[%dma_wait3A_485, %dma_wait3A_500, %dma_wait3A_501, %dma_wait3A_502] : memref<3x2x128x128xf32, #tpu.memory_space<vmem>> -> memref<1x2x128x128xf32, #tpu.memory_space<vmem>>
    %dma_wait3A_504 = tpu.memref_squeeze %dma_wait3A_503 : memref<1x2x128x128xf32, #tpu.memory_space<vmem>> -> memref<2x128x128xf32, #tpu.memory_space<vmem>>
    tpu.wait_dma2 semaphore(%dma_wait3A_496 : memref<!tpu.dma_semaphore, #tpu.memory_space<semaphore_mem>>) src(%dma_wait3A_504 : memref<2x128x128xf32, #tpu.memory_space<vmem>>) dst(%dma_wait3A_499 : memref<2x128x128xf32, #tpu.memory_space<hbm>>)
    %dma_start3A_505 = arith.constant 14 : i32
    %dma_start3A_506 = arith.constant 1 : i32
    %dma_start3A_507 = arith.constant 0 : i32
    %dma_start3A_508 = arith.constant 1 : i32
    %dma_start3A_509 = arith.constant 0 : i32
    %dma_start3A_510 = arith.constant 0 : i32
    %dma_start3A_511 = tpu.memref_slice %arg6[%dma_start3A_506, %dma_start3A_507, %dma_start3A_509, %dma_start3A_510] : memref<3x2x128x128xf32, #tpu.memory_space<vmem>> -> memref<1x1x128x128xf32, #tpu.memory_space<vmem>>
    %dma_start3A_512 = tpu.memref_squeeze %dma_start3A_511 : memref<1x1x128x128xf32, #tpu.memory_space<vmem>> -> memref<128x128xf32, #tpu.memory_space<vmem>>
    %dma_start3A_513 = arith.constant 0 : i32
    %dma_start3A_514 = tpu.memref_slice %arg5[%dma_start3A_505, %dma_start3A_513] : memref<50x128xi32, #tpu.memory_space<vmem>> -> memref<1x128xi32, #tpu.memory_space<vmem>>
    %dma_start3A_515 = tpu.memref_squeeze %dma_start3A_514 : memref<1x128xi32, #tpu.memory_space<vmem>> -> memref<128xi32, #tpu.memory_space<vmem>>
    %dma_start3A_516 = arith.constant 0 : i32
    %dma_start3A_517 = arith.constant 0 : i32
    %dma_start3A_518 = tpu.memref_slice %arg2[%dma_start3A_516, %dma_start3A_517] : memref<100000x128xf32, #tpu.memory_space<hbm>> -> memref<100000x128xf32, #tpu.memory_space<hbm>>
    %dma_start3A_519 = tpu.memref_slice %arg7[%dma_start3A_508] : memref<3x!tpu.dma_semaphore, #tpu.memory_space<semaphore_mem>> -> memref<1x!tpu.dma_semaphore, #tpu.memory_space<semaphore_mem>>
    %dma_start3A_520 = tpu.memref_squeeze %dma_start3A_519 : memref<1x!tpu.dma_semaphore, #tpu.memory_space<semaphore_mem>> -> memref<!tpu.dma_semaphore, #tpu.memory_space<semaphore_mem>>
    tpu.enqueue_indirect_dma source(%dma_start3A_518 : memref<100000x128xf32, #tpu.memory_space<hbm>>) target(%dma_start3A_512 : memref<128x128xf32, #tpu.memory_space<vmem>>) offsets(%dma_start3A_515 : memref<128xi32, #tpu.memory_space<vmem>>) semaphore(%dma_start3A_520 : memref<!tpu.dma_semaphore, #tpu.memory_space<semaphore_mem>>)
    %dma_start3A_521 = arith.constant 15 : i32
    %dma_start3A_522 = arith.constant 1 : i32
    %dma_start3A_523 = arith.constant 1 : i32
    %dma_start3A_524 = arith.constant 1 : i32
    %dma_start3A_525 = arith.constant 0 : i32
    %dma_start3A_526 = arith.constant 0 : i32
    %dma_start3A_527 = tpu.memref_slice %arg6[%dma_start3A_522, %dma_start3A_523, %dma_start3A_525, %dma_start3A_526] : memref<3x2x128x128xf32, #tpu.memory_space<vmem>> -> memref<1x1x128x128xf32, #tpu.memory_space<vmem>>
    %dma_start3A_528 = tpu.memref_squeeze %dma_start3A_527 : memref<1x1x128x128xf32, #tpu.memory_space<vmem>> -> memref<128x128xf32, #tpu.memory_space<vmem>>
    %dma_start3A_529 = arith.constant 0 : i32
    %dma_start3A_530 = tpu.memref_slice %arg5[%dma_start3A_521, %dma_start3A_529] : memref<50x128xi32, #tpu.memory_space<vmem>> -> memref<1x128xi32, #tpu.memory_space<vmem>>
    %dma_start3A_531 = tpu.memref_squeeze %dma_start3A_530 : memref<1x128xi32, #tpu.memory_space<vmem>> -> memref<128xi32, #tpu.memory_space<vmem>>
    %dma_start3A_532 = arith.constant 0 : i32
    %dma_start3A_533 = arith.constant 0 : i32
    %dma_start3A_534 = tpu.memref_slice %arg2[%dma_start3A_532, %dma_start3A_533] : memref<100000x128xf32, #tpu.memory_space<hbm>> -> memref<100000x128xf32, #tpu.memory_space<hbm>>
    %dma_start3A_535 = tpu.memref_slice %arg7[%dma_start3A_524] : memref<3x!tpu.dma_semaphore, #tpu.memory_space<semaphore_mem>> -> memref<1x!tpu.dma_semaphore, #tpu.memory_space<semaphore_mem>>
    %dma_start3A_536 = tpu.memref_squeeze %dma_start3A_535 : memref<1x!tpu.dma_semaphore, #tpu.memory_space<semaphore_mem>> -> memref<!tpu.dma_semaphore, #tpu.memory_space<semaphore_mem>>
    tpu.enqueue_indirect_dma source(%dma_start3A_534 : memref<100000x128xf32, #tpu.memory_space<hbm>>) target(%dma_start3A_528 : memref<128x128xf32, #tpu.memory_space<vmem>>) offsets(%dma_start3A_531 : memref<128xi32, #tpu.memory_space<vmem>>) semaphore(%dma_start3A_536 : memref<!tpu.dma_semaphore, #tpu.memory_space<semaphore_mem>>)
    %dma_wait3A_537 = arith.constant 0 : i32
    %dma_wait3A_538 = arith.constant 2 : i32
    %dma_wait3A_539 = arith.constant 2 : i32
    %dma_wait3A_540 = arith.constant 0 : i32
    %dma_wait3A_541 = arith.constant 0 : i32
    %dma_wait3A_542 = arith.constant 0 : i32
    %dma_wait3A_543 = tpu.memref_slice %arg6[%dma_wait3A_538, %dma_wait3A_540, %dma_wait3A_541, %dma_wait3A_542] : memref<3x2x128x128xf32, #tpu.memory_space<vmem>> -> memref<1x2x128x128xf32, #tpu.memory_space<vmem>>
    %dma_wait3A_544 = tpu.memref_squeeze %dma_wait3A_543 : memref<1x2x128x128xf32, #tpu.memory_space<vmem>> -> memref<2x128x128xf32, #tpu.memory_space<vmem>>
    %dma_wait3A_545 = arith.constant 0 : i32
    %dma_wait3A_546 = tpu.memref_slice %arg5[%dma_wait3A_537, %dma_wait3A_545] : memref<50x128xi32, #tpu.memory_space<vmem>> -> memref<1x128xi32, #tpu.memory_space<vmem>>
    %dma_wait3A_547 = tpu.memref_squeeze %dma_wait3A_546 : memref<1x128xi32, #tpu.memory_space<vmem>> -> memref<128xi32, #tpu.memory_space<vmem>>
    %dma_wait3A_548 = arith.constant 0 : i32
    %dma_wait3A_549 = arith.constant 0 : i32
    %dma_wait3A_550 = tpu.memref_slice %arg2[%dma_wait3A_548, %dma_wait3A_549] : memref<100000x128xf32, #tpu.memory_space<hbm>> -> memref<100000x128xf32, #tpu.memory_space<hbm>>
    %dma_wait3A_551 = tpu.memref_slice %arg7[%dma_wait3A_539] : memref<3x!tpu.dma_semaphore, #tpu.memory_space<semaphore_mem>> -> memref<1x!tpu.dma_semaphore, #tpu.memory_space<semaphore_mem>>
    %dma_wait3A_552 = tpu.memref_squeeze %dma_wait3A_551 : memref<1x!tpu.dma_semaphore, #tpu.memory_space<semaphore_mem>> -> memref<!tpu.dma_semaphore, #tpu.memory_space<semaphore_mem>>
    tpu.wait_indirect_dma semaphore(%dma_wait3A_552 : memref<!tpu.dma_semaphore, #tpu.memory_space<semaphore_mem>>) src(%dma_wait3A_550 : memref<100000x128xf32, #tpu.memory_space<hbm>>) dst(%dma_wait3A_544 : memref<2x128x128xf32, #tpu.memory_space<vmem>>)
    %dma_start3A_553 = arith.constant 2 : i32
    %dma_start3A_554 = arith.constant 2 : i32
    %dma_start3A_555 = arith.constant 0 : i32
    %dma_start3A_556 = arith.constant 0 : i32
    %dma_start3A_557 = arith.constant 0 : i32
    %dma_start3A_558 = tpu.memref_slice %arg6[%dma_start3A_553, %dma_start3A_555, %dma_start3A_556, %dma_start3A_557] : memref<3x2x128x128xf32, #tpu.memory_space<vmem>> -> memref<1x2x128x128xf32, #tpu.memory_space<vmem>>
    %dma_start3A_559 = tpu.memref_squeeze %dma_start3A_558 : memref<1x2x128x128xf32, #tpu.memory_space<vmem>> -> memref<2x128x128xf32, #tpu.memory_space<vmem>>
    %dma_start3A_560 = arith.constant 10 : i32
    %dma_start3A_561 = arith.constant 0 : i32
    %dma_start3A_562 = tpu.memref_slice %arg4[%dma_start3A_560, %mul3A_2, %dma_start3A_561] : memref<50x4096x128xf32, #tpu.memory_space<hbm>> -> memref<2x128x128xf32, #tpu.memory_space<hbm>>
    %dma_start3A_563 = tpu.memref_slice %arg8[%dma_start3A_554] : memref<3x!tpu.dma_semaphore, #tpu.memory_space<semaphore_mem>> -> memref<1x!tpu.dma_semaphore, #tpu.memory_space<semaphore_mem>>
    %dma_start3A_564 = tpu.memref_squeeze %dma_start3A_563 : memref<1x!tpu.dma_semaphore, #tpu.memory_space<semaphore_mem>> -> memref<!tpu.dma_semaphore, #tpu.memory_space<semaphore_mem>>
    %dma_start3A_565 = arith.constant 10 : i32
    %dma_start3A_566 = arith.constant 0 : i32
    %dma_start3A_567 = tpu.memref_slice %arg4[%dma_start3A_565, %mul3A_2, %dma_start3A_566] : memref<50x4096x128xf32, #tpu.memory_space<hbm>> -> memref<2x128x128xf32, #tpu.memory_space<hbm>>
    %dma_start3A_568 = arith.constant 0 : i32
    %dma_start3A_569 = arith.constant 0 : i32
    %dma_start3A_570 = arith.constant 0 : i32
    %dma_start3A_571 = tpu.memref_slice %arg6[%dma_start3A_553, %dma_start3A_568, %dma_start3A_569, %dma_start3A_570] : memref<3x2x128x128xf32, #tpu.memory_space<vmem>> -> memref<1x2x128x128xf32, #tpu.memory_space<vmem>>
    %dma_start3A_572 = tpu.memref_squeeze %dma_start3A_571 : memref<1x2x128x128xf32, #tpu.memory_space<vmem>> -> memref<2x128x128xf32, #tpu.memory_space<vmem>>
    tpu.enqueue_dma source(%dma_start3A_572 : memref<2x128x128xf32, #tpu.memory_space<vmem>>) target(%dma_start3A_567 : memref<2x128x128xf32, #tpu.memory_space<hbm>>) target_semaphore(%dma_start3A_564 : memref<!tpu.dma_semaphore, #tpu.memory_space<semaphore_mem>>)
    %dma_wait3A_573 = arith.constant 2 : i32
    %dma_wait3A_574 = arith.constant 2 : i32
    %dma_wait3A_575 = arith.constant 0 : i32
    %dma_wait3A_576 = arith.constant 0 : i32
    %dma_wait3A_577 = arith.constant 0 : i32
    %dma_wait3A_578 = tpu.memref_slice %arg6[%dma_wait3A_573, %dma_wait3A_575, %dma_wait3A_576, %dma_wait3A_577] : memref<3x2x128x128xf32, #tpu.memory_space<vmem>> -> memref<1x2x128x128xf32, #tpu.memory_space<vmem>>
    %dma_wait3A_579 = tpu.memref_squeeze %dma_wait3A_578 : memref<1x2x128x128xf32, #tpu.memory_space<vmem>> -> memref<2x128x128xf32, #tpu.memory_space<vmem>>
    %dma_wait3A_580 = arith.constant 0 : i32
    %dma_wait3A_581 = arith.constant 0 : i32
    %dma_wait3A_582 = tpu.memref_slice %arg4[%dma_wait3A_580, %mul3A_2, %dma_wait3A_581] : memref<50x4096x128xf32, #tpu.memory_space<hbm>> -> memref<2x128x128xf32, #tpu.memory_space<hbm>>
    %dma_wait3A_583 = tpu.memref_slice %arg8[%dma_wait3A_574] : memref<3x!tpu.dma_semaphore, #tpu.memory_space<semaphore_mem>> -> memref<1x!tpu.dma_semaphore, #tpu.memory_space<semaphore_mem>>
    %dma_wait3A_584 = tpu.memref_squeeze %dma_wait3A_583 : memref<1x!tpu.dma_semaphore, #tpu.memory_space<semaphore_mem>> -> memref<!tpu.dma_semaphore, #tpu.memory_space<semaphore_mem>>
    %dma_wait3A_585 = arith.constant 0 : i32
    %dma_wait3A_586 = arith.constant 0 : i32
    %dma_wait3A_587 = tpu.memref_slice %arg4[%dma_wait3A_585, %mul3A_2, %dma_wait3A_586] : memref<50x4096x128xf32, #tpu.memory_space<hbm>> -> memref<2x128x128xf32, #tpu.memory_space<hbm>>
    %dma_wait3A_588 = arith.constant 0 : i32
    %dma_wait3A_589 = arith.constant 0 : i32
    %dma_wait3A_590 = arith.constant 0 : i32
    %dma_wait3A_591 = tpu.memref_slice %arg6[%dma_wait3A_573, %dma_wait3A_588, %dma_wait3A_589, %dma_wait3A_590] : memref<3x2x128x128xf32, #tpu.memory_space<vmem>> -> memref<1x2x128x128xf32, #tpu.memory_space<vmem>>
    %dma_wait3A_592 = tpu.memref_squeeze %dma_wait3A_591 : memref<1x2x128x128xf32, #tpu.memory_space<vmem>> -> memref<2x128x128xf32, #tpu.memory_space<vmem>>
    tpu.wait_dma2 semaphore(%dma_wait3A_584 : memref<!tpu.dma_semaphore, #tpu.memory_space<semaphore_mem>>) src(%dma_wait3A_592 : memref<2x128x128xf32, #tpu.memory_space<vmem>>) dst(%dma_wait3A_587 : memref<2x128x128xf32, #tpu.memory_space<hbm>>)
    %dma_start3A_593 = arith.constant 16 : i32
    %dma_start3A_594 = arith.constant 2 : i32
    %dma_start3A_595 = arith.constant 0 : i32
    %dma_start3A_596 = arith.constant 2 : i32
    %dma_start3A_597 = arith.constant 0 : i32
    %dma_start3A_598 = arith.constant 0 : i32
    %dma_start3A_599 = tpu.memref_slice %arg6[%dma_start3A_594, %dma_start3A_595, %dma_start3A_597, %dma_start3A_598] : memref<3x2x128x128xf32, #tpu.memory_space<vmem>> -> memref<1x1x128x128xf32, #tpu.memory_space<vmem>>
    %dma_start3A_600 = tpu.memref_squeeze %dma_start3A_599 : memref<1x1x128x128xf32, #tpu.memory_space<vmem>> -> memref<128x128xf32, #tpu.memory_space<vmem>>
    %dma_start3A_601 = arith.constant 0 : i32
    %dma_start3A_602 = tpu.memref_slice %arg5[%dma_start3A_593, %dma_start3A_601] : memref<50x128xi32, #tpu.memory_space<vmem>> -> memref<1x128xi32, #tpu.memory_space<vmem>>
    %dma_start3A_603 = tpu.memref_squeeze %dma_start3A_602 : memref<1x128xi32, #tpu.memory_space<vmem>> -> memref<128xi32, #tpu.memory_space<vmem>>
    %dma_start3A_604 = arith.constant 0 : i32
    %dma_start3A_605 = arith.constant 0 : i32
    %dma_start3A_606 = tpu.memref_slice %arg2[%dma_start3A_604, %dma_start3A_605] : memref<100000x128xf32, #tpu.memory_space<hbm>> -> memref<100000x128xf32, #tpu.memory_space<hbm>>
    %dma_start3A_607 = tpu.memref_slice %arg7[%dma_start3A_596] : memref<3x!tpu.dma_semaphore, #tpu.memory_space<semaphore_mem>> -> memref<1x!tpu.dma_semaphore, #tpu.memory_space<semaphore_mem>>
    %dma_start3A_608 = tpu.memref_squeeze %dma_start3A_607 : memref<1x!tpu.dma_semaphore, #tpu.memory_space<semaphore_mem>> -> memref<!tpu.dma_semaphore, #tpu.memory_space<semaphore_mem>>
    tpu.enqueue_indirect_dma source(%dma_start3A_606 : memref<100000x128xf32, #tpu.memory_space<hbm>>) target(%dma_start3A_600 : memref<128x128xf32, #tpu.memory_space<vmem>>) offsets(%dma_start3A_603 : memref<128xi32, #tpu.memory_space<vmem>>) semaphore(%dma_start3A_608 : memref<!tpu.dma_semaphore, #tpu.memory_space<semaphore_mem>>)
    %dma_start3A_609 = arith.constant 17 : i32
    %dma_start3A_610 = arith.constant 2 : i32
    %dma_start3A_611 = arith.constant 1 : i32
    %dma_start3A_612 = arith.constant 2 : i32
    %dma_start3A_613 = arith.constant 0 : i32
    %dma_start3A_614 = arith.constant 0 : i32
    %dma_start3A_615 = tpu.memref_slice %arg6[%dma_start3A_610, %dma_start3A_611, %dma_start3A_613, %dma_start3A_614] : memref<3x2x128x128xf32, #tpu.memory_space<vmem>> -> memref<1x1x128x128xf32, #tpu.memory_space<vmem>>
    %dma_start3A_616 = tpu.memref_squeeze %dma_start3A_615 : memref<1x1x128x128xf32, #tpu.memory_space<vmem>> -> memref<128x128xf32, #tpu.memory_space<vmem>>
    %dma_start3A_617 = arith.constant 0 : i32
    %dma_start3A_618 = tpu.memref_slice %arg5[%dma_start3A_609, %dma_start3A_617] : memref<50x128xi32, #tpu.memory_space<vmem>> -> memref<1x128xi32, #tpu.memory_space<vmem>>
    %dma_start3A_619 = tpu.memref_squeeze %dma_start3A_618 : memref<1x128xi32, #tpu.memory_space<vmem>> -> memref<128xi32, #tpu.memory_space<vmem>>
    %dma_start3A_620 = arith.constant 0 : i32
    %dma_start3A_621 = arith.constant 0 : i32
    %dma_start3A_622 = tpu.memref_slice %arg2[%dma_start3A_620, %dma_start3A_621] : memref<100000x128xf32, #tpu.memory_space<hbm>> -> memref<100000x128xf32, #tpu.memory_space<hbm>>
    %dma_start3A_623 = tpu.memref_slice %arg7[%dma_start3A_612] : memref<3x!tpu.dma_semaphore, #tpu.memory_space<semaphore_mem>> -> memref<1x!tpu.dma_semaphore, #tpu.memory_space<semaphore_mem>>
    %dma_start3A_624 = tpu.memref_squeeze %dma_start3A_623 : memref<1x!tpu.dma_semaphore, #tpu.memory_space<semaphore_mem>> -> memref<!tpu.dma_semaphore, #tpu.memory_space<semaphore_mem>>
    tpu.enqueue_indirect_dma source(%dma_start3A_622 : memref<100000x128xf32, #tpu.memory_space<hbm>>) target(%dma_start3A_616 : memref<128x128xf32, #tpu.memory_space<vmem>>) offsets(%dma_start3A_619 : memref<128xi32, #tpu.memory_space<vmem>>) semaphore(%dma_start3A_624 : memref<!tpu.dma_semaphore, #tpu.memory_space<semaphore_mem>>)
    %dma_wait3A_625 = arith.constant 0 : i32
    %dma_wait3A_626 = arith.constant 0 : i32
    %dma_wait3A_627 = arith.constant 0 : i32
    %dma_wait3A_628 = arith.constant 0 : i32
    %dma_wait3A_629 = arith.constant 0 : i32
    %dma_wait3A_630 = arith.constant 0 : i32
    %dma_wait3A_631 = tpu.memref_slice %arg6[%dma_wait3A_626, %dma_wait3A_628, %dma_wait3A_629, %dma_wait3A_630] : memref<3x2x128x128xf32, #tpu.memory_space<vmem>> -> memref<1x2x128x128xf32, #tpu.memory_space<vmem>>
    %dma_wait3A_632 = tpu.memref_squeeze %dma_wait3A_631 : memref<1x2x128x128xf32, #tpu.memory_space<vmem>> -> memref<2x128x128xf32, #tpu.memory_space<vmem>>
    %dma_wait3A_633 = arith.constant 0 : i32
    %dma_wait3A_634 = tpu.memref_slice %arg5[%dma_wait3A_625, %dma_wait3A_633] : memref<50x128xi32, #tpu.memory_space<vmem>> -> memref<1x128xi32, #tpu.memory_space<vmem>>
    %dma_wait3A_635 = tpu.memref_squeeze %dma_wait3A_634 : memref<1x128xi32, #tpu.memory_space<vmem>> -> memref<128xi32, #tpu.memory_space<vmem>>
    %dma_wait3A_636 = arith.constant 0 : i32
    %dma_wait3A_637 = arith.constant 0 : i32
    %dma_wait3A_638 = tpu.memref_slice %arg2[%dma_wait3A_636, %dma_wait3A_637] : memref<100000x128xf32, #tpu.memory_space<hbm>> -> memref<100000x128xf32, #tpu.memory_space<hbm>>
    %dma_wait3A_639 = tpu.memref_slice %arg7[%dma_wait3A_627] : memref<3x!tpu.dma_semaphore, #tpu.memory_space<semaphore_mem>> -> memref<1x!tpu.dma_semaphore, #tpu.memory_space<semaphore_mem>>
    %dma_wait3A_640 = tpu.memref_squeeze %dma_wait3A_639 : memref<1x!tpu.dma_semaphore, #tpu.memory_space<semaphore_mem>> -> memref<!tpu.dma_semaphore, #tpu.memory_space<semaphore_mem>>
    tpu.wait_indirect_dma semaphore(%dma_wait3A_640 : memref<!tpu.dma_semaphore, #tpu.memory_space<semaphore_mem>>) src(%dma_wait3A_638 : memref<100000x128xf32, #tpu.memory_space<hbm>>) dst(%dma_wait3A_632 : memref<2x128x128xf32, #tpu.memory_space<vmem>>)
    %dma_start3A_641 = arith.constant 0 : i32
    %dma_start3A_642 = arith.constant 0 : i32
    %dma_start3A_643 = arith.constant 0 : i32
    %dma_start3A_644 = arith.constant 0 : i32
    %dma_start3A_645 = arith.constant 0 : i32
    %dma_start3A_646 = tpu.memref_slice %arg6[%dma_start3A_641, %dma_start3A_643, %dma_start3A_644, %dma_start3A_645] : memref<3x2x128x128xf32, #tpu.memory_space<vmem>> -> memref<1x2x128x128xf32, #tpu.memory_space<vmem>>
    %dma_start3A_647 = tpu.memref_squeeze %dma_start3A_646 : memref<1x2x128x128xf32, #tpu.memory_space<vmem>> -> memref<2x128x128xf32, #tpu.memory_space<vmem>>
    %dma_start3A_648 = arith.constant 12 : i32
    %dma_start3A_649 = arith.constant 0 : i32
    %dma_start3A_650 = tpu.memref_slice %arg4[%dma_start3A_648, %mul3A_2, %dma_start3A_649] : memref<50x4096x128xf32, #tpu.memory_space<hbm>> -> memref<2x128x128xf32, #tpu.memory_space<hbm>>
    %dma_start3A_651 = tpu.memref_slice %arg8[%dma_start3A_642] : memref<3x!tpu.dma_semaphore, #tpu.memory_space<semaphore_mem>> -> memref<1x!tpu.dma_semaphore, #tpu.memory_space<semaphore_mem>>
    %dma_start3A_652 = tpu.memref_squeeze %dma_start3A_651 : memref<1x!tpu.dma_semaphore, #tpu.memory_space<semaphore_mem>> -> memref<!tpu.dma_semaphore, #tpu.memory_space<semaphore_mem>>
    %dma_start3A_653 = arith.constant 12 : i32
    %dma_start3A_654 = arith.constant 0 : i32
    %dma_start3A_655 = tpu.memref_slice %arg4[%dma_start3A_653, %mul3A_2, %dma_start3A_654] : memref<50x4096x128xf32, #tpu.memory_space<hbm>> -> memref<2x128x128xf32, #tpu.memory_space<hbm>>
    %dma_start3A_656 = arith.constant 0 : i32
    %dma_start3A_657 = arith.constant 0 : i32
    %dma_start3A_658 = arith.constant 0 : i32
    %dma_start3A_659 = tpu.memref_slice %arg6[%dma_start3A_641, %dma_start3A_656, %dma_start3A_657, %dma_start3A_658] : memref<3x2x128x128xf32, #tpu.memory_space<vmem>> -> memref<1x2x128x128xf32, #tpu.memory_space<vmem>>
    %dma_start3A_660 = tpu.memref_squeeze %dma_start3A_659 : memref<1x2x128x128xf32, #tpu.memory_space<vmem>> -> memref<2x128x128xf32, #tpu.memory_space<vmem>>
    tpu.enqueue_dma source(%dma_start3A_660 : memref<2x128x128xf32, #tpu.memory_space<vmem>>) target(%dma_start3A_655 : memref<2x128x128xf32, #tpu.memory_space<hbm>>) target_semaphore(%dma_start3A_652 : memref<!tpu.dma_semaphore, #tpu.memory_space<semaphore_mem>>)
    %dma_wait3A_661 = arith.constant 0 : i32
    %dma_wait3A_662 = arith.constant 0 : i32
    %dma_wait3A_663 = arith.constant 0 : i32
    %dma_wait3A_664 = arith.constant 0 : i32
    %dma_wait3A_665 = arith.constant 0 : i32
    %dma_wait3A_666 = tpu.memref_slice %arg6[%dma_wait3A_661, %dma_wait3A_663, %dma_wait3A_664, %dma_wait3A_665] : memref<3x2x128x128xf32, #tpu.memory_space<vmem>> -> memref<1x2x128x128xf32, #tpu.memory_space<vmem>>
    %dma_wait3A_667 = tpu.memref_squeeze %dma_wait3A_666 : memref<1x2x128x128xf32, #tpu.memory_space<vmem>> -> memref<2x128x128xf32, #tpu.memory_space<vmem>>
    %dma_wait3A_668 = arith.constant 0 : i32
    %dma_wait3A_669 = arith.constant 0 : i32
    %dma_wait3A_670 = tpu.memref_slice %arg4[%dma_wait3A_668, %mul3A_2, %dma_wait3A_669] : memref<50x4096x128xf32, #tpu.memory_space<hbm>> -> memref<2x128x128xf32, #tpu.memory_space<hbm>>
    %dma_wait3A_671 = tpu.memref_slice %arg8[%dma_wait3A_662] : memref<3x!tpu.dma_semaphore, #tpu.memory_space<semaphore_mem>> -> memref<1x!tpu.dma_semaphore, #tpu.memory_space<semaphore_mem>>
    %dma_wait3A_672 = tpu.memref_squeeze %dma_wait3A_671 : memref<1x!tpu.dma_semaphore, #tpu.memory_space<semaphore_mem>> -> memref<!tpu.dma_semaphore, #tpu.memory_space<semaphore_mem>>
    %dma_wait3A_673 = arith.constant 0 : i32
    %dma_wait3A_674 = arith.constant 0 : i32
    %dma_wait3A_675 = tpu.memref_slice %arg4[%dma_wait3A_673, %mul3A_2, %dma_wait3A_674] : memref<50x4096x128xf32, #tpu.memory_space<hbm>> -> memref<2x128x128xf32, #tpu.memory_space<hbm>>
    %dma_wait3A_676 = arith.constant 0 : i32
    %dma_wait3A_677 = arith.constant 0 : i32
    %dma_wait3A_678 = arith.constant 0 : i32
    %dma_wait3A_679 = tpu.memref_slice %arg6[%dma_wait3A_661, %dma_wait3A_676, %dma_wait3A_677, %dma_wait3A_678] : memref<3x2x128x128xf32, #tpu.memory_space<vmem>> -> memref<1x2x128x128xf32, #tpu.memory_space<vmem>>
    %dma_wait3A_680 = tpu.memref_squeeze %dma_wait3A_679 : memref<1x2x128x128xf32, #tpu.memory_space<vmem>> -> memref<2x128x128xf32, #tpu.memory_space<vmem>>
    tpu.wait_dma2 semaphore(%dma_wait3A_672 : memref<!tpu.dma_semaphore, #tpu.memory_space<semaphore_mem>>) src(%dma_wait3A_680 : memref<2x128x128xf32, #tpu.memory_space<vmem>>) dst(%dma_wait3A_675 : memref<2x128x128xf32, #tpu.memory_space<hbm>>)
    %dma_start3A_681 = arith.constant 18 : i32
    %dma_start3A_682 = arith.constant 0 : i32
    %dma_start3A_683 = arith.constant 0 : i32
    %dma_start3A_684 = arith.constant 0 : i32
    %dma_start3A_685 = arith.constant 0 : i32
    %dma_start3A_686 = arith.constant 0 : i32
    %dma_start3A_687 = tpu.memref_slice %arg6[%dma_start3A_682, %dma_start3A_683, %dma_start3A_685, %dma_start3A_686] : memref<3x2x128x128xf32, #tpu.memory_space<vmem>> -> memref<1x1x128x128xf32, #tpu.memory_space<vmem>>
    %dma_start3A_688 = tpu.memref_squeeze %dma_start3A_687 : memref<1x1x128x128xf32, #tpu.memory_space<vmem>> -> memref<128x128xf32, #tpu.memory_space<vmem>>
    %dma_start3A_689 = arith.constant 0 : i32
    %dma_start3A_690 = tpu.memref_slice %arg5[%dma_start3A_681, %dma_start3A_689] : memref<50x128xi32, #tpu.memory_space<vmem>> -> memref<1x128xi32, #tpu.memory_space<vmem>>
    %dma_start3A_691 = tpu.memref_squeeze %dma_start3A_690 : memref<1x128xi32, #tpu.memory_space<vmem>> -> memref<128xi32, #tpu.memory_space<vmem>>
    %dma_start3A_692 = arith.constant 0 : i32
    %dma_start3A_693 = arith.constant 0 : i32
    %dma_start3A_694 = tpu.memref_slice %arg2[%dma_start3A_692, %dma_start3A_693] : memref<100000x128xf32, #tpu.memory_space<hbm>> -> memref<100000x128xf32, #tpu.memory_space<hbm>>
    %dma_start3A_695 = tpu.memref_slice %arg7[%dma_start3A_684] : memref<3x!tpu.dma_semaphore, #tpu.memory_space<semaphore_mem>> -> memref<1x!tpu.dma_semaphore, #tpu.memory_space<semaphore_mem>>
    %dma_start3A_696 = tpu.memref_squeeze %dma_start3A_695 : memref<1x!tpu.dma_semaphore, #tpu.memory_space<semaphore_mem>> -> memref<!tpu.dma_semaphore, #tpu.memory_space<semaphore_mem>>
    tpu.enqueue_indirect_dma source(%dma_start3A_694 : memref<100000x128xf32, #tpu.memory_space<hbm>>) target(%dma_start3A_688 : memref<128x128xf32, #tpu.memory_space<vmem>>) offsets(%dma_start3A_691 : memref<128xi32, #tpu.memory_space<vmem>>) semaphore(%dma_start3A_696 : memref<!tpu.dma_semaphore, #tpu.memory_space<semaphore_mem>>)
    %dma_start3A_697 = arith.constant 19 : i32
    %dma_start3A_698 = arith.constant 0 : i32
    %dma_start3A_699 = arith.constant 1 : i32
    %dma_start3A_700 = arith.constant 0 : i32
    %dma_start3A_701 = arith.constant 0 : i32
    %dma_start3A_702 = arith.constant 0 : i32
    %dma_start3A_703 = tpu.memref_slice %arg6[%dma_start3A_698, %dma_start3A_699, %dma_start3A_701, %dma_start3A_702] : memref<3x2x128x128xf32, #tpu.memory_space<vmem>> -> memref<1x1x128x128xf32, #tpu.memory_space<vmem>>
    %dma_start3A_704 = tpu.memref_squeeze %dma_start3A_703 : memref<1x1x128x128xf32, #tpu.memory_space<vmem>> -> memref<128x128xf32, #tpu.memory_space<vmem>>
    %dma_start3A_705 = arith.constant 0 : i32
    %dma_start3A_706 = tpu.memref_slice %arg5[%dma_start3A_697, %dma_start3A_705] : memref<50x128xi32, #tpu.memory_space<vmem>> -> memref<1x128xi32, #tpu.memory_space<vmem>>
    %dma_start3A_707 = tpu.memref_squeeze %dma_start3A_706 : memref<1x128xi32, #tpu.memory_space<vmem>> -> memref<128xi32, #tpu.memory_space<vmem>>
    %dma_start3A_708 = arith.constant 0 : i32
    %dma_start3A_709 = arith.constant 0 : i32
    %dma_start3A_710 = tpu.memref_slice %arg2[%dma_start3A_708, %dma_start3A_709] : memref<100000x128xf32, #tpu.memory_space<hbm>> -> memref<100000x128xf32, #tpu.memory_space<hbm>>
    %dma_start3A_711 = tpu.memref_slice %arg7[%dma_start3A_700] : memref<3x!tpu.dma_semaphore, #tpu.memory_space<semaphore_mem>> -> memref<1x!tpu.dma_semaphore, #tpu.memory_space<semaphore_mem>>
    %dma_start3A_712 = tpu.memref_squeeze %dma_start3A_711 : memref<1x!tpu.dma_semaphore, #tpu.memory_space<semaphore_mem>> -> memref<!tpu.dma_semaphore, #tpu.memory_space<semaphore_mem>>
    tpu.enqueue_indirect_dma source(%dma_start3A_710 : memref<100000x128xf32, #tpu.memory_space<hbm>>) target(%dma_start3A_704 : memref<128x128xf32, #tpu.memory_space<vmem>>) offsets(%dma_start3A_707 : memref<128xi32, #tpu.memory_space<vmem>>) semaphore(%dma_start3A_712 : memref<!tpu.dma_semaphore, #tpu.memory_space<semaphore_mem>>)
    %dma_wait3A_713 = arith.constant 0 : i32
    %dma_wait3A_714 = arith.constant 1 : i32
    %dma_wait3A_715 = arith.constant 1 : i32
    %dma_wait3A_716 = arith.constant 0 : i32
    %dma_wait3A_717 = arith.constant 0 : i32
    %dma_wait3A_718 = arith.constant 0 : i32
    %dma_wait3A_719 = tpu.memref_slice %arg6[%dma_wait3A_714, %dma_wait3A_716, %dma_wait3A_717, %dma_wait3A_718] : memref<3x2x128x128xf32, #tpu.memory_space<vmem>> -> memref<1x2x128x128xf32, #tpu.memory_space<vmem>>
    %dma_wait3A_720 = tpu.memref_squeeze %dma_wait3A_719 : memref<1x2x128x128xf32, #tpu.memory_space<vmem>> -> memref<2x128x128xf32, #tpu.memory_space<vmem>>
    %dma_wait3A_721 = arith.constant 0 : i32
    %dma_wait3A_722 = tpu.memref_slice %arg5[%dma_wait3A_713, %dma_wait3A_721] : memref<50x128xi32, #tpu.memory_space<vmem>> -> memref<1x128xi32, #tpu.memory_space<vmem>>
    %dma_wait3A_723 = tpu.memref_squeeze %dma_wait3A_722 : memref<1x128xi32, #tpu.memory_space<vmem>> -> memref<128xi32, #tpu.memory_space<vmem>>
    %dma_wait3A_724 = arith.constant 0 : i32
    %dma_wait3A_725 = arith.constant 0 : i32
    %dma_wait3A_726 = tpu.memref_slice %arg2[%dma_wait3A_724, %dma_wait3A_725] : memref<100000x128xf32, #tpu.memory_space<hbm>> -> memref<100000x128xf32, #tpu.memory_space<hbm>>
    %dma_wait3A_727 = tpu.memref_slice %arg7[%dma_wait3A_715] : memref<3x!tpu.dma_semaphore, #tpu.memory_space<semaphore_mem>> -> memref<1x!tpu.dma_semaphore, #tpu.memory_space<semaphore_mem>>
    %dma_wait3A_728 = tpu.memref_squeeze %dma_wait3A_727 : memref<1x!tpu.dma_semaphore, #tpu.memory_space<semaphore_mem>> -> memref<!tpu.dma_semaphore, #tpu.memory_space<semaphore_mem>>
    tpu.wait_indirect_dma semaphore(%dma_wait3A_728 : memref<!tpu.dma_semaphore, #tpu.memory_space<semaphore_mem>>) src(%dma_wait3A_726 : memref<100000x128xf32, #tpu.memory_space<hbm>>) dst(%dma_wait3A_720 : memref<2x128x128xf32, #tpu.memory_space<vmem>>)
    %dma_start3A_729 = arith.constant 1 : i32
    %dma_start3A_730 = arith.constant 1 : i32
    %dma_start3A_731 = arith.constant 0 : i32
    %dma_start3A_732 = arith.constant 0 : i32
    %dma_start3A_733 = arith.constant 0 : i32
    %dma_start3A_734 = tpu.memref_slice %arg6[%dma_start3A_729, %dma_start3A_731, %dma_start3A_732, %dma_start3A_733] : memref<3x2x128x128xf32, #tpu.memory_space<vmem>> -> memref<1x2x128x128xf32, #tpu.memory_space<vmem>>
    %dma_start3A_735 = tpu.memref_squeeze %dma_start3A_734 : memref<1x2x128x128xf32, #tpu.memory_space<vmem>> -> memref<2x128x128xf32, #tpu.memory_space<vmem>>
    %dma_start3A_736 = arith.constant 14 : i32
    %dma_start3A_737 = arith.constant 0 : i32
    %dma_start3A_738 = tpu.memref_slice %arg4[%dma_start3A_736, %mul3A_2, %dma_start3A_737] : memref<50x4096x128xf32, #tpu.memory_space<hbm>> -> memref<2x128x128xf32, #tpu.memory_space<hbm>>
    %dma_start3A_739 = tpu.memref_slice %arg8[%dma_start3A_730] : memref<3x!tpu.dma_semaphore, #tpu.memory_space<semaphore_mem>> -> memref<1x!tpu.dma_semaphore, #tpu.memory_space<semaphore_mem>>
    %dma_start3A_740 = tpu.memref_squeeze %dma_start3A_739 : memref<1x!tpu.dma_semaphore, #tpu.memory_space<semaphore_mem>> -> memref<!tpu.dma_semaphore, #tpu.memory_space<semaphore_mem>>
    %dma_start3A_741 = arith.constant 14 : i32
    %dma_start3A_742 = arith.constant 0 : i32
    %dma_start3A_743 = tpu.memref_slice %arg4[%dma_start3A_741, %mul3A_2, %dma_start3A_742] : memref<50x4096x128xf32, #tpu.memory_space<hbm>> -> memref<2x128x128xf32, #tpu.memory_space<hbm>>
    %dma_start3A_744 = arith.constant 0 : i32
    %dma_start3A_745 = arith.constant 0 : i32
    %dma_start3A_746 = arith.constant 0 : i32
    %dma_start3A_747 = tpu.memref_slice %arg6[%dma_start3A_729, %dma_start3A_744, %dma_start3A_745, %dma_start3A_746] : memref<3x2x128x128xf32, #tpu.memory_space<vmem>> -> memref<1x2x128x128xf32, #tpu.memory_space<vmem>>
    %dma_start3A_748 = tpu.memref_squeeze %dma_start3A_747 : memref<1x2x128x128xf32, #tpu.memory_space<vmem>> -> memref<2x128x128xf32, #tpu.memory_space<vmem>>
    tpu.enqueue_dma source(%dma_start3A_748 : memref<2x128x128xf32, #tpu.memory_space<vmem>>) target(%dma_start3A_743 : memref<2x128x128xf32, #tpu.memory_space<hbm>>) target_semaphore(%dma_start3A_740 : memref<!tpu.dma_semaphore, #tpu.memory_space<semaphore_mem>>)
    %dma_wait3A_749 = arith.constant 1 : i32
    %dma_wait3A_750 = arith.constant 1 : i32
    %dma_wait3A_751 = arith.constant 0 : i32
    %dma_wait3A_752 = arith.constant 0 : i32
    %dma_wait3A_753 = arith.constant 0 : i32
    %dma_wait3A_754 = tpu.memref_slice %arg6[%dma_wait3A_749, %dma_wait3A_751, %dma_wait3A_752, %dma_wait3A_753] : memref<3x2x128x128xf32, #tpu.memory_space<vmem>> -> memref<1x2x128x128xf32, #tpu.memory_space<vmem>>
    %dma_wait3A_755 = tpu.memref_squeeze %dma_wait3A_754 : memref<1x2x128x128xf32, #tpu.memory_space<vmem>> -> memref<2x128x128xf32, #tpu.memory_space<vmem>>
    %dma_wait3A_756 = arith.constant 0 : i32
    %dma_wait3A_757 = arith.constant 0 : i32
    %dma_wait3A_758 = tpu.memref_slice %arg4[%dma_wait3A_756, %mul3A_2, %dma_wait3A_757] : memref<50x4096x128xf32, #tpu.memory_space<hbm>> -> memref<2x128x128xf32, #tpu.memory_space<hbm>>
    %dma_wait3A_759 = tpu.memref_slice %arg8[%dma_wait3A_750] : memref<3x!tpu.dma_semaphore, #tpu.memory_space<semaphore_mem>> -> memref<1x!tpu.dma_semaphore, #tpu.memory_space<semaphore_mem>>
    %dma_wait3A_760 = tpu.memref_squeeze %dma_wait3A_759 : memref<1x!tpu.dma_semaphore, #tpu.memory_space<semaphore_mem>> -> memref<!tpu.dma_semaphore, #tpu.memory_space<semaphore_mem>>
    %dma_wait3A_761 = arith.constant 0 : i32
    %dma_wait3A_762 = arith.constant 0 : i32
    %dma_wait3A_763 = tpu.memref_slice %arg4[%dma_wait3A_761, %mul3A_2, %dma_wait3A_762] : memref<50x4096x128xf32, #tpu.memory_space<hbm>> -> memref<2x128x128xf32, #tpu.memory_space<hbm>>
    %dma_wait3A_764 = arith.constant 0 : i32
    %dma_wait3A_765 = arith.constant 0 : i32
    %dma_wait3A_766 = arith.constant 0 : i32
    %dma_wait3A_767 = tpu.memref_slice %arg6[%dma_wait3A_749, %dma_wait3A_764, %dma_wait3A_765, %dma_wait3A_766] : memref<3x2x128x128xf32, #tpu.memory_space<vmem>> -> memref<1x2x128x128xf32, #tpu.memory_space<vmem>>
    %dma_wait3A_768 = tpu.memref_squeeze %dma_wait3A_767 : memref<1x2x128x128xf32, #tpu.memory_space<vmem>> -> memref<2x128x128xf32, #tpu.memory_space<vmem>>
    tpu.wait_dma2 semaphore(%dma_wait3A_760 : memref<!tpu.dma_semaphore, #tpu.memory_space<semaphore_mem>>) src(%dma_wait3A_768 : memref<2x128x128xf32, #tpu.memory_space<vmem>>) dst(%dma_wait3A_763 : memref<2x128x128xf32, #tpu.memory_space<hbm>>)
    %dma_start3A_769 = arith.constant 20 : i32
    %dma_start3A_770 = arith.constant 1 : i32
    %dma_start3A_771 = arith.constant 0 : i32
    %dma_start3A_772 = arith.constant 1 : i32
    %dma_start3A_773 = arith.constant 0 : i32
    %dma_start3A_774 = arith.constant 0 : i32
    %dma_start3A_775 = tpu.memref_slice %arg6[%dma_start3A_770, %dma_start3A_771, %dma_start3A_773, %dma_start3A_774] : memref<3x2x128x128xf32, #tpu.memory_space<vmem>> -> memref<1x1x128x128xf32, #tpu.memory_space<vmem>>
    %dma_start3A_776 = tpu.memref_squeeze %dma_start3A_775 : memref<1x1x128x128xf32, #tpu.memory_space<vmem>> -> memref<128x128xf32, #tpu.memory_space<vmem>>
    %dma_start3A_777 = arith.constant 0 : i32
    %dma_start3A_778 = tpu.memref_slice %arg5[%dma_start3A_769, %dma_start3A_777] : memref<50x128xi32, #tpu.memory_space<vmem>> -> memref<1x128xi32, #tpu.memory_space<vmem>>
    %dma_start3A_779 = tpu.memref_squeeze %dma_start3A_778 : memref<1x128xi32, #tpu.memory_space<vmem>> -> memref<128xi32, #tpu.memory_space<vmem>>
    %dma_start3A_780 = arith.constant 0 : i32
    %dma_start3A_781 = arith.constant 0 : i32
    %dma_start3A_782 = tpu.memref_slice %arg2[%dma_start3A_780, %dma_start3A_781] : memref<100000x128xf32, #tpu.memory_space<hbm>> -> memref<100000x128xf32, #tpu.memory_space<hbm>>
    %dma_start3A_783 = tpu.memref_slice %arg7[%dma_start3A_772] : memref<3x!tpu.dma_semaphore, #tpu.memory_space<semaphore_mem>> -> memref<1x!tpu.dma_semaphore, #tpu.memory_space<semaphore_mem>>
    %dma_start3A_784 = tpu.memref_squeeze %dma_start3A_783 : memref<1x!tpu.dma_semaphore, #tpu.memory_space<semaphore_mem>> -> memref<!tpu.dma_semaphore, #tpu.memory_space<semaphore_mem>>
    tpu.enqueue_indirect_dma source(%dma_start3A_782 : memref<100000x128xf32, #tpu.memory_space<hbm>>) target(%dma_start3A_776 : memref<128x128xf32, #tpu.memory_space<vmem>>) offsets(%dma_start3A_779 : memref<128xi32, #tpu.memory_space<vmem>>) semaphore(%dma_start3A_784 : memref<!tpu.dma_semaphore, #tpu.memory_space<semaphore_mem>>)
    %dma_start3A_785 = arith.constant 21 : i32
    %dma_start3A_786 = arith.constant 1 : i32
    %dma_start3A_787 = arith.constant 1 : i32
    %dma_start3A_788 = arith.constant 1 : i32
    %dma_start3A_789 = arith.constant 0 : i32
    %dma_start3A_790 = arith.constant 0 : i32
    %dma_start3A_791 = tpu.memref_slice %arg6[%dma_start3A_786, %dma_start3A_787, %dma_start3A_789, %dma_start3A_790] : memref<3x2x128x128xf32, #tpu.memory_space<vmem>> -> memref<1x1x128x128xf32, #tpu.memory_space<vmem>>
    %dma_start3A_792 = tpu.memref_squeeze %dma_start3A_791 : memref<1x1x128x128xf32, #tpu.memory_space<vmem>> -> memref<128x128xf32, #tpu.memory_space<vmem>>
    %dma_start3A_793 = arith.constant 0 : i32
    %dma_start3A_794 = tpu.memref_slice %arg5[%dma_start3A_785, %dma_start3A_793] : memref<50x128xi32, #tpu.memory_space<vmem>> -> memref<1x128xi32, #tpu.memory_space<vmem>>
    %dma_start3A_795 = tpu.memref_squeeze %dma_start3A_794 : memref<1x128xi32, #tpu.memory_space<vmem>> -> memref<128xi32, #tpu.memory_space<vmem>>
    %dma_start3A_796 = arith.constant 0 : i32
    %dma_start3A_797 = arith.constant 0 : i32
    %dma_start3A_798 = tpu.memref_slice %arg2[%dma_start3A_796, %dma_start3A_797] : memref<100000x128xf32, #tpu.memory_space<hbm>> -> memref<100000x128xf32, #tpu.memory_space<hbm>>
    %dma_start3A_799 = tpu.memref_slice %arg7[%dma_start3A_788] : memref<3x!tpu.dma_semaphore, #tpu.memory_space<semaphore_mem>> -> memref<1x!tpu.dma_semaphore, #tpu.memory_space<semaphore_mem>>
    %dma_start3A_800 = tpu.memref_squeeze %dma_start3A_799 : memref<1x!tpu.dma_semaphore, #tpu.memory_space<semaphore_mem>> -> memref<!tpu.dma_semaphore, #tpu.memory_space<semaphore_mem>>
    tpu.enqueue_indirect_dma source(%dma_start3A_798 : memref<100000x128xf32, #tpu.memory_space<hbm>>) target(%dma_start3A_792 : memref<128x128xf32, #tpu.memory_space<vmem>>) offsets(%dma_start3A_795 : memref<128xi32, #tpu.memory_space<vmem>>) semaphore(%dma_start3A_800 : memref<!tpu.dma_semaphore, #tpu.memory_space<semaphore_mem>>)
    %dma_wait3A_801 = arith.constant 0 : i32
    %dma_wait3A_802 = arith.constant 2 : i32
    %dma_wait3A_803 = arith.constant 2 : i32
    %dma_wait3A_804 = arith.constant 0 : i32
    %dma_wait3A_805 = arith.constant 0 : i32
    %dma_wait3A_806 = arith.constant 0 : i32
    %dma_wait3A_807 = tpu.memref_slice %arg6[%dma_wait3A_802, %dma_wait3A_804, %dma_wait3A_805, %dma_wait3A_806] : memref<3x2x128x128xf32, #tpu.memory_space<vmem>> -> memref<1x2x128x128xf32, #tpu.memory_space<vmem>>
    %dma_wait3A_808 = tpu.memref_squeeze %dma_wait3A_807 : memref<1x2x128x128xf32, #tpu.memory_space<vmem>> -> memref<2x128x128xf32, #tpu.memory_space<vmem>>
    %dma_wait3A_809 = arith.constant 0 : i32
    %dma_wait3A_810 = tpu.memref_slice %arg5[%dma_wait3A_801, %dma_wait3A_809] : memref<50x128xi32, #tpu.memory_space<vmem>> -> memref<1x128xi32, #tpu.memory_space<vmem>>
    %dma_wait3A_811 = tpu.memref_squeeze %dma_wait3A_810 : memref<1x128xi32, #tpu.memory_space<vmem>> -> memref<128xi32, #tpu.memory_space<vmem>>
    %dma_wait3A_812 = arith.constant 0 : i32
    %dma_wait3A_813 = arith.constant 0 : i32
    %dma_wait3A_814 = tpu.memref_slice %arg2[%dma_wait3A_812, %dma_wait3A_813] : memref<100000x128xf32, #tpu.memory_space<hbm>> -> memref<100000x128xf32, #tpu.memory_space<hbm>>
    %dma_wait3A_815 = tpu.memref_slice %arg7[%dma_wait3A_803] : memref<3x!tpu.dma_semaphore, #tpu.memory_space<semaphore_mem>> -> memref<1x!tpu.dma_semaphore, #tpu.memory_space<semaphore_mem>>
    %dma_wait3A_816 = tpu.memref_squeeze %dma_wait3A_815 : memref<1x!tpu.dma_semaphore, #tpu.memory_space<semaphore_mem>> -> memref<!tpu.dma_semaphore, #tpu.memory_space<semaphore_mem>>
    tpu.wait_indirect_dma semaphore(%dma_wait3A_816 : memref<!tpu.dma_semaphore, #tpu.memory_space<semaphore_mem>>) src(%dma_wait3A_814 : memref<100000x128xf32, #tpu.memory_space<hbm>>) dst(%dma_wait3A_808 : memref<2x128x128xf32, #tpu.memory_space<vmem>>)
    %dma_start3A_817 = arith.constant 2 : i32
    %dma_start3A_818 = arith.constant 2 : i32
    %dma_start3A_819 = arith.constant 0 : i32
    %dma_start3A_820 = arith.constant 0 : i32
    %dma_start3A_821 = arith.constant 0 : i32
    %dma_start3A_822 = tpu.memref_slice %arg6[%dma_start3A_817, %dma_start3A_819, %dma_start3A_820, %dma_start3A_821] : memref<3x2x128x128xf32, #tpu.memory_space<vmem>> -> memref<1x2x128x128xf32, #tpu.memory_space<vmem>>
    %dma_start3A_823 = tpu.memref_squeeze %dma_start3A_822 : memref<1x2x128x128xf32, #tpu.memory_space<vmem>> -> memref<2x128x128xf32, #tpu.memory_space<vmem>>
    %dma_start3A_824 = arith.constant 16 : i32
    %dma_start3A_825 = arith.constant 0 : i32
    %dma_start3A_826 = tpu.memref_slice %arg4[%dma_start3A_824, %mul3A_2, %dma_start3A_825] : memref<50x4096x128xf32, #tpu.memory_space<hbm>> -> memref<2x128x128xf32, #tpu.memory_space<hbm>>
    %dma_start3A_827 = tpu.memref_slice %arg8[%dma_start3A_818] : memref<3x!tpu.dma_semaphore, #tpu.memory_space<semaphore_mem>> -> memref<1x!tpu.dma_semaphore, #tpu.memory_space<semaphore_mem>>
    %dma_start3A_828 = tpu.memref_squeeze %dma_start3A_827 : memref<1x!tpu.dma_semaphore, #tpu.memory_space<semaphore_mem>> -> memref<!tpu.dma_semaphore, #tpu.memory_space<semaphore_mem>>
    %dma_start3A_829 = arith.constant 16 : i32
    %dma_start3A_830 = arith.constant 0 : i32
    %dma_start3A_831 = tpu.memref_slice %arg4[%dma_start3A_829, %mul3A_2, %dma_start3A_830] : memref<50x4096x128xf32, #tpu.memory_space<hbm>> -> memref<2x128x128xf32, #tpu.memory_space<hbm>>
    %dma_start3A_832 = arith.constant 0 : i32
    %dma_start3A_833 = arith.constant 0 : i32
    %dma_start3A_834 = arith.constant 0 : i32
    %dma_start3A_835 = tpu.memref_slice %arg6[%dma_start3A_817, %dma_start3A_832, %dma_start3A_833, %dma_start3A_834] : memref<3x2x128x128xf32, #tpu.memory_space<vmem>> -> memref<1x2x128x128xf32, #tpu.memory_space<vmem>>
    %dma_start3A_836 = tpu.memref_squeeze %dma_start3A_835 : memref<1x2x128x128xf32, #tpu.memory_space<vmem>> -> memref<2x128x128xf32, #tpu.memory_space<vmem>>
    tpu.enqueue_dma source(%dma_start3A_836 : memref<2x128x128xf32, #tpu.memory_space<vmem>>) target(%dma_start3A_831 : memref<2x128x128xf32, #tpu.memory_space<hbm>>) target_semaphore(%dma_start3A_828 : memref<!tpu.dma_semaphore, #tpu.memory_space<semaphore_mem>>)
    %dma_wait3A_837 = arith.constant 2 : i32
    %dma_wait3A_838 = arith.constant 2 : i32
    %dma_wait3A_839 = arith.constant 0 : i32
    %dma_wait3A_840 = arith.constant 0 : i32
    %dma_wait3A_841 = arith.constant 0 : i32
    %dma_wait3A_842 = tpu.memref_slice %arg6[%dma_wait3A_837, %dma_wait3A_839, %dma_wait3A_840, %dma_wait3A_841] : memref<3x2x128x128xf32, #tpu.memory_space<vmem>> -> memref<1x2x128x128xf32, #tpu.memory_space<vmem>>
    %dma_wait3A_843 = tpu.memref_squeeze %dma_wait3A_842 : memref<1x2x128x128xf32, #tpu.memory_space<vmem>> -> memref<2x128x128xf32, #tpu.memory_space<vmem>>
    %dma_wait3A_844 = arith.constant 0 : i32
    %dma_wait3A_845 = arith.constant 0 : i32
    %dma_wait3A_846 = tpu.memref_slice %arg4[%dma_wait3A_844, %mul3A_2, %dma_wait3A_845] : memref<50x4096x128xf32, #tpu.memory_space<hbm>> -> memref<2x128x128xf32, #tpu.memory_space<hbm>>
    %dma_wait3A_847 = tpu.memref_slice %arg8[%dma_wait3A_838] : memref<3x!tpu.dma_semaphore, #tpu.memory_space<semaphore_mem>> -> memref<1x!tpu.dma_semaphore, #tpu.memory_space<semaphore_mem>>
    %dma_wait3A_848 = tpu.memref_squeeze %dma_wait3A_847 : memref<1x!tpu.dma_semaphore, #tpu.memory_space<semaphore_mem>> -> memref<!tpu.dma_semaphore, #tpu.memory_space<semaphore_mem>>
    %dma_wait3A_849 = arith.constant 0 : i32
    %dma_wait3A_850 = arith.constant 0 : i32
    %dma_wait3A_851 = tpu.memref_slice %arg4[%dma_wait3A_849, %mul3A_2, %dma_wait3A_850] : memref<50x4096x128xf32, #tpu.memory_space<hbm>> -> memref<2x128x128xf32, #tpu.memory_space<hbm>>
    %dma_wait3A_852 = arith.constant 0 : i32
    %dma_wait3A_853 = arith.constant 0 : i32
    %dma_wait3A_854 = arith.constant 0 : i32
    %dma_wait3A_855 = tpu.memref_slice %arg6[%dma_wait3A_837, %dma_wait3A_852, %dma_wait3A_853, %dma_wait3A_854] : memref<3x2x128x128xf32, #tpu.memory_space<vmem>> -> memref<1x2x128x128xf32, #tpu.memory_space<vmem>>
    %dma_wait3A_856 = tpu.memref_squeeze %dma_wait3A_855 : memref<1x2x128x128xf32, #tpu.memory_space<vmem>> -> memref<2x128x128xf32, #tpu.memory_space<vmem>>
    tpu.wait_dma2 semaphore(%dma_wait3A_848 : memref<!tpu.dma_semaphore, #tpu.memory_space<semaphore_mem>>) src(%dma_wait3A_856 : memref<2x128x128xf32, #tpu.memory_space<vmem>>) dst(%dma_wait3A_851 : memref<2x128x128xf32, #tpu.memory_space<hbm>>)
    %dma_start3A_857 = arith.constant 22 : i32
    %dma_start3A_858 = arith.constant 2 : i32
    %dma_start3A_859 = arith.constant 0 : i32
    %dma_start3A_860 = arith.constant 2 : i32
    %dma_start3A_861 = arith.constant 0 : i32
    %dma_start3A_862 = arith.constant 0 : i32
    %dma_start3A_863 = tpu.memref_slice %arg6[%dma_start3A_858, %dma_start3A_859, %dma_start3A_861, %dma_start3A_862] : memref<3x2x128x128xf32, #tpu.memory_space<vmem>> -> memref<1x1x128x128xf32, #tpu.memory_space<vmem>>
    %dma_start3A_864 = tpu.memref_squeeze %dma_start3A_863 : memref<1x1x128x128xf32, #tpu.memory_space<vmem>> -> memref<128x128xf32, #tpu.memory_space<vmem>>
    %dma_start3A_865 = arith.constant 0 : i32
    %dma_start3A_866 = tpu.memref_slice %arg5[%dma_start3A_857, %dma_start3A_865] : memref<50x128xi32, #tpu.memory_space<vmem>> -> memref<1x128xi32, #tpu.memory_space<vmem>>
    %dma_start3A_867 = tpu.memref_squeeze %dma_start3A_866 : memref<1x128xi32, #tpu.memory_space<vmem>> -> memref<128xi32, #tpu.memory_space<vmem>>
    %dma_start3A_868 = arith.constant 0 : i32
    %dma_start3A_869 = arith.constant 0 : i32
    %dma_start3A_870 = tpu.memref_slice %arg2[%dma_start3A_868, %dma_start3A_869] : memref<100000x128xf32, #tpu.memory_space<hbm>> -> memref<100000x128xf32, #tpu.memory_space<hbm>>
    %dma_start3A_871 = tpu.memref_slice %arg7[%dma_start3A_860] : memref<3x!tpu.dma_semaphore, #tpu.memory_space<semaphore_mem>> -> memref<1x!tpu.dma_semaphore, #tpu.memory_space<semaphore_mem>>
    %dma_start3A_872 = tpu.memref_squeeze %dma_start3A_871 : memref<1x!tpu.dma_semaphore, #tpu.memory_space<semaphore_mem>> -> memref<!tpu.dma_semaphore, #tpu.memory_space<semaphore_mem>>
    tpu.enqueue_indirect_dma source(%dma_start3A_870 : memref<100000x128xf32, #tpu.memory_space<hbm>>) target(%dma_start3A_864 : memref<128x128xf32, #tpu.memory_space<vmem>>) offsets(%dma_start3A_867 : memref<128xi32, #tpu.memory_space<vmem>>) semaphore(%dma_start3A_872 : memref<!tpu.dma_semaphore, #tpu.memory_space<semaphore_mem>>)
    %dma_start3A_873 = arith.constant 23 : i32
    %dma_start3A_874 = arith.constant 2 : i32
    %dma_start3A_875 = arith.constant 1 : i32
    %dma_start3A_876 = arith.constant 2 : i32
    %dma_start3A_877 = arith.constant 0 : i32
    %dma_start3A_878 = arith.constant 0 : i32
    %dma_start3A_879 = tpu.memref_slice %arg6[%dma_start3A_874, %dma_start3A_875, %dma_start3A_877, %dma_start3A_878] : memref<3x2x128x128xf32, #tpu.memory_space<vmem>> -> memref<1x1x128x128xf32, #tpu.memory_space<vmem>>
    %dma_start3A_880 = tpu.memref_squeeze %dma_start3A_879 : memref<1x1x128x128xf32, #tpu.memory_space<vmem>> -> memref<128x128xf32, #tpu.memory_space<vmem>>
    %dma_start3A_881 = arith.constant 0 : i32
    %dma_start3A_882 = tpu.memref_slice %arg5[%dma_start3A_873, %dma_start3A_881] : memref<50x128xi32, #tpu.memory_space<vmem>> -> memref<1x128xi32, #tpu.memory_space<vmem>>
    %dma_start3A_883 = tpu.memref_squeeze %dma_start3A_882 : memref<1x128xi32, #tpu.memory_space<vmem>> -> memref<128xi32, #tpu.memory_space<vmem>>
    %dma_start3A_884 = arith.constant 0 : i32
    %dma_start3A_885 = arith.constant 0 : i32
    %dma_start3A_886 = tpu.memref_slice %arg2[%dma_start3A_884, %dma_start3A_885] : memref<100000x128xf32, #tpu.memory_space<hbm>> -> memref<100000x128xf32, #tpu.memory_space<hbm>>
    %dma_start3A_887 = tpu.memref_slice %arg7[%dma_start3A_876] : memref<3x!tpu.dma_semaphore, #tpu.memory_space<semaphore_mem>> -> memref<1x!tpu.dma_semaphore, #tpu.memory_space<semaphore_mem>>
    %dma_start3A_888 = tpu.memref_squeeze %dma_start3A_887 : memref<1x!tpu.dma_semaphore, #tpu.memory_space<semaphore_mem>> -> memref<!tpu.dma_semaphore, #tpu.memory_space<semaphore_mem>>
    tpu.enqueue_indirect_dma source(%dma_start3A_886 : memref<100000x128xf32, #tpu.memory_space<hbm>>) target(%dma_start3A_880 : memref<128x128xf32, #tpu.memory_space<vmem>>) offsets(%dma_start3A_883 : memref<128xi32, #tpu.memory_space<vmem>>) semaphore(%dma_start3A_888 : memref<!tpu.dma_semaphore, #tpu.memory_space<semaphore_mem>>)
    %dma_wait3A_889 = arith.constant 0 : i32
    %dma_wait3A_890 = arith.constant 0 : i32
    %dma_wait3A_891 = arith.constant 0 : i32
    %dma_wait3A_892 = arith.constant 0 : i32
    %dma_wait3A_893 = arith.constant 0 : i32
    %dma_wait3A_894 = arith.constant 0 : i32
    %dma_wait3A_895 = tpu.memref_slice %arg6[%dma_wait3A_890, %dma_wait3A_892, %dma_wait3A_893, %dma_wait3A_894] : memref<3x2x128x128xf32, #tpu.memory_space<vmem>> -> memref<1x2x128x128xf32, #tpu.memory_space<vmem>>
    %dma_wait3A_896 = tpu.memref_squeeze %dma_wait3A_895 : memref<1x2x128x128xf32, #tpu.memory_space<vmem>> -> memref<2x128x128xf32, #tpu.memory_space<vmem>>
    %dma_wait3A_897 = arith.constant 0 : i32
    %dma_wait3A_898 = tpu.memref_slice %arg5[%dma_wait3A_889, %dma_wait3A_897] : memref<50x128xi32, #tpu.memory_space<vmem>> -> memref<1x128xi32, #tpu.memory_space<vmem>>
    %dma_wait3A_899 = tpu.memref_squeeze %dma_wait3A_898 : memref<1x128xi32, #tpu.memory_space<vmem>> -> memref<128xi32, #tpu.memory_space<vmem>>
    %dma_wait3A_900 = arith.constant 0 : i32
    %dma_wait3A_901 = arith.constant 0 : i32
    %dma_wait3A_902 = tpu.memref_slice %arg2[%dma_wait3A_900, %dma_wait3A_901] : memref<100000x128xf32, #tpu.memory_space<hbm>> -> memref<100000x128xf32, #tpu.memory_space<hbm>>
    %dma_wait3A_903 = tpu.memref_slice %arg7[%dma_wait3A_891] : memref<3x!tpu.dma_semaphore, #tpu.memory_space<semaphore_mem>> -> memref<1x!tpu.dma_semaphore, #tpu.memory_space<semaphore_mem>>
    %dma_wait3A_904 = tpu.memref_squeeze %dma_wait3A_903 : memref<1x!tpu.dma_semaphore, #tpu.memory_space<semaphore_mem>> -> memref<!tpu.dma_semaphore, #tpu.memory_space<semaphore_mem>>
    tpu.wait_indirect_dma semaphore(%dma_wait3A_904 : memref<!tpu.dma_semaphore, #tpu.memory_space<semaphore_mem>>) src(%dma_wait3A_902 : memref<100000x128xf32, #tpu.memory_space<hbm>>) dst(%dma_wait3A_896 : memref<2x128x128xf32, #tpu.memory_space<vmem>>)
    %dma_start3A_905 = arith.constant 0 : i32
    %dma_start3A_906 = arith.constant 0 : i32
    %dma_start3A_907 = arith.constant 0 : i32
    %dma_start3A_908 = arith.constant 0 : i32
    %dma_start3A_909 = arith.constant 0 : i32
    %dma_start3A_910 = tpu.memref_slice %arg6[%dma_start3A_905, %dma_start3A_907, %dma_start3A_908, %dma_start3A_909] : memref<3x2x128x128xf32, #tpu.memory_space<vmem>> -> memref<1x2x128x128xf32, #tpu.memory_space<vmem>>
    %dma_start3A_911 = tpu.memref_squeeze %dma_start3A_910 : memref<1x2x128x128xf32, #tpu.memory_space<vmem>> -> memref<2x128x128xf32, #tpu.memory_space<vmem>>
    %dma_start3A_912 = arith.constant 18 : i32
    %dma_start3A_913 = arith.constant 0 : i32
    %dma_start3A_914 = tpu.memref_slice %arg4[%dma_start3A_912, %mul3A_2, %dma_start3A_913] : memref<50x4096x128xf32, #tpu.memory_space<hbm>> -> memref<2x128x128xf32, #tpu.memory_space<hbm>>
    %dma_start3A_915 = tpu.memref_slice %arg8[%dma_start3A_906] : memref<3x!tpu.dma_semaphore, #tpu.memory_space<semaphore_mem>> -> memref<1x!tpu.dma_semaphore, #tpu.memory_space<semaphore_mem>>
    %dma_start3A_916 = tpu.memref_squeeze %dma_start3A_915 : memref<1x!tpu.dma_semaphore, #tpu.memory_space<semaphore_mem>> -> memref<!tpu.dma_semaphore, #tpu.memory_space<semaphore_mem>>
    %dma_start3A_917 = arith.constant 18 : i32
    %dma_start3A_918 = arith.constant 0 : i32
    %dma_start3A_919 = tpu.memref_slice %arg4[%dma_start3A_917, %mul3A_2, %dma_start3A_918] : memref<50x4096x128xf32, #tpu.memory_space<hbm>> -> memref<2x128x128xf32, #tpu.memory_space<hbm>>
    %dma_start3A_920 = arith.constant 0 : i32
    %dma_start3A_921 = arith.constant 0 : i32
    %dma_start3A_922 = arith.constant 0 : i32
    %dma_start3A_923 = tpu.memref_slice %arg6[%dma_start3A_905, %dma_start3A_920, %dma_start3A_921, %dma_start3A_922] : memref<3x2x128x128xf32, #tpu.memory_space<vmem>> -> memref<1x2x128x128xf32, #tpu.memory_space<vmem>>
    %dma_start3A_924 = tpu.memref_squeeze %dma_start3A_923 : memref<1x2x128x128xf32, #tpu.memory_space<vmem>> -> memref<2x128x128xf32, #tpu.memory_space<vmem>>
    tpu.enqueue_dma source(%dma_start3A_924 : memref<2x128x128xf32, #tpu.memory_space<vmem>>) target(%dma_start3A_919 : memref<2x128x128xf32, #tpu.memory_space<hbm>>) target_semaphore(%dma_start3A_916 : memref<!tpu.dma_semaphore, #tpu.memory_space<semaphore_mem>>)
    %dma_wait3A_925 = arith.constant 0 : i32
    %dma_wait3A_926 = arith.constant 0 : i32
    %dma_wait3A_927 = arith.constant 0 : i32
    %dma_wait3A_928 = arith.constant 0 : i32
    %dma_wait3A_929 = arith.constant 0 : i32
    %dma_wait3A_930 = tpu.memref_slice %arg6[%dma_wait3A_925, %dma_wait3A_927, %dma_wait3A_928, %dma_wait3A_929] : memref<3x2x128x128xf32, #tpu.memory_space<vmem>> -> memref<1x2x128x128xf32, #tpu.memory_space<vmem>>
    %dma_wait3A_931 = tpu.memref_squeeze %dma_wait3A_930 : memref<1x2x128x128xf32, #tpu.memory_space<vmem>> -> memref<2x128x128xf32, #tpu.memory_space<vmem>>
    %dma_wait3A_932 = arith.constant 0 : i32
    %dma_wait3A_933 = arith.constant 0 : i32
    %dma_wait3A_934 = tpu.memref_slice %arg4[%dma_wait3A_932, %mul3A_2, %dma_wait3A_933] : memref<50x4096x128xf32, #tpu.memory_space<hbm>> -> memref<2x128x128xf32, #tpu.memory_space<hbm>>
    %dma_wait3A_935 = tpu.memref_slice %arg8[%dma_wait3A_926] : memref<3x!tpu.dma_semaphore, #tpu.memory_space<semaphore_mem>> -> memref<1x!tpu.dma_semaphore, #tpu.memory_space<semaphore_mem>>
    %dma_wait3A_936 = tpu.memref_squeeze %dma_wait3A_935 : memref<1x!tpu.dma_semaphore, #tpu.memory_space<semaphore_mem>> -> memref<!tpu.dma_semaphore, #tpu.memory_space<semaphore_mem>>
    %dma_wait3A_937 = arith.constant 0 : i32
    %dma_wait3A_938 = arith.constant 0 : i32
    %dma_wait3A_939 = tpu.memref_slice %arg4[%dma_wait3A_937, %mul3A_2, %dma_wait3A_938] : memref<50x4096x128xf32, #tpu.memory_space<hbm>> -> memref<2x128x128xf32, #tpu.memory_space<hbm>>
    %dma_wait3A_940 = arith.constant 0 : i32
    %dma_wait3A_941 = arith.constant 0 : i32
    %dma_wait3A_942 = arith.constant 0 : i32
    %dma_wait3A_943 = tpu.memref_slice %arg6[%dma_wait3A_925, %dma_wait3A_940, %dma_wait3A_941, %dma_wait3A_942] : memref<3x2x128x128xf32, #tpu.memory_space<vmem>> -> memref<1x2x128x128xf32, #tpu.memory_space<vmem>>
    %dma_wait3A_944 = tpu.memref_squeeze %dma_wait3A_943 : memref<1x2x128x128xf32, #tpu.memory_space<vmem>> -> memref<2x128x128xf32, #tpu.memory_space<vmem>>
    tpu.wait_dma2 semaphore(%dma_wait3A_936 : memref<!tpu.dma_semaphore, #tpu.memory_space<semaphore_mem>>) src(%dma_wait3A_944 : memref<2x128x128xf32, #tpu.memory_space<vmem>>) dst(%dma_wait3A_939 : memref<2x128x128xf32, #tpu.memory_space<hbm>>)
    %dma_start3A_945 = arith.constant 24 : i32
    %dma_start3A_946 = arith.constant 0 : i32
    %dma_start3A_947 = arith.constant 0 : i32
    %dma_start3A_948 = arith.constant 0 : i32
    %dma_start3A_949 = arith.constant 0 : i32
    %dma_start3A_950 = arith.constant 0 : i32
    %dma_start3A_951 = tpu.memref_slice %arg6[%dma_start3A_946, %dma_start3A_947, %dma_start3A_949, %dma_start3A_950] : memref<3x2x128x128xf32, #tpu.memory_space<vmem>> -> memref<1x1x128x128xf32, #tpu.memory_space<vmem>>
    %dma_start3A_952 = tpu.memref_squeeze %dma_start3A_951 : memref<1x1x128x128xf32, #tpu.memory_space<vmem>> -> memref<128x128xf32, #tpu.memory_space<vmem>>
    %dma_start3A_953 = arith.constant 0 : i32
    %dma_start3A_954 = tpu.memref_slice %arg5[%dma_start3A_945, %dma_start3A_953] : memref<50x128xi32, #tpu.memory_space<vmem>> -> memref<1x128xi32, #tpu.memory_space<vmem>>
    %dma_start3A_955 = tpu.memref_squeeze %dma_start3A_954 : memref<1x128xi32, #tpu.memory_space<vmem>> -> memref<128xi32, #tpu.memory_space<vmem>>
    %dma_start3A_956 = arith.constant 0 : i32
    %dma_start3A_957 = arith.constant 0 : i32
    %dma_start3A_958 = tpu.memref_slice %arg2[%dma_start3A_956, %dma_start3A_957] : memref<100000x128xf32, #tpu.memory_space<hbm>> -> memref<100000x128xf32, #tpu.memory_space<hbm>>
    %dma_start3A_959 = tpu.memref_slice %arg7[%dma_start3A_948] : memref<3x!tpu.dma_semaphore, #tpu.memory_space<semaphore_mem>> -> memref<1x!tpu.dma_semaphore, #tpu.memory_space<semaphore_mem>>
    %dma_start3A_960 = tpu.memref_squeeze %dma_start3A_959 : memref<1x!tpu.dma_semaphore, #tpu.memory_space<semaphore_mem>> -> memref<!tpu.dma_semaphore, #tpu.memory_space<semaphore_mem>>
    tpu.enqueue_indirect_dma source(%dma_start3A_958 : memref<100000x128xf32, #tpu.memory_space<hbm>>) target(%dma_start3A_952 : memref<128x128xf32, #tpu.memory_space<vmem>>) offsets(%dma_start3A_955 : memref<128xi32, #tpu.memory_space<vmem>>) semaphore(%dma_start3A_960 : memref<!tpu.dma_semaphore, #tpu.memory_space<semaphore_mem>>)
    %dma_start3A_961 = arith.constant 25 : i32
    %dma_start3A_962 = arith.constant 0 : i32
    %dma_start3A_963 = arith.constant 1 : i32
    %dma_start3A_964 = arith.constant 0 : i32
    %dma_start3A_965 = arith.constant 0 : i32
    %dma_start3A_966 = arith.constant 0 : i32
    %dma_start3A_967 = tpu.memref_slice %arg6[%dma_start3A_962, %dma_start3A_963, %dma_start3A_965, %dma_start3A_966] : memref<3x2x128x128xf32, #tpu.memory_space<vmem>> -> memref<1x1x128x128xf32, #tpu.memory_space<vmem>>
    %dma_start3A_968 = tpu.memref_squeeze %dma_start3A_967 : memref<1x1x128x128xf32, #tpu.memory_space<vmem>> -> memref<128x128xf32, #tpu.memory_space<vmem>>
    %dma_start3A_969 = arith.constant 0 : i32
    %dma_start3A_970 = tpu.memref_slice %arg5[%dma_start3A_961, %dma_start3A_969] : memref<50x128xi32, #tpu.memory_space<vmem>> -> memref<1x128xi32, #tpu.memory_space<vmem>>
    %dma_start3A_971 = tpu.memref_squeeze %dma_start3A_970 : memref<1x128xi32, #tpu.memory_space<vmem>> -> memref<128xi32, #tpu.memory_space<vmem>>
    %dma_start3A_972 = arith.constant 0 : i32
    %dma_start3A_973 = arith.constant 0 : i32
    %dma_start3A_974 = tpu.memref_slice %arg2[%dma_start3A_972, %dma_start3A_973] : memref<100000x128xf32, #tpu.memory_space<hbm>> -> memref<100000x128xf32, #tpu.memory_space<hbm>>
    %dma_start3A_975 = tpu.memref_slice %arg7[%dma_start3A_964] : memref<3x!tpu.dma_semaphore, #tpu.memory_space<semaphore_mem>> -> memref<1x!tpu.dma_semaphore, #tpu.memory_space<semaphore_mem>>
    %dma_start3A_976 = tpu.memref_squeeze %dma_start3A_975 : memref<1x!tpu.dma_semaphore, #tpu.memory_space<semaphore_mem>> -> memref<!tpu.dma_semaphore, #tpu.memory_space<semaphore_mem>>
    tpu.enqueue_indirect_dma source(%dma_start3A_974 : memref<100000x128xf32, #tpu.memory_space<hbm>>) target(%dma_start3A_968 : memref<128x128xf32, #tpu.memory_space<vmem>>) offsets(%dma_start3A_971 : memref<128xi32, #tpu.memory_space<vmem>>) semaphore(%dma_start3A_976 : memref<!tpu.dma_semaphore, #tpu.memory_space<semaphore_mem>>)
    %dma_wait3A_977 = arith.constant 0 : i32
    %dma_wait3A_978 = arith.constant 1 : i32
    %dma_wait3A_979 = arith.constant 1 : i32
    %dma_wait3A_980 = arith.constant 0 : i32
    %dma_wait3A_981 = arith.constant 0 : i32
    %dma_wait3A_982 = arith.constant 0 : i32
    %dma_wait3A_983 = tpu.memref_slice %arg6[%dma_wait3A_978, %dma_wait3A_980, %dma_wait3A_981, %dma_wait3A_982] : memref<3x2x128x128xf32, #tpu.memory_space<vmem>> -> memref<1x2x128x128xf32, #tpu.memory_space<vmem>>
    %dma_wait3A_984 = tpu.memref_squeeze %dma_wait3A_983 : memref<1x2x128x128xf32, #tpu.memory_space<vmem>> -> memref<2x128x128xf32, #tpu.memory_space<vmem>>
    %dma_wait3A_985 = arith.constant 0 : i32
    %dma_wait3A_986 = tpu.memref_slice %arg5[%dma_wait3A_977, %dma_wait3A_985] : memref<50x128xi32, #tpu.memory_space<vmem>> -> memref<1x128xi32, #tpu.memory_space<vmem>>
    %dma_wait3A_987 = tpu.memref_squeeze %dma_wait3A_986 : memref<1x128xi32, #tpu.memory_space<vmem>> -> memref<128xi32, #tpu.memory_space<vmem>>
    %dma_wait3A_988 = arith.constant 0 : i32
    %dma_wait3A_989 = arith.constant 0 : i32
    %dma_wait3A_990 = tpu.memref_slice %arg2[%dma_wait3A_988, %dma_wait3A_989] : memref<100000x128xf32, #tpu.memory_space<hbm>> -> memref<100000x128xf32, #tpu.memory_space<hbm>>
    %dma_wait3A_991 = tpu.memref_slice %arg7[%dma_wait3A_979] : memref<3x!tpu.dma_semaphore, #tpu.memory_space<semaphore_mem>> -> memref<1x!tpu.dma_semaphore, #tpu.memory_space<semaphore_mem>>
    %dma_wait3A_992 = tpu.memref_squeeze %dma_wait3A_991 : memref<1x!tpu.dma_semaphore, #tpu.memory_space<semaphore_mem>> -> memref<!tpu.dma_semaphore, #tpu.memory_space<semaphore_mem>>
    tpu.wait_indirect_dma semaphore(%dma_wait3A_992 : memref<!tpu.dma_semaphore, #tpu.memory_space<semaphore_mem>>) src(%dma_wait3A_990 : memref<100000x128xf32, #tpu.memory_space<hbm>>) dst(%dma_wait3A_984 : memref<2x128x128xf32, #tpu.memory_space<vmem>>)
    %dma_start3A_993 = arith.constant 1 : i32
    %dma_start3A_994 = arith.constant 1 : i32
    %dma_start3A_995 = arith.constant 0 : i32
    %dma_start3A_996 = arith.constant 0 : i32
    %dma_start3A_997 = arith.constant 0 : i32
    %dma_start3A_998 = tpu.memref_slice %arg6[%dma_start3A_993, %dma_start3A_995, %dma_start3A_996, %dma_start3A_997] : memref<3x2x128x128xf32, #tpu.memory_space<vmem>> -> memref<1x2x128x128xf32, #tpu.memory_space<vmem>>
    %dma_start3A_999 = tpu.memref_squeeze %dma_start3A_998 : memref<1x2x128x128xf32, #tpu.memory_space<vmem>> -> memref<2x128x128xf32, #tpu.memory_space<vmem>>
    %dma_start3A_1000 = arith.constant 20 : i32
    %dma_start3A_1001 = arith.constant 0 : i32
    %dma_start3A_1002 = tpu.memref_slice %arg4[%dma_start3A_1000, %mul3A_2, %dma_start3A_1001] : memref<50x4096x128xf32, #tpu.memory_space<hbm>> -> memref<2x128x128xf32, #tpu.memory_space<hbm>>
    %dma_start3A_1003 = tpu.memref_slice %arg8[%dma_start3A_994] : memref<3x!tpu.dma_semaphore, #tpu.memory_space<semaphore_mem>> -> memref<1x!tpu.dma_semaphore, #tpu.memory_space<semaphore_mem>>
    %dma_start3A_1004 = tpu.memref_squeeze %dma_start3A_1003 : memref<1x!tpu.dma_semaphore, #tpu.memory_space<semaphore_mem>> -> memref<!tpu.dma_semaphore, #tpu.memory_space<semaphore_mem>>
    %dma_start3A_1005 = arith.constant 20 : i32
    %dma_start3A_1006 = arith.constant 0 : i32
    %dma_start3A_1007 = tpu.memref_slice %arg4[%dma_start3A_1005, %mul3A_2, %dma_start3A_1006] : memref<50x4096x128xf32, #tpu.memory_space<hbm>> -> memref<2x128x128xf32, #tpu.memory_space<hbm>>
    %dma_start3A_1008 = arith.constant 0 : i32
    %dma_start3A_1009 = arith.constant 0 : i32
    %dma_start3A_1010 = arith.constant 0 : i32
    %dma_start3A_1011 = tpu.memref_slice %arg6[%dma_start3A_993, %dma_start3A_1008, %dma_start3A_1009, %dma_start3A_1010] : memref<3x2x128x128xf32, #tpu.memory_space<vmem>> -> memref<1x2x128x128xf32, #tpu.memory_space<vmem>>
    %dma_start3A_1012 = tpu.memref_squeeze %dma_start3A_1011 : memref<1x2x128x128xf32, #tpu.memory_space<vmem>> -> memref<2x128x128xf32, #tpu.memory_space<vmem>>
    tpu.enqueue_dma source(%dma_start3A_1012 : memref<2x128x128xf32, #tpu.memory_space<vmem>>) target(%dma_start3A_1007 : memref<2x128x128xf32, #tpu.memory_space<hbm>>) target_semaphore(%dma_start3A_1004 : memref<!tpu.dma_semaphore, #tpu.memory_space<semaphore_mem>>)
    %dma_wait3A_1013 = arith.constant 1 : i32
    %dma_wait3A_1014 = arith.constant 1 : i32
    %dma_wait3A_1015 = arith.constant 0 : i32
    %dma_wait3A_1016 = arith.constant 0 : i32
    %dma_wait3A_1017 = arith.constant 0 : i32
    %dma_wait3A_1018 = tpu.memref_slice %arg6[%dma_wait3A_1013, %dma_wait3A_1015, %dma_wait3A_1016, %dma_wait3A_1017] : memref<3x2x128x128xf32, #tpu.memory_space<vmem>> -> memref<1x2x128x128xf32, #tpu.memory_space<vmem>>
    %dma_wait3A_1019 = tpu.memref_squeeze %dma_wait3A_1018 : memref<1x2x128x128xf32, #tpu.memory_space<vmem>> -> memref<2x128x128xf32, #tpu.memory_space<vmem>>
    %dma_wait3A_1020 = arith.constant 0 : i32
    %dma_wait3A_1021 = arith.constant 0 : i32
    %dma_wait3A_1022 = tpu.memref_slice %arg4[%dma_wait3A_1020, %mul3A_2, %dma_wait3A_1021] : memref<50x4096x128xf32, #tpu.memory_space<hbm>> -> memref<2x128x128xf32, #tpu.memory_space<hbm>>
    %dma_wait3A_1023 = tpu.memref_slice %arg8[%dma_wait3A_1014] : memref<3x!tpu.dma_semaphore, #tpu.memory_space<semaphore_mem>> -> memref<1x!tpu.dma_semaphore, #tpu.memory_space<semaphore_mem>>
    %dma_wait3A_1024 = tpu.memref_squeeze %dma_wait3A_1023 : memref<1x!tpu.dma_semaphore, #tpu.memory_space<semaphore_mem>> -> memref<!tpu.dma_semaphore, #tpu.memory_space<semaphore_mem>>
    %dma_wait3A_1025 = arith.constant 0 : i32
    %dma_wait3A_1026 = arith.constant 0 : i32
    %dma_wait3A_1027 = tpu.memref_slice %arg4[%dma_wait3A_1025, %mul3A_2, %dma_wait3A_1026] : memref<50x4096x128xf32, #tpu.memory_space<hbm>> -> memref<2x128x128xf32, #tpu.memory_space<hbm>>
    %dma_wait3A_1028 = arith.constant 0 : i32
    %dma_wait3A_1029 = arith.constant 0 : i32
    %dma_wait3A_1030 = arith.constant 0 : i32
    %dma_wait3A_1031 = tpu.memref_slice %arg6[%dma_wait3A_1013, %dma_wait3A_1028, %dma_wait3A_1029, %dma_wait3A_1030] : memref<3x2x128x128xf32, #tpu.memory_space<vmem>> -> memref<1x2x128x128xf32, #tpu.memory_space<vmem>>
    %dma_wait3A_1032 = tpu.memref_squeeze %dma_wait3A_1031 : memref<1x2x128x128xf32, #tpu.memory_space<vmem>> -> memref<2x128x128xf32, #tpu.memory_space<vmem>>
    tpu.wait_dma2 semaphore(%dma_wait3A_1024 : memref<!tpu.dma_semaphore, #tpu.memory_space<semaphore_mem>>) src(%dma_wait3A_1032 : memref<2x128x128xf32, #tpu.memory_space<vmem>>) dst(%dma_wait3A_1027 : memref<2x128x128xf32, #tpu.memory_space<hbm>>)
    %dma_start3A_1033 = arith.constant 26 : i32
    %dma_start3A_1034 = arith.constant 1 : i32
    %dma_start3A_1035 = arith.constant 0 : i32
    %dma_start3A_1036 = arith.constant 1 : i32
    %dma_start3A_1037 = arith.constant 0 : i32
    %dma_start3A_1038 = arith.constant 0 : i32
    %dma_start3A_1039 = tpu.memref_slice %arg6[%dma_start3A_1034, %dma_start3A_1035, %dma_start3A_1037, %dma_start3A_1038] : memref<3x2x128x128xf32, #tpu.memory_space<vmem>> -> memref<1x1x128x128xf32, #tpu.memory_space<vmem>>
    %dma_start3A_1040 = tpu.memref_squeeze %dma_start3A_1039 : memref<1x1x128x128xf32, #tpu.memory_space<vmem>> -> memref<128x128xf32, #tpu.memory_space<vmem>>
    %dma_start3A_1041 = arith.constant 0 : i32
    %dma_start3A_1042 = tpu.memref_slice %arg5[%dma_start3A_1033, %dma_start3A_1041] : memref<50x128xi32, #tpu.memory_space<vmem>> -> memref<1x128xi32, #tpu.memory_space<vmem>>
    %dma_start3A_1043 = tpu.memref_squeeze %dma_start3A_1042 : memref<1x128xi32, #tpu.memory_space<vmem>> -> memref<128xi32, #tpu.memory_space<vmem>>
    %dma_start3A_1044 = arith.constant 0 : i32
    %dma_start3A_1045 = arith.constant 0 : i32
    %dma_start3A_1046 = tpu.memref_slice %arg2[%dma_start3A_1044, %dma_start3A_1045] : memref<100000x128xf32, #tpu.memory_space<hbm>> -> memref<100000x128xf32, #tpu.memory_space<hbm>>
    %dma_start3A_1047 = tpu.memref_slice %arg7[%dma_start3A_1036] : memref<3x!tpu.dma_semaphore, #tpu.memory_space<semaphore_mem>> -> memref<1x!tpu.dma_semaphore, #tpu.memory_space<semaphore_mem>>
    %dma_start3A_1048 = tpu.memref_squeeze %dma_start3A_1047 : memref<1x!tpu.dma_semaphore, #tpu.memory_space<semaphore_mem>> -> memref<!tpu.dma_semaphore, #tpu.memory_space<semaphore_mem>>
    tpu.enqueue_indirect_dma source(%dma_start3A_1046 : memref<100000x128xf32, #tpu.memory_space<hbm>>) target(%dma_start3A_1040 : memref<128x128xf32, #tpu.memory_space<vmem>>) offsets(%dma_start3A_1043 : memref<128xi32, #tpu.memory_space<vmem>>) semaphore(%dma_start3A_1048 : memref<!tpu.dma_semaphore, #tpu.memory_space<semaphore_mem>>)
    %dma_start3A_1049 = arith.constant 27 : i32
    %dma_start3A_1050 = arith.constant 1 : i32
    %dma_start3A_1051 = arith.constant 1 : i32
    %dma_start3A_1052 = arith.constant 1 : i32
    %dma_start3A_1053 = arith.constant 0 : i32
    %dma_start3A_1054 = arith.constant 0 : i32
    %dma_start3A_1055 = tpu.memref_slice %arg6[%dma_start3A_1050, %dma_start3A_1051, %dma_start3A_1053, %dma_start3A_1054] : memref<3x2x128x128xf32, #tpu.memory_space<vmem>> -> memref<1x1x128x128xf32, #tpu.memory_space<vmem>>
    %dma_start3A_1056 = tpu.memref_squeeze %dma_start3A_1055 : memref<1x1x128x128xf32, #tpu.memory_space<vmem>> -> memref<128x128xf32, #tpu.memory_space<vmem>>
    %dma_start3A_1057 = arith.constant 0 : i32
    %dma_start3A_1058 = tpu.memref_slice %arg5[%dma_start3A_1049, %dma_start3A_1057] : memref<50x128xi32, #tpu.memory_space<vmem>> -> memref<1x128xi32, #tpu.memory_space<vmem>>
    %dma_start3A_1059 = tpu.memref_squeeze %dma_start3A_1058 : memref<1x128xi32, #tpu.memory_space<vmem>> -> memref<128xi32, #tpu.memory_space<vmem>>
    %dma_start3A_1060 = arith.constant 0 : i32
    %dma_start3A_1061 = arith.constant 0 : i32
    %dma_start3A_1062 = tpu.memref_slice %arg2[%dma_start3A_1060, %dma_start3A_1061] : memref<100000x128xf32, #tpu.memory_space<hbm>> -> memref<100000x128xf32, #tpu.memory_space<hbm>>
    %dma_start3A_1063 = tpu.memref_slice %arg7[%dma_start3A_1052] : memref<3x!tpu.dma_semaphore, #tpu.memory_space<semaphore_mem>> -> memref<1x!tpu.dma_semaphore, #tpu.memory_space<semaphore_mem>>
    %dma_start3A_1064 = tpu.memref_squeeze %dma_start3A_1063 : memref<1x!tpu.dma_semaphore, #tpu.memory_space<semaphore_mem>> -> memref<!tpu.dma_semaphore, #tpu.memory_space<semaphore_mem>>
    tpu.enqueue_indirect_dma source(%dma_start3A_1062 : memref<100000x128xf32, #tpu.memory_space<hbm>>) target(%dma_start3A_1056 : memref<128x128xf32, #tpu.memory_space<vmem>>) offsets(%dma_start3A_1059 : memref<128xi32, #tpu.memory_space<vmem>>) semaphore(%dma_start3A_1064 : memref<!tpu.dma_semaphore, #tpu.memory_space<semaphore_mem>>)
    %dma_wait3A_1065 = arith.constant 0 : i32
    %dma_wait3A_1066 = arith.constant 2 : i32
    %dma_wait3A_1067 = arith.constant 2 : i32
    %dma_wait3A_1068 = arith.constant 0 : i32
    %dma_wait3A_1069 = arith.constant 0 : i32
    %dma_wait3A_1070 = arith.constant 0 : i32
    %dma_wait3A_1071 = tpu.memref_slice %arg6[%dma_wait3A_1066, %dma_wait3A_1068, %dma_wait3A_1069, %dma_wait3A_1070] : memref<3x2x128x128xf32, #tpu.memory_space<vmem>> -> memref<1x2x128x128xf32, #tpu.memory_space<vmem>>
    %dma_wait3A_1072 = tpu.memref_squeeze %dma_wait3A_1071 : memref<1x2x128x128xf32, #tpu.memory_space<vmem>> -> memref<2x128x128xf32, #tpu.memory_space<vmem>>
    %dma_wait3A_1073 = arith.constant 0 : i32
    %dma_wait3A_1074 = tpu.memref_slice %arg5[%dma_wait3A_1065, %dma_wait3A_1073] : memref<50x128xi32, #tpu.memory_space<vmem>> -> memref<1x128xi32, #tpu.memory_space<vmem>>
    %dma_wait3A_1075 = tpu.memref_squeeze %dma_wait3A_1074 : memref<1x128xi32, #tpu.memory_space<vmem>> -> memref<128xi32, #tpu.memory_space<vmem>>
    %dma_wait3A_1076 = arith.constant 0 : i32
    %dma_wait3A_1077 = arith.constant 0 : i32
    %dma_wait3A_1078 = tpu.memref_slice %arg2[%dma_wait3A_1076, %dma_wait3A_1077] : memref<100000x128xf32, #tpu.memory_space<hbm>> -> memref<100000x128xf32, #tpu.memory_space<hbm>>
    %dma_wait3A_1079 = tpu.memref_slice %arg7[%dma_wait3A_1067] : memref<3x!tpu.dma_semaphore, #tpu.memory_space<semaphore_mem>> -> memref<1x!tpu.dma_semaphore, #tpu.memory_space<semaphore_mem>>
    %dma_wait3A_1080 = tpu.memref_squeeze %dma_wait3A_1079 : memref<1x!tpu.dma_semaphore, #tpu.memory_space<semaphore_mem>> -> memref<!tpu.dma_semaphore, #tpu.memory_space<semaphore_mem>>
    tpu.wait_indirect_dma semaphore(%dma_wait3A_1080 : memref<!tpu.dma_semaphore, #tpu.memory_space<semaphore_mem>>) src(%dma_wait3A_1078 : memref<100000x128xf32, #tpu.memory_space<hbm>>) dst(%dma_wait3A_1072 : memref<2x128x128xf32, #tpu.memory_space<vmem>>)
    %dma_start3A_1081 = arith.constant 2 : i32
    %dma_start3A_1082 = arith.constant 2 : i32
    %dma_start3A_1083 = arith.constant 0 : i32
    %dma_start3A_1084 = arith.constant 0 : i32
    %dma_start3A_1085 = arith.constant 0 : i32
    %dma_start3A_1086 = tpu.memref_slice %arg6[%dma_start3A_1081, %dma_start3A_1083, %dma_start3A_1084, %dma_start3A_1085] : memref<3x2x128x128xf32, #tpu.memory_space<vmem>> -> memref<1x2x128x128xf32, #tpu.memory_space<vmem>>
    %dma_start3A_1087 = tpu.memref_squeeze %dma_start3A_1086 : memref<1x2x128x128xf32, #tpu.memory_space<vmem>> -> memref<2x128x128xf32, #tpu.memory_space<vmem>>
    %dma_start3A_1088 = arith.constant 22 : i32
    %dma_start3A_1089 = arith.constant 0 : i32
    %dma_start3A_1090 = tpu.memref_slice %arg4[%dma_start3A_1088, %mul3A_2, %dma_start3A_1089] : memref<50x4096x128xf32, #tpu.memory_space<hbm>> -> memref<2x128x128xf32, #tpu.memory_space<hbm>>
    %dma_start3A_1091 = tpu.memref_slice %arg8[%dma_start3A_1082] : memref<3x!tpu.dma_semaphore, #tpu.memory_space<semaphore_mem>> -> memref<1x!tpu.dma_semaphore, #tpu.memory_space<semaphore_mem>>
    %dma_start3A_1092 = tpu.memref_squeeze %dma_start3A_1091 : memref<1x!tpu.dma_semaphore, #tpu.memory_space<semaphore_mem>> -> memref<!tpu.dma_semaphore, #tpu.memory_space<semaphore_mem>>
    %dma_start3A_1093 = arith.constant 22 : i32
    %dma_start3A_1094 = arith.constant 0 : i32
    %dma_start3A_1095 = tpu.memref_slice %arg4[%dma_start3A_1093, %mul3A_2, %dma_start3A_1094] : memref<50x4096x128xf32, #tpu.memory_space<hbm>> -> memref<2x128x128xf32, #tpu.memory_space<hbm>>
    %dma_start3A_1096 = arith.constant 0 : i32
    %dma_start3A_1097 = arith.constant 0 : i32
    %dma_start3A_1098 = arith.constant 0 : i32
    %dma_start3A_1099 = tpu.memref_slice %arg6[%dma_start3A_1081, %dma_start3A_1096, %dma_start3A_1097, %dma_start3A_1098] : memref<3x2x128x128xf32, #tpu.memory_space<vmem>> -> memref<1x2x128x128xf32, #tpu.memory_space<vmem>>
    %dma_start3A_1100 = tpu.memref_squeeze %dma_start3A_1099 : memref<1x2x128x128xf32, #tpu.memory_space<vmem>> -> memref<2x128x128xf32, #tpu.memory_space<vmem>>
    tpu.enqueue_dma source(%dma_start3A_1100 : memref<2x128x128xf32, #tpu.memory_space<vmem>>) target(%dma_start3A_1095 : memref<2x128x128xf32, #tpu.memory_space<hbm>>) target_semaphore(%dma_start3A_1092 : memref<!tpu.dma_semaphore, #tpu.memory_space<semaphore_mem>>)
    %dma_wait3A_1101 = arith.constant 2 : i32
    %dma_wait3A_1102 = arith.constant 2 : i32
    %dma_wait3A_1103 = arith.constant 0 : i32
    %dma_wait3A_1104 = arith.constant 0 : i32
    %dma_wait3A_1105 = arith.constant 0 : i32
    %dma_wait3A_1106 = tpu.memref_slice %arg6[%dma_wait3A_1101, %dma_wait3A_1103, %dma_wait3A_1104, %dma_wait3A_1105] : memref<3x2x128x128xf32, #tpu.memory_space<vmem>> -> memref<1x2x128x128xf32, #tpu.memory_space<vmem>>
    %dma_wait3A_1107 = tpu.memref_squeeze %dma_wait3A_1106 : memref<1x2x128x128xf32, #tpu.memory_space<vmem>> -> memref<2x128x128xf32, #tpu.memory_space<vmem>>
    %dma_wait3A_1108 = arith.constant 0 : i32
    %dma_wait3A_1109 = arith.constant 0 : i32
    %dma_wait3A_1110 = tpu.memref_slice %arg4[%dma_wait3A_1108, %mul3A_2, %dma_wait3A_1109] : memref<50x4096x128xf32, #tpu.memory_space<hbm>> -> memref<2x128x128xf32, #tpu.memory_space<hbm>>
    %dma_wait3A_1111 = tpu.memref_slice %arg8[%dma_wait3A_1102] : memref<3x!tpu.dma_semaphore, #tpu.memory_space<semaphore_mem>> -> memref<1x!tpu.dma_semaphore, #tpu.memory_space<semaphore_mem>>
    %dma_wait3A_1112 = tpu.memref_squeeze %dma_wait3A_1111 : memref<1x!tpu.dma_semaphore, #tpu.memory_space<semaphore_mem>> -> memref<!tpu.dma_semaphore, #tpu.memory_space<semaphore_mem>>
    %dma_wait3A_1113 = arith.constant 0 : i32
    %dma_wait3A_1114 = arith.constant 0 : i32
    %dma_wait3A_1115 = tpu.memref_slice %arg4[%dma_wait3A_1113, %mul3A_2, %dma_wait3A_1114] : memref<50x4096x128xf32, #tpu.memory_space<hbm>> -> memref<2x128x128xf32, #tpu.memory_space<hbm>>
    %dma_wait3A_1116 = arith.constant 0 : i32
    %dma_wait3A_1117 = arith.constant 0 : i32
    %dma_wait3A_1118 = arith.constant 0 : i32
    %dma_wait3A_1119 = tpu.memref_slice %arg6[%dma_wait3A_1101, %dma_wait3A_1116, %dma_wait3A_1117, %dma_wait3A_1118] : memref<3x2x128x128xf32, #tpu.memory_space<vmem>> -> memref<1x2x128x128xf32, #tpu.memory_space<vmem>>
    %dma_wait3A_1120 = tpu.memref_squeeze %dma_wait3A_1119 : memref<1x2x128x128xf32, #tpu.memory_space<vmem>> -> memref<2x128x128xf32, #tpu.memory_space<vmem>>
    tpu.wait_dma2 semaphore(%dma_wait3A_1112 : memref<!tpu.dma_semaphore, #tpu.memory_space<semaphore_mem>>) src(%dma_wait3A_1120 : memref<2x128x128xf32, #tpu.memory_space<vmem>>) dst(%dma_wait3A_1115 : memref<2x128x128xf32, #tpu.memory_space<hbm>>)
    %dma_start3A_1121 = arith.constant 28 : i32
    %dma_start3A_1122 = arith.constant 2 : i32
    %dma_start3A_1123 = arith.constant 0 : i32
    %dma_start3A_1124 = arith.constant 2 : i32
    %dma_start3A_1125 = arith.constant 0 : i32
    %dma_start3A_1126 = arith.constant 0 : i32
    %dma_start3A_1127 = tpu.memref_slice %arg6[%dma_start3A_1122, %dma_start3A_1123, %dma_start3A_1125, %dma_start3A_1126] : memref<3x2x128x128xf32, #tpu.memory_space<vmem>> -> memref<1x1x128x128xf32, #tpu.memory_space<vmem>>
    %dma_start3A_1128 = tpu.memref_squeeze %dma_start3A_1127 : memref<1x1x128x128xf32, #tpu.memory_space<vmem>> -> memref<128x128xf32, #tpu.memory_space<vmem>>
    %dma_start3A_1129 = arith.constant 0 : i32
    %dma_start3A_1130 = tpu.memref_slice %arg5[%dma_start3A_1121, %dma_start3A_1129] : memref<50x128xi32, #tpu.memory_space<vmem>> -> memref<1x128xi32, #tpu.memory_space<vmem>>
    %dma_start3A_1131 = tpu.memref_squeeze %dma_start3A_1130 : memref<1x128xi32, #tpu.memory_space<vmem>> -> memref<128xi32, #tpu.memory_space<vmem>>
    %dma_start3A_1132 = arith.constant 0 : i32
    %dma_start3A_1133 = arith.constant 0 : i32
    %dma_start3A_1134 = tpu.memref_slice %arg2[%dma_start3A_1132, %dma_start3A_1133] : memref<100000x128xf32, #tpu.memory_space<hbm>> -> memref<100000x128xf32, #tpu.memory_space<hbm>>
    %dma_start3A_1135 = tpu.memref_slice %arg7[%dma_start3A_1124] : memref<3x!tpu.dma_semaphore, #tpu.memory_space<semaphore_mem>> -> memref<1x!tpu.dma_semaphore, #tpu.memory_space<semaphore_mem>>
    %dma_start3A_1136 = tpu.memref_squeeze %dma_start3A_1135 : memref<1x!tpu.dma_semaphore, #tpu.memory_space<semaphore_mem>> -> memref<!tpu.dma_semaphore, #tpu.memory_space<semaphore_mem>>
    tpu.enqueue_indirect_dma source(%dma_start3A_1134 : memref<100000x128xf32, #tpu.memory_space<hbm>>) target(%dma_start3A_1128 : memref<128x128xf32, #tpu.memory_space<vmem>>) offsets(%dma_start3A_1131 : memref<128xi32, #tpu.memory_space<vmem>>) semaphore(%dma_start3A_1136 : memref<!tpu.dma_semaphore, #tpu.memory_space<semaphore_mem>>)
    %dma_start3A_1137 = arith.constant 29 : i32
    %dma_start3A_1138 = arith.constant 2 : i32
    %dma_start3A_1139 = arith.constant 1 : i32
    %dma_start3A_1140 = arith.constant 2 : i32
    %dma_start3A_1141 = arith.constant 0 : i32
    %dma_start3A_1142 = arith.constant 0 : i32
    %dma_start3A_1143 = tpu.memref_slice %arg6[%dma_start3A_1138, %dma_start3A_1139, %dma_start3A_1141, %dma_start3A_1142] : memref<3x2x128x128xf32, #tpu.memory_space<vmem>> -> memref<1x1x128x128xf32, #tpu.memory_space<vmem>>
    %dma_start3A_1144 = tpu.memref_squeeze %dma_start3A_1143 : memref<1x1x128x128xf32, #tpu.memory_space<vmem>> -> memref<128x128xf32, #tpu.memory_space<vmem>>
    %dma_start3A_1145 = arith.constant 0 : i32
    %dma_start3A_1146 = tpu.memref_slice %arg5[%dma_start3A_1137, %dma_start3A_1145] : memref<50x128xi32, #tpu.memory_space<vmem>> -> memref<1x128xi32, #tpu.memory_space<vmem>>
    %dma_start3A_1147 = tpu.memref_squeeze %dma_start3A_1146 : memref<1x128xi32, #tpu.memory_space<vmem>> -> memref<128xi32, #tpu.memory_space<vmem>>
    %dma_start3A_1148 = arith.constant 0 : i32
    %dma_start3A_1149 = arith.constant 0 : i32
    %dma_start3A_1150 = tpu.memref_slice %arg2[%dma_start3A_1148, %dma_start3A_1149] : memref<100000x128xf32, #tpu.memory_space<hbm>> -> memref<100000x128xf32, #tpu.memory_space<hbm>>
    %dma_start3A_1151 = tpu.memref_slice %arg7[%dma_start3A_1140] : memref<3x!tpu.dma_semaphore, #tpu.memory_space<semaphore_mem>> -> memref<1x!tpu.dma_semaphore, #tpu.memory_space<semaphore_mem>>
    %dma_start3A_1152 = tpu.memref_squeeze %dma_start3A_1151 : memref<1x!tpu.dma_semaphore, #tpu.memory_space<semaphore_mem>> -> memref<!tpu.dma_semaphore, #tpu.memory_space<semaphore_mem>>
    tpu.enqueue_indirect_dma source(%dma_start3A_1150 : memref<100000x128xf32, #tpu.memory_space<hbm>>) target(%dma_start3A_1144 : memref<128x128xf32, #tpu.memory_space<vmem>>) offsets(%dma_start3A_1147 : memref<128xi32, #tpu.memory_space<vmem>>) semaphore(%dma_start3A_1152 : memref<!tpu.dma_semaphore, #tpu.memory_space<semaphore_mem>>)
    %dma_wait3A_1153 = arith.constant 0 : i32
    %dma_wait3A_1154 = arith.constant 0 : i32
    %dma_wait3A_1155 = arith.constant 0 : i32
    %dma_wait3A_1156 = arith.constant 0 : i32
    %dma_wait3A_1157 = arith.constant 0 : i32
    %dma_wait3A_1158 = arith.constant 0 : i32
    %dma_wait3A_1159 = tpu.memref_slice %arg6[%dma_wait3A_1154, %dma_wait3A_1156, %dma_wait3A_1157, %dma_wait3A_1158] : memref<3x2x128x128xf32, #tpu.memory_space<vmem>> -> memref<1x2x128x128xf32, #tpu.memory_space<vmem>>
    %dma_wait3A_1160 = tpu.memref_squeeze %dma_wait3A_1159 : memref<1x2x128x128xf32, #tpu.memory_space<vmem>> -> memref<2x128x128xf32, #tpu.memory_space<vmem>>
    %dma_wait3A_1161 = arith.constant 0 : i32
    %dma_wait3A_1162 = tpu.memref_slice %arg5[%dma_wait3A_1153, %dma_wait3A_1161] : memref<50x128xi32, #tpu.memory_space<vmem>> -> memref<1x128xi32, #tpu.memory_space<vmem>>
    %dma_wait3A_1163 = tpu.memref_squeeze %dma_wait3A_1162 : memref<1x128xi32, #tpu.memory_space<vmem>> -> memref<128xi32, #tpu.memory_space<vmem>>
    %dma_wait3A_1164 = arith.constant 0 : i32
    %dma_wait3A_1165 = arith.constant 0 : i32
    %dma_wait3A_1166 = tpu.memref_slice %arg2[%dma_wait3A_1164, %dma_wait3A_1165] : memref<100000x128xf32, #tpu.memory_space<hbm>> -> memref<100000x128xf32, #tpu.memory_space<hbm>>
    %dma_wait3A_1167 = tpu.memref_slice %arg7[%dma_wait3A_1155] : memref<3x!tpu.dma_semaphore, #tpu.memory_space<semaphore_mem>> -> memref<1x!tpu.dma_semaphore, #tpu.memory_space<semaphore_mem>>
    %dma_wait3A_1168 = tpu.memref_squeeze %dma_wait3A_1167 : memref<1x!tpu.dma_semaphore, #tpu.memory_space<semaphore_mem>> -> memref<!tpu.dma_semaphore, #tpu.memory_space<semaphore_mem>>
    tpu.wait_indirect_dma semaphore(%dma_wait3A_1168 : memref<!tpu.dma_semaphore, #tpu.memory_space<semaphore_mem>>) src(%dma_wait3A_1166 : memref<100000x128xf32, #tpu.memory_space<hbm>>) dst(%dma_wait3A_1160 : memref<2x128x128xf32, #tpu.memory_space<vmem>>)
    %dma_start3A_1169 = arith.constant 0 : i32
    %dma_start3A_1170 = arith.constant 0 : i32
    %dma_start3A_1171 = arith.constant 0 : i32
    %dma_start3A_1172 = arith.constant 0 : i32
    %dma_start3A_1173 = arith.constant 0 : i32
    %dma_start3A_1174 = tpu.memref_slice %arg6[%dma_start3A_1169, %dma_start3A_1171, %dma_start3A_1172, %dma_start3A_1173] : memref<3x2x128x128xf32, #tpu.memory_space<vmem>> -> memref<1x2x128x128xf32, #tpu.memory_space<vmem>>
    %dma_start3A_1175 = tpu.memref_squeeze %dma_start3A_1174 : memref<1x2x128x128xf32, #tpu.memory_space<vmem>> -> memref<2x128x128xf32, #tpu.memory_space<vmem>>
    %dma_start3A_1176 = arith.constant 24 : i32
    %dma_start3A_1177 = arith.constant 0 : i32
    %dma_start3A_1178 = tpu.memref_slice %arg4[%dma_start3A_1176, %mul3A_2, %dma_start3A_1177] : memref<50x4096x128xf32, #tpu.memory_space<hbm>> -> memref<2x128x128xf32, #tpu.memory_space<hbm>>
    %dma_start3A_1179 = tpu.memref_slice %arg8[%dma_start3A_1170] : memref<3x!tpu.dma_semaphore, #tpu.memory_space<semaphore_mem>> -> memref<1x!tpu.dma_semaphore, #tpu.memory_space<semaphore_mem>>
    %dma_start3A_1180 = tpu.memref_squeeze %dma_start3A_1179 : memref<1x!tpu.dma_semaphore, #tpu.memory_space<semaphore_mem>> -> memref<!tpu.dma_semaphore, #tpu.memory_space<semaphore_mem>>
    %dma_start3A_1181 = arith.constant 24 : i32
    %dma_start3A_1182 = arith.constant 0 : i32
    %dma_start3A_1183 = tpu.memref_slice %arg4[%dma_start3A_1181, %mul3A_2, %dma_start3A_1182] : memref<50x4096x128xf32, #tpu.memory_space<hbm>> -> memref<2x128x128xf32, #tpu.memory_space<hbm>>
    %dma_start3A_1184 = arith.constant 0 : i32
    %dma_start3A_1185 = arith.constant 0 : i32
    %dma_start3A_1186 = arith.constant 0 : i32
    %dma_start3A_1187 = tpu.memref_slice %arg6[%dma_start3A_1169, %dma_start3A_1184, %dma_start3A_1185, %dma_start3A_1186] : memref<3x2x128x128xf32, #tpu.memory_space<vmem>> -> memref<1x2x128x128xf32, #tpu.memory_space<vmem>>
    %dma_start3A_1188 = tpu.memref_squeeze %dma_start3A_1187 : memref<1x2x128x128xf32, #tpu.memory_space<vmem>> -> memref<2x128x128xf32, #tpu.memory_space<vmem>>
    tpu.enqueue_dma source(%dma_start3A_1188 : memref<2x128x128xf32, #tpu.memory_space<vmem>>) target(%dma_start3A_1183 : memref<2x128x128xf32, #tpu.memory_space<hbm>>) target_semaphore(%dma_start3A_1180 : memref<!tpu.dma_semaphore, #tpu.memory_space<semaphore_mem>>)
    %dma_wait3A_1189 = arith.constant 0 : i32
    %dma_wait3A_1190 = arith.constant 0 : i32
    %dma_wait3A_1191 = arith.constant 0 : i32
    %dma_wait3A_1192 = arith.constant 0 : i32
    %dma_wait3A_1193 = arith.constant 0 : i32
    %dma_wait3A_1194 = tpu.memref_slice %arg6[%dma_wait3A_1189, %dma_wait3A_1191, %dma_wait3A_1192, %dma_wait3A_1193] : memref<3x2x128x128xf32, #tpu.memory_space<vmem>> -> memref<1x2x128x128xf32, #tpu.memory_space<vmem>>
    %dma_wait3A_1195 = tpu.memref_squeeze %dma_wait3A_1194 : memref<1x2x128x128xf32, #tpu.memory_space<vmem>> -> memref<2x128x128xf32, #tpu.memory_space<vmem>>
    %dma_wait3A_1196 = arith.constant 0 : i32
    %dma_wait3A_1197 = arith.constant 0 : i32
    %dma_wait3A_1198 = tpu.memref_slice %arg4[%dma_wait3A_1196, %mul3A_2, %dma_wait3A_1197] : memref<50x4096x128xf32, #tpu.memory_space<hbm>> -> memref<2x128x128xf32, #tpu.memory_space<hbm>>
    %dma_wait3A_1199 = tpu.memref_slice %arg8[%dma_wait3A_1190] : memref<3x!tpu.dma_semaphore, #tpu.memory_space<semaphore_mem>> -> memref<1x!tpu.dma_semaphore, #tpu.memory_space<semaphore_mem>>
    %dma_wait3A_1200 = tpu.memref_squeeze %dma_wait3A_1199 : memref<1x!tpu.dma_semaphore, #tpu.memory_space<semaphore_mem>> -> memref<!tpu.dma_semaphore, #tpu.memory_space<semaphore_mem>>
    %dma_wait3A_1201 = arith.constant 0 : i32
    %dma_wait3A_1202 = arith.constant 0 : i32
    %dma_wait3A_1203 = tpu.memref_slice %arg4[%dma_wait3A_1201, %mul3A_2, %dma_wait3A_1202] : memref<50x4096x128xf32, #tpu.memory_space<hbm>> -> memref<2x128x128xf32, #tpu.memory_space<hbm>>
    %dma_wait3A_1204 = arith.constant 0 : i32
    %dma_wait3A_1205 = arith.constant 0 : i32
    %dma_wait3A_1206 = arith.constant 0 : i32
    %dma_wait3A_1207 = tpu.memref_slice %arg6[%dma_wait3A_1189, %dma_wait3A_1204, %dma_wait3A_1205, %dma_wait3A_1206] : memref<3x2x128x128xf32, #tpu.memory_space<vmem>> -> memref<1x2x128x128xf32, #tpu.memory_space<vmem>>
    %dma_wait3A_1208 = tpu.memref_squeeze %dma_wait3A_1207 : memref<1x2x128x128xf32, #tpu.memory_space<vmem>> -> memref<2x128x128xf32, #tpu.memory_space<vmem>>
    tpu.wait_dma2 semaphore(%dma_wait3A_1200 : memref<!tpu.dma_semaphore, #tpu.memory_space<semaphore_mem>>) src(%dma_wait3A_1208 : memref<2x128x128xf32, #tpu.memory_space<vmem>>) dst(%dma_wait3A_1203 : memref<2x128x128xf32, #tpu.memory_space<hbm>>)
    %dma_start3A_1209 = arith.constant 30 : i32
    %dma_start3A_1210 = arith.constant 0 : i32
    %dma_start3A_1211 = arith.constant 0 : i32
    %dma_start3A_1212 = arith.constant 0 : i32
    %dma_start3A_1213 = arith.constant 0 : i32
    %dma_start3A_1214 = arith.constant 0 : i32
    %dma_start3A_1215 = tpu.memref_slice %arg6[%dma_start3A_1210, %dma_start3A_1211, %dma_start3A_1213, %dma_start3A_1214] : memref<3x2x128x128xf32, #tpu.memory_space<vmem>> -> memref<1x1x128x128xf32, #tpu.memory_space<vmem>>
    %dma_start3A_1216 = tpu.memref_squeeze %dma_start3A_1215 : memref<1x1x128x128xf32, #tpu.memory_space<vmem>> -> memref<128x128xf32, #tpu.memory_space<vmem>>
    %dma_start3A_1217 = arith.constant 0 : i32
    %dma_start3A_1218 = tpu.memref_slice %arg5[%dma_start3A_1209, %dma_start3A_1217] : memref<50x128xi32, #tpu.memory_space<vmem>> -> memref<1x128xi32, #tpu.memory_space<vmem>>
    %dma_start3A_1219 = tpu.memref_squeeze %dma_start3A_1218 : memref<1x128xi32, #tpu.memory_space<vmem>> -> memref<128xi32, #tpu.memory_space<vmem>>
    %dma_start3A_1220 = arith.constant 0 : i32
    %dma_start3A_1221 = arith.constant 0 : i32
    %dma_start3A_1222 = tpu.memref_slice %arg2[%dma_start3A_1220, %dma_start3A_1221] : memref<100000x128xf32, #tpu.memory_space<hbm>> -> memref<100000x128xf32, #tpu.memory_space<hbm>>
    %dma_start3A_1223 = tpu.memref_slice %arg7[%dma_start3A_1212] : memref<3x!tpu.dma_semaphore, #tpu.memory_space<semaphore_mem>> -> memref<1x!tpu.dma_semaphore, #tpu.memory_space<semaphore_mem>>
    %dma_start3A_1224 = tpu.memref_squeeze %dma_start3A_1223 : memref<1x!tpu.dma_semaphore, #tpu.memory_space<semaphore_mem>> -> memref<!tpu.dma_semaphore, #tpu.memory_space<semaphore_mem>>
    tpu.enqueue_indirect_dma source(%dma_start3A_1222 : memref<100000x128xf32, #tpu.memory_space<hbm>>) target(%dma_start3A_1216 : memref<128x128xf32, #tpu.memory_space<vmem>>) offsets(%dma_start3A_1219 : memref<128xi32, #tpu.memory_space<vmem>>) semaphore(%dma_start3A_1224 : memref<!tpu.dma_semaphore, #tpu.memory_space<semaphore_mem>>)
    %dma_start3A_1225 = arith.constant 31 : i32
    %dma_start3A_1226 = arith.constant 0 : i32
    %dma_start3A_1227 = arith.constant 1 : i32
    %dma_start3A_1228 = arith.constant 0 : i32
    %dma_start3A_1229 = arith.constant 0 : i32
    %dma_start3A_1230 = arith.constant 0 : i32
    %dma_start3A_1231 = tpu.memref_slice %arg6[%dma_start3A_1226, %dma_start3A_1227, %dma_start3A_1229, %dma_start3A_1230] : memref<3x2x128x128xf32, #tpu.memory_space<vmem>> -> memref<1x1x128x128xf32, #tpu.memory_space<vmem>>
    %dma_start3A_1232 = tpu.memref_squeeze %dma_start3A_1231 : memref<1x1x128x128xf32, #tpu.memory_space<vmem>> -> memref<128x128xf32, #tpu.memory_space<vmem>>
    %dma_start3A_1233 = arith.constant 0 : i32
    %dma_start3A_1234 = tpu.memref_slice %arg5[%dma_start3A_1225, %dma_start3A_1233] : memref<50x128xi32, #tpu.memory_space<vmem>> -> memref<1x128xi32, #tpu.memory_space<vmem>>
    %dma_start3A_1235 = tpu.memref_squeeze %dma_start3A_1234 : memref<1x128xi32, #tpu.memory_space<vmem>> -> memref<128xi32, #tpu.memory_space<vmem>>
    %dma_start3A_1236 = arith.constant 0 : i32
    %dma_start3A_1237 = arith.constant 0 : i32
    %dma_start3A_1238 = tpu.memref_slice %arg2[%dma_start3A_1236, %dma_start3A_1237] : memref<100000x128xf32, #tpu.memory_space<hbm>> -> memref<100000x128xf32, #tpu.memory_space<hbm>>
    %dma_start3A_1239 = tpu.memref_slice %arg7[%dma_start3A_1228] : memref<3x!tpu.dma_semaphore, #tpu.memory_space<semaphore_mem>> -> memref<1x!tpu.dma_semaphore, #tpu.memory_space<semaphore_mem>>
    %dma_start3A_1240 = tpu.memref_squeeze %dma_start3A_1239 : memref<1x!tpu.dma_semaphore, #tpu.memory_space<semaphore_mem>> -> memref<!tpu.dma_semaphore, #tpu.memory_space<semaphore_mem>>
    tpu.enqueue_indirect_dma source(%dma_start3A_1238 : memref<100000x128xf32, #tpu.memory_space<hbm>>) target(%dma_start3A_1232 : memref<128x128xf32, #tpu.memory_space<vmem>>) offsets(%dma_start3A_1235 : memref<128xi32, #tpu.memory_space<vmem>>) semaphore(%dma_start3A_1240 : memref<!tpu.dma_semaphore, #tpu.memory_space<semaphore_mem>>)
    %dma_wait3A_1241 = arith.constant 0 : i32
    %dma_wait3A_1242 = arith.constant 1 : i32
    %dma_wait3A_1243 = arith.constant 1 : i32
    %dma_wait3A_1244 = arith.constant 0 : i32
    %dma_wait3A_1245 = arith.constant 0 : i32
    %dma_wait3A_1246 = arith.constant 0 : i32
    %dma_wait3A_1247 = tpu.memref_slice %arg6[%dma_wait3A_1242, %dma_wait3A_1244, %dma_wait3A_1245, %dma_wait3A_1246] : memref<3x2x128x128xf32, #tpu.memory_space<vmem>> -> memref<1x2x128x128xf32, #tpu.memory_space<vmem>>
    %dma_wait3A_1248 = tpu.memref_squeeze %dma_wait3A_1247 : memref<1x2x128x128xf32, #tpu.memory_space<vmem>> -> memref<2x128x128xf32, #tpu.memory_space<vmem>>
    %dma_wait3A_1249 = arith.constant 0 : i32
    %dma_wait3A_1250 = tpu.memref_slice %arg5[%dma_wait3A_1241, %dma_wait3A_1249] : memref<50x128xi32, #tpu.memory_space<vmem>> -> memref<1x128xi32, #tpu.memory_space<vmem>>
    %dma_wait3A_1251 = tpu.memref_squeeze %dma_wait3A_1250 : memref<1x128xi32, #tpu.memory_space<vmem>> -> memref<128xi32, #tpu.memory_space<vmem>>
    %dma_wait3A_1252 = arith.constant 0 : i32
    %dma_wait3A_1253 = arith.constant 0 : i32
    %dma_wait3A_1254 = tpu.memref_slice %arg2[%dma_wait3A_1252, %dma_wait3A_1253] : memref<100000x128xf32, #tpu.memory_space<hbm>> -> memref<100000x128xf32, #tpu.memory_space<hbm>>
    %dma_wait3A_1255 = tpu.memref_slice %arg7[%dma_wait3A_1243] : memref<3x!tpu.dma_semaphore, #tpu.memory_space<semaphore_mem>> -> memref<1x!tpu.dma_semaphore, #tpu.memory_space<semaphore_mem>>
    %dma_wait3A_1256 = tpu.memref_squeeze %dma_wait3A_1255 : memref<1x!tpu.dma_semaphore, #tpu.memory_space<semaphore_mem>> -> memref<!tpu.dma_semaphore, #tpu.memory_space<semaphore_mem>>
    tpu.wait_indirect_dma semaphore(%dma_wait3A_1256 : memref<!tpu.dma_semaphore, #tpu.memory_space<semaphore_mem>>) src(%dma_wait3A_1254 : memref<100000x128xf32, #tpu.memory_space<hbm>>) dst(%dma_wait3A_1248 : memref<2x128x128xf32, #tpu.memory_space<vmem>>)
    %dma_start3A_1257 = arith.constant 1 : i32
    %dma_start3A_1258 = arith.constant 1 : i32
    %dma_start3A_1259 = arith.constant 0 : i32
    %dma_start3A_1260 = arith.constant 0 : i32
    %dma_start3A_1261 = arith.constant 0 : i32
    %dma_start3A_1262 = tpu.memref_slice %arg6[%dma_start3A_1257, %dma_start3A_1259, %dma_start3A_1260, %dma_start3A_1261] : memref<3x2x128x128xf32, #tpu.memory_space<vmem>> -> memref<1x2x128x128xf32, #tpu.memory_space<vmem>>
    %dma_start3A_1263 = tpu.memref_squeeze %dma_start3A_1262 : memref<1x2x128x128xf32, #tpu.memory_space<vmem>> -> memref<2x128x128xf32, #tpu.memory_space<vmem>>
    %dma_start3A_1264 = arith.constant 26 : i32
    %dma_start3A_1265 = arith.constant 0 : i32
    %dma_start3A_1266 = tpu.memref_slice %arg4[%dma_start3A_1264, %mul3A_2, %dma_start3A_1265] : memref<50x4096x128xf32, #tpu.memory_space<hbm>> -> memref<2x128x128xf32, #tpu.memory_space<hbm>>
    %dma_start3A_1267 = tpu.memref_slice %arg8[%dma_start3A_1258] : memref<3x!tpu.dma_semaphore, #tpu.memory_space<semaphore_mem>> -> memref<1x!tpu.dma_semaphore, #tpu.memory_space<semaphore_mem>>
    %dma_start3A_1268 = tpu.memref_squeeze %dma_start3A_1267 : memref<1x!tpu.dma_semaphore, #tpu.memory_space<semaphore_mem>> -> memref<!tpu.dma_semaphore, #tpu.memory_space<semaphore_mem>>
    %dma_start3A_1269 = arith.constant 26 : i32
    %dma_start3A_1270 = arith.constant 0 : i32
    %dma_start3A_1271 = tpu.memref_slice %arg4[%dma_start3A_1269, %mul3A_2, %dma_start3A_1270] : memref<50x4096x128xf32, #tpu.memory_space<hbm>> -> memref<2x128x128xf32, #tpu.memory_space<hbm>>
    %dma_start3A_1272 = arith.constant 0 : i32
    %dma_start3A_1273 = arith.constant 0 : i32
    %dma_start3A_1274 = arith.constant 0 : i32
    %dma_start3A_1275 = tpu.memref_slice %arg6[%dma_start3A_1257, %dma_start3A_1272, %dma_start3A_1273, %dma_start3A_1274] : memref<3x2x128x128xf32, #tpu.memory_space<vmem>> -> memref<1x2x128x128xf32, #tpu.memory_space<vmem>>
    %dma_start3A_1276 = tpu.memref_squeeze %dma_start3A_1275 : memref<1x2x128x128xf32, #tpu.memory_space<vmem>> -> memref<2x128x128xf32, #tpu.memory_space<vmem>>
    tpu.enqueue_dma source(%dma_start3A_1276 : memref<2x128x128xf32, #tpu.memory_space<vmem>>) target(%dma_start3A_1271 : memref<2x128x128xf32, #tpu.memory_space<hbm>>) target_semaphore(%dma_start3A_1268 : memref<!tpu.dma_semaphore, #tpu.memory_space<semaphore_mem>>)
    %dma_wait3A_1277 = arith.constant 1 : i32
    %dma_wait3A_1278 = arith.constant 1 : i32
    %dma_wait3A_1279 = arith.constant 0 : i32
    %dma_wait3A_1280 = arith.constant 0 : i32
    %dma_wait3A_1281 = arith.constant 0 : i32
    %dma_wait3A_1282 = tpu.memref_slice %arg6[%dma_wait3A_1277, %dma_wait3A_1279, %dma_wait3A_1280, %dma_wait3A_1281] : memref<3x2x128x128xf32, #tpu.memory_space<vmem>> -> memref<1x2x128x128xf32, #tpu.memory_space<vmem>>
    %dma_wait3A_1283 = tpu.memref_squeeze %dma_wait3A_1282 : memref<1x2x128x128xf32, #tpu.memory_space<vmem>> -> memref<2x128x128xf32, #tpu.memory_space<vmem>>
    %dma_wait3A_1284 = arith.constant 0 : i32
    %dma_wait3A_1285 = arith.constant 0 : i32
    %dma_wait3A_1286 = tpu.memref_slice %arg4[%dma_wait3A_1284, %mul3A_2, %dma_wait3A_1285] : memref<50x4096x128xf32, #tpu.memory_space<hbm>> -> memref<2x128x128xf32, #tpu.memory_space<hbm>>
    %dma_wait3A_1287 = tpu.memref_slice %arg8[%dma_wait3A_1278] : memref<3x!tpu.dma_semaphore, #tpu.memory_space<semaphore_mem>> -> memref<1x!tpu.dma_semaphore, #tpu.memory_space<semaphore_mem>>
    %dma_wait3A_1288 = tpu.memref_squeeze %dma_wait3A_1287 : memref<1x!tpu.dma_semaphore, #tpu.memory_space<semaphore_mem>> -> memref<!tpu.dma_semaphore, #tpu.memory_space<semaphore_mem>>
    %dma_wait3A_1289 = arith.constant 0 : i32
    %dma_wait3A_1290 = arith.constant 0 : i32
    %dma_wait3A_1291 = tpu.memref_slice %arg4[%dma_wait3A_1289, %mul3A_2, %dma_wait3A_1290] : memref<50x4096x128xf32, #tpu.memory_space<hbm>> -> memref<2x128x128xf32, #tpu.memory_space<hbm>>
    %dma_wait3A_1292 = arith.constant 0 : i32
    %dma_wait3A_1293 = arith.constant 0 : i32
    %dma_wait3A_1294 = arith.constant 0 : i32
    %dma_wait3A_1295 = tpu.memref_slice %arg6[%dma_wait3A_1277, %dma_wait3A_1292, %dma_wait3A_1293, %dma_wait3A_1294] : memref<3x2x128x128xf32, #tpu.memory_space<vmem>> -> memref<1x2x128x128xf32, #tpu.memory_space<vmem>>
    %dma_wait3A_1296 = tpu.memref_squeeze %dma_wait3A_1295 : memref<1x2x128x128xf32, #tpu.memory_space<vmem>> -> memref<2x128x128xf32, #tpu.memory_space<vmem>>
    tpu.wait_dma2 semaphore(%dma_wait3A_1288 : memref<!tpu.dma_semaphore, #tpu.memory_space<semaphore_mem>>) src(%dma_wait3A_1296 : memref<2x128x128xf32, #tpu.memory_space<vmem>>) dst(%dma_wait3A_1291 : memref<2x128x128xf32, #tpu.memory_space<hbm>>)
    %dma_start3A_1297 = arith.constant 32 : i32
    %dma_start3A_1298 = arith.constant 1 : i32
    %dma_start3A_1299 = arith.constant 0 : i32
    %dma_start3A_1300 = arith.constant 1 : i32
    %dma_start3A_1301 = arith.constant 0 : i32
    %dma_start3A_1302 = arith.constant 0 : i32
    %dma_start3A_1303 = tpu.memref_slice %arg6[%dma_start3A_1298, %dma_start3A_1299, %dma_start3A_1301, %dma_start3A_1302] : memref<3x2x128x128xf32, #tpu.memory_space<vmem>> -> memref<1x1x128x128xf32, #tpu.memory_space<vmem>>
    %dma_start3A_1304 = tpu.memref_squeeze %dma_start3A_1303 : memref<1x1x128x128xf32, #tpu.memory_space<vmem>> -> memref<128x128xf32, #tpu.memory_space<vmem>>
    %dma_start3A_1305 = arith.constant 0 : i32
    %dma_start3A_1306 = tpu.memref_slice %arg5[%dma_start3A_1297, %dma_start3A_1305] : memref<50x128xi32, #tpu.memory_space<vmem>> -> memref<1x128xi32, #tpu.memory_space<vmem>>
    %dma_start3A_1307 = tpu.memref_squeeze %dma_start3A_1306 : memref<1x128xi32, #tpu.memory_space<vmem>> -> memref<128xi32, #tpu.memory_space<vmem>>
    %dma_start3A_1308 = arith.constant 0 : i32
    %dma_start3A_1309 = arith.constant 0 : i32
    %dma_start3A_1310 = tpu.memref_slice %arg2[%dma_start3A_1308, %dma_start3A_1309] : memref<100000x128xf32, #tpu.memory_space<hbm>> -> memref<100000x128xf32, #tpu.memory_space<hbm>>
    %dma_start3A_1311 = tpu.memref_slice %arg7[%dma_start3A_1300] : memref<3x!tpu.dma_semaphore, #tpu.memory_space<semaphore_mem>> -> memref<1x!tpu.dma_semaphore, #tpu.memory_space<semaphore_mem>>
    %dma_start3A_1312 = tpu.memref_squeeze %dma_start3A_1311 : memref<1x!tpu.dma_semaphore, #tpu.memory_space<semaphore_mem>> -> memref<!tpu.dma_semaphore, #tpu.memory_space<semaphore_mem>>
    tpu.enqueue_indirect_dma source(%dma_start3A_1310 : memref<100000x128xf32, #tpu.memory_space<hbm>>) target(%dma_start3A_1304 : memref<128x128xf32, #tpu.memory_space<vmem>>) offsets(%dma_start3A_1307 : memref<128xi32, #tpu.memory_space<vmem>>) semaphore(%dma_start3A_1312 : memref<!tpu.dma_semaphore, #tpu.memory_space<semaphore_mem>>)
    %dma_start3A_1313 = arith.constant 33 : i32
    %dma_start3A_1314 = arith.constant 1 : i32
    %dma_start3A_1315 = arith.constant 1 : i32
    %dma_start3A_1316 = arith.constant 1 : i32
    %dma_start3A_1317 = arith.constant 0 : i32
    %dma_start3A_1318 = arith.constant 0 : i32
    %dma_start3A_1319 = tpu.memref_slice %arg6[%dma_start3A_1314, %dma_start3A_1315, %dma_start3A_1317, %dma_start3A_1318] : memref<3x2x128x128xf32, #tpu.memory_space<vmem>> -> memref<1x1x128x128xf32, #tpu.memory_space<vmem>>
    %dma_start3A_1320 = tpu.memref_squeeze %dma_start3A_1319 : memref<1x1x128x128xf32, #tpu.memory_space<vmem>> -> memref<128x128xf32, #tpu.memory_space<vmem>>
    %dma_start3A_1321 = arith.constant 0 : i32
    %dma_start3A_1322 = tpu.memref_slice %arg5[%dma_start3A_1313, %dma_start3A_1321] : memref<50x128xi32, #tpu.memory_space<vmem>> -> memref<1x128xi32, #tpu.memory_space<vmem>>
    %dma_start3A_1323 = tpu.memref_squeeze %dma_start3A_1322 : memref<1x128xi32, #tpu.memory_space<vmem>> -> memref<128xi32, #tpu.memory_space<vmem>>
    %dma_start3A_1324 = arith.constant 0 : i32
    %dma_start3A_1325 = arith.constant 0 : i32
    %dma_start3A_1326 = tpu.memref_slice %arg2[%dma_start3A_1324, %dma_start3A_1325] : memref<100000x128xf32, #tpu.memory_space<hbm>> -> memref<100000x128xf32, #tpu.memory_space<hbm>>
    %dma_start3A_1327 = tpu.memref_slice %arg7[%dma_start3A_1316] : memref<3x!tpu.dma_semaphore, #tpu.memory_space<semaphore_mem>> -> memref<1x!tpu.dma_semaphore, #tpu.memory_space<semaphore_mem>>
    %dma_start3A_1328 = tpu.memref_squeeze %dma_start3A_1327 : memref<1x!tpu.dma_semaphore, #tpu.memory_space<semaphore_mem>> -> memref<!tpu.dma_semaphore, #tpu.memory_space<semaphore_mem>>
    tpu.enqueue_indirect_dma source(%dma_start3A_1326 : memref<100000x128xf32, #tpu.memory_space<hbm>>) target(%dma_start3A_1320 : memref<128x128xf32, #tpu.memory_space<vmem>>) offsets(%dma_start3A_1323 : memref<128xi32, #tpu.memory_space<vmem>>) semaphore(%dma_start3A_1328 : memref<!tpu.dma_semaphore, #tpu.memory_space<semaphore_mem>>)
    %dma_wait3A_1329 = arith.constant 0 : i32
    %dma_wait3A_1330 = arith.constant 2 : i32
    %dma_wait3A_1331 = arith.constant 2 : i32
    %dma_wait3A_1332 = arith.constant 0 : i32
    %dma_wait3A_1333 = arith.constant 0 : i32
    %dma_wait3A_1334 = arith.constant 0 : i32
    %dma_wait3A_1335 = tpu.memref_slice %arg6[%dma_wait3A_1330, %dma_wait3A_1332, %dma_wait3A_1333, %dma_wait3A_1334] : memref<3x2x128x128xf32, #tpu.memory_space<vmem>> -> memref<1x2x128x128xf32, #tpu.memory_space<vmem>>
    %dma_wait3A_1336 = tpu.memref_squeeze %dma_wait3A_1335 : memref<1x2x128x128xf32, #tpu.memory_space<vmem>> -> memref<2x128x128xf32, #tpu.memory_space<vmem>>
    %dma_wait3A_1337 = arith.constant 0 : i32
    %dma_wait3A_1338 = tpu.memref_slice %arg5[%dma_wait3A_1329, %dma_wait3A_1337] : memref<50x128xi32, #tpu.memory_space<vmem>> -> memref<1x128xi32, #tpu.memory_space<vmem>>
    %dma_wait3A_1339 = tpu.memref_squeeze %dma_wait3A_1338 : memref<1x128xi32, #tpu.memory_space<vmem>> -> memref<128xi32, #tpu.memory_space<vmem>>
    %dma_wait3A_1340 = arith.constant 0 : i32
    %dma_wait3A_1341 = arith.constant 0 : i32
    %dma_wait3A_1342 = tpu.memref_slice %arg2[%dma_wait3A_1340, %dma_wait3A_1341] : memref<100000x128xf32, #tpu.memory_space<hbm>> -> memref<100000x128xf32, #tpu.memory_space<hbm>>
    %dma_wait3A_1343 = tpu.memref_slice %arg7[%dma_wait3A_1331] : memref<3x!tpu.dma_semaphore, #tpu.memory_space<semaphore_mem>> -> memref<1x!tpu.dma_semaphore, #tpu.memory_space<semaphore_mem>>
    %dma_wait3A_1344 = tpu.memref_squeeze %dma_wait3A_1343 : memref<1x!tpu.dma_semaphore, #tpu.memory_space<semaphore_mem>> -> memref<!tpu.dma_semaphore, #tpu.memory_space<semaphore_mem>>
    tpu.wait_indirect_dma semaphore(%dma_wait3A_1344 : memref<!tpu.dma_semaphore, #tpu.memory_space<semaphore_mem>>) src(%dma_wait3A_1342 : memref<100000x128xf32, #tpu.memory_space<hbm>>) dst(%dma_wait3A_1336 : memref<2x128x128xf32, #tpu.memory_space<vmem>>)
    %dma_start3A_1345 = arith.constant 2 : i32
    %dma_start3A_1346 = arith.constant 2 : i32
    %dma_start3A_1347 = arith.constant 0 : i32
    %dma_start3A_1348 = arith.constant 0 : i32
    %dma_start3A_1349 = arith.constant 0 : i32
    %dma_start3A_1350 = tpu.memref_slice %arg6[%dma_start3A_1345, %dma_start3A_1347, %dma_start3A_1348, %dma_start3A_1349] : memref<3x2x128x128xf32, #tpu.memory_space<vmem>> -> memref<1x2x128x128xf32, #tpu.memory_space<vmem>>
    %dma_start3A_1351 = tpu.memref_squeeze %dma_start3A_1350 : memref<1x2x128x128xf32, #tpu.memory_space<vmem>> -> memref<2x128x128xf32, #tpu.memory_space<vmem>>
    %dma_start3A_1352 = arith.constant 28 : i32
    %dma_start3A_1353 = arith.constant 0 : i32
    %dma_start3A_1354 = tpu.memref_slice %arg4[%dma_start3A_1352, %mul3A_2, %dma_start3A_1353] : memref<50x4096x128xf32, #tpu.memory_space<hbm>> -> memref<2x128x128xf32, #tpu.memory_space<hbm>>
    %dma_start3A_1355 = tpu.memref_slice %arg8[%dma_start3A_1346] : memref<3x!tpu.dma_semaphore, #tpu.memory_space<semaphore_mem>> -> memref<1x!tpu.dma_semaphore, #tpu.memory_space<semaphore_mem>>
    %dma_start3A_1356 = tpu.memref_squeeze %dma_start3A_1355 : memref<1x!tpu.dma_semaphore, #tpu.memory_space<semaphore_mem>> -> memref<!tpu.dma_semaphore, #tpu.memory_space<semaphore_mem>>
    %dma_start3A_1357 = arith.constant 28 : i32
    %dma_start3A_1358 = arith.constant 0 : i32
    %dma_start3A_1359 = tpu.memref_slice %arg4[%dma_start3A_1357, %mul3A_2, %dma_start3A_1358] : memref<50x4096x128xf32, #tpu.memory_space<hbm>> -> memref<2x128x128xf32, #tpu.memory_space<hbm>>
    %dma_start3A_1360 = arith.constant 0 : i32
    %dma_start3A_1361 = arith.constant 0 : i32
    %dma_start3A_1362 = arith.constant 0 : i32
    %dma_start3A_1363 = tpu.memref_slice %arg6[%dma_start3A_1345, %dma_start3A_1360, %dma_start3A_1361, %dma_start3A_1362] : memref<3x2x128x128xf32, #tpu.memory_space<vmem>> -> memref<1x2x128x128xf32, #tpu.memory_space<vmem>>
    %dma_start3A_1364 = tpu.memref_squeeze %dma_start3A_1363 : memref<1x2x128x128xf32, #tpu.memory_space<vmem>> -> memref<2x128x128xf32, #tpu.memory_space<vmem>>
    tpu.enqueue_dma source(%dma_start3A_1364 : memref<2x128x128xf32, #tpu.memory_space<vmem>>) target(%dma_start3A_1359 : memref<2x128x128xf32, #tpu.memory_space<hbm>>) target_semaphore(%dma_start3A_1356 : memref<!tpu.dma_semaphore, #tpu.memory_space<semaphore_mem>>)
    %dma_wait3A_1365 = arith.constant 2 : i32
    %dma_wait3A_1366 = arith.constant 2 : i32
    %dma_wait3A_1367 = arith.constant 0 : i32
    %dma_wait3A_1368 = arith.constant 0 : i32
    %dma_wait3A_1369 = arith.constant 0 : i32
    %dma_wait3A_1370 = tpu.memref_slice %arg6[%dma_wait3A_1365, %dma_wait3A_1367, %dma_wait3A_1368, %dma_wait3A_1369] : memref<3x2x128x128xf32, #tpu.memory_space<vmem>> -> memref<1x2x128x128xf32, #tpu.memory_space<vmem>>
    %dma_wait3A_1371 = tpu.memref_squeeze %dma_wait3A_1370 : memref<1x2x128x128xf32, #tpu.memory_space<vmem>> -> memref<2x128x128xf32, #tpu.memory_space<vmem>>
    %dma_wait3A_1372 = arith.constant 0 : i32
    %dma_wait3A_1373 = arith.constant 0 : i32
    %dma_wait3A_1374 = tpu.memref_slice %arg4[%dma_wait3A_1372, %mul3A_2, %dma_wait3A_1373] : memref<50x4096x128xf32, #tpu.memory_space<hbm>> -> memref<2x128x128xf32, #tpu.memory_space<hbm>>
    %dma_wait3A_1375 = tpu.memref_slice %arg8[%dma_wait3A_1366] : memref<3x!tpu.dma_semaphore, #tpu.memory_space<semaphore_mem>> -> memref<1x!tpu.dma_semaphore, #tpu.memory_space<semaphore_mem>>
    %dma_wait3A_1376 = tpu.memref_squeeze %dma_wait3A_1375 : memref<1x!tpu.dma_semaphore, #tpu.memory_space<semaphore_mem>> -> memref<!tpu.dma_semaphore, #tpu.memory_space<semaphore_mem>>
    %dma_wait3A_1377 = arith.constant 0 : i32
    %dma_wait3A_1378 = arith.constant 0 : i32
    %dma_wait3A_1379 = tpu.memref_slice %arg4[%dma_wait3A_1377, %mul3A_2, %dma_wait3A_1378] : memref<50x4096x128xf32, #tpu.memory_space<hbm>> -> memref<2x128x128xf32, #tpu.memory_space<hbm>>
    %dma_wait3A_1380 = arith.constant 0 : i32
    %dma_wait3A_1381 = arith.constant 0 : i32
    %dma_wait3A_1382 = arith.constant 0 : i32
    %dma_wait3A_1383 = tpu.memref_slice %arg6[%dma_wait3A_1365, %dma_wait3A_1380, %dma_wait3A_1381, %dma_wait3A_1382] : memref<3x2x128x128xf32, #tpu.memory_space<vmem>> -> memref<1x2x128x128xf32, #tpu.memory_space<vmem>>
    %dma_wait3A_1384 = tpu.memref_squeeze %dma_wait3A_1383 : memref<1x2x128x128xf32, #tpu.memory_space<vmem>> -> memref<2x128x128xf32, #tpu.memory_space<vmem>>
    tpu.wait_dma2 semaphore(%dma_wait3A_1376 : memref<!tpu.dma_semaphore, #tpu.memory_space<semaphore_mem>>) src(%dma_wait3A_1384 : memref<2x128x128xf32, #tpu.memory_space<vmem>>) dst(%dma_wait3A_1379 : memref<2x128x128xf32, #tpu.memory_space<hbm>>)
    %dma_start3A_1385 = arith.constant 34 : i32
    %dma_start3A_1386 = arith.constant 2 : i32
    %dma_start3A_1387 = arith.constant 0 : i32
    %dma_start3A_1388 = arith.constant 2 : i32
    %dma_start3A_1389 = arith.constant 0 : i32
    %dma_start3A_1390 = arith.constant 0 : i32
    %dma_start3A_1391 = tpu.memref_slice %arg6[%dma_start3A_1386, %dma_start3A_1387, %dma_start3A_1389, %dma_start3A_1390] : memref<3x2x128x128xf32, #tpu.memory_space<vmem>> -> memref<1x1x128x128xf32, #tpu.memory_space<vmem>>
    %dma_start3A_1392 = tpu.memref_squeeze %dma_start3A_1391 : memref<1x1x128x128xf32, #tpu.memory_space<vmem>> -> memref<128x128xf32, #tpu.memory_space<vmem>>
    %dma_start3A_1393 = arith.constant 0 : i32
    %dma_start3A_1394 = tpu.memref_slice %arg5[%dma_start3A_1385, %dma_start3A_1393] : memref<50x128xi32, #tpu.memory_space<vmem>> -> memref<1x128xi32, #tpu.memory_space<vmem>>
    %dma_start3A_1395 = tpu.memref_squeeze %dma_start3A_1394 : memref<1x128xi32, #tpu.memory_space<vmem>> -> memref<128xi32, #tpu.memory_space<vmem>>
    %dma_start3A_1396 = arith.constant 0 : i32
    %dma_start3A_1397 = arith.constant 0 : i32
    %dma_start3A_1398 = tpu.memref_slice %arg2[%dma_start3A_1396, %dma_start3A_1397] : memref<100000x128xf32, #tpu.memory_space<hbm>> -> memref<100000x128xf32, #tpu.memory_space<hbm>>
    %dma_start3A_1399 = tpu.memref_slice %arg7[%dma_start3A_1388] : memref<3x!tpu.dma_semaphore, #tpu.memory_space<semaphore_mem>> -> memref<1x!tpu.dma_semaphore, #tpu.memory_space<semaphore_mem>>
    %dma_start3A_1400 = tpu.memref_squeeze %dma_start3A_1399 : memref<1x!tpu.dma_semaphore, #tpu.memory_space<semaphore_mem>> -> memref<!tpu.dma_semaphore, #tpu.memory_space<semaphore_mem>>
    tpu.enqueue_indirect_dma source(%dma_start3A_1398 : memref<100000x128xf32, #tpu.memory_space<hbm>>) target(%dma_start3A_1392 : memref<128x128xf32, #tpu.memory_space<vmem>>) offsets(%dma_start3A_1395 : memref<128xi32, #tpu.memory_space<vmem>>) semaphore(%dma_start3A_1400 : memref<!tpu.dma_semaphore, #tpu.memory_space<semaphore_mem>>)
    %dma_start3A_1401 = arith.constant 35 : i32
    %dma_start3A_1402 = arith.constant 2 : i32
    %dma_start3A_1403 = arith.constant 1 : i32
    %dma_start3A_1404 = arith.constant 2 : i32
    %dma_start3A_1405 = arith.constant 0 : i32
    %dma_start3A_1406 = arith.constant 0 : i32
    %dma_start3A_1407 = tpu.memref_slice %arg6[%dma_start3A_1402, %dma_start3A_1403, %dma_start3A_1405, %dma_start3A_1406] : memref<3x2x128x128xf32, #tpu.memory_space<vmem>> -> memref<1x1x128x128xf32, #tpu.memory_space<vmem>>
    %dma_start3A_1408 = tpu.memref_squeeze %dma_start3A_1407 : memref<1x1x128x128xf32, #tpu.memory_space<vmem>> -> memref<128x128xf32, #tpu.memory_space<vmem>>
    %dma_start3A_1409 = arith.constant 0 : i32
    %dma_start3A_1410 = tpu.memref_slice %arg5[%dma_start3A_1401, %dma_start3A_1409] : memref<50x128xi32, #tpu.memory_space<vmem>> -> memref<1x128xi32, #tpu.memory_space<vmem>>
    %dma_start3A_1411 = tpu.memref_squeeze %dma_start3A_1410 : memref<1x128xi32, #tpu.memory_space<vmem>> -> memref<128xi32, #tpu.memory_space<vmem>>
    %dma_start3A_1412 = arith.constant 0 : i32
    %dma_start3A_1413 = arith.constant 0 : i32
    %dma_start3A_1414 = tpu.memref_slice %arg2[%dma_start3A_1412, %dma_start3A_1413] : memref<100000x128xf32, #tpu.memory_space<hbm>> -> memref<100000x128xf32, #tpu.memory_space<hbm>>
    %dma_start3A_1415 = tpu.memref_slice %arg7[%dma_start3A_1404] : memref<3x!tpu.dma_semaphore, #tpu.memory_space<semaphore_mem>> -> memref<1x!tpu.dma_semaphore, #tpu.memory_space<semaphore_mem>>
    %dma_start3A_1416 = tpu.memref_squeeze %dma_start3A_1415 : memref<1x!tpu.dma_semaphore, #tpu.memory_space<semaphore_mem>> -> memref<!tpu.dma_semaphore, #tpu.memory_space<semaphore_mem>>
    tpu.enqueue_indirect_dma source(%dma_start3A_1414 : memref<100000x128xf32, #tpu.memory_space<hbm>>) target(%dma_start3A_1408 : memref<128x128xf32, #tpu.memory_space<vmem>>) offsets(%dma_start3A_1411 : memref<128xi32, #tpu.memory_space<vmem>>) semaphore(%dma_start3A_1416 : memref<!tpu.dma_semaphore, #tpu.memory_space<semaphore_mem>>)
    %dma_wait3A_1417 = arith.constant 0 : i32
    %dma_wait3A_1418 = arith.constant 0 : i32
    %dma_wait3A_1419 = arith.constant 0 : i32
    %dma_wait3A_1420 = arith.constant 0 : i32
    %dma_wait3A_1421 = arith.constant 0 : i32
    %dma_wait3A_1422 = arith.constant 0 : i32
    %dma_wait3A_1423 = tpu.memref_slice %arg6[%dma_wait3A_1418, %dma_wait3A_1420, %dma_wait3A_1421, %dma_wait3A_1422] : memref<3x2x128x128xf32, #tpu.memory_space<vmem>> -> memref<1x2x128x128xf32, #tpu.memory_space<vmem>>
    %dma_wait3A_1424 = tpu.memref_squeeze %dma_wait3A_1423 : memref<1x2x128x128xf32, #tpu.memory_space<vmem>> -> memref<2x128x128xf32, #tpu.memory_space<vmem>>
    %dma_wait3A_1425 = arith.constant 0 : i32
    %dma_wait3A_1426 = tpu.memref_slice %arg5[%dma_wait3A_1417, %dma_wait3A_1425] : memref<50x128xi32, #tpu.memory_space<vmem>> -> memref<1x128xi32, #tpu.memory_space<vmem>>
    %dma_wait3A_1427 = tpu.memref_squeeze %dma_wait3A_1426 : memref<1x128xi32, #tpu.memory_space<vmem>> -> memref<128xi32, #tpu.memory_space<vmem>>
    %dma_wait3A_1428 = arith.constant 0 : i32
    %dma_wait3A_1429 = arith.constant 0 : i32
    %dma_wait3A_1430 = tpu.memref_slice %arg2[%dma_wait3A_1428, %dma_wait3A_1429] : memref<100000x128xf32, #tpu.memory_space<hbm>> -> memref<100000x128xf32, #tpu.memory_space<hbm>>
    %dma_wait3A_1431 = tpu.memref_slice %arg7[%dma_wait3A_1419] : memref<3x!tpu.dma_semaphore, #tpu.memory_space<semaphore_mem>> -> memref<1x!tpu.dma_semaphore, #tpu.memory_space<semaphore_mem>>
    %dma_wait3A_1432 = tpu.memref_squeeze %dma_wait3A_1431 : memref<1x!tpu.dma_semaphore, #tpu.memory_space<semaphore_mem>> -> memref<!tpu.dma_semaphore, #tpu.memory_space<semaphore_mem>>
    tpu.wait_indirect_dma semaphore(%dma_wait3A_1432 : memref<!tpu.dma_semaphore, #tpu.memory_space<semaphore_mem>>) src(%dma_wait3A_1430 : memref<100000x128xf32, #tpu.memory_space<hbm>>) dst(%dma_wait3A_1424 : memref<2x128x128xf32, #tpu.memory_space<vmem>>)
    %dma_start3A_1433 = arith.constant 0 : i32
    %dma_start3A_1434 = arith.constant 0 : i32
    %dma_start3A_1435 = arith.constant 0 : i32
    %dma_start3A_1436 = arith.constant 0 : i32
    %dma_start3A_1437 = arith.constant 0 : i32
    %dma_start3A_1438 = tpu.memref_slice %arg6[%dma_start3A_1433, %dma_start3A_1435, %dma_start3A_1436, %dma_start3A_1437] : memref<3x2x128x128xf32, #tpu.memory_space<vmem>> -> memref<1x2x128x128xf32, #tpu.memory_space<vmem>>
    %dma_start3A_1439 = tpu.memref_squeeze %dma_start3A_1438 : memref<1x2x128x128xf32, #tpu.memory_space<vmem>> -> memref<2x128x128xf32, #tpu.memory_space<vmem>>
    %dma_start3A_1440 = arith.constant 30 : i32
    %dma_start3A_1441 = arith.constant 0 : i32
    %dma_start3A_1442 = tpu.memref_slice %arg4[%dma_start3A_1440, %mul3A_2, %dma_start3A_1441] : memref<50x4096x128xf32, #tpu.memory_space<hbm>> -> memref<2x128x128xf32, #tpu.memory_space<hbm>>
    %dma_start3A_1443 = tpu.memref_slice %arg8[%dma_start3A_1434] : memref<3x!tpu.dma_semaphore, #tpu.memory_space<semaphore_mem>> -> memref<1x!tpu.dma_semaphore, #tpu.memory_space<semaphore_mem>>
    %dma_start3A_1444 = tpu.memref_squeeze %dma_start3A_1443 : memref<1x!tpu.dma_semaphore, #tpu.memory_space<semaphore_mem>> -> memref<!tpu.dma_semaphore, #tpu.memory_space<semaphore_mem>>
    %dma_start3A_1445 = arith.constant 30 : i32
    %dma_start3A_1446 = arith.constant 0 : i32
    %dma_start3A_1447 = tpu.memref_slice %arg4[%dma_start3A_1445, %mul3A_2, %dma_start3A_1446] : memref<50x4096x128xf32, #tpu.memory_space<hbm>> -> memref<2x128x128xf32, #tpu.memory_space<hbm>>
    %dma_start3A_1448 = arith.constant 0 : i32
    %dma_start3A_1449 = arith.constant 0 : i32
    %dma_start3A_1450 = arith.constant 0 : i32
    %dma_start3A_1451 = tpu.memref_slice %arg6[%dma_start3A_1433, %dma_start3A_1448, %dma_start3A_1449, %dma_start3A_1450] : memref<3x2x128x128xf32, #tpu.memory_space<vmem>> -> memref<1x2x128x128xf32, #tpu.memory_space<vmem>>
    %dma_start3A_1452 = tpu.memref_squeeze %dma_start3A_1451 : memref<1x2x128x128xf32, #tpu.memory_space<vmem>> -> memref<2x128x128xf32, #tpu.memory_space<vmem>>
    tpu.enqueue_dma source(%dma_start3A_1452 : memref<2x128x128xf32, #tpu.memory_space<vmem>>) target(%dma_start3A_1447 : memref<2x128x128xf32, #tpu.memory_space<hbm>>) target_semaphore(%dma_start3A_1444 : memref<!tpu.dma_semaphore, #tpu.memory_space<semaphore_mem>>)
    %dma_wait3A_1453 = arith.constant 0 : i32
    %dma_wait3A_1454 = arith.constant 0 : i32
    %dma_wait3A_1455 = arith.constant 0 : i32
    %dma_wait3A_1456 = arith.constant 0 : i32
    %dma_wait3A_1457 = arith.constant 0 : i32
    %dma_wait3A_1458 = tpu.memref_slice %arg6[%dma_wait3A_1453, %dma_wait3A_1455, %dma_wait3A_1456, %dma_wait3A_1457] : memref<3x2x128x128xf32, #tpu.memory_space<vmem>> -> memref<1x2x128x128xf32, #tpu.memory_space<vmem>>
    %dma_wait3A_1459 = tpu.memref_squeeze %dma_wait3A_1458 : memref<1x2x128x128xf32, #tpu.memory_space<vmem>> -> memref<2x128x128xf32, #tpu.memory_space<vmem>>
    %dma_wait3A_1460 = arith.constant 0 : i32
    %dma_wait3A_1461 = arith.constant 0 : i32
    %dma_wait3A_1462 = tpu.memref_slice %arg4[%dma_wait3A_1460, %mul3A_2, %dma_wait3A_1461] : memref<50x4096x128xf32, #tpu.memory_space<hbm>> -> memref<2x128x128xf32, #tpu.memory_space<hbm>>
    %dma_wait3A_1463 = tpu.memref_slice %arg8[%dma_wait3A_1454] : memref<3x!tpu.dma_semaphore, #tpu.memory_space<semaphore_mem>> -> memref<1x!tpu.dma_semaphore, #tpu.memory_space<semaphore_mem>>
    %dma_wait3A_1464 = tpu.memref_squeeze %dma_wait3A_1463 : memref<1x!tpu.dma_semaphore, #tpu.memory_space<semaphore_mem>> -> memref<!tpu.dma_semaphore, #tpu.memory_space<semaphore_mem>>
    %dma_wait3A_1465 = arith.constant 0 : i32
    %dma_wait3A_1466 = arith.constant 0 : i32
    %dma_wait3A_1467 = tpu.memref_slice %arg4[%dma_wait3A_1465, %mul3A_2, %dma_wait3A_1466] : memref<50x4096x128xf32, #tpu.memory_space<hbm>> -> memref<2x128x128xf32, #tpu.memory_space<hbm>>
    %dma_wait3A_1468 = arith.constant 0 : i32
    %dma_wait3A_1469 = arith.constant 0 : i32
    %dma_wait3A_1470 = arith.constant 0 : i32
    %dma_wait3A_1471 = tpu.memref_slice %arg6[%dma_wait3A_1453, %dma_wait3A_1468, %dma_wait3A_1469, %dma_wait3A_1470] : memref<3x2x128x128xf32, #tpu.memory_space<vmem>> -> memref<1x2x128x128xf32, #tpu.memory_space<vmem>>
    %dma_wait3A_1472 = tpu.memref_squeeze %dma_wait3A_1471 : memref<1x2x128x128xf32, #tpu.memory_space<vmem>> -> memref<2x128x128xf32, #tpu.memory_space<vmem>>
    tpu.wait_dma2 semaphore(%dma_wait3A_1464 : memref<!tpu.dma_semaphore, #tpu.memory_space<semaphore_mem>>) src(%dma_wait3A_1472 : memref<2x128x128xf32, #tpu.memory_space<vmem>>) dst(%dma_wait3A_1467 : memref<2x128x128xf32, #tpu.memory_space<hbm>>)
    %dma_start3A_1473 = arith.constant 36 : i32
    %dma_start3A_1474 = arith.constant 0 : i32
    %dma_start3A_1475 = arith.constant 0 : i32
    %dma_start3A_1476 = arith.constant 0 : i32
    %dma_start3A_1477 = arith.constant 0 : i32
    %dma_start3A_1478 = arith.constant 0 : i32
    %dma_start3A_1479 = tpu.memref_slice %arg6[%dma_start3A_1474, %dma_start3A_1475, %dma_start3A_1477, %dma_start3A_1478] : memref<3x2x128x128xf32, #tpu.memory_space<vmem>> -> memref<1x1x128x128xf32, #tpu.memory_space<vmem>>
    %dma_start3A_1480 = tpu.memref_squeeze %dma_start3A_1479 : memref<1x1x128x128xf32, #tpu.memory_space<vmem>> -> memref<128x128xf32, #tpu.memory_space<vmem>>
    %dma_start3A_1481 = arith.constant 0 : i32
    %dma_start3A_1482 = tpu.memref_slice %arg5[%dma_start3A_1473, %dma_start3A_1481] : memref<50x128xi32, #tpu.memory_space<vmem>> -> memref<1x128xi32, #tpu.memory_space<vmem>>
    %dma_start3A_1483 = tpu.memref_squeeze %dma_start3A_1482 : memref<1x128xi32, #tpu.memory_space<vmem>> -> memref<128xi32, #tpu.memory_space<vmem>>
    %dma_start3A_1484 = arith.constant 0 : i32
    %dma_start3A_1485 = arith.constant 0 : i32
    %dma_start3A_1486 = tpu.memref_slice %arg2[%dma_start3A_1484, %dma_start3A_1485] : memref<100000x128xf32, #tpu.memory_space<hbm>> -> memref<100000x128xf32, #tpu.memory_space<hbm>>
    %dma_start3A_1487 = tpu.memref_slice %arg7[%dma_start3A_1476] : memref<3x!tpu.dma_semaphore, #tpu.memory_space<semaphore_mem>> -> memref<1x!tpu.dma_semaphore, #tpu.memory_space<semaphore_mem>>
    %dma_start3A_1488 = tpu.memref_squeeze %dma_start3A_1487 : memref<1x!tpu.dma_semaphore, #tpu.memory_space<semaphore_mem>> -> memref<!tpu.dma_semaphore, #tpu.memory_space<semaphore_mem>>
    tpu.enqueue_indirect_dma source(%dma_start3A_1486 : memref<100000x128xf32, #tpu.memory_space<hbm>>) target(%dma_start3A_1480 : memref<128x128xf32, #tpu.memory_space<vmem>>) offsets(%dma_start3A_1483 : memref<128xi32, #tpu.memory_space<vmem>>) semaphore(%dma_start3A_1488 : memref<!tpu.dma_semaphore, #tpu.memory_space<semaphore_mem>>)
    %dma_start3A_1489 = arith.constant 37 : i32
    %dma_start3A_1490 = arith.constant 0 : i32
    %dma_start3A_1491 = arith.constant 1 : i32
    %dma_start3A_1492 = arith.constant 0 : i32
    %dma_start3A_1493 = arith.constant 0 : i32
    %dma_start3A_1494 = arith.constant 0 : i32
    %dma_start3A_1495 = tpu.memref_slice %arg6[%dma_start3A_1490, %dma_start3A_1491, %dma_start3A_1493, %dma_start3A_1494] : memref<3x2x128x128xf32, #tpu.memory_space<vmem>> -> memref<1x1x128x128xf32, #tpu.memory_space<vmem>>
    %dma_start3A_1496 = tpu.memref_squeeze %dma_start3A_1495 : memref<1x1x128x128xf32, #tpu.memory_space<vmem>> -> memref<128x128xf32, #tpu.memory_space<vmem>>
    %dma_start3A_1497 = arith.constant 0 : i32
    %dma_start3A_1498 = tpu.memref_slice %arg5[%dma_start3A_1489, %dma_start3A_1497] : memref<50x128xi32, #tpu.memory_space<vmem>> -> memref<1x128xi32, #tpu.memory_space<vmem>>
    %dma_start3A_1499 = tpu.memref_squeeze %dma_start3A_1498 : memref<1x128xi32, #tpu.memory_space<vmem>> -> memref<128xi32, #tpu.memory_space<vmem>>
    %dma_start3A_1500 = arith.constant 0 : i32
    %dma_start3A_1501 = arith.constant 0 : i32
    %dma_start3A_1502 = tpu.memref_slice %arg2[%dma_start3A_1500, %dma_start3A_1501] : memref<100000x128xf32, #tpu.memory_space<hbm>> -> memref<100000x128xf32, #tpu.memory_space<hbm>>
    %dma_start3A_1503 = tpu.memref_slice %arg7[%dma_start3A_1492] : memref<3x!tpu.dma_semaphore, #tpu.memory_space<semaphore_mem>> -> memref<1x!tpu.dma_semaphore, #tpu.memory_space<semaphore_mem>>
    %dma_start3A_1504 = tpu.memref_squeeze %dma_start3A_1503 : memref<1x!tpu.dma_semaphore, #tpu.memory_space<semaphore_mem>> -> memref<!tpu.dma_semaphore, #tpu.memory_space<semaphore_mem>>
    tpu.enqueue_indirect_dma source(%dma_start3A_1502 : memref<100000x128xf32, #tpu.memory_space<hbm>>) target(%dma_start3A_1496 : memref<128x128xf32, #tpu.memory_space<vmem>>) offsets(%dma_start3A_1499 : memref<128xi32, #tpu.memory_space<vmem>>) semaphore(%dma_start3A_1504 : memref<!tpu.dma_semaphore, #tpu.memory_space<semaphore_mem>>)
    %dma_wait3A_1505 = arith.constant 0 : i32
    %dma_wait3A_1506 = arith.constant 1 : i32
    %dma_wait3A_1507 = arith.constant 1 : i32
    %dma_wait3A_1508 = arith.constant 0 : i32
    %dma_wait3A_1509 = arith.constant 0 : i32
    %dma_wait3A_1510 = arith.constant 0 : i32
    %dma_wait3A_1511 = tpu.memref_slice %arg6[%dma_wait3A_1506, %dma_wait3A_1508, %dma_wait3A_1509, %dma_wait3A_1510] : memref<3x2x128x128xf32, #tpu.memory_space<vmem>> -> memref<1x2x128x128xf32, #tpu.memory_space<vmem>>
    %dma_wait3A_1512 = tpu.memref_squeeze %dma_wait3A_1511 : memref<1x2x128x128xf32, #tpu.memory_space<vmem>> -> memref<2x128x128xf32, #tpu.memory_space<vmem>>
    %dma_wait3A_1513 = arith.constant 0 : i32
    %dma_wait3A_1514 = tpu.memref_slice %arg5[%dma_wait3A_1505, %dma_wait3A_1513] : memref<50x128xi32, #tpu.memory_space<vmem>> -> memref<1x128xi32, #tpu.memory_space<vmem>>
    %dma_wait3A_1515 = tpu.memref_squeeze %dma_wait3A_1514 : memref<1x128xi32, #tpu.memory_space<vmem>> -> memref<128xi32, #tpu.memory_space<vmem>>
    %dma_wait3A_1516 = arith.constant 0 : i32
    %dma_wait3A_1517 = arith.constant 0 : i32
    %dma_wait3A_1518 = tpu.memref_slice %arg2[%dma_wait3A_1516, %dma_wait3A_1517] : memref<100000x128xf32, #tpu.memory_space<hbm>> -> memref<100000x128xf32, #tpu.memory_space<hbm>>
    %dma_wait3A_1519 = tpu.memref_slice %arg7[%dma_wait3A_1507] : memref<3x!tpu.dma_semaphore, #tpu.memory_space<semaphore_mem>> -> memref<1x!tpu.dma_semaphore, #tpu.memory_space<semaphore_mem>>
    %dma_wait3A_1520 = tpu.memref_squeeze %dma_wait3A_1519 : memref<1x!tpu.dma_semaphore, #tpu.memory_space<semaphore_mem>> -> memref<!tpu.dma_semaphore, #tpu.memory_space<semaphore_mem>>
    tpu.wait_indirect_dma semaphore(%dma_wait3A_1520 : memref<!tpu.dma_semaphore, #tpu.memory_space<semaphore_mem>>) src(%dma_wait3A_1518 : memref<100000x128xf32, #tpu.memory_space<hbm>>) dst(%dma_wait3A_1512 : memref<2x128x128xf32, #tpu.memory_space<vmem>>)
    %dma_start3A_1521 = arith.constant 1 : i32
    %dma_start3A_1522 = arith.constant 1 : i32
    %dma_start3A_1523 = arith.constant 0 : i32
    %dma_start3A_1524 = arith.constant 0 : i32
    %dma_start3A_1525 = arith.constant 0 : i32
    %dma_start3A_1526 = tpu.memref_slice %arg6[%dma_start3A_1521, %dma_start3A_1523, %dma_start3A_1524, %dma_start3A_1525] : memref<3x2x128x128xf32, #tpu.memory_space<vmem>> -> memref<1x2x128x128xf32, #tpu.memory_space<vmem>>
    %dma_start3A_1527 = tpu.memref_squeeze %dma_start3A_1526 : memref<1x2x128x128xf32, #tpu.memory_space<vmem>> -> memref<2x128x128xf32, #tpu.memory_space<vmem>>
    %dma_start3A_1528 = arith.constant 32 : i32
    %dma_start3A_1529 = arith.constant 0 : i32
    %dma_start3A_1530 = tpu.memref_slice %arg4[%dma_start3A_1528, %mul3A_2, %dma_start3A_1529] : memref<50x4096x128xf32, #tpu.memory_space<hbm>> -> memref<2x128x128xf32, #tpu.memory_space<hbm>>
    %dma_start3A_1531 = tpu.memref_slice %arg8[%dma_start3A_1522] : memref<3x!tpu.dma_semaphore, #tpu.memory_space<semaphore_mem>> -> memref<1x!tpu.dma_semaphore, #tpu.memory_space<semaphore_mem>>
    %dma_start3A_1532 = tpu.memref_squeeze %dma_start3A_1531 : memref<1x!tpu.dma_semaphore, #tpu.memory_space<semaphore_mem>> -> memref<!tpu.dma_semaphore, #tpu.memory_space<semaphore_mem>>
    %dma_start3A_1533 = arith.constant 32 : i32
    %dma_start3A_1534 = arith.constant 0 : i32
    %dma_start3A_1535 = tpu.memref_slice %arg4[%dma_start3A_1533, %mul3A_2, %dma_start3A_1534] : memref<50x4096x128xf32, #tpu.memory_space<hbm>> -> memref<2x128x128xf32, #tpu.memory_space<hbm>>
    %dma_start3A_1536 = arith.constant 0 : i32
    %dma_start3A_1537 = arith.constant 0 : i32
    %dma_start3A_1538 = arith.constant 0 : i32
    %dma_start3A_1539 = tpu.memref_slice %arg6[%dma_start3A_1521, %dma_start3A_1536, %dma_start3A_1537, %dma_start3A_1538] : memref<3x2x128x128xf32, #tpu.memory_space<vmem>> -> memref<1x2x128x128xf32, #tpu.memory_space<vmem>>
    %dma_start3A_1540 = tpu.memref_squeeze %dma_start3A_1539 : memref<1x2x128x128xf32, #tpu.memory_space<vmem>> -> memref<2x128x128xf32, #tpu.memory_space<vmem>>
    tpu.enqueue_dma source(%dma_start3A_1540 : memref<2x128x128xf32, #tpu.memory_space<vmem>>) target(%dma_start3A_1535 : memref<2x128x128xf32, #tpu.memory_space<hbm>>) target_semaphore(%dma_start3A_1532 : memref<!tpu.dma_semaphore, #tpu.memory_space<semaphore_mem>>)
    %dma_wait3A_1541 = arith.constant 1 : i32
    %dma_wait3A_1542 = arith.constant 1 : i32
    %dma_wait3A_1543 = arith.constant 0 : i32
    %dma_wait3A_1544 = arith.constant 0 : i32
    %dma_wait3A_1545 = arith.constant 0 : i32
    %dma_wait3A_1546 = tpu.memref_slice %arg6[%dma_wait3A_1541, %dma_wait3A_1543, %dma_wait3A_1544, %dma_wait3A_1545] : memref<3x2x128x128xf32, #tpu.memory_space<vmem>> -> memref<1x2x128x128xf32, #tpu.memory_space<vmem>>
    %dma_wait3A_1547 = tpu.memref_squeeze %dma_wait3A_1546 : memref<1x2x128x128xf32, #tpu.memory_space<vmem>> -> memref<2x128x128xf32, #tpu.memory_space<vmem>>
    %dma_wait3A_1548 = arith.constant 0 : i32
    %dma_wait3A_1549 = arith.constant 0 : i32
    %dma_wait3A_1550 = tpu.memref_slice %arg4[%dma_wait3A_1548, %mul3A_2, %dma_wait3A_1549] : memref<50x4096x128xf32, #tpu.memory_space<hbm>> -> memref<2x128x128xf32, #tpu.memory_space<hbm>>
    %dma_wait3A_1551 = tpu.memref_slice %arg8[%dma_wait3A_1542] : memref<3x!tpu.dma_semaphore, #tpu.memory_space<semaphore_mem>> -> memref<1x!tpu.dma_semaphore, #tpu.memory_space<semaphore_mem>>
    %dma_wait3A_1552 = tpu.memref_squeeze %dma_wait3A_1551 : memref<1x!tpu.dma_semaphore, #tpu.memory_space<semaphore_mem>> -> memref<!tpu.dma_semaphore, #tpu.memory_space<semaphore_mem>>
    %dma_wait3A_1553 = arith.constant 0 : i32
    %dma_wait3A_1554 = arith.constant 0 : i32
    %dma_wait3A_1555 = tpu.memref_slice %arg4[%dma_wait3A_1553, %mul3A_2, %dma_wait3A_1554] : memref<50x4096x128xf32, #tpu.memory_space<hbm>> -> memref<2x128x128xf32, #tpu.memory_space<hbm>>
    %dma_wait3A_1556 = arith.constant 0 : i32
    %dma_wait3A_1557 = arith.constant 0 : i32
    %dma_wait3A_1558 = arith.constant 0 : i32
    %dma_wait3A_1559 = tpu.memref_slice %arg6[%dma_wait3A_1541, %dma_wait3A_1556, %dma_wait3A_1557, %dma_wait3A_1558] : memref<3x2x128x128xf32, #tpu.memory_space<vmem>> -> memref<1x2x128x128xf32, #tpu.memory_space<vmem>>
    %dma_wait3A_1560 = tpu.memref_squeeze %dma_wait3A_1559 : memref<1x2x128x128xf32, #tpu.memory_space<vmem>> -> memref<2x128x128xf32, #tpu.memory_space<vmem>>
    tpu.wait_dma2 semaphore(%dma_wait3A_1552 : memref<!tpu.dma_semaphore, #tpu.memory_space<semaphore_mem>>) src(%dma_wait3A_1560 : memref<2x128x128xf32, #tpu.memory_space<vmem>>) dst(%dma_wait3A_1555 : memref<2x128x128xf32, #tpu.memory_space<hbm>>)
    %dma_start3A_1561 = arith.constant 38 : i32
    %dma_start3A_1562 = arith.constant 1 : i32
    %dma_start3A_1563 = arith.constant 0 : i32
    %dma_start3A_1564 = arith.constant 1 : i32
    %dma_start3A_1565 = arith.constant 0 : i32
    %dma_start3A_1566 = arith.constant 0 : i32
    %dma_start3A_1567 = tpu.memref_slice %arg6[%dma_start3A_1562, %dma_start3A_1563, %dma_start3A_1565, %dma_start3A_1566] : memref<3x2x128x128xf32, #tpu.memory_space<vmem>> -> memref<1x1x128x128xf32, #tpu.memory_space<vmem>>
    %dma_start3A_1568 = tpu.memref_squeeze %dma_start3A_1567 : memref<1x1x128x128xf32, #tpu.memory_space<vmem>> -> memref<128x128xf32, #tpu.memory_space<vmem>>
    %dma_start3A_1569 = arith.constant 0 : i32
    %dma_start3A_1570 = tpu.memref_slice %arg5[%dma_start3A_1561, %dma_start3A_1569] : memref<50x128xi32, #tpu.memory_space<vmem>> -> memref<1x128xi32, #tpu.memory_space<vmem>>
    %dma_start3A_1571 = tpu.memref_squeeze %dma_start3A_1570 : memref<1x128xi32, #tpu.memory_space<vmem>> -> memref<128xi32, #tpu.memory_space<vmem>>
    %dma_start3A_1572 = arith.constant 0 : i32
    %dma_start3A_1573 = arith.constant 0 : i32
    %dma_start3A_1574 = tpu.memref_slice %arg2[%dma_start3A_1572, %dma_start3A_1573] : memref<100000x128xf32, #tpu.memory_space<hbm>> -> memref<100000x128xf32, #tpu.memory_space<hbm>>
    %dma_start3A_1575 = tpu.memref_slice %arg7[%dma_start3A_1564] : memref<3x!tpu.dma_semaphore, #tpu.memory_space<semaphore_mem>> -> memref<1x!tpu.dma_semaphore, #tpu.memory_space<semaphore_mem>>
    %dma_start3A_1576 = tpu.memref_squeeze %dma_start3A_1575 : memref<1x!tpu.dma_semaphore, #tpu.memory_space<semaphore_mem>> -> memref<!tpu.dma_semaphore, #tpu.memory_space<semaphore_mem>>
    tpu.enqueue_indirect_dma source(%dma_start3A_1574 : memref<100000x128xf32, #tpu.memory_space<hbm>>) target(%dma_start3A_1568 : memref<128x128xf32, #tpu.memory_space<vmem>>) offsets(%dma_start3A_1571 : memref<128xi32, #tpu.memory_space<vmem>>) semaphore(%dma_start3A_1576 : memref<!tpu.dma_semaphore, #tpu.memory_space<semaphore_mem>>)
    %dma_start3A_1577 = arith.constant 39 : i32
    %dma_start3A_1578 = arith.constant 1 : i32
    %dma_start3A_1579 = arith.constant 1 : i32
    %dma_start3A_1580 = arith.constant 1 : i32
    %dma_start3A_1581 = arith.constant 0 : i32
    %dma_start3A_1582 = arith.constant 0 : i32
    %dma_start3A_1583 = tpu.memref_slice %arg6[%dma_start3A_1578, %dma_start3A_1579, %dma_start3A_1581, %dma_start3A_1582] : memref<3x2x128x128xf32, #tpu.memory_space<vmem>> -> memref<1x1x128x128xf32, #tpu.memory_space<vmem>>
    %dma_start3A_1584 = tpu.memref_squeeze %dma_start3A_1583 : memref<1x1x128x128xf32, #tpu.memory_space<vmem>> -> memref<128x128xf32, #tpu.memory_space<vmem>>
    %dma_start3A_1585 = arith.constant 0 : i32
    %dma_start3A_1586 = tpu.memref_slice %arg5[%dma_start3A_1577, %dma_start3A_1585] : memref<50x128xi32, #tpu.memory_space<vmem>> -> memref<1x128xi32, #tpu.memory_space<vmem>>
    %dma_start3A_1587 = tpu.memref_squeeze %dma_start3A_1586 : memref<1x128xi32, #tpu.memory_space<vmem>> -> memref<128xi32, #tpu.memory_space<vmem>>
    %dma_start3A_1588 = arith.constant 0 : i32
    %dma_start3A_1589 = arith.constant 0 : i32
    %dma_start3A_1590 = tpu.memref_slice %arg2[%dma_start3A_1588, %dma_start3A_1589] : memref<100000x128xf32, #tpu.memory_space<hbm>> -> memref<100000x128xf32, #tpu.memory_space<hbm>>
    %dma_start3A_1591 = tpu.memref_slice %arg7[%dma_start3A_1580] : memref<3x!tpu.dma_semaphore, #tpu.memory_space<semaphore_mem>> -> memref<1x!tpu.dma_semaphore, #tpu.memory_space<semaphore_mem>>
    %dma_start3A_1592 = tpu.memref_squeeze %dma_start3A_1591 : memref<1x!tpu.dma_semaphore, #tpu.memory_space<semaphore_mem>> -> memref<!tpu.dma_semaphore, #tpu.memory_space<semaphore_mem>>
    tpu.enqueue_indirect_dma source(%dma_start3A_1590 : memref<100000x128xf32, #tpu.memory_space<hbm>>) target(%dma_start3A_1584 : memref<128x128xf32, #tpu.memory_space<vmem>>) offsets(%dma_start3A_1587 : memref<128xi32, #tpu.memory_space<vmem>>) semaphore(%dma_start3A_1592 : memref<!tpu.dma_semaphore, #tpu.memory_space<semaphore_mem>>)
    %dma_wait3A_1593 = arith.constant 0 : i32
    %dma_wait3A_1594 = arith.constant 2 : i32
    %dma_wait3A_1595 = arith.constant 2 : i32
    %dma_wait3A_1596 = arith.constant 0 : i32
    %dma_wait3A_1597 = arith.constant 0 : i32
    %dma_wait3A_1598 = arith.constant 0 : i32
    %dma_wait3A_1599 = tpu.memref_slice %arg6[%dma_wait3A_1594, %dma_wait3A_1596, %dma_wait3A_1597, %dma_wait3A_1598] : memref<3x2x128x128xf32, #tpu.memory_space<vmem>> -> memref<1x2x128x128xf32, #tpu.memory_space<vmem>>
    %dma_wait3A_1600 = tpu.memref_squeeze %dma_wait3A_1599 : memref<1x2x128x128xf32, #tpu.memory_space<vmem>> -> memref<2x128x128xf32, #tpu.memory_space<vmem>>
    %dma_wait3A_1601 = arith.constant 0 : i32
    %dma_wait3A_1602 = tpu.memref_slice %arg5[%dma_wait3A_1593, %dma_wait3A_1601] : memref<50x128xi32, #tpu.memory_space<vmem>> -> memref<1x128xi32, #tpu.memory_space<vmem>>
    %dma_wait3A_1603 = tpu.memref_squeeze %dma_wait3A_1602 : memref<1x128xi32, #tpu.memory_space<vmem>> -> memref<128xi32, #tpu.memory_space<vmem>>
    %dma_wait3A_1604 = arith.constant 0 : i32
    %dma_wait3A_1605 = arith.constant 0 : i32
    %dma_wait3A_1606 = tpu.memref_slice %arg2[%dma_wait3A_1604, %dma_wait3A_1605] : memref<100000x128xf32, #tpu.memory_space<hbm>> -> memref<100000x128xf32, #tpu.memory_space<hbm>>
    %dma_wait3A_1607 = tpu.memref_slice %arg7[%dma_wait3A_1595] : memref<3x!tpu.dma_semaphore, #tpu.memory_space<semaphore_mem>> -> memref<1x!tpu.dma_semaphore, #tpu.memory_space<semaphore_mem>>
    %dma_wait3A_1608 = tpu.memref_squeeze %dma_wait3A_1607 : memref<1x!tpu.dma_semaphore, #tpu.memory_space<semaphore_mem>> -> memref<!tpu.dma_semaphore, #tpu.memory_space<semaphore_mem>>
    tpu.wait_indirect_dma semaphore(%dma_wait3A_1608 : memref<!tpu.dma_semaphore, #tpu.memory_space<semaphore_mem>>) src(%dma_wait3A_1606 : memref<100000x128xf32, #tpu.memory_space<hbm>>) dst(%dma_wait3A_1600 : memref<2x128x128xf32, #tpu.memory_space<vmem>>)
    %dma_start3A_1609 = arith.constant 2 : i32
    %dma_start3A_1610 = arith.constant 2 : i32
    %dma_start3A_1611 = arith.constant 0 : i32
    %dma_start3A_1612 = arith.constant 0 : i32
    %dma_start3A_1613 = arith.constant 0 : i32
    %dma_start3A_1614 = tpu.memref_slice %arg6[%dma_start3A_1609, %dma_start3A_1611, %dma_start3A_1612, %dma_start3A_1613] : memref<3x2x128x128xf32, #tpu.memory_space<vmem>> -> memref<1x2x128x128xf32, #tpu.memory_space<vmem>>
    %dma_start3A_1615 = tpu.memref_squeeze %dma_start3A_1614 : memref<1x2x128x128xf32, #tpu.memory_space<vmem>> -> memref<2x128x128xf32, #tpu.memory_space<vmem>>
    %dma_start3A_1616 = arith.constant 34 : i32
    %dma_start3A_1617 = arith.constant 0 : i32
    %dma_start3A_1618 = tpu.memref_slice %arg4[%dma_start3A_1616, %mul3A_2, %dma_start3A_1617] : memref<50x4096x128xf32, #tpu.memory_space<hbm>> -> memref<2x128x128xf32, #tpu.memory_space<hbm>>
    %dma_start3A_1619 = tpu.memref_slice %arg8[%dma_start3A_1610] : memref<3x!tpu.dma_semaphore, #tpu.memory_space<semaphore_mem>> -> memref<1x!tpu.dma_semaphore, #tpu.memory_space<semaphore_mem>>
    %dma_start3A_1620 = tpu.memref_squeeze %dma_start3A_1619 : memref<1x!tpu.dma_semaphore, #tpu.memory_space<semaphore_mem>> -> memref<!tpu.dma_semaphore, #tpu.memory_space<semaphore_mem>>
    %dma_start3A_1621 = arith.constant 34 : i32
    %dma_start3A_1622 = arith.constant 0 : i32
    %dma_start3A_1623 = tpu.memref_slice %arg4[%dma_start3A_1621, %mul3A_2, %dma_start3A_1622] : memref<50x4096x128xf32, #tpu.memory_space<hbm>> -> memref<2x128x128xf32, #tpu.memory_space<hbm>>
    %dma_start3A_1624 = arith.constant 0 : i32
    %dma_start3A_1625 = arith.constant 0 : i32
    %dma_start3A_1626 = arith.constant 0 : i32
    %dma_start3A_1627 = tpu.memref_slice %arg6[%dma_start3A_1609, %dma_start3A_1624, %dma_start3A_1625, %dma_start3A_1626] : memref<3x2x128x128xf32, #tpu.memory_space<vmem>> -> memref<1x2x128x128xf32, #tpu.memory_space<vmem>>
    %dma_start3A_1628 = tpu.memref_squeeze %dma_start3A_1627 : memref<1x2x128x128xf32, #tpu.memory_space<vmem>> -> memref<2x128x128xf32, #tpu.memory_space<vmem>>
    tpu.enqueue_dma source(%dma_start3A_1628 : memref<2x128x128xf32, #tpu.memory_space<vmem>>) target(%dma_start3A_1623 : memref<2x128x128xf32, #tpu.memory_space<hbm>>) target_semaphore(%dma_start3A_1620 : memref<!tpu.dma_semaphore, #tpu.memory_space<semaphore_mem>>)
    %dma_wait3A_1629 = arith.constant 2 : i32
    %dma_wait3A_1630 = arith.constant 2 : i32
    %dma_wait3A_1631 = arith.constant 0 : i32
    %dma_wait3A_1632 = arith.constant 0 : i32
    %dma_wait3A_1633 = arith.constant 0 : i32
    %dma_wait3A_1634 = tpu.memref_slice %arg6[%dma_wait3A_1629, %dma_wait3A_1631, %dma_wait3A_1632, %dma_wait3A_1633] : memref<3x2x128x128xf32, #tpu.memory_space<vmem>> -> memref<1x2x128x128xf32, #tpu.memory_space<vmem>>
    %dma_wait3A_1635 = tpu.memref_squeeze %dma_wait3A_1634 : memref<1x2x128x128xf32, #tpu.memory_space<vmem>> -> memref<2x128x128xf32, #tpu.memory_space<vmem>>
    %dma_wait3A_1636 = arith.constant 0 : i32
    %dma_wait3A_1637 = arith.constant 0 : i32
    %dma_wait3A_1638 = tpu.memref_slice %arg4[%dma_wait3A_1636, %mul3A_2, %dma_wait3A_1637] : memref<50x4096x128xf32, #tpu.memory_space<hbm>> -> memref<2x128x128xf32, #tpu.memory_space<hbm>>
    %dma_wait3A_1639 = tpu.memref_slice %arg8[%dma_wait3A_1630] : memref<3x!tpu.dma_semaphore, #tpu.memory_space<semaphore_mem>> -> memref<1x!tpu.dma_semaphore, #tpu.memory_space<semaphore_mem>>
    %dma_wait3A_1640 = tpu.memref_squeeze %dma_wait3A_1639 : memref<1x!tpu.dma_semaphore, #tpu.memory_space<semaphore_mem>> -> memref<!tpu.dma_semaphore, #tpu.memory_space<semaphore_mem>>
    %dma_wait3A_1641 = arith.constant 0 : i32
    %dma_wait3A_1642 = arith.constant 0 : i32
    %dma_wait3A_1643 = tpu.memref_slice %arg4[%dma_wait3A_1641, %mul3A_2, %dma_wait3A_1642] : memref<50x4096x128xf32, #tpu.memory_space<hbm>> -> memref<2x128x128xf32, #tpu.memory_space<hbm>>
    %dma_wait3A_1644 = arith.constant 0 : i32
    %dma_wait3A_1645 = arith.constant 0 : i32
    %dma_wait3A_1646 = arith.constant 0 : i32
    %dma_wait3A_1647 = tpu.memref_slice %arg6[%dma_wait3A_1629, %dma_wait3A_1644, %dma_wait3A_1645, %dma_wait3A_1646] : memref<3x2x128x128xf32, #tpu.memory_space<vmem>> -> memref<1x2x128x128xf32, #tpu.memory_space<vmem>>
    %dma_wait3A_1648 = tpu.memref_squeeze %dma_wait3A_1647 : memref<1x2x128x128xf32, #tpu.memory_space<vmem>> -> memref<2x128x128xf32, #tpu.memory_space<vmem>>
    tpu.wait_dma2 semaphore(%dma_wait3A_1640 : memref<!tpu.dma_semaphore, #tpu.memory_space<semaphore_mem>>) src(%dma_wait3A_1648 : memref<2x128x128xf32, #tpu.memory_space<vmem>>) dst(%dma_wait3A_1643 : memref<2x128x128xf32, #tpu.memory_space<hbm>>)
    %dma_start3A_1649 = arith.constant 40 : i32
    %dma_start3A_1650 = arith.constant 2 : i32
    %dma_start3A_1651 = arith.constant 0 : i32
    %dma_start3A_1652 = arith.constant 2 : i32
    %dma_start3A_1653 = arith.constant 0 : i32
    %dma_start3A_1654 = arith.constant 0 : i32
    %dma_start3A_1655 = tpu.memref_slice %arg6[%dma_start3A_1650, %dma_start3A_1651, %dma_start3A_1653, %dma_start3A_1654] : memref<3x2x128x128xf32, #tpu.memory_space<vmem>> -> memref<1x1x128x128xf32, #tpu.memory_space<vmem>>
    %dma_start3A_1656 = tpu.memref_squeeze %dma_start3A_1655 : memref<1x1x128x128xf32, #tpu.memory_space<vmem>> -> memref<128x128xf32, #tpu.memory_space<vmem>>
    %dma_start3A_1657 = arith.constant 0 : i32
    %dma_start3A_1658 = tpu.memref_slice %arg5[%dma_start3A_1649, %dma_start3A_1657] : memref<50x128xi32, #tpu.memory_space<vmem>> -> memref<1x128xi32, #tpu.memory_space<vmem>>
    %dma_start3A_1659 = tpu.memref_squeeze %dma_start3A_1658 : memref<1x128xi32, #tpu.memory_space<vmem>> -> memref<128xi32, #tpu.memory_space<vmem>>
    %dma_start3A_1660 = arith.constant 0 : i32
    %dma_start3A_1661 = arith.constant 0 : i32
    %dma_start3A_1662 = tpu.memref_slice %arg2[%dma_start3A_1660, %dma_start3A_1661] : memref<100000x128xf32, #tpu.memory_space<hbm>> -> memref<100000x128xf32, #tpu.memory_space<hbm>>
    %dma_start3A_1663 = tpu.memref_slice %arg7[%dma_start3A_1652] : memref<3x!tpu.dma_semaphore, #tpu.memory_space<semaphore_mem>> -> memref<1x!tpu.dma_semaphore, #tpu.memory_space<semaphore_mem>>
    %dma_start3A_1664 = tpu.memref_squeeze %dma_start3A_1663 : memref<1x!tpu.dma_semaphore, #tpu.memory_space<semaphore_mem>> -> memref<!tpu.dma_semaphore, #tpu.memory_space<semaphore_mem>>
    tpu.enqueue_indirect_dma source(%dma_start3A_1662 : memref<100000x128xf32, #tpu.memory_space<hbm>>) target(%dma_start3A_1656 : memref<128x128xf32, #tpu.memory_space<vmem>>) offsets(%dma_start3A_1659 : memref<128xi32, #tpu.memory_space<vmem>>) semaphore(%dma_start3A_1664 : memref<!tpu.dma_semaphore, #tpu.memory_space<semaphore_mem>>)
    %dma_start3A_1665 = arith.constant 41 : i32
    %dma_start3A_1666 = arith.constant 2 : i32
    %dma_start3A_1667 = arith.constant 1 : i32
    %dma_start3A_1668 = arith.constant 2 : i32
    %dma_start3A_1669 = arith.constant 0 : i32
    %dma_start3A_1670 = arith.constant 0 : i32
    %dma_start3A_1671 = tpu.memref_slice %arg6[%dma_start3A_1666, %dma_start3A_1667, %dma_start3A_1669, %dma_start3A_1670] : memref<3x2x128x128xf32, #tpu.memory_space<vmem>> -> memref<1x1x128x128xf32, #tpu.memory_space<vmem>>
    %dma_start3A_1672 = tpu.memref_squeeze %dma_start3A_1671 : memref<1x1x128x128xf32, #tpu.memory_space<vmem>> -> memref<128x128xf32, #tpu.memory_space<vmem>>
    %dma_start3A_1673 = arith.constant 0 : i32
    %dma_start3A_1674 = tpu.memref_slice %arg5[%dma_start3A_1665, %dma_start3A_1673] : memref<50x128xi32, #tpu.memory_space<vmem>> -> memref<1x128xi32, #tpu.memory_space<vmem>>
    %dma_start3A_1675 = tpu.memref_squeeze %dma_start3A_1674 : memref<1x128xi32, #tpu.memory_space<vmem>> -> memref<128xi32, #tpu.memory_space<vmem>>
    %dma_start3A_1676 = arith.constant 0 : i32
    %dma_start3A_1677 = arith.constant 0 : i32
    %dma_start3A_1678 = tpu.memref_slice %arg2[%dma_start3A_1676, %dma_start3A_1677] : memref<100000x128xf32, #tpu.memory_space<hbm>> -> memref<100000x128xf32, #tpu.memory_space<hbm>>
    %dma_start3A_1679 = tpu.memref_slice %arg7[%dma_start3A_1668] : memref<3x!tpu.dma_semaphore, #tpu.memory_space<semaphore_mem>> -> memref<1x!tpu.dma_semaphore, #tpu.memory_space<semaphore_mem>>
    %dma_start3A_1680 = tpu.memref_squeeze %dma_start3A_1679 : memref<1x!tpu.dma_semaphore, #tpu.memory_space<semaphore_mem>> -> memref<!tpu.dma_semaphore, #tpu.memory_space<semaphore_mem>>
    tpu.enqueue_indirect_dma source(%dma_start3A_1678 : memref<100000x128xf32, #tpu.memory_space<hbm>>) target(%dma_start3A_1672 : memref<128x128xf32, #tpu.memory_space<vmem>>) offsets(%dma_start3A_1675 : memref<128xi32, #tpu.memory_space<vmem>>) semaphore(%dma_start3A_1680 : memref<!tpu.dma_semaphore, #tpu.memory_space<semaphore_mem>>)
    %dma_wait3A_1681 = arith.constant 0 : i32
    %dma_wait3A_1682 = arith.constant 0 : i32
    %dma_wait3A_1683 = arith.constant 0 : i32
    %dma_wait3A_1684 = arith.constant 0 : i32
    %dma_wait3A_1685 = arith.constant 0 : i32
    %dma_wait3A_1686 = arith.constant 0 : i32
    %dma_wait3A_1687 = tpu.memref_slice %arg6[%dma_wait3A_1682, %dma_wait3A_1684, %dma_wait3A_1685, %dma_wait3A_1686] : memref<3x2x128x128xf32, #tpu.memory_space<vmem>> -> memref<1x2x128x128xf32, #tpu.memory_space<vmem>>
    %dma_wait3A_1688 = tpu.memref_squeeze %dma_wait3A_1687 : memref<1x2x128x128xf32, #tpu.memory_space<vmem>> -> memref<2x128x128xf32, #tpu.memory_space<vmem>>
    %dma_wait3A_1689 = arith.constant 0 : i32
    %dma_wait3A_1690 = tpu.memref_slice %arg5[%dma_wait3A_1681, %dma_wait3A_1689] : memref<50x128xi32, #tpu.memory_space<vmem>> -> memref<1x128xi32, #tpu.memory_space<vmem>>
    %dma_wait3A_1691 = tpu.memref_squeeze %dma_wait3A_1690 : memref<1x128xi32, #tpu.memory_space<vmem>> -> memref<128xi32, #tpu.memory_space<vmem>>
    %dma_wait3A_1692 = arith.constant 0 : i32
    %dma_wait3A_1693 = arith.constant 0 : i32
    %dma_wait3A_1694 = tpu.memref_slice %arg2[%dma_wait3A_1692, %dma_wait3A_1693] : memref<100000x128xf32, #tpu.memory_space<hbm>> -> memref<100000x128xf32, #tpu.memory_space<hbm>>
    %dma_wait3A_1695 = tpu.memref_slice %arg7[%dma_wait3A_1683] : memref<3x!tpu.dma_semaphore, #tpu.memory_space<semaphore_mem>> -> memref<1x!tpu.dma_semaphore, #tpu.memory_space<semaphore_mem>>
    %dma_wait3A_1696 = tpu.memref_squeeze %dma_wait3A_1695 : memref<1x!tpu.dma_semaphore, #tpu.memory_space<semaphore_mem>> -> memref<!tpu.dma_semaphore, #tpu.memory_space<semaphore_mem>>
    tpu.wait_indirect_dma semaphore(%dma_wait3A_1696 : memref<!tpu.dma_semaphore, #tpu.memory_space<semaphore_mem>>) src(%dma_wait3A_1694 : memref<100000x128xf32, #tpu.memory_space<hbm>>) dst(%dma_wait3A_1688 : memref<2x128x128xf32, #tpu.memory_space<vmem>>)
    %dma_start3A_1697 = arith.constant 0 : i32
    %dma_start3A_1698 = arith.constant 0 : i32
    %dma_start3A_1699 = arith.constant 0 : i32
    %dma_start3A_1700 = arith.constant 0 : i32
    %dma_start3A_1701 = arith.constant 0 : i32
    %dma_start3A_1702 = tpu.memref_slice %arg6[%dma_start3A_1697, %dma_start3A_1699, %dma_start3A_1700, %dma_start3A_1701] : memref<3x2x128x128xf32, #tpu.memory_space<vmem>> -> memref<1x2x128x128xf32, #tpu.memory_space<vmem>>
    %dma_start3A_1703 = tpu.memref_squeeze %dma_start3A_1702 : memref<1x2x128x128xf32, #tpu.memory_space<vmem>> -> memref<2x128x128xf32, #tpu.memory_space<vmem>>
    %dma_start3A_1704 = arith.constant 36 : i32
    %dma_start3A_1705 = arith.constant 0 : i32
    %dma_start3A_1706 = tpu.memref_slice %arg4[%dma_start3A_1704, %mul3A_2, %dma_start3A_1705] : memref<50x4096x128xf32, #tpu.memory_space<hbm>> -> memref<2x128x128xf32, #tpu.memory_space<hbm>>
    %dma_start3A_1707 = tpu.memref_slice %arg8[%dma_start3A_1698] : memref<3x!tpu.dma_semaphore, #tpu.memory_space<semaphore_mem>> -> memref<1x!tpu.dma_semaphore, #tpu.memory_space<semaphore_mem>>
    %dma_start3A_1708 = tpu.memref_squeeze %dma_start3A_1707 : memref<1x!tpu.dma_semaphore, #tpu.memory_space<semaphore_mem>> -> memref<!tpu.dma_semaphore, #tpu.memory_space<semaphore_mem>>
    %dma_start3A_1709 = arith.constant 36 : i32
    %dma_start3A_1710 = arith.constant 0 : i32
    %dma_start3A_1711 = tpu.memref_slice %arg4[%dma_start3A_1709, %mul3A_2, %dma_start3A_1710] : memref<50x4096x128xf32, #tpu.memory_space<hbm>> -> memref<2x128x128xf32, #tpu.memory_space<hbm>>
    %dma_start3A_1712 = arith.constant 0 : i32
    %dma_start3A_1713 = arith.constant 0 : i32
    %dma_start3A_1714 = arith.constant 0 : i32
    %dma_start3A_1715 = tpu.memref_slice %arg6[%dma_start3A_1697, %dma_start3A_1712, %dma_start3A_1713, %dma_start3A_1714] : memref<3x2x128x128xf32, #tpu.memory_space<vmem>> -> memref<1x2x128x128xf32, #tpu.memory_space<vmem>>
    %dma_start3A_1716 = tpu.memref_squeeze %dma_start3A_1715 : memref<1x2x128x128xf32, #tpu.memory_space<vmem>> -> memref<2x128x128xf32, #tpu.memory_space<vmem>>
    tpu.enqueue_dma source(%dma_start3A_1716 : memref<2x128x128xf32, #tpu.memory_space<vmem>>) target(%dma_start3A_1711 : memref<2x128x128xf32, #tpu.memory_space<hbm>>) target_semaphore(%dma_start3A_1708 : memref<!tpu.dma_semaphore, #tpu.memory_space<semaphore_mem>>)
    %dma_wait3A_1717 = arith.constant 0 : i32
    %dma_wait3A_1718 = arith.constant 0 : i32
    %dma_wait3A_1719 = arith.constant 0 : i32
    %dma_wait3A_1720 = arith.constant 0 : i32
    %dma_wait3A_1721 = arith.constant 0 : i32
    %dma_wait3A_1722 = tpu.memref_slice %arg6[%dma_wait3A_1717, %dma_wait3A_1719, %dma_wait3A_1720, %dma_wait3A_1721] : memref<3x2x128x128xf32, #tpu.memory_space<vmem>> -> memref<1x2x128x128xf32, #tpu.memory_space<vmem>>
    %dma_wait3A_1723 = tpu.memref_squeeze %dma_wait3A_1722 : memref<1x2x128x128xf32, #tpu.memory_space<vmem>> -> memref<2x128x128xf32, #tpu.memory_space<vmem>>
    %dma_wait3A_1724 = arith.constant 0 : i32
    %dma_wait3A_1725 = arith.constant 0 : i32
    %dma_wait3A_1726 = tpu.memref_slice %arg4[%dma_wait3A_1724, %mul3A_2, %dma_wait3A_1725] : memref<50x4096x128xf32, #tpu.memory_space<hbm>> -> memref<2x128x128xf32, #tpu.memory_space<hbm>>
    %dma_wait3A_1727 = tpu.memref_slice %arg8[%dma_wait3A_1718] : memref<3x!tpu.dma_semaphore, #tpu.memory_space<semaphore_mem>> -> memref<1x!tpu.dma_semaphore, #tpu.memory_space<semaphore_mem>>
    %dma_wait3A_1728 = tpu.memref_squeeze %dma_wait3A_1727 : memref<1x!tpu.dma_semaphore, #tpu.memory_space<semaphore_mem>> -> memref<!tpu.dma_semaphore, #tpu.memory_space<semaphore_mem>>
    %dma_wait3A_1729 = arith.constant 0 : i32
    %dma_wait3A_1730 = arith.constant 0 : i32
    %dma_wait3A_1731 = tpu.memref_slice %arg4[%dma_wait3A_1729, %mul3A_2, %dma_wait3A_1730] : memref<50x4096x128xf32, #tpu.memory_space<hbm>> -> memref<2x128x128xf32, #tpu.memory_space<hbm>>
    %dma_wait3A_1732 = arith.constant 0 : i32
    %dma_wait3A_1733 = arith.constant 0 : i32
    %dma_wait3A_1734 = arith.constant 0 : i32
    %dma_wait3A_1735 = tpu.memref_slice %arg6[%dma_wait3A_1717, %dma_wait3A_1732, %dma_wait3A_1733, %dma_wait3A_1734] : memref<3x2x128x128xf32, #tpu.memory_space<vmem>> -> memref<1x2x128x128xf32, #tpu.memory_space<vmem>>
    %dma_wait3A_1736 = tpu.memref_squeeze %dma_wait3A_1735 : memref<1x2x128x128xf32, #tpu.memory_space<vmem>> -> memref<2x128x128xf32, #tpu.memory_space<vmem>>
    tpu.wait_dma2 semaphore(%dma_wait3A_1728 : memref<!tpu.dma_semaphore, #tpu.memory_space<semaphore_mem>>) src(%dma_wait3A_1736 : memref<2x128x128xf32, #tpu.memory_space<vmem>>) dst(%dma_wait3A_1731 : memref<2x128x128xf32, #tpu.memory_space<hbm>>)
    %dma_start3A_1737 = arith.constant 42 : i32
    %dma_start3A_1738 = arith.constant 0 : i32
    %dma_start3A_1739 = arith.constant 0 : i32
    %dma_start3A_1740 = arith.constant 0 : i32
    %dma_start3A_1741 = arith.constant 0 : i32
    %dma_start3A_1742 = arith.constant 0 : i32
    %dma_start3A_1743 = tpu.memref_slice %arg6[%dma_start3A_1738, %dma_start3A_1739, %dma_start3A_1741, %dma_start3A_1742] : memref<3x2x128x128xf32, #tpu.memory_space<vmem>> -> memref<1x1x128x128xf32, #tpu.memory_space<vmem>>
    %dma_start3A_1744 = tpu.memref_squeeze %dma_start3A_1743 : memref<1x1x128x128xf32, #tpu.memory_space<vmem>> -> memref<128x128xf32, #tpu.memory_space<vmem>>
    %dma_start3A_1745 = arith.constant 0 : i32
    %dma_start3A_1746 = tpu.memref_slice %arg5[%dma_start3A_1737, %dma_start3A_1745] : memref<50x128xi32, #tpu.memory_space<vmem>> -> memref<1x128xi32, #tpu.memory_space<vmem>>
    %dma_start3A_1747 = tpu.memref_squeeze %dma_start3A_1746 : memref<1x128xi32, #tpu.memory_space<vmem>> -> memref<128xi32, #tpu.memory_space<vmem>>
    %dma_start3A_1748 = arith.constant 0 : i32
    %dma_start3A_1749 = arith.constant 0 : i32
    %dma_start3A_1750 = tpu.memref_slice %arg2[%dma_start3A_1748, %dma_start3A_1749] : memref<100000x128xf32, #tpu.memory_space<hbm>> -> memref<100000x128xf32, #tpu.memory_space<hbm>>
    %dma_start3A_1751 = tpu.memref_slice %arg7[%dma_start3A_1740] : memref<3x!tpu.dma_semaphore, #tpu.memory_space<semaphore_mem>> -> memref<1x!tpu.dma_semaphore, #tpu.memory_space<semaphore_mem>>
    %dma_start3A_1752 = tpu.memref_squeeze %dma_start3A_1751 : memref<1x!tpu.dma_semaphore, #tpu.memory_space<semaphore_mem>> -> memref<!tpu.dma_semaphore, #tpu.memory_space<semaphore_mem>>
    tpu.enqueue_indirect_dma source(%dma_start3A_1750 : memref<100000x128xf32, #tpu.memory_space<hbm>>) target(%dma_start3A_1744 : memref<128x128xf32, #tpu.memory_space<vmem>>) offsets(%dma_start3A_1747 : memref<128xi32, #tpu.memory_space<vmem>>) semaphore(%dma_start3A_1752 : memref<!tpu.dma_semaphore, #tpu.memory_space<semaphore_mem>>)
    %dma_start3A_1753 = arith.constant 43 : i32
    %dma_start3A_1754 = arith.constant 0 : i32
    %dma_start3A_1755 = arith.constant 1 : i32
    %dma_start3A_1756 = arith.constant 0 : i32
    %dma_start3A_1757 = arith.constant 0 : i32
    %dma_start3A_1758 = arith.constant 0 : i32
    %dma_start3A_1759 = tpu.memref_slice %arg6[%dma_start3A_1754, %dma_start3A_1755, %dma_start3A_1757, %dma_start3A_1758] : memref<3x2x128x128xf32, #tpu.memory_space<vmem>> -> memref<1x1x128x128xf32, #tpu.memory_space<vmem>>
    %dma_start3A_1760 = tpu.memref_squeeze %dma_start3A_1759 : memref<1x1x128x128xf32, #tpu.memory_space<vmem>> -> memref<128x128xf32, #tpu.memory_space<vmem>>
    %dma_start3A_1761 = arith.constant 0 : i32
    %dma_start3A_1762 = tpu.memref_slice %arg5[%dma_start3A_1753, %dma_start3A_1761] : memref<50x128xi32, #tpu.memory_space<vmem>> -> memref<1x128xi32, #tpu.memory_space<vmem>>
    %dma_start3A_1763 = tpu.memref_squeeze %dma_start3A_1762 : memref<1x128xi32, #tpu.memory_space<vmem>> -> memref<128xi32, #tpu.memory_space<vmem>>
    %dma_start3A_1764 = arith.constant 0 : i32
    %dma_start3A_1765 = arith.constant 0 : i32
    %dma_start3A_1766 = tpu.memref_slice %arg2[%dma_start3A_1764, %dma_start3A_1765] : memref<100000x128xf32, #tpu.memory_space<hbm>> -> memref<100000x128xf32, #tpu.memory_space<hbm>>
    %dma_start3A_1767 = tpu.memref_slice %arg7[%dma_start3A_1756] : memref<3x!tpu.dma_semaphore, #tpu.memory_space<semaphore_mem>> -> memref<1x!tpu.dma_semaphore, #tpu.memory_space<semaphore_mem>>
    %dma_start3A_1768 = tpu.memref_squeeze %dma_start3A_1767 : memref<1x!tpu.dma_semaphore, #tpu.memory_space<semaphore_mem>> -> memref<!tpu.dma_semaphore, #tpu.memory_space<semaphore_mem>>
    tpu.enqueue_indirect_dma source(%dma_start3A_1766 : memref<100000x128xf32, #tpu.memory_space<hbm>>) target(%dma_start3A_1760 : memref<128x128xf32, #tpu.memory_space<vmem>>) offsets(%dma_start3A_1763 : memref<128xi32, #tpu.memory_space<vmem>>) semaphore(%dma_start3A_1768 : memref<!tpu.dma_semaphore, #tpu.memory_space<semaphore_mem>>)
    %dma_wait3A_1769 = arith.constant 0 : i32
    %dma_wait3A_1770 = arith.constant 1 : i32
    %dma_wait3A_1771 = arith.constant 1 : i32
    %dma_wait3A_1772 = arith.constant 0 : i32
    %dma_wait3A_1773 = arith.constant 0 : i32
    %dma_wait3A_1774 = arith.constant 0 : i32
    %dma_wait3A_1775 = tpu.memref_slice %arg6[%dma_wait3A_1770, %dma_wait3A_1772, %dma_wait3A_1773, %dma_wait3A_1774] : memref<3x2x128x128xf32, #tpu.memory_space<vmem>> -> memref<1x2x128x128xf32, #tpu.memory_space<vmem>>
    %dma_wait3A_1776 = tpu.memref_squeeze %dma_wait3A_1775 : memref<1x2x128x128xf32, #tpu.memory_space<vmem>> -> memref<2x128x128xf32, #tpu.memory_space<vmem>>
    %dma_wait3A_1777 = arith.constant 0 : i32
    %dma_wait3A_1778 = tpu.memref_slice %arg5[%dma_wait3A_1769, %dma_wait3A_1777] : memref<50x128xi32, #tpu.memory_space<vmem>> -> memref<1x128xi32, #tpu.memory_space<vmem>>
    %dma_wait3A_1779 = tpu.memref_squeeze %dma_wait3A_1778 : memref<1x128xi32, #tpu.memory_space<vmem>> -> memref<128xi32, #tpu.memory_space<vmem>>
    %dma_wait3A_1780 = arith.constant 0 : i32
    %dma_wait3A_1781 = arith.constant 0 : i32
    %dma_wait3A_1782 = tpu.memref_slice %arg2[%dma_wait3A_1780, %dma_wait3A_1781] : memref<100000x128xf32, #tpu.memory_space<hbm>> -> memref<100000x128xf32, #tpu.memory_space<hbm>>
    %dma_wait3A_1783 = tpu.memref_slice %arg7[%dma_wait3A_1771] : memref<3x!tpu.dma_semaphore, #tpu.memory_space<semaphore_mem>> -> memref<1x!tpu.dma_semaphore, #tpu.memory_space<semaphore_mem>>
    %dma_wait3A_1784 = tpu.memref_squeeze %dma_wait3A_1783 : memref<1x!tpu.dma_semaphore, #tpu.memory_space<semaphore_mem>> -> memref<!tpu.dma_semaphore, #tpu.memory_space<semaphore_mem>>
    tpu.wait_indirect_dma semaphore(%dma_wait3A_1784 : memref<!tpu.dma_semaphore, #tpu.memory_space<semaphore_mem>>) src(%dma_wait3A_1782 : memref<100000x128xf32, #tpu.memory_space<hbm>>) dst(%dma_wait3A_1776 : memref<2x128x128xf32, #tpu.memory_space<vmem>>)
    %dma_start3A_1785 = arith.constant 1 : i32
    %dma_start3A_1786 = arith.constant 1 : i32
    %dma_start3A_1787 = arith.constant 0 : i32
    %dma_start3A_1788 = arith.constant 0 : i32
    %dma_start3A_1789 = arith.constant 0 : i32
    %dma_start3A_1790 = tpu.memref_slice %arg6[%dma_start3A_1785, %dma_start3A_1787, %dma_start3A_1788, %dma_start3A_1789] : memref<3x2x128x128xf32, #tpu.memory_space<vmem>> -> memref<1x2x128x128xf32, #tpu.memory_space<vmem>>
    %dma_start3A_1791 = tpu.memref_squeeze %dma_start3A_1790 : memref<1x2x128x128xf32, #tpu.memory_space<vmem>> -> memref<2x128x128xf32, #tpu.memory_space<vmem>>
    %dma_start3A_1792 = arith.constant 38 : i32
    %dma_start3A_1793 = arith.constant 0 : i32
    %dma_start3A_1794 = tpu.memref_slice %arg4[%dma_start3A_1792, %mul3A_2, %dma_start3A_1793] : memref<50x4096x128xf32, #tpu.memory_space<hbm>> -> memref<2x128x128xf32, #tpu.memory_space<hbm>>
    %dma_start3A_1795 = tpu.memref_slice %arg8[%dma_start3A_1786] : memref<3x!tpu.dma_semaphore, #tpu.memory_space<semaphore_mem>> -> memref<1x!tpu.dma_semaphore, #tpu.memory_space<semaphore_mem>>
    %dma_start3A_1796 = tpu.memref_squeeze %dma_start3A_1795 : memref<1x!tpu.dma_semaphore, #tpu.memory_space<semaphore_mem>> -> memref<!tpu.dma_semaphore, #tpu.memory_space<semaphore_mem>>
    %dma_start3A_1797 = arith.constant 38 : i32
    %dma_start3A_1798 = arith.constant 0 : i32
    %dma_start3A_1799 = tpu.memref_slice %arg4[%dma_start3A_1797, %mul3A_2, %dma_start3A_1798] : memref<50x4096x128xf32, #tpu.memory_space<hbm>> -> memref<2x128x128xf32, #tpu.memory_space<hbm>>
    %dma_start3A_1800 = arith.constant 0 : i32
    %dma_start3A_1801 = arith.constant 0 : i32
    %dma_start3A_1802 = arith.constant 0 : i32
    %dma_start3A_1803 = tpu.memref_slice %arg6[%dma_start3A_1785, %dma_start3A_1800, %dma_start3A_1801, %dma_start3A_1802] : memref<3x2x128x128xf32, #tpu.memory_space<vmem>> -> memref<1x2x128x128xf32, #tpu.memory_space<vmem>>
    %dma_start3A_1804 = tpu.memref_squeeze %dma_start3A_1803 : memref<1x2x128x128xf32, #tpu.memory_space<vmem>> -> memref<2x128x128xf32, #tpu.memory_space<vmem>>
    tpu.enqueue_dma source(%dma_start3A_1804 : memref<2x128x128xf32, #tpu.memory_space<vmem>>) target(%dma_start3A_1799 : memref<2x128x128xf32, #tpu.memory_space<hbm>>) target_semaphore(%dma_start3A_1796 : memref<!tpu.dma_semaphore, #tpu.memory_space<semaphore_mem>>)
    %dma_wait3A_1805 = arith.constant 1 : i32
    %dma_wait3A_1806 = arith.constant 1 : i32
    %dma_wait3A_1807 = arith.constant 0 : i32
    %dma_wait3A_1808 = arith.constant 0 : i32
    %dma_wait3A_1809 = arith.constant 0 : i32
    %dma_wait3A_1810 = tpu.memref_slice %arg6[%dma_wait3A_1805, %dma_wait3A_1807, %dma_wait3A_1808, %dma_wait3A_1809] : memref<3x2x128x128xf32, #tpu.memory_space<vmem>> -> memref<1x2x128x128xf32, #tpu.memory_space<vmem>>
    %dma_wait3A_1811 = tpu.memref_squeeze %dma_wait3A_1810 : memref<1x2x128x128xf32, #tpu.memory_space<vmem>> -> memref<2x128x128xf32, #tpu.memory_space<vmem>>
    %dma_wait3A_1812 = arith.constant 0 : i32
    %dma_wait3A_1813 = arith.constant 0 : i32
    %dma_wait3A_1814 = tpu.memref_slice %arg4[%dma_wait3A_1812, %mul3A_2, %dma_wait3A_1813] : memref<50x4096x128xf32, #tpu.memory_space<hbm>> -> memref<2x128x128xf32, #tpu.memory_space<hbm>>
    %dma_wait3A_1815 = tpu.memref_slice %arg8[%dma_wait3A_1806] : memref<3x!tpu.dma_semaphore, #tpu.memory_space<semaphore_mem>> -> memref<1x!tpu.dma_semaphore, #tpu.memory_space<semaphore_mem>>
    %dma_wait3A_1816 = tpu.memref_squeeze %dma_wait3A_1815 : memref<1x!tpu.dma_semaphore, #tpu.memory_space<semaphore_mem>> -> memref<!tpu.dma_semaphore, #tpu.memory_space<semaphore_mem>>
    %dma_wait3A_1817 = arith.constant 0 : i32
    %dma_wait3A_1818 = arith.constant 0 : i32
    %dma_wait3A_1819 = tpu.memref_slice %arg4[%dma_wait3A_1817, %mul3A_2, %dma_wait3A_1818] : memref<50x4096x128xf32, #tpu.memory_space<hbm>> -> memref<2x128x128xf32, #tpu.memory_space<hbm>>
    %dma_wait3A_1820 = arith.constant 0 : i32
    %dma_wait3A_1821 = arith.constant 0 : i32
    %dma_wait3A_1822 = arith.constant 0 : i32
    %dma_wait3A_1823 = tpu.memref_slice %arg6[%dma_wait3A_1805, %dma_wait3A_1820, %dma_wait3A_1821, %dma_wait3A_1822] : memref<3x2x128x128xf32, #tpu.memory_space<vmem>> -> memref<1x2x128x128xf32, #tpu.memory_space<vmem>>
    %dma_wait3A_1824 = tpu.memref_squeeze %dma_wait3A_1823 : memref<1x2x128x128xf32, #tpu.memory_space<vmem>> -> memref<2x128x128xf32, #tpu.memory_space<vmem>>
    tpu.wait_dma2 semaphore(%dma_wait3A_1816 : memref<!tpu.dma_semaphore, #tpu.memory_space<semaphore_mem>>) src(%dma_wait3A_1824 : memref<2x128x128xf32, #tpu.memory_space<vmem>>) dst(%dma_wait3A_1819 : memref<2x128x128xf32, #tpu.memory_space<hbm>>)
    %dma_start3A_1825 = arith.constant 44 : i32
    %dma_start3A_1826 = arith.constant 1 : i32
    %dma_start3A_1827 = arith.constant 0 : i32
    %dma_start3A_1828 = arith.constant 1 : i32
    %dma_start3A_1829 = arith.constant 0 : i32
    %dma_start3A_1830 = arith.constant 0 : i32
    %dma_start3A_1831 = tpu.memref_slice %arg6[%dma_start3A_1826, %dma_start3A_1827, %dma_start3A_1829, %dma_start3A_1830] : memref<3x2x128x128xf32, #tpu.memory_space<vmem>> -> memref<1x1x128x128xf32, #tpu.memory_space<vmem>>
    %dma_start3A_1832 = tpu.memref_squeeze %dma_start3A_1831 : memref<1x1x128x128xf32, #tpu.memory_space<vmem>> -> memref<128x128xf32, #tpu.memory_space<vmem>>
    %dma_start3A_1833 = arith.constant 0 : i32
    %dma_start3A_1834 = tpu.memref_slice %arg5[%dma_start3A_1825, %dma_start3A_1833] : memref<50x128xi32, #tpu.memory_space<vmem>> -> memref<1x128xi32, #tpu.memory_space<vmem>>
    %dma_start3A_1835 = tpu.memref_squeeze %dma_start3A_1834 : memref<1x128xi32, #tpu.memory_space<vmem>> -> memref<128xi32, #tpu.memory_space<vmem>>
    %dma_start3A_1836 = arith.constant 0 : i32
    %dma_start3A_1837 = arith.constant 0 : i32
    %dma_start3A_1838 = tpu.memref_slice %arg2[%dma_start3A_1836, %dma_start3A_1837] : memref<100000x128xf32, #tpu.memory_space<hbm>> -> memref<100000x128xf32, #tpu.memory_space<hbm>>
    %dma_start3A_1839 = tpu.memref_slice %arg7[%dma_start3A_1828] : memref<3x!tpu.dma_semaphore, #tpu.memory_space<semaphore_mem>> -> memref<1x!tpu.dma_semaphore, #tpu.memory_space<semaphore_mem>>
    %dma_start3A_1840 = tpu.memref_squeeze %dma_start3A_1839 : memref<1x!tpu.dma_semaphore, #tpu.memory_space<semaphore_mem>> -> memref<!tpu.dma_semaphore, #tpu.memory_space<semaphore_mem>>
    tpu.enqueue_indirect_dma source(%dma_start3A_1838 : memref<100000x128xf32, #tpu.memory_space<hbm>>) target(%dma_start3A_1832 : memref<128x128xf32, #tpu.memory_space<vmem>>) offsets(%dma_start3A_1835 : memref<128xi32, #tpu.memory_space<vmem>>) semaphore(%dma_start3A_1840 : memref<!tpu.dma_semaphore, #tpu.memory_space<semaphore_mem>>)
    %dma_start3A_1841 = arith.constant 45 : i32
    %dma_start3A_1842 = arith.constant 1 : i32
    %dma_start3A_1843 = arith.constant 1 : i32
    %dma_start3A_1844 = arith.constant 1 : i32
    %dma_start3A_1845 = arith.constant 0 : i32
    %dma_start3A_1846 = arith.constant 0 : i32
    %dma_start3A_1847 = tpu.memref_slice %arg6[%dma_start3A_1842, %dma_start3A_1843, %dma_start3A_1845, %dma_start3A_1846] : memref<3x2x128x128xf32, #tpu.memory_space<vmem>> -> memref<1x1x128x128xf32, #tpu.memory_space<vmem>>
    %dma_start3A_1848 = tpu.memref_squeeze %dma_start3A_1847 : memref<1x1x128x128xf32, #tpu.memory_space<vmem>> -> memref<128x128xf32, #tpu.memory_space<vmem>>
    %dma_start3A_1849 = arith.constant 0 : i32
    %dma_start3A_1850 = tpu.memref_slice %arg5[%dma_start3A_1841, %dma_start3A_1849] : memref<50x128xi32, #tpu.memory_space<vmem>> -> memref<1x128xi32, #tpu.memory_space<vmem>>
    %dma_start3A_1851 = tpu.memref_squeeze %dma_start3A_1850 : memref<1x128xi32, #tpu.memory_space<vmem>> -> memref<128xi32, #tpu.memory_space<vmem>>
    %dma_start3A_1852 = arith.constant 0 : i32
    %dma_start3A_1853 = arith.constant 0 : i32
    %dma_start3A_1854 = tpu.memref_slice %arg2[%dma_start3A_1852, %dma_start3A_1853] : memref<100000x128xf32, #tpu.memory_space<hbm>> -> memref<100000x128xf32, #tpu.memory_space<hbm>>
    %dma_start3A_1855 = tpu.memref_slice %arg7[%dma_start3A_1844] : memref<3x!tpu.dma_semaphore, #tpu.memory_space<semaphore_mem>> -> memref<1x!tpu.dma_semaphore, #tpu.memory_space<semaphore_mem>>
    %dma_start3A_1856 = tpu.memref_squeeze %dma_start3A_1855 : memref<1x!tpu.dma_semaphore, #tpu.memory_space<semaphore_mem>> -> memref<!tpu.dma_semaphore, #tpu.memory_space<semaphore_mem>>
    tpu.enqueue_indirect_dma source(%dma_start3A_1854 : memref<100000x128xf32, #tpu.memory_space<hbm>>) target(%dma_start3A_1848 : memref<128x128xf32, #tpu.memory_space<vmem>>) offsets(%dma_start3A_1851 : memref<128xi32, #tpu.memory_space<vmem>>) semaphore(%dma_start3A_1856 : memref<!tpu.dma_semaphore, #tpu.memory_space<semaphore_mem>>)
    %dma_wait3A_1857 = arith.constant 0 : i32
    %dma_wait3A_1858 = arith.constant 2 : i32
    %dma_wait3A_1859 = arith.constant 2 : i32
    %dma_wait3A_1860 = arith.constant 0 : i32
    %dma_wait3A_1861 = arith.constant 0 : i32
    %dma_wait3A_1862 = arith.constant 0 : i32
    %dma_wait3A_1863 = tpu.memref_slice %arg6[%dma_wait3A_1858, %dma_wait3A_1860, %dma_wait3A_1861, %dma_wait3A_1862] : memref<3x2x128x128xf32, #tpu.memory_space<vmem>> -> memref<1x2x128x128xf32, #tpu.memory_space<vmem>>
    %dma_wait3A_1864 = tpu.memref_squeeze %dma_wait3A_1863 : memref<1x2x128x128xf32, #tpu.memory_space<vmem>> -> memref<2x128x128xf32, #tpu.memory_space<vmem>>
    %dma_wait3A_1865 = arith.constant 0 : i32
    %dma_wait3A_1866 = tpu.memref_slice %arg5[%dma_wait3A_1857, %dma_wait3A_1865] : memref<50x128xi32, #tpu.memory_space<vmem>> -> memref<1x128xi32, #tpu.memory_space<vmem>>
    %dma_wait3A_1867 = tpu.memref_squeeze %dma_wait3A_1866 : memref<1x128xi32, #tpu.memory_space<vmem>> -> memref<128xi32, #tpu.memory_space<vmem>>
    %dma_wait3A_1868 = arith.constant 0 : i32
    %dma_wait3A_1869 = arith.constant 0 : i32
    %dma_wait3A_1870 = tpu.memref_slice %arg2[%dma_wait3A_1868, %dma_wait3A_1869] : memref<100000x128xf32, #tpu.memory_space<hbm>> -> memref<100000x128xf32, #tpu.memory_space<hbm>>
    %dma_wait3A_1871 = tpu.memref_slice %arg7[%dma_wait3A_1859] : memref<3x!tpu.dma_semaphore, #tpu.memory_space<semaphore_mem>> -> memref<1x!tpu.dma_semaphore, #tpu.memory_space<semaphore_mem>>
    %dma_wait3A_1872 = tpu.memref_squeeze %dma_wait3A_1871 : memref<1x!tpu.dma_semaphore, #tpu.memory_space<semaphore_mem>> -> memref<!tpu.dma_semaphore, #tpu.memory_space<semaphore_mem>>
    tpu.wait_indirect_dma semaphore(%dma_wait3A_1872 : memref<!tpu.dma_semaphore, #tpu.memory_space<semaphore_mem>>) src(%dma_wait3A_1870 : memref<100000x128xf32, #tpu.memory_space<hbm>>) dst(%dma_wait3A_1864 : memref<2x128x128xf32, #tpu.memory_space<vmem>>)
    %dma_start3A_1873 = arith.constant 2 : i32
    %dma_start3A_1874 = arith.constant 2 : i32
    %dma_start3A_1875 = arith.constant 0 : i32
    %dma_start3A_1876 = arith.constant 0 : i32
    %dma_start3A_1877 = arith.constant 0 : i32
    %dma_start3A_1878 = tpu.memref_slice %arg6[%dma_start3A_1873, %dma_start3A_1875, %dma_start3A_1876, %dma_start3A_1877] : memref<3x2x128x128xf32, #tpu.memory_space<vmem>> -> memref<1x2x128x128xf32, #tpu.memory_space<vmem>>
    %dma_start3A_1879 = tpu.memref_squeeze %dma_start3A_1878 : memref<1x2x128x128xf32, #tpu.memory_space<vmem>> -> memref<2x128x128xf32, #tpu.memory_space<vmem>>
    %dma_start3A_1880 = arith.constant 40 : i32
    %dma_start3A_1881 = arith.constant 0 : i32
    %dma_start3A_1882 = tpu.memref_slice %arg4[%dma_start3A_1880, %mul3A_2, %dma_start3A_1881] : memref<50x4096x128xf32, #tpu.memory_space<hbm>> -> memref<2x128x128xf32, #tpu.memory_space<hbm>>
    %dma_start3A_1883 = tpu.memref_slice %arg8[%dma_start3A_1874] : memref<3x!tpu.dma_semaphore, #tpu.memory_space<semaphore_mem>> -> memref<1x!tpu.dma_semaphore, #tpu.memory_space<semaphore_mem>>
    %dma_start3A_1884 = tpu.memref_squeeze %dma_start3A_1883 : memref<1x!tpu.dma_semaphore, #tpu.memory_space<semaphore_mem>> -> memref<!tpu.dma_semaphore, #tpu.memory_space<semaphore_mem>>
    %dma_start3A_1885 = arith.constant 40 : i32
    %dma_start3A_1886 = arith.constant 0 : i32
    %dma_start3A_1887 = tpu.memref_slice %arg4[%dma_start3A_1885, %mul3A_2, %dma_start3A_1886] : memref<50x4096x128xf32, #tpu.memory_space<hbm>> -> memref<2x128x128xf32, #tpu.memory_space<hbm>>
    %dma_start3A_1888 = arith.constant 0 : i32
    %dma_start3A_1889 = arith.constant 0 : i32
    %dma_start3A_1890 = arith.constant 0 : i32
    %dma_start3A_1891 = tpu.memref_slice %arg6[%dma_start3A_1873, %dma_start3A_1888, %dma_start3A_1889, %dma_start3A_1890] : memref<3x2x128x128xf32, #tpu.memory_space<vmem>> -> memref<1x2x128x128xf32, #tpu.memory_space<vmem>>
    %dma_start3A_1892 = tpu.memref_squeeze %dma_start3A_1891 : memref<1x2x128x128xf32, #tpu.memory_space<vmem>> -> memref<2x128x128xf32, #tpu.memory_space<vmem>>
    tpu.enqueue_dma source(%dma_start3A_1892 : memref<2x128x128xf32, #tpu.memory_space<vmem>>) target(%dma_start3A_1887 : memref<2x128x128xf32, #tpu.memory_space<hbm>>) target_semaphore(%dma_start3A_1884 : memref<!tpu.dma_semaphore, #tpu.memory_space<semaphore_mem>>)
    %dma_wait3A_1893 = arith.constant 2 : i32
    %dma_wait3A_1894 = arith.constant 2 : i32
    %dma_wait3A_1895 = arith.constant 0 : i32
    %dma_wait3A_1896 = arith.constant 0 : i32
    %dma_wait3A_1897 = arith.constant 0 : i32
    %dma_wait3A_1898 = tpu.memref_slice %arg6[%dma_wait3A_1893, %dma_wait3A_1895, %dma_wait3A_1896, %dma_wait3A_1897] : memref<3x2x128x128xf32, #tpu.memory_space<vmem>> -> memref<1x2x128x128xf32, #tpu.memory_space<vmem>>
    %dma_wait3A_1899 = tpu.memref_squeeze %dma_wait3A_1898 : memref<1x2x128x128xf32, #tpu.memory_space<vmem>> -> memref<2x128x128xf32, #tpu.memory_space<vmem>>
    %dma_wait3A_1900 = arith.constant 0 : i32
    %dma_wait3A_1901 = arith.constant 0 : i32
    %dma_wait3A_1902 = tpu.memref_slice %arg4[%dma_wait3A_1900, %mul3A_2, %dma_wait3A_1901] : memref<50x4096x128xf32, #tpu.memory_space<hbm>> -> memref<2x128x128xf32, #tpu.memory_space<hbm>>
    %dma_wait3A_1903 = tpu.memref_slice %arg8[%dma_wait3A_1894] : memref<3x!tpu.dma_semaphore, #tpu.memory_space<semaphore_mem>> -> memref<1x!tpu.dma_semaphore, #tpu.memory_space<semaphore_mem>>
    %dma_wait3A_1904 = tpu.memref_squeeze %dma_wait3A_1903 : memref<1x!tpu.dma_semaphore, #tpu.memory_space<semaphore_mem>> -> memref<!tpu.dma_semaphore, #tpu.memory_space<semaphore_mem>>
    %dma_wait3A_1905 = arith.constant 0 : i32
    %dma_wait3A_1906 = arith.constant 0 : i32
    %dma_wait3A_1907 = tpu.memref_slice %arg4[%dma_wait3A_1905, %mul3A_2, %dma_wait3A_1906] : memref<50x4096x128xf32, #tpu.memory_space<hbm>> -> memref<2x128x128xf32, #tpu.memory_space<hbm>>
    %dma_wait3A_1908 = arith.constant 0 : i32
    %dma_wait3A_1909 = arith.constant 0 : i32
    %dma_wait3A_1910 = arith.constant 0 : i32
    %dma_wait3A_1911 = tpu.memref_slice %arg6[%dma_wait3A_1893, %dma_wait3A_1908, %dma_wait3A_1909, %dma_wait3A_1910] : memref<3x2x128x128xf32, #tpu.memory_space<vmem>> -> memref<1x2x128x128xf32, #tpu.memory_space<vmem>>
    %dma_wait3A_1912 = tpu.memref_squeeze %dma_wait3A_1911 : memref<1x2x128x128xf32, #tpu.memory_space<vmem>> -> memref<2x128x128xf32, #tpu.memory_space<vmem>>
    tpu.wait_dma2 semaphore(%dma_wait3A_1904 : memref<!tpu.dma_semaphore, #tpu.memory_space<semaphore_mem>>) src(%dma_wait3A_1912 : memref<2x128x128xf32, #tpu.memory_space<vmem>>) dst(%dma_wait3A_1907 : memref<2x128x128xf32, #tpu.memory_space<hbm>>)
    %dma_start3A_1913 = arith.constant 46 : i32
    %dma_start3A_1914 = arith.constant 2 : i32
    %dma_start3A_1915 = arith.constant 0 : i32
    %dma_start3A_1916 = arith.constant 2 : i32
    %dma_start3A_1917 = arith.constant 0 : i32
    %dma_start3A_1918 = arith.constant 0 : i32
    %dma_start3A_1919 = tpu.memref_slice %arg6[%dma_start3A_1914, %dma_start3A_1915, %dma_start3A_1917, %dma_start3A_1918] : memref<3x2x128x128xf32, #tpu.memory_space<vmem>> -> memref<1x1x128x128xf32, #tpu.memory_space<vmem>>
    %dma_start3A_1920 = tpu.memref_squeeze %dma_start3A_1919 : memref<1x1x128x128xf32, #tpu.memory_space<vmem>> -> memref<128x128xf32, #tpu.memory_space<vmem>>
    %dma_start3A_1921 = arith.constant 0 : i32
    %dma_start3A_1922 = tpu.memref_slice %arg5[%dma_start3A_1913, %dma_start3A_1921] : memref<50x128xi32, #tpu.memory_space<vmem>> -> memref<1x128xi32, #tpu.memory_space<vmem>>
    %dma_start3A_1923 = tpu.memref_squeeze %dma_start3A_1922 : memref<1x128xi32, #tpu.memory_space<vmem>> -> memref<128xi32, #tpu.memory_space<vmem>>
    %dma_start3A_1924 = arith.constant 0 : i32
    %dma_start3A_1925 = arith.constant 0 : i32
    %dma_start3A_1926 = tpu.memref_slice %arg2[%dma_start3A_1924, %dma_start3A_1925] : memref<100000x128xf32, #tpu.memory_space<hbm>> -> memref<100000x128xf32, #tpu.memory_space<hbm>>
    %dma_start3A_1927 = tpu.memref_slice %arg7[%dma_start3A_1916] : memref<3x!tpu.dma_semaphore, #tpu.memory_space<semaphore_mem>> -> memref<1x!tpu.dma_semaphore, #tpu.memory_space<semaphore_mem>>
    %dma_start3A_1928 = tpu.memref_squeeze %dma_start3A_1927 : memref<1x!tpu.dma_semaphore, #tpu.memory_space<semaphore_mem>> -> memref<!tpu.dma_semaphore, #tpu.memory_space<semaphore_mem>>
    tpu.enqueue_indirect_dma source(%dma_start3A_1926 : memref<100000x128xf32, #tpu.memory_space<hbm>>) target(%dma_start3A_1920 : memref<128x128xf32, #tpu.memory_space<vmem>>) offsets(%dma_start3A_1923 : memref<128xi32, #tpu.memory_space<vmem>>) semaphore(%dma_start3A_1928 : memref<!tpu.dma_semaphore, #tpu.memory_space<semaphore_mem>>)
    %dma_start3A_1929 = arith.constant 47 : i32
    %dma_start3A_1930 = arith.constant 2 : i32
    %dma_start3A_1931 = arith.constant 1 : i32
    %dma_start3A_1932 = arith.constant 2 : i32
    %dma_start3A_1933 = arith.constant 0 : i32
    %dma_start3A_1934 = arith.constant 0 : i32
    %dma_start3A_1935 = tpu.memref_slice %arg6[%dma_start3A_1930, %dma_start3A_1931, %dma_start3A_1933, %dma_start3A_1934] : memref<3x2x128x128xf32, #tpu.memory_space<vmem>> -> memref<1x1x128x128xf32, #tpu.memory_space<vmem>>
    %dma_start3A_1936 = tpu.memref_squeeze %dma_start3A_1935 : memref<1x1x128x128xf32, #tpu.memory_space<vmem>> -> memref<128x128xf32, #tpu.memory_space<vmem>>
    %dma_start3A_1937 = arith.constant 0 : i32
    %dma_start3A_1938 = tpu.memref_slice %arg5[%dma_start3A_1929, %dma_start3A_1937] : memref<50x128xi32, #tpu.memory_space<vmem>> -> memref<1x128xi32, #tpu.memory_space<vmem>>
    %dma_start3A_1939 = tpu.memref_squeeze %dma_start3A_1938 : memref<1x128xi32, #tpu.memory_space<vmem>> -> memref<128xi32, #tpu.memory_space<vmem>>
    %dma_start3A_1940 = arith.constant 0 : i32
    %dma_start3A_1941 = arith.constant 0 : i32
    %dma_start3A_1942 = tpu.memref_slice %arg2[%dma_start3A_1940, %dma_start3A_1941] : memref<100000x128xf32, #tpu.memory_space<hbm>> -> memref<100000x128xf32, #tpu.memory_space<hbm>>
    %dma_start3A_1943 = tpu.memref_slice %arg7[%dma_start3A_1932] : memref<3x!tpu.dma_semaphore, #tpu.memory_space<semaphore_mem>> -> memref<1x!tpu.dma_semaphore, #tpu.memory_space<semaphore_mem>>
    %dma_start3A_1944 = tpu.memref_squeeze %dma_start3A_1943 : memref<1x!tpu.dma_semaphore, #tpu.memory_space<semaphore_mem>> -> memref<!tpu.dma_semaphore, #tpu.memory_space<semaphore_mem>>
    tpu.enqueue_indirect_dma source(%dma_start3A_1942 : memref<100000x128xf32, #tpu.memory_space<hbm>>) target(%dma_start3A_1936 : memref<128x128xf32, #tpu.memory_space<vmem>>) offsets(%dma_start3A_1939 : memref<128xi32, #tpu.memory_space<vmem>>) semaphore(%dma_start3A_1944 : memref<!tpu.dma_semaphore, #tpu.memory_space<semaphore_mem>>)
    %dma_wait3A_1945 = arith.constant 0 : i32
    %dma_wait3A_1946 = arith.constant 0 : i32
    %dma_wait3A_1947 = arith.constant 0 : i32
    %dma_wait3A_1948 = arith.constant 0 : i32
    %dma_wait3A_1949 = arith.constant 0 : i32
    %dma_wait3A_1950 = arith.constant 0 : i32
    %dma_wait3A_1951 = tpu.memref_slice %arg6[%dma_wait3A_1946, %dma_wait3A_1948, %dma_wait3A_1949, %dma_wait3A_1950] : memref<3x2x128x128xf32, #tpu.memory_space<vmem>> -> memref<1x2x128x128xf32, #tpu.memory_space<vmem>>
    %dma_wait3A_1952 = tpu.memref_squeeze %dma_wait3A_1951 : memref<1x2x128x128xf32, #tpu.memory_space<vmem>> -> memref<2x128x128xf32, #tpu.memory_space<vmem>>
    %dma_wait3A_1953 = arith.constant 0 : i32
    %dma_wait3A_1954 = tpu.memref_slice %arg5[%dma_wait3A_1945, %dma_wait3A_1953] : memref<50x128xi32, #tpu.memory_space<vmem>> -> memref<1x128xi32, #tpu.memory_space<vmem>>
    %dma_wait3A_1955 = tpu.memref_squeeze %dma_wait3A_1954 : memref<1x128xi32, #tpu.memory_space<vmem>> -> memref<128xi32, #tpu.memory_space<vmem>>
    %dma_wait3A_1956 = arith.constant 0 : i32
    %dma_wait3A_1957 = arith.constant 0 : i32
    %dma_wait3A_1958 = tpu.memref_slice %arg2[%dma_wait3A_1956, %dma_wait3A_1957] : memref<100000x128xf32, #tpu.memory_space<hbm>> -> memref<100000x128xf32, #tpu.memory_space<hbm>>
    %dma_wait3A_1959 = tpu.memref_slice %arg7[%dma_wait3A_1947] : memref<3x!tpu.dma_semaphore, #tpu.memory_space<semaphore_mem>> -> memref<1x!tpu.dma_semaphore, #tpu.memory_space<semaphore_mem>>
    %dma_wait3A_1960 = tpu.memref_squeeze %dma_wait3A_1959 : memref<1x!tpu.dma_semaphore, #tpu.memory_space<semaphore_mem>> -> memref<!tpu.dma_semaphore, #tpu.memory_space<semaphore_mem>>
    tpu.wait_indirect_dma semaphore(%dma_wait3A_1960 : memref<!tpu.dma_semaphore, #tpu.memory_space<semaphore_mem>>) src(%dma_wait3A_1958 : memref<100000x128xf32, #tpu.memory_space<hbm>>) dst(%dma_wait3A_1952 : memref<2x128x128xf32, #tpu.memory_space<vmem>>)
    %dma_start3A_1961 = arith.constant 0 : i32
    %dma_start3A_1962 = arith.constant 0 : i32
    %dma_start3A_1963 = arith.constant 0 : i32
    %dma_start3A_1964 = arith.constant 0 : i32
    %dma_start3A_1965 = arith.constant 0 : i32
    %dma_start3A_1966 = tpu.memref_slice %arg6[%dma_start3A_1961, %dma_start3A_1963, %dma_start3A_1964, %dma_start3A_1965] : memref<3x2x128x128xf32, #tpu.memory_space<vmem>> -> memref<1x2x128x128xf32, #tpu.memory_space<vmem>>
    %dma_start3A_1967 = tpu.memref_squeeze %dma_start3A_1966 : memref<1x2x128x128xf32, #tpu.memory_space<vmem>> -> memref<2x128x128xf32, #tpu.memory_space<vmem>>
    %dma_start3A_1968 = arith.constant 42 : i32
    %dma_start3A_1969 = arith.constant 0 : i32
    %dma_start3A_1970 = tpu.memref_slice %arg4[%dma_start3A_1968, %mul3A_2, %dma_start3A_1969] : memref<50x4096x128xf32, #tpu.memory_space<hbm>> -> memref<2x128x128xf32, #tpu.memory_space<hbm>>
    %dma_start3A_1971 = tpu.memref_slice %arg8[%dma_start3A_1962] : memref<3x!tpu.dma_semaphore, #tpu.memory_space<semaphore_mem>> -> memref<1x!tpu.dma_semaphore, #tpu.memory_space<semaphore_mem>>
    %dma_start3A_1972 = tpu.memref_squeeze %dma_start3A_1971 : memref<1x!tpu.dma_semaphore, #tpu.memory_space<semaphore_mem>> -> memref<!tpu.dma_semaphore, #tpu.memory_space<semaphore_mem>>
    %dma_start3A_1973 = arith.constant 42 : i32
    %dma_start3A_1974 = arith.constant 0 : i32
    %dma_start3A_1975 = tpu.memref_slice %arg4[%dma_start3A_1973, %mul3A_2, %dma_start3A_1974] : memref<50x4096x128xf32, #tpu.memory_space<hbm>> -> memref<2x128x128xf32, #tpu.memory_space<hbm>>
    %dma_start3A_1976 = arith.constant 0 : i32
    %dma_start3A_1977 = arith.constant 0 : i32
    %dma_start3A_1978 = arith.constant 0 : i32
    %dma_start3A_1979 = tpu.memref_slice %arg6[%dma_start3A_1961, %dma_start3A_1976, %dma_start3A_1977, %dma_start3A_1978] : memref<3x2x128x128xf32, #tpu.memory_space<vmem>> -> memref<1x2x128x128xf32, #tpu.memory_space<vmem>>
    %dma_start3A_1980 = tpu.memref_squeeze %dma_start3A_1979 : memref<1x2x128x128xf32, #tpu.memory_space<vmem>> -> memref<2x128x128xf32, #tpu.memory_space<vmem>>
    tpu.enqueue_dma source(%dma_start3A_1980 : memref<2x128x128xf32, #tpu.memory_space<vmem>>) target(%dma_start3A_1975 : memref<2x128x128xf32, #tpu.memory_space<hbm>>) target_semaphore(%dma_start3A_1972 : memref<!tpu.dma_semaphore, #tpu.memory_space<semaphore_mem>>)
    %dma_wait3A_1981 = arith.constant 0 : i32
    %dma_wait3A_1982 = arith.constant 0 : i32
    %dma_wait3A_1983 = arith.constant 0 : i32
    %dma_wait3A_1984 = arith.constant 0 : i32
    %dma_wait3A_1985 = arith.constant 0 : i32
    %dma_wait3A_1986 = tpu.memref_slice %arg6[%dma_wait3A_1981, %dma_wait3A_1983, %dma_wait3A_1984, %dma_wait3A_1985] : memref<3x2x128x128xf32, #tpu.memory_space<vmem>> -> memref<1x2x128x128xf32, #tpu.memory_space<vmem>>
    %dma_wait3A_1987 = tpu.memref_squeeze %dma_wait3A_1986 : memref<1x2x128x128xf32, #tpu.memory_space<vmem>> -> memref<2x128x128xf32, #tpu.memory_space<vmem>>
    %dma_wait3A_1988 = arith.constant 0 : i32
    %dma_wait3A_1989 = arith.constant 0 : i32
    %dma_wait3A_1990 = tpu.memref_slice %arg4[%dma_wait3A_1988, %mul3A_2, %dma_wait3A_1989] : memref<50x4096x128xf32, #tpu.memory_space<hbm>> -> memref<2x128x128xf32, #tpu.memory_space<hbm>>
    %dma_wait3A_1991 = tpu.memref_slice %arg8[%dma_wait3A_1982] : memref<3x!tpu.dma_semaphore, #tpu.memory_space<semaphore_mem>> -> memref<1x!tpu.dma_semaphore, #tpu.memory_space<semaphore_mem>>
    %dma_wait3A_1992 = tpu.memref_squeeze %dma_wait3A_1991 : memref<1x!tpu.dma_semaphore, #tpu.memory_space<semaphore_mem>> -> memref<!tpu.dma_semaphore, #tpu.memory_space<semaphore_mem>>
    %dma_wait3A_1993 = arith.constant 0 : i32
    %dma_wait3A_1994 = arith.constant 0 : i32
    %dma_wait3A_1995 = tpu.memref_slice %arg4[%dma_wait3A_1993, %mul3A_2, %dma_wait3A_1994] : memref<50x4096x128xf32, #tpu.memory_space<hbm>> -> memref<2x128x128xf32, #tpu.memory_space<hbm>>
    %dma_wait3A_1996 = arith.constant 0 : i32
    %dma_wait3A_1997 = arith.constant 0 : i32
    %dma_wait3A_1998 = arith.constant 0 : i32
    %dma_wait3A_1999 = tpu.memref_slice %arg6[%dma_wait3A_1981, %dma_wait3A_1996, %dma_wait3A_1997, %dma_wait3A_1998] : memref<3x2x128x128xf32, #tpu.memory_space<vmem>> -> memref<1x2x128x128xf32, #tpu.memory_space<vmem>>
    %dma_wait3A_2000 = tpu.memref_squeeze %dma_wait3A_1999 : memref<1x2x128x128xf32, #tpu.memory_space<vmem>> -> memref<2x128x128xf32, #tpu.memory_space<vmem>>
    tpu.wait_dma2 semaphore(%dma_wait3A_1992 : memref<!tpu.dma_semaphore, #tpu.memory_space<semaphore_mem>>) src(%dma_wait3A_2000 : memref<2x128x128xf32, #tpu.memory_space<vmem>>) dst(%dma_wait3A_1995 : memref<2x128x128xf32, #tpu.memory_space<hbm>>)
    %dma_start3A_2001 = arith.constant 48 : i32
    %dma_start3A_2002 = arith.constant 0 : i32
    %dma_start3A_2003 = arith.constant 0 : i32
    %dma_start3A_2004 = arith.constant 0 : i32
    %dma_start3A_2005 = arith.constant 0 : i32
    %dma_start3A_2006 = arith.constant 0 : i32
    %dma_start3A_2007 = tpu.memref_slice %arg6[%dma_start3A_2002, %dma_start3A_2003, %dma_start3A_2005, %dma_start3A_2006] : memref<3x2x128x128xf32, #tpu.memory_space<vmem>> -> memref<1x1x128x128xf32, #tpu.memory_space<vmem>>
    %dma_start3A_2008 = tpu.memref_squeeze %dma_start3A_2007 : memref<1x1x128x128xf32, #tpu.memory_space<vmem>> -> memref<128x128xf32, #tpu.memory_space<vmem>>
    %dma_start3A_2009 = arith.constant 0 : i32
    %dma_start3A_2010 = tpu.memref_slice %arg5[%dma_start3A_2001, %dma_start3A_2009] : memref<50x128xi32, #tpu.memory_space<vmem>> -> memref<1x128xi32, #tpu.memory_space<vmem>>
    %dma_start3A_2011 = tpu.memref_squeeze %dma_start3A_2010 : memref<1x128xi32, #tpu.memory_space<vmem>> -> memref<128xi32, #tpu.memory_space<vmem>>
    %dma_start3A_2012 = arith.constant 0 : i32
    %dma_start3A_2013 = arith.constant 0 : i32
    %dma_start3A_2014 = tpu.memref_slice %arg2[%dma_start3A_2012, %dma_start3A_2013] : memref<100000x128xf32, #tpu.memory_space<hbm>> -> memref<100000x128xf32, #tpu.memory_space<hbm>>
    %dma_start3A_2015 = tpu.memref_slice %arg7[%dma_start3A_2004] : memref<3x!tpu.dma_semaphore, #tpu.memory_space<semaphore_mem>> -> memref<1x!tpu.dma_semaphore, #tpu.memory_space<semaphore_mem>>
    %dma_start3A_2016 = tpu.memref_squeeze %dma_start3A_2015 : memref<1x!tpu.dma_semaphore, #tpu.memory_space<semaphore_mem>> -> memref<!tpu.dma_semaphore, #tpu.memory_space<semaphore_mem>>
    tpu.enqueue_indirect_dma source(%dma_start3A_2014 : memref<100000x128xf32, #tpu.memory_space<hbm>>) target(%dma_start3A_2008 : memref<128x128xf32, #tpu.memory_space<vmem>>) offsets(%dma_start3A_2011 : memref<128xi32, #tpu.memory_space<vmem>>) semaphore(%dma_start3A_2016 : memref<!tpu.dma_semaphore, #tpu.memory_space<semaphore_mem>>)
    %dma_start3A_2017 = arith.constant 49 : i32
    %dma_start3A_2018 = arith.constant 0 : i32
    %dma_start3A_2019 = arith.constant 1 : i32
    %dma_start3A_2020 = arith.constant 0 : i32
    %dma_start3A_2021 = arith.constant 0 : i32
    %dma_start3A_2022 = arith.constant 0 : i32
    %dma_start3A_2023 = tpu.memref_slice %arg6[%dma_start3A_2018, %dma_start3A_2019, %dma_start3A_2021, %dma_start3A_2022] : memref<3x2x128x128xf32, #tpu.memory_space<vmem>> -> memref<1x1x128x128xf32, #tpu.memory_space<vmem>>
    %dma_start3A_2024 = tpu.memref_squeeze %dma_start3A_2023 : memref<1x1x128x128xf32, #tpu.memory_space<vmem>> -> memref<128x128xf32, #tpu.memory_space<vmem>>
    %dma_start3A_2025 = arith.constant 0 : i32
    %dma_start3A_2026 = tpu.memref_slice %arg5[%dma_start3A_2017, %dma_start3A_2025] : memref<50x128xi32, #tpu.memory_space<vmem>> -> memref<1x128xi32, #tpu.memory_space<vmem>>
    %dma_start3A_2027 = tpu.memref_squeeze %dma_start3A_2026 : memref<1x128xi32, #tpu.memory_space<vmem>> -> memref<128xi32, #tpu.memory_space<vmem>>
    %dma_start3A_2028 = arith.constant 0 : i32
    %dma_start3A_2029 = arith.constant 0 : i32
    %dma_start3A_2030 = tpu.memref_slice %arg2[%dma_start3A_2028, %dma_start3A_2029] : memref<100000x128xf32, #tpu.memory_space<hbm>> -> memref<100000x128xf32, #tpu.memory_space<hbm>>
    %dma_start3A_2031 = tpu.memref_slice %arg7[%dma_start3A_2020] : memref<3x!tpu.dma_semaphore, #tpu.memory_space<semaphore_mem>> -> memref<1x!tpu.dma_semaphore, #tpu.memory_space<semaphore_mem>>
    %dma_start3A_2032 = tpu.memref_squeeze %dma_start3A_2031 : memref<1x!tpu.dma_semaphore, #tpu.memory_space<semaphore_mem>> -> memref<!tpu.dma_semaphore, #tpu.memory_space<semaphore_mem>>
    tpu.enqueue_indirect_dma source(%dma_start3A_2030 : memref<100000x128xf32, #tpu.memory_space<hbm>>) target(%dma_start3A_2024 : memref<128x128xf32, #tpu.memory_space<vmem>>) offsets(%dma_start3A_2027 : memref<128xi32, #tpu.memory_space<vmem>>) semaphore(%dma_start3A_2032 : memref<!tpu.dma_semaphore, #tpu.memory_space<semaphore_mem>>)
    %dma_wait3A_2033 = arith.constant 0 : i32
    %dma_wait3A_2034 = arith.constant 1 : i32
    %dma_wait3A_2035 = arith.constant 1 : i32
    %dma_wait3A_2036 = arith.constant 0 : i32
    %dma_wait3A_2037 = arith.constant 0 : i32
    %dma_wait3A_2038 = arith.constant 0 : i32
    %dma_wait3A_2039 = tpu.memref_slice %arg6[%dma_wait3A_2034, %dma_wait3A_2036, %dma_wait3A_2037, %dma_wait3A_2038] : memref<3x2x128x128xf32, #tpu.memory_space<vmem>> -> memref<1x2x128x128xf32, #tpu.memory_space<vmem>>
    %dma_wait3A_2040 = tpu.memref_squeeze %dma_wait3A_2039 : memref<1x2x128x128xf32, #tpu.memory_space<vmem>> -> memref<2x128x128xf32, #tpu.memory_space<vmem>>
    %dma_wait3A_2041 = arith.constant 0 : i32
    %dma_wait3A_2042 = tpu.memref_slice %arg5[%dma_wait3A_2033, %dma_wait3A_2041] : memref<50x128xi32, #tpu.memory_space<vmem>> -> memref<1x128xi32, #tpu.memory_space<vmem>>
    %dma_wait3A_2043 = tpu.memref_squeeze %dma_wait3A_2042 : memref<1x128xi32, #tpu.memory_space<vmem>> -> memref<128xi32, #tpu.memory_space<vmem>>
    %dma_wait3A_2044 = arith.constant 0 : i32
    %dma_wait3A_2045 = arith.constant 0 : i32
    %dma_wait3A_2046 = tpu.memref_slice %arg2[%dma_wait3A_2044, %dma_wait3A_2045] : memref<100000x128xf32, #tpu.memory_space<hbm>> -> memref<100000x128xf32, #tpu.memory_space<hbm>>
    %dma_wait3A_2047 = tpu.memref_slice %arg7[%dma_wait3A_2035] : memref<3x!tpu.dma_semaphore, #tpu.memory_space<semaphore_mem>> -> memref<1x!tpu.dma_semaphore, #tpu.memory_space<semaphore_mem>>
    %dma_wait3A_2048 = tpu.memref_squeeze %dma_wait3A_2047 : memref<1x!tpu.dma_semaphore, #tpu.memory_space<semaphore_mem>> -> memref<!tpu.dma_semaphore, #tpu.memory_space<semaphore_mem>>
    tpu.wait_indirect_dma semaphore(%dma_wait3A_2048 : memref<!tpu.dma_semaphore, #tpu.memory_space<semaphore_mem>>) src(%dma_wait3A_2046 : memref<100000x128xf32, #tpu.memory_space<hbm>>) dst(%dma_wait3A_2040 : memref<2x128x128xf32, #tpu.memory_space<vmem>>)
    %dma_start3A_2049 = arith.constant 1 : i32
    %dma_start3A_2050 = arith.constant 1 : i32
    %dma_start3A_2051 = arith.constant 0 : i32
    %dma_start3A_2052 = arith.constant 0 : i32
    %dma_start3A_2053 = arith.constant 0 : i32
    %dma_start3A_2054 = tpu.memref_slice %arg6[%dma_start3A_2049, %dma_start3A_2051, %dma_start3A_2052, %dma_start3A_2053] : memref<3x2x128x128xf32, #tpu.memory_space<vmem>> -> memref<1x2x128x128xf32, #tpu.memory_space<vmem>>
    %dma_start3A_2055 = tpu.memref_squeeze %dma_start3A_2054 : memref<1x2x128x128xf32, #tpu.memory_space<vmem>> -> memref<2x128x128xf32, #tpu.memory_space<vmem>>
    %dma_start3A_2056 = arith.constant 44 : i32
    %dma_start3A_2057 = arith.constant 0 : i32
    %dma_start3A_2058 = tpu.memref_slice %arg4[%dma_start3A_2056, %mul3A_2, %dma_start3A_2057] : memref<50x4096x128xf32, #tpu.memory_space<hbm>> -> memref<2x128x128xf32, #tpu.memory_space<hbm>>
    %dma_start3A_2059 = tpu.memref_slice %arg8[%dma_start3A_2050] : memref<3x!tpu.dma_semaphore, #tpu.memory_space<semaphore_mem>> -> memref<1x!tpu.dma_semaphore, #tpu.memory_space<semaphore_mem>>
    %dma_start3A_2060 = tpu.memref_squeeze %dma_start3A_2059 : memref<1x!tpu.dma_semaphore, #tpu.memory_space<semaphore_mem>> -> memref<!tpu.dma_semaphore, #tpu.memory_space<semaphore_mem>>
    %dma_start3A_2061 = arith.constant 44 : i32
    %dma_start3A_2062 = arith.constant 0 : i32
    %dma_start3A_2063 = tpu.memref_slice %arg4[%dma_start3A_2061, %mul3A_2, %dma_start3A_2062] : memref<50x4096x128xf32, #tpu.memory_space<hbm>> -> memref<2x128x128xf32, #tpu.memory_space<hbm>>
    %dma_start3A_2064 = arith.constant 0 : i32
    %dma_start3A_2065 = arith.constant 0 : i32
    %dma_start3A_2066 = arith.constant 0 : i32
    %dma_start3A_2067 = tpu.memref_slice %arg6[%dma_start3A_2049, %dma_start3A_2064, %dma_start3A_2065, %dma_start3A_2066] : memref<3x2x128x128xf32, #tpu.memory_space<vmem>> -> memref<1x2x128x128xf32, #tpu.memory_space<vmem>>
    %dma_start3A_2068 = tpu.memref_squeeze %dma_start3A_2067 : memref<1x2x128x128xf32, #tpu.memory_space<vmem>> -> memref<2x128x128xf32, #tpu.memory_space<vmem>>
    tpu.enqueue_dma source(%dma_start3A_2068 : memref<2x128x128xf32, #tpu.memory_space<vmem>>) target(%dma_start3A_2063 : memref<2x128x128xf32, #tpu.memory_space<hbm>>) target_semaphore(%dma_start3A_2060 : memref<!tpu.dma_semaphore, #tpu.memory_space<semaphore_mem>>)
    %dma_wait3A_2069 = arith.constant 0 : i32
    %dma_wait3A_2070 = arith.constant 2 : i32
    %dma_wait3A_2071 = arith.constant 2 : i32
    %dma_wait3A_2072 = arith.constant 0 : i32
    %dma_wait3A_2073 = arith.constant 0 : i32
    %dma_wait3A_2074 = arith.constant 0 : i32
    %dma_wait3A_2075 = tpu.memref_slice %arg6[%dma_wait3A_2070, %dma_wait3A_2072, %dma_wait3A_2073, %dma_wait3A_2074] : memref<3x2x128x128xf32, #tpu.memory_space<vmem>> -> memref<1x2x128x128xf32, #tpu.memory_space<vmem>>
    %dma_wait3A_2076 = tpu.memref_squeeze %dma_wait3A_2075 : memref<1x2x128x128xf32, #tpu.memory_space<vmem>> -> memref<2x128x128xf32, #tpu.memory_space<vmem>>
    %dma_wait3A_2077 = arith.constant 0 : i32
    %dma_wait3A_2078 = tpu.memref_slice %arg5[%dma_wait3A_2069, %dma_wait3A_2077] : memref<50x128xi32, #tpu.memory_space<vmem>> -> memref<1x128xi32, #tpu.memory_space<vmem>>
    %dma_wait3A_2079 = tpu.memref_squeeze %dma_wait3A_2078 : memref<1x128xi32, #tpu.memory_space<vmem>> -> memref<128xi32, #tpu.memory_space<vmem>>
    %dma_wait3A_2080 = arith.constant 0 : i32
    %dma_wait3A_2081 = arith.constant 0 : i32
    %dma_wait3A_2082 = tpu.memref_slice %arg2[%dma_wait3A_2080, %dma_wait3A_2081] : memref<100000x128xf32, #tpu.memory_space<hbm>> -> memref<100000x128xf32, #tpu.memory_space<hbm>>
    %dma_wait3A_2083 = tpu.memref_slice %arg7[%dma_wait3A_2071] : memref<3x!tpu.dma_semaphore, #tpu.memory_space<semaphore_mem>> -> memref<1x!tpu.dma_semaphore, #tpu.memory_space<semaphore_mem>>
    %dma_wait3A_2084 = tpu.memref_squeeze %dma_wait3A_2083 : memref<1x!tpu.dma_semaphore, #tpu.memory_space<semaphore_mem>> -> memref<!tpu.dma_semaphore, #tpu.memory_space<semaphore_mem>>
    tpu.wait_indirect_dma semaphore(%dma_wait3A_2084 : memref<!tpu.dma_semaphore, #tpu.memory_space<semaphore_mem>>) src(%dma_wait3A_2082 : memref<100000x128xf32, #tpu.memory_space<hbm>>) dst(%dma_wait3A_2076 : memref<2x128x128xf32, #tpu.memory_space<vmem>>)
    %dma_start3A_2085 = arith.constant 2 : i32
    %dma_start3A_2086 = arith.constant 2 : i32
    %dma_start3A_2087 = arith.constant 0 : i32
    %dma_start3A_2088 = arith.constant 0 : i32
    %dma_start3A_2089 = arith.constant 0 : i32
    %dma_start3A_2090 = tpu.memref_slice %arg6[%dma_start3A_2085, %dma_start3A_2087, %dma_start3A_2088, %dma_start3A_2089] : memref<3x2x128x128xf32, #tpu.memory_space<vmem>> -> memref<1x2x128x128xf32, #tpu.memory_space<vmem>>
    %dma_start3A_2091 = tpu.memref_squeeze %dma_start3A_2090 : memref<1x2x128x128xf32, #tpu.memory_space<vmem>> -> memref<2x128x128xf32, #tpu.memory_space<vmem>>
    %dma_start3A_2092 = arith.constant 46 : i32
    %dma_start3A_2093 = arith.constant 0 : i32
    %dma_start3A_2094 = tpu.memref_slice %arg4[%dma_start3A_2092, %mul3A_2, %dma_start3A_2093] : memref<50x4096x128xf32, #tpu.memory_space<hbm>> -> memref<2x128x128xf32, #tpu.memory_space<hbm>>
    %dma_start3A_2095 = tpu.memref_slice %arg8[%dma_start3A_2086] : memref<3x!tpu.dma_semaphore, #tpu.memory_space<semaphore_mem>> -> memref<1x!tpu.dma_semaphore, #tpu.memory_space<semaphore_mem>>
    %dma_start3A_2096 = tpu.memref_squeeze %dma_start3A_2095 : memref<1x!tpu.dma_semaphore, #tpu.memory_space<semaphore_mem>> -> memref<!tpu.dma_semaphore, #tpu.memory_space<semaphore_mem>>
    %dma_start3A_2097 = arith.constant 46 : i32
    %dma_start3A_2098 = arith.constant 0 : i32
    %dma_start3A_2099 = tpu.memref_slice %arg4[%dma_start3A_2097, %mul3A_2, %dma_start3A_2098] : memref<50x4096x128xf32, #tpu.memory_space<hbm>> -> memref<2x128x128xf32, #tpu.memory_space<hbm>>
    %dma_start3A_2100 = arith.constant 0 : i32
    %dma_start3A_2101 = arith.constant 0 : i32
    %dma_start3A_2102 = arith.constant 0 : i32
    %dma_start3A_2103 = tpu.memref_slice %arg6[%dma_start3A_2085, %dma_start3A_2100, %dma_start3A_2101, %dma_start3A_2102] : memref<3x2x128x128xf32, #tpu.memory_space<vmem>> -> memref<1x2x128x128xf32, #tpu.memory_space<vmem>>
    %dma_start3A_2104 = tpu.memref_squeeze %dma_start3A_2103 : memref<1x2x128x128xf32, #tpu.memory_space<vmem>> -> memref<2x128x128xf32, #tpu.memory_space<vmem>>
    tpu.enqueue_dma source(%dma_start3A_2104 : memref<2x128x128xf32, #tpu.memory_space<vmem>>) target(%dma_start3A_2099 : memref<2x128x128xf32, #tpu.memory_space<hbm>>) target_semaphore(%dma_start3A_2096 : memref<!tpu.dma_semaphore, #tpu.memory_space<semaphore_mem>>)
    %dma_wait3A_2105 = arith.constant 0 : i32
    %dma_wait3A_2106 = arith.constant 0 : i32
    %dma_wait3A_2107 = arith.constant 0 : i32
    %dma_wait3A_2108 = arith.constant 0 : i32
    %dma_wait3A_2109 = arith.constant 0 : i32
    %dma_wait3A_2110 = arith.constant 0 : i32
    %dma_wait3A_2111 = tpu.memref_slice %arg6[%dma_wait3A_2106, %dma_wait3A_2108, %dma_wait3A_2109, %dma_wait3A_2110] : memref<3x2x128x128xf32, #tpu.memory_space<vmem>> -> memref<1x2x128x128xf32, #tpu.memory_space<vmem>>
    %dma_wait3A_2112 = tpu.memref_squeeze %dma_wait3A_2111 : memref<1x2x128x128xf32, #tpu.memory_space<vmem>> -> memref<2x128x128xf32, #tpu.memory_space<vmem>>
    %dma_wait3A_2113 = arith.constant 0 : i32
    %dma_wait3A_2114 = tpu.memref_slice %arg5[%dma_wait3A_2105, %dma_wait3A_2113] : memref<50x128xi32, #tpu.memory_space<vmem>> -> memref<1x128xi32, #tpu.memory_space<vmem>>
    %dma_wait3A_2115 = tpu.memref_squeeze %dma_wait3A_2114 : memref<1x128xi32, #tpu.memory_space<vmem>> -> memref<128xi32, #tpu.memory_space<vmem>>
    %dma_wait3A_2116 = arith.constant 0 : i32
    %dma_wait3A_2117 = arith.constant 0 : i32
    %dma_wait3A_2118 = tpu.memref_slice %arg2[%dma_wait3A_2116, %dma_wait3A_2117] : memref<100000x128xf32, #tpu.memory_space<hbm>> -> memref<100000x128xf32, #tpu.memory_space<hbm>>
    %dma_wait3A_2119 = tpu.memref_slice %arg7[%dma_wait3A_2107] : memref<3x!tpu.dma_semaphore, #tpu.memory_space<semaphore_mem>> -> memref<1x!tpu.dma_semaphore, #tpu.memory_space<semaphore_mem>>
    %dma_wait3A_2120 = tpu.memref_squeeze %dma_wait3A_2119 : memref<1x!tpu.dma_semaphore, #tpu.memory_space<semaphore_mem>> -> memref<!tpu.dma_semaphore, #tpu.memory_space<semaphore_mem>>
    tpu.wait_indirect_dma semaphore(%dma_wait3A_2120 : memref<!tpu.dma_semaphore, #tpu.memory_space<semaphore_mem>>) src(%dma_wait3A_2118 : memref<100000x128xf32, #tpu.memory_space<hbm>>) dst(%dma_wait3A_2112 : memref<2x128x128xf32, #tpu.memory_space<vmem>>)
    %dma_start3A_2121 = arith.constant 0 : i32
    %dma_start3A_2122 = arith.constant 0 : i32
    %dma_start3A_2123 = arith.constant 0 : i32
    %dma_start3A_2124 = arith.constant 0 : i32
    %dma_start3A_2125 = arith.constant 0 : i32
    %dma_start3A_2126 = tpu.memref_slice %arg6[%dma_start3A_2121, %dma_start3A_2123, %dma_start3A_2124, %dma_start3A_2125] : memref<3x2x128x128xf32, #tpu.memory_space<vmem>> -> memref<1x2x128x128xf32, #tpu.memory_space<vmem>>
    %dma_start3A_2127 = tpu.memref_squeeze %dma_start3A_2126 : memref<1x2x128x128xf32, #tpu.memory_space<vmem>> -> memref<2x128x128xf32, #tpu.memory_space<vmem>>
    %dma_start3A_2128 = arith.constant 48 : i32
    %dma_start3A_2129 = arith.constant 0 : i32
    %dma_start3A_2130 = tpu.memref_slice %arg4[%dma_start3A_2128, %mul3A_2, %dma_start3A_2129] : memref<50x4096x128xf32, #tpu.memory_space<hbm>> -> memref<2x128x128xf32, #tpu.memory_space<hbm>>
    %dma_start3A_2131 = tpu.memref_slice %arg8[%dma_start3A_2122] : memref<3x!tpu.dma_semaphore, #tpu.memory_space<semaphore_mem>> -> memref<1x!tpu.dma_semaphore, #tpu.memory_space<semaphore_mem>>
    %dma_start3A_2132 = tpu.memref_squeeze %dma_start3A_2131 : memref<1x!tpu.dma_semaphore, #tpu.memory_space<semaphore_mem>> -> memref<!tpu.dma_semaphore, #tpu.memory_space<semaphore_mem>>
    %dma_start3A_2133 = arith.constant 48 : i32
    %dma_start3A_2134 = arith.constant 0 : i32
    %dma_start3A_2135 = tpu.memref_slice %arg4[%dma_start3A_2133, %mul3A_2, %dma_start3A_2134] : memref<50x4096x128xf32, #tpu.memory_space<hbm>> -> memref<2x128x128xf32, #tpu.memory_space<hbm>>
    %dma_start3A_2136 = arith.constant 0 : i32
    %dma_start3A_2137 = arith.constant 0 : i32
    %dma_start3A_2138 = arith.constant 0 : i32
    %dma_start3A_2139 = tpu.memref_slice %arg6[%dma_start3A_2121, %dma_start3A_2136, %dma_start3A_2137, %dma_start3A_2138] : memref<3x2x128x128xf32, #tpu.memory_space<vmem>> -> memref<1x2x128x128xf32, #tpu.memory_space<vmem>>
    %dma_start3A_2140 = tpu.memref_squeeze %dma_start3A_2139 : memref<1x2x128x128xf32, #tpu.memory_space<vmem>> -> memref<2x128x128xf32, #tpu.memory_space<vmem>>
    tpu.enqueue_dma source(%dma_start3A_2140 : memref<2x128x128xf32, #tpu.memory_space<vmem>>) target(%dma_start3A_2135 : memref<2x128x128xf32, #tpu.memory_space<hbm>>) target_semaphore(%dma_start3A_2132 : memref<!tpu.dma_semaphore, #tpu.memory_space<semaphore_mem>>)
    %dma_wait3A_2141 = arith.constant 1 : i32
    %dma_wait3A_2142 = arith.constant 1 : i32
    %dma_wait3A_2143 = arith.constant 0 : i32
    %dma_wait3A_2144 = arith.constant 0 : i32
    %dma_wait3A_2145 = arith.constant 0 : i32
    %dma_wait3A_2146 = tpu.memref_slice %arg6[%dma_wait3A_2141, %dma_wait3A_2143, %dma_wait3A_2144, %dma_wait3A_2145] : memref<3x2x128x128xf32, #tpu.memory_space<vmem>> -> memref<1x2x128x128xf32, #tpu.memory_space<vmem>>
    %dma_wait3A_2147 = tpu.memref_squeeze %dma_wait3A_2146 : memref<1x2x128x128xf32, #tpu.memory_space<vmem>> -> memref<2x128x128xf32, #tpu.memory_space<vmem>>
    %dma_wait3A_2148 = arith.constant 0 : i32
    %dma_wait3A_2149 = arith.constant 0 : i32
    %dma_wait3A_2150 = tpu.memref_slice %arg4[%dma_wait3A_2148, %mul3A_2, %dma_wait3A_2149] : memref<50x4096x128xf32, #tpu.memory_space<hbm>> -> memref<2x128x128xf32, #tpu.memory_space<hbm>>
    %dma_wait3A_2151 = tpu.memref_slice %arg8[%dma_wait3A_2142] : memref<3x!tpu.dma_semaphore, #tpu.memory_space<semaphore_mem>> -> memref<1x!tpu.dma_semaphore, #tpu.memory_space<semaphore_mem>>
    %dma_wait3A_2152 = tpu.memref_squeeze %dma_wait3A_2151 : memref<1x!tpu.dma_semaphore, #tpu.memory_space<semaphore_mem>> -> memref<!tpu.dma_semaphore, #tpu.memory_space<semaphore_mem>>
    %dma_wait3A_2153 = arith.constant 0 : i32
    %dma_wait3A_2154 = arith.constant 0 : i32
    %dma_wait3A_2155 = tpu.memref_slice %arg4[%dma_wait3A_2153, %mul3A_2, %dma_wait3A_2154] : memref<50x4096x128xf32, #tpu.memory_space<hbm>> -> memref<2x128x128xf32, #tpu.memory_space<hbm>>
    %dma_wait3A_2156 = arith.constant 0 : i32
    %dma_wait3A_2157 = arith.constant 0 : i32
    %dma_wait3A_2158 = arith.constant 0 : i32
    %dma_wait3A_2159 = tpu.memref_slice %arg6[%dma_wait3A_2141, %dma_wait3A_2156, %dma_wait3A_2157, %dma_wait3A_2158] : memref<3x2x128x128xf32, #tpu.memory_space<vmem>> -> memref<1x2x128x128xf32, #tpu.memory_space<vmem>>
    %dma_wait3A_2160 = tpu.memref_squeeze %dma_wait3A_2159 : memref<1x2x128x128xf32, #tpu.memory_space<vmem>> -> memref<2x128x128xf32, #tpu.memory_space<vmem>>
    tpu.wait_dma2 semaphore(%dma_wait3A_2152 : memref<!tpu.dma_semaphore, #tpu.memory_space<semaphore_mem>>) src(%dma_wait3A_2160 : memref<2x128x128xf32, #tpu.memory_space<vmem>>) dst(%dma_wait3A_2155 : memref<2x128x128xf32, #tpu.memory_space<hbm>>)
    %dma_wait3A_2161 = arith.constant 2 : i32
    %dma_wait3A_2162 = arith.constant 2 : i32
    %dma_wait3A_2163 = arith.constant 0 : i32
    %dma_wait3A_2164 = arith.constant 0 : i32
    %dma_wait3A_2165 = arith.constant 0 : i32
    %dma_wait3A_2166 = tpu.memref_slice %arg6[%dma_wait3A_2161, %dma_wait3A_2163, %dma_wait3A_2164, %dma_wait3A_2165] : memref<3x2x128x128xf32, #tpu.memory_space<vmem>> -> memref<1x2x128x128xf32, #tpu.memory_space<vmem>>
    %dma_wait3A_2167 = tpu.memref_squeeze %dma_wait3A_2166 : memref<1x2x128x128xf32, #tpu.memory_space<vmem>> -> memref<2x128x128xf32, #tpu.memory_space<vmem>>
    %dma_wait3A_2168 = arith.constant 0 : i32
    %dma_wait3A_2169 = arith.constant 0 : i32
    %dma_wait3A_2170 = tpu.memref_slice %arg4[%dma_wait3A_2168, %mul3A_2, %dma_wait3A_2169] : memref<50x4096x128xf32, #tpu.memory_space<hbm>> -> memref<2x128x128xf32, #tpu.memory_space<hbm>>
    %dma_wait3A_2171 = tpu.memref_slice %arg8[%dma_wait3A_2162] : memref<3x!tpu.dma_semaphore, #tpu.memory_space<semaphore_mem>> -> memref<1x!tpu.dma_semaphore, #tpu.memory_space<semaphore_mem>>
    %dma_wait3A_2172 = tpu.memref_squeeze %dma_wait3A_2171 : memref<1x!tpu.dma_semaphore, #tpu.memory_space<semaphore_mem>> -> memref<!tpu.dma_semaphore, #tpu.memory_space<semaphore_mem>>
    %dma_wait3A_2173 = arith.constant 0 : i32
    %dma_wait3A_2174 = arith.constant 0 : i32
    %dma_wait3A_2175 = tpu.memref_slice %arg4[%dma_wait3A_2173, %mul3A_2, %dma_wait3A_2174] : memref<50x4096x128xf32, #tpu.memory_space<hbm>> -> memref<2x128x128xf32, #tpu.memory_space<hbm>>
    %dma_wait3A_2176 = arith.constant 0 : i32
    %dma_wait3A_2177 = arith.constant 0 : i32
    %dma_wait3A_2178 = arith.constant 0 : i32
    %dma_wait3A_2179 = tpu.memref_slice %arg6[%dma_wait3A_2161, %dma_wait3A_2176, %dma_wait3A_2177, %dma_wait3A_2178] : memref<3x2x128x128xf32, #tpu.memory_space<vmem>> -> memref<1x2x128x128xf32, #tpu.memory_space<vmem>>
    %dma_wait3A_2180 = tpu.memref_squeeze %dma_wait3A_2179 : memref<1x2x128x128xf32, #tpu.memory_space<vmem>> -> memref<2x128x128xf32, #tpu.memory_space<vmem>>
    tpu.wait_dma2 semaphore(%dma_wait3A_2172 : memref<!tpu.dma_semaphore, #tpu.memory_space<semaphore_mem>>) src(%dma_wait3A_2180 : memref<2x128x128xf32, #tpu.memory_space<vmem>>) dst(%dma_wait3A_2175 : memref<2x128x128xf32, #tpu.memory_space<hbm>>)
    %dma_wait3A_2181 = arith.constant 0 : i32
    %dma_wait3A_2182 = arith.constant 0 : i32
    %dma_wait3A_2183 = arith.constant 0 : i32
    %dma_wait3A_2184 = arith.constant 0 : i32
    %dma_wait3A_2185 = arith.constant 0 : i32
    %dma_wait3A_2186 = tpu.memref_slice %arg6[%dma_wait3A_2181, %dma_wait3A_2183, %dma_wait3A_2184, %dma_wait3A_2185] : memref<3x2x128x128xf32, #tpu.memory_space<vmem>> -> memref<1x2x128x128xf32, #tpu.memory_space<vmem>>
    %dma_wait3A_2187 = tpu.memref_squeeze %dma_wait3A_2186 : memref<1x2x128x128xf32, #tpu.memory_space<vmem>> -> memref<2x128x128xf32, #tpu.memory_space<vmem>>
    %dma_wait3A_2188 = arith.constant 0 : i32
    %dma_wait3A_2189 = arith.constant 0 : i32
    %dma_wait3A_2190 = tpu.memref_slice %arg4[%dma_wait3A_2188, %mul3A_2, %dma_wait3A_2189] : memref<50x4096x128xf32, #tpu.memory_space<hbm>> -> memref<2x128x128xf32, #tpu.memory_space<hbm>>
    %dma_wait3A_2191 = tpu.memref_slice %arg8[%dma_wait3A_2182] : memref<3x!tpu.dma_semaphore, #tpu.memory_space<semaphore_mem>> -> memref<1x!tpu.dma_semaphore, #tpu.memory_space<semaphore_mem>>
    %dma_wait3A_2192 = tpu.memref_squeeze %dma_wait3A_2191 : memref<1x!tpu.dma_semaphore, #tpu.memory_space<semaphore_mem>> -> memref<!tpu.dma_semaphore, #tpu.memory_space<semaphore_mem>>
    %dma_wait3A_2193 = arith.constant 0 : i32
    %dma_wait3A_2194 = arith.constant 0 : i32
    %dma_wait3A_2195 = tpu.memref_slice %arg4[%dma_wait3A_2193, %mul3A_2, %dma_wait3A_2194] : memref<50x4096x128xf32, #tpu.memory_space<hbm>> -> memref<2x128x128xf32, #tpu.memory_space<hbm>>
    %dma_wait3A_2196 = arith.constant 0 : i32
    %dma_wait3A_2197 = arith.constant 0 : i32
    %dma_wait3A_2198 = arith.constant 0 : i32
    %dma_wait3A_2199 = tpu.memref_slice %arg6[%dma_wait3A_2181, %dma_wait3A_2196, %dma_wait3A_2197, %dma_wait3A_2198] : memref<3x2x128x128xf32, #tpu.memory_space<vmem>> -> memref<1x2x128x128xf32, #tpu.memory_space<vmem>>
    %dma_wait3A_2200 = tpu.memref_squeeze %dma_wait3A_2199 : memref<1x2x128x128xf32, #tpu.memory_space<vmem>> -> memref<2x128x128xf32, #tpu.memory_space<vmem>>
    tpu.wait_dma2 semaphore(%dma_wait3A_2192 : memref<!tpu.dma_semaphore, #tpu.memory_space<semaphore_mem>>) src(%dma_wait3A_2200 : memref<2x128x128xf32, #tpu.memory_space<vmem>>) dst(%dma_wait3A_2195 : memref<2x128x128xf32, #tpu.memory_space<hbm>>)
    return
  }
}

</mosaic_0001>

<sc_bundles>
// kernel: kernel.3.cloned.1.call-start
scs
__scs_entry_jumppad:
0x0: {  	(pc) =	sbr.rel $0x88, $3  }
0x1: {  	(tag) =	ssettag $0x0;
	lr =	simm.s32 $0x1  }
0x2: {  	[smem:$0x3F9F] =	sst lr;
	_ =	strace $0xD0000000  }
0x3: {  	_ = 	snop  }
0x4: {  	_ = 	snop  }
0x5: {  	_ = 	snop  }
0x6: {  	_ = 	snop  }
0x7: {  	_ = 	snop  }
__scs_overlays_trampoline_lowered:
0x8: {  	[smem:$0x3FAE] =	sst s0  }
0x9: {  	[smem:$0x3FAF] =	sst s1  }
0xa: {  	[smem:$0x3FB0] =	sst s2  }
0xb: {  	[smem:$0x3FB1] =	sst s3  }
0xc: {  	[smem:$0x3FB2] =	sst s4  }
0xd: {  	[smem:$0x3FB3] =	sst s5  }
0xe: {  	[smem:$0x3FB4] =	sst s6  }
0xf: {  	[smem:$0x3FB5] =	sst s7  }
0x10: {  	[smem:$0x3FB6] =	sst s8  }
0x11: {  	[smem:$0x3FB7] =	sst s9;
	s0 =	simm.s32 @!p0 $0x0  }
0x12: {  	s1 =	sld [smem:$0x3F9D];
	s0 =	simm.s32 @p0 $0x1  }
0x13: {  	[smem:$0x3FB8] =	sst s0;
	s0 =	simm.s32 @!p1 $0x0  }
0x14: {  	s2 =	sld [smem:$0x3F9C];
	s0 =	simm.s32 @p1 $0x1  }
0x15: {  	[smem:$0x3FB9] =	sst s0;
	s0 =	simm.s32 @!p2 $0x0  }
0x16: {  	s3 =	sld [smem:$0x3FDB];
	s0 =	simm.s32 @p2 $0x1  }
0x17: {  	s4 =	simm.s32 $0x1BF5;
	[smem:$0x3FBB] =	sst s0  }
0x18: {  	s0 =	sld [smem:$0x3F9E];
	_ =	swait.ge [sflag:s4], $0x0  }
0x19: {  	s7 =	sld [smem:$0x3F9F]  }
0x1a: {  	s8 =	sadd.s32 $0xFFFFE003, lr  }
0x1b: {  	s9 =	sadd.s32 $0xFFFFFEF7, lr;
	s5 =	simm.s32 $0xFFFFFFFF;
	p2 =	slt.u32 s8, $0xFFFFF086  }
0x1c: {  	p1 =	slt.u32 s9, $0xF7A;
	s5 =	simm.s32 @!p2 $0x0  }
0x1d: {  	s5 =	simm.s32 @p1 $0x1;
	p0 =	seq.s32 s7, s2  }
0x1e: {  	s7 =	smul.u32 @!p0 $0xF7A, s2;
	p2 =	seq.s32 @!p0 s5, $0x0  }
0x1f: {  	s9 =	smul.u32 $0xF7A, s1;
	s8 =	simm.s32 @!p0 $0x1BF5;
	p2 =	por !p2, p0  }
0x20: {  	[sflag:s8] =	ssyncset.s32 @!p0 $0xFFFFF086;
	s6 =	sadd.s32 @!p0 s3, s7;
	s7 =	simm.s32 @!p0 $0x108  }
0x21: {  	s3 =	sadd.s32 s3, s9;
	s6 =	sadd.s32 @!p0 $0x88, s6;
	s7 =	simm.s32 @p2 $0x1082  }
0x22: {  	[simem:s7], [sflag:s8] =	dma.local @!p0 [hbm:s6], $0xF7A  }
0x23: {  	s9 =	sor.u32 $0xD0000000, s2;
	s6 =	simm.s32 $0x108;
	_ =	swait.ge @!p0 [sflag:s8], $0x0  }
0x24: {  	s3 =	sadd.s32 $0x88, s3;
	s6 =	simm.s32 @!p1 $0x1082;
	[sflag:s4] =	ssyncset.s32 $0xFFFFF086  }
0x25: {  	[simem:s6], [sflag:s4] =	dma.local [hbm:s3], $0xF7A  }
0x26: {  	[smem:$0x3F9F] =	sst s1;
	(tag) =	ssettag s2;
	_ =	strace s9  }
0x27: {  	s1 =	sld [smem:$0x3FAF]  }
0x28: {  	s2 =	sld [smem:$0x3FB0]  }
0x29: {  	s4 =	sld [smem:$0x3FB2]  }
0x2a: {  	p0 =	seq.s32 s5, $0x0;
	s5 =	sld [smem:$0x3FB3]  }
0x2b: {  	s6 =	sld [smem:$0x3FB4]  }
0x2c: {  	s7 =	sld [smem:$0x3FB5]  }
0x2d: {  	s3 =	simm.s32 $0x108;
	s8 =	sld [smem:$0x3FB6]  }
0x2e: {  	s3 =	simm.s32 @!p0 $0x1082;
	s9 =	sld [smem:$0x3FB7]  }
0x2f: {  	lr =	sadd.s32 s0, s3;
	s0 =	sld [smem:$0x3FAE]  }
0x30: {  	s3 =	sld [smem:$0x3FB1]  }
0x31: {  	[smem:$0x3FBA] =	sst s10  }
0x32: {  	s10 =	sld [smem:$0x3FB8];
	_ =	sdelay $0x3  }
0x33: {  	p0 =	seq.s32 s10, $0x1;
	s10 =	sld [smem:$0x3FBA];
	_ =	sdelay $0x3  }
0x34: {  	[smem:$0x3FBA] =	sst s10  }
0x35: {  	s10 =	sld [smem:$0x3FB9];
	_ =	sdelay $0x3  }
0x36: {  	p1 =	seq.s32 s10, $0x1;
	s10 =	sld [smem:$0x3FBA];
	_ =	sdelay $0x3  }
0x37: {  	[smem:$0x3FBA] =	sst s10  }
0x38: {  	s10 =	sld [smem:$0x3FBB]  }
0x39: {  	_ = 	snop;
	(pc) =	sbr.ind lr, $3  }
0x3a: {  	_ = 	snop  }
0x3b: {  	_ = 	snop  }
0x3c: {  	p2 =	seq.s32 s10, $0x1;
	s10 =	sld [smem:$0x3FBA]  }
0x3d: {  	_ =	shalt  }
0x3e: {  	_ =	shalt  }
0x3f: {  	_ =	shalt  }
0x40: {  	_ =	shalt  }
0x41: {  	_ =	shalt  }
0x42: {  	_ =	shalt  }
0x43: {  	_ =	shalt  }
0x44: {  	_ =	shalt  }
0x45: {  	_ =	shalt  }
0x46: {  	_ =	shalt  }
0x47: {  	_ =	shalt  }
0x48: {  	_ =	shalt  }
0x49: {  	_ =	shalt  }
0x4a: {  	_ =	shalt  }
0x4b: {  	_ =	shalt  }
0x4c: {  	_ =	shalt  }
0x4d: {  	_ =	shalt  }
0x4e: {  	_ =	shalt  }
0x4f: {  	_ =	shalt  }
0x50: {  	_ =	shalt  }
0x51: {  	_ =	shalt  }
0x52: {  	_ =	shalt  }
0x53: {  	_ =	shalt  }
0x54: {  	_ =	shalt  }
0x55: {  	_ =	shalt  }
0x56: {  	_ =	shalt  }
0x57: {  	_ =	shalt  }
0x58: {  	_ =	shalt  }
0x59: {  	_ =	shalt  }
0x5a: {  	_ =	shalt  }
0x5b: {  	_ =	shalt  }
0x5c: {  	_ =	shalt  }
0x5d: {  	_ =	shalt  }
0x5e: {  	_ =	shalt  }
0x5f: {  	_ =	shalt  }
0x60: {  	_ =	shalt  }
0x61: {  	_ =	shalt  }
0x62: {  	_ =	shalt  }
0x63: {  	_ =	shalt  }
0x64: {  	_ =	shalt  }
0x65: {  	_ =	shalt  }
0x66: {  	_ =	shalt  }
0x67: {  	_ =	shalt  }
0x68: {  	_ =	shalt  }
0x69: {  	_ =	shalt  }
0x6a: {  	_ =	shalt  }
0x6b: {  	_ =	shalt  }
0x6c: {  	_ =	shalt  }
0x6d: {  	_ =	shalt  }
0x6e: {  	_ =	shalt  }
0x6f: {  	_ =	shalt  }
0x70: {  	_ =	shalt  }
0x71: {  	_ =	shalt  }
0x72: {  	_ =	shalt  }
0x73: {  	_ =	shalt  }
0x74: {  	_ =	shalt  }
0x75: {  	_ =	shalt  }
0x76: {  	_ =	shalt  }
0x77: {  	_ =	shalt  }
0x78: {  	_ =	shalt  }
0x79: {  	_ =	shalt  }
0x7a: {  	_ =	shalt  }
0x7b: {  	_ =	shalt  }
0x7c: {  	_ =	shalt  }
0x7d: {  	_ =	shalt  }
0x7e: {  	_ =	shalt  }
0x7f: {  	_ =	shalt  }
0x80: {  	_ =	shalt  }
0x81: {  	_ =	shalt  }
0x82: {  	_ =	shalt  }
0x83: {  	_ =	shalt  }
0x84: {  	_ =	shalt  }
0x85: {  	_ =	shalt  }
0x86: {  	_ =	shalt  }
0x87: {  	_ =	shalt  }
.Lfunc_end0:
.L_simem_size_0:
called_computation_lowered:
.L_overlay_start_0:
0x88: {  	s2 =	sld [smem:$0x3FD9]  }
0x89: {  	s3 =	sld [smem:$0x3FFE];
	_ =	sdelay $0x1  }
0x8a: {  	s1 =	srdreg.scid  }
0x8b: {  	s0 =	sand.u32 $0x1, s1  }
0x8c: {  	s18 =	sshll.u32 s0, $0xA;
	s2 =	sadd.s32 s3, s2  }
0x8d: {  	s2 =	sadd.s32 s2, s18  }
0x8e: {  	[smem:$0x3FC6] =	sst s2  }
0x8f: {  	_ = 	snop  }
0x90: {  	s2 =	sld [smem:$0x3FC9]  }
0x91: {  	s19 =	sld [smem:$0x3FC8]  }
0x92: {  	s4 =	sld [smem:$0x3FD0];
	(tm) =	ssettm $0x1  }
0x93: {  	s5 =	sld [smem:$0x3FFB];
	_ =	sdelay $0x3  }
0x94: {  	_ =	strace s5  }
0x95: {  	s5 =	sld [smem:$0x3FFC];
	_ =	sdelay $0x3  }
0x96: {  	_ =	strace s5  }
0x97: {  	s5 =	sld [smem:$0x3FFD];
	_ =	sdelay $0x3  }
0x98: {  	_ =	strace s5  }
0x99: {  	_ =	strace $0x8FFFFFFF  }
0x9a: {  	s20 =	sld [smem:$0x3FDB];
	_ =	sdelay $0x1  }
0x9b: {  	s6 =	simm.s32 $_scs_section_size  }
0x9c: {  	s7 =	simm.s32 $_size__tile_overlayer_lowered;
	s8 =	simm.s32 $_tile_overlayer_lowered  }
0x9d: {  	s23 =	simm.s32 $0x1BFF;
	s22 =	sshll.u32 s8, $0x1;
	s5 =	sadd.s32 s6, s20  }
0x9e: {  	s9 =	simm.s32 $0x0;
	s21 =	sshll.u32 s7, $0x1;
	s7 =	sadd.s32 s22, s5  }
0x9f: {  	[timem:s9], [sflag:s23] =	dma.local [hbm:s7], s21  }
0xa0: {  	_ =	swait.ge [sflag:s23], s21  }
0xa1: {  	s6 =	ssub.s32 $0x0, s21;
	[sflag:s23] =	ssyncset.done $0x0  }
0xa2: {  	[sflag:s23] =	ssyncadd.s32 s6;
	_ =	sdelay $0x1  }
0xa3: {  	s24 =	simm.s32 $0x1B8B  }
0xa4: {  	_ =	swait.ge [sflag:s24], $0x1  }
0xa5: {  	[sflag:s24] =	ssyncset.done $0x0  }
0xa6: {  	s25 =	simm.s32 $0x1B8E;
	[sflag:s24] =	ssyncadd.s32 $0xFFFFFFFF  }
0xa7: {  	s26 =	simm.s32 $execute0_lowered;
	[smem:$0x3FD2] =	sst s25  }
0xa8: {  	s6 =	sshll.u32 s26, $0x1;
	_ =	strace $0x80000046;
	[dreg:$0x1] =	wrdreg $0xFFFFFFFF  }
0xa9: {  	s28 =	simm.s32 $_size_execute0_lowered;
	s5 =	sadd.s32 s5, s6;
	[dreg:$0x0] =	wrdreg $0x0  }
0xaa: {  	s6 =	sshll.u32 s28, $0x1;
	[dreg:$0x2] =	wrdreg s5  }
0xab: {  	[dreg:$0x3] =	wrdreg s6  }
0xac: {  	[dreg:$0x4] =	wrdreg $0xC0  }
0xad: {  	_ =	task [dreg:s9], $0x5FFFF  }
0xae: {  	[dreg:$0x1] =	wrdreg $0xFFFFFFFF  }
0xaf: {  	[dreg:$0x0] =	wrdreg $0x60  }
0xb0: {  	[dreg:$0x2] =	wrdreg s19  }
0xb1: {  	[dreg:$0x3] =	wrdreg s2  }
0xb2: {  	[dreg:$0x4] =	wrdreg s4  }
0xb3: {  	[dreg:$0x5] =	wrdreg $0x9  }
0xb4: {  	_ =	task.clear_ibuf [dreg:s9], $0x6FFFF;
	_ =	strace $0x90000046  }
0xb5: {  	s29 =	simm.s32 $0x9;
	_ =	strace $0x80000048  }
0xb6: {  	_ =	swait.ge [sflag:s29], $0x1  }
0xb7: {  	[sflag:s29] =	ssyncadd.s32 $0xFFFFFFFF  }
0xb8: {  	_ =	strace $0x90000048  }
0xb9: {  	_ =	sfence  }
0xba: {  	s30 =	sld [smem:$0x0];
	_ =	sdelay $0x2  }
0xbb: {  	s31 =	sshll.u32 s1, $0xD;
	s1 =	sshrl.u32 s1, $0x2  }
0xbc: {  	s3 =	sand.u32 $0x4000, s31;
	s1 =	sadd.s32 s1, s30  }
0xbd: {  	s0 =	sor.u32 s3, s0;
	s1 =	sshll.u32 s1, $0x11  }
0xbe: {  	s0 =	sor.u32 s1, s0  }
0xbf: {  	s0 =	sadd.s32 $0x8F2B, s0  }
0xc0: {  	[sflag:s0] =	ssyncadd.remote.s32 $0x1  }
0xc1: {  	_ =	sfence.sel $0xFFFF  }
0xc2: {  	[dreg:$0x0] =	wrdreg $0xFFFFFFFF;
	(pc) =	sbr.abs _section_cstart, $3  }
0xc3: {  	[dreg:$0x1] =	wrdreg $0xFFFFFFFF  }
0xc4: {  	_ =	task.clear_ibuf [dreg:s9], $0x2FFFF;
	_ =	strace $0x9FFFFFFF  }
0xc5: {  	(tm) =	ssettm $0x7FFFFFFF  }
tec
execute0_lowered:
.L_overlay_start_1:
0x0: {  	(tag) =	ssettag $0x1  }
0x1: {  	s2 =	srdreg.scid  }
0x2: {  	s0 =	stileid.u32;
	s2 =	sand.u32 $0x1, s2  }
0x3: {  	s1 =	rddreg [dreg:$0x0];
	s3 =	sshll.u32 s0, $0x8;
	s4 =	sshll.u32 s2, $0x7  }
0x4: {  	s5 =	rddreg [dreg:$0x1];
	s6 =	sor.u32 s4, s3  }
0x5: {  	s7 =	rddreg [dreg:$0x2];
	s3 =	simm.s32 $0x0;
	s4 =	sshll.u32 s6, $0x4  }
0x6: {  	[smem:$0x7FF] =	sst s3;
	s4 =	sadd.s32 s7, s4  }
0x7: {  	s5 =	sadd.s32 s5, s6;
	_ =	strace $0x80000047;
	s7 =	sadd.s32 $0x20000, s4  }
0x8: {  	[tilespmem:s3], [sflag:$0x7] =	stream.linear.gather [hbm4b:s5+s3], $0x400, $0x38;
	[tilespmem:$0x19C00] =	vst v63  }
0x9: {  	s21 =	sadd.s32 $0x40000, s4;
	[dreg:$0x4] =	wrdreg s7  }
0xa: {  	s22 =	sadd.s32 $0x60000, s4;
	[dreg:$0x5] =	wrdreg s21  }
0xb: {  	s23 =	sadd.s32 $0x80000, s4;
	[dreg:$0x6] =	wrdreg s22  }
0xc: {  	s24 =	sadd.s32 $0xA0000, s4;
	[dreg:$0x7] =	wrdreg s23  }
0xd: {  	s25 =	sadd.s32 $0xC0000, s4;
	[dreg:$0x8] =	wrdreg s24  }
0xe: {  	s26 =	sadd.s32 $0xE0000, s4;
	[dreg:$0x9] =	wrdreg s25  }
0xf: {  	s0 =	sadd.s32 $0x100000, s4;
	[dreg:$0xa] =	wrdreg s26  }
0x10: {  	s8 =	sadd.s32 $0x120000, s4;
	[dreg:$0xb] =	wrdreg s0  }
0x11: {  	s9 =	sadd.s32 $0x140000, s4;
	[dreg:$0xc] =	wrdreg s8  }
0x12: {  	s10 =	sadd.s32 $0x160000, s4;
	[dreg:$0xd] =	wrdreg s9  }
0x13: {  	s11 =	sadd.s32 $0x180000, s4;
	[dreg:$0xe] =	wrdreg s10  }
0x14: {  	s12 =	sadd.s32 $0x1A0000, s4;
	[dreg:$0xf] =	wrdreg s11  }
0x15: {  	s13 =	sadd.s32 $0x1C0000, s4;
	[dreg:$0x10] =	wrdreg s12  }
0x16: {  	s14 =	sadd.s32 $0x1E0000, s4;
	[dreg:$0x11] =	wrdreg s13  }
0x17: {  	s15 =	sadd.s32 $0x200000, s4;
	[dreg:$0x12] =	wrdreg s14  }
0x18: {  	s16 =	sadd.s32 $0x220000, s4;
	[dreg:$0x13] =	wrdreg s15  }
0x19: {  	s17 =	sadd.s32 $0x240000, s4;
	[dreg:$0x14] =	wrdreg s16  }
0x1a: {  	s18 =	sadd.s32 $0x260000, s4;
	[dreg:$0x15] =	wrdreg s17  }
0x1b: {  	s19 =	sadd.s32 $0x280000, s4;
	[dreg:$0x16] =	wrdreg s18  }
0x1c: {  	s20 =	sadd.s32 $0x2A0000, s4;
	[dreg:$0x17] =	wrdreg s19  }
0x1d: {  	[dreg:$0x18] =	wrdreg s20;
	s21 =	sadd.s32 $0x2C0000, s4  }
0x1e: {  	s22 =	sadd.s32 $0x2E0000, s4;
	[dreg:$0x19] =	wrdreg s21  }
0x1f: {  	s23 =	sadd.s32 $0x300000, s4;
	[dreg:$0x1a] =	wrdreg s22  }
0x20: {  	s24 =	simm.s32 $0x100;
	[dreg:$0x1b] =	wrdreg s23  }
0x21: {  	s25 =	simm.s32 $0x180;
	[dreg:$0x1c] =	wrdreg s24  }
0x22: {  	s26 =	simm.s32 $0x200;
	[dreg:$0x1d] =	wrdreg s25  }
0x23: {  	s0 =	simm.s32 $0x280;
	[dreg:$0x1e] =	wrdreg s26  }
0x24: {  	s8 =	simm.s32 $0x8000;
	[dreg:$0x1f] =	wrdreg s0  }
0x25: {  	s9 =	simm.s32 $0x300;
	[smem:$0x7D8] =	sst s8  }
0x26: {  	s10 =	simm.s32 $0x380;
	[smem:$0x7D9] =	sst s9  }
0x27: {  	s11 =	simm.s32 $0x480;
	[smem:$0x7DA] =	sst s10  }
0x28: {  	s12 =	simm.s32 $0x500;
	[smem:$0x7DB] =	sst s11  }
0x29: {  	s13 =	simm.s32 $0x580;
	[smem:$0x7DC] =	sst s12  }
0x2a: {  	s14 =	simm.s32 $0x600;
	[smem:$0x7DD] =	sst s13  }
0x2b: {  	s15 =	simm.s32 $0x680;
	[smem:$0x7DE] =	sst s14  }
0x2c: {  	s16 =	simm.s32 $0x700;
	[smem:$0x7DF] =	sst s15  }
0x2d: {  	s17 =	simm.s32 $0x780;
	[smem:$0x7E0] =	sst s16  }
0x2e: {  	s18 =	simm.s32 $0x800;
	[smem:$0x7E1] =	sst s17  }
0x2f: {  	s19 =	simm.s32 $0x880;
	[smem:$0x7E2] =	sst s18  }
0x30: {  	s20 =	simm.s32 $0x900;
	[smem:$0x7E3] =	sst s19  }
0x31: {  	[smem:$0x7E4] =	sst s20;
	s21 =	simm.s32 $0x980  }
0x32: {  	s22 =	simm.s32 $0xA00;
	[smem:$0x7E5] =	sst s21  }
0x33: {  	s23 =	simm.s32 $0xA80;
	[smem:$0x7E6] =	sst s22  }
0x34: {  	s24 =	simm.s32 $0xB00;
	[smem:$0x7E7] =	sst s23  }
0x35: {  	s25 =	simm.s32 $0xB80;
	[smem:$0x7E8] =	sst s24  }
0x36: {  	s26 =	simm.s32 $0xC00;
	[smem:$0x7E9] =	sst s25  }
0x37: {  	s0 =	simm.s32 $0xC80;
	[smem:$0x7EA] =	sst s26  }
0x38: {  	s8 =	simm.s32 $0xD00;
	[smem:$0x7EB] =	sst s0  }
0x39: {  	s9 =	simm.s32 $0xD80;
	[smem:$0x7EC] =	sst s8  }
0x3a: {  	s10 =	simm.s32 $0xE00;
	[smem:$0x7ED] =	sst s9  }
0x3b: {  	s11 =	simm.s32 $0xE80;
	[smem:$0x7EE] =	sst s10  }
0x3c: {  	s12 =	simm.s32 $0xF00;
	[smem:$0x7EF] =	sst s11  }
0x3d: {  	s13 =	simm.s32 $0xF80;
	[smem:$0x7F0] =	sst s12  }
0x3e: {  	s14 =	simm.s32 $0x1000;
	[smem:$0x7F1] =	sst s13  }
0x3f: {  	s15 =	simm.s32 $0x1080;
	[smem:$0x7F2] =	sst s14  }
0x40: {  	s16 =	simm.s32 $0x1100;
	[smem:$0x7F3] =	sst s15  }
0x41: {  	s17 =	simm.s32 $0x1180;
	[smem:$0x7F4] =	sst s16  }
0x42: {  	s18 =	simm.s32 $0x1200;
	[smem:$0x7F5] =	sst s17  }
0x43: {  	s19 =	simm.s32 $0x1280;
	[smem:$0x7F6] =	sst s18  }
0x44: {  	s20 =	simm.s32 $0x1300;
	[smem:$0x7F7] =	sst s19  }
0x45: {  	[smem:$0x7F8] =	sst s20;
	s21 =	simm.s32 $0x1380  }
0x46: {  	s22 =	simm.s32 $0x1400;
	[smem:$0x7F9] =	sst s21  }
0x47: {  	s23 =	simm.s32 $0x1480;
	[smem:$0x7FA] =	sst s22  }
0x48: {  	s24 =	simm.s32 $0x1500;
	[smem:$0x7FB] =	sst s23  }
0x49: {  	s25 =	simm.s32 $0x1580;
	[smem:$0x7FC] =	sst s24  }
0x4a: {  	s6 =	simm.s32 $0x7;
	[smem:$0x7FD] =	sst s25  }
0x4b: {  	_ =	swait.ge [sflag:s6], $0x400  }
0x4c: {  	[sflag:s6] =	ssyncset.done $0x0  }
0x4d: {  	s7 =	simm.s32 $0x80;
	s8 =	simm.s32 $0x1C00;
	[sflag:s6] =	ssyncadd.s32 $0xFFFFFC00  }
0x4e: {  	[tilespmem:s8], [sflag:$0x1] =	stream.indirect.gather [hbm4b:s1+s7], $0x80, s3, s7, $0xb8;
	[tilespmem:$0x19C00] =	vst v63  }
0x4f: {  	s9 =	simm.s32 $0x5C00;
	s11 =	rddreg [dreg:$0x1c]  }
0x50: {  	[tilespmem:s9], [sflag:$0x1] =	stream.indirect.gather [hbm4b:s1+s7], $0x80, s7, s7, $0xb8;
	[tilespmem:$0x19C00] =	vst v63  }
0x51: {  	s10 =	simm.s32 $0x9C00;
	s12 =	rddreg [dreg:$0x1d]  }
0x52: {  	[tilespmem:s10], [sflag:$0x2] =	stream.indirect.gather [hbm4b:s1+s7], $0x80, s11, s7, $0xb8;
	[tilespmem:$0x19C00] =	vst v63  }
0x53: {  	s13 =	rddreg [dreg:$0x1e];
	s11 =	simm.s32 $0xDC00  }
0x54: {  	[tilespmem:s11], [sflag:$0x2] =	stream.indirect.gather [hbm4b:s1+s7], $0x80, s12, s7, $0xb8;
	[tilespmem:$0x19C00] =	vst v63  }
0x55: {  	s14 =	rddreg [dreg:$0x1f];
	s12 =	simm.s32 $0x11C00  }
0x56: {  	[tilespmem:s12], [sflag:$0x3] =	stream.indirect.gather [hbm4b:s1+s7], $0x80, s13, s7, $0xb8;
	[tilespmem:$0x19C00] =	vst v63  }
0x57: {  	s16 =	sld [smem:$0x7D8];
	s13 =	simm.s32 $0x15C00  }
0x58: {  	[tilespmem:s13], [sflag:$0x3] =	stream.indirect.gather [hbm4b:s1+s7], $0x80, s14, s7, $0xb8;
	[tilespmem:$0x19C00] =	vst v63  }
0x59: {  	s15 =	simm.s32 $0x400;
	s14 =	sadd.s32 $0x1000, s5  }
0x5a: {  	[tilespmem:s15], [sflag:$0x7] =	stream.strided.gather [hbm4b:s14+s15], $0x1400, s16, s15, $0x38;
	[tilespmem:$0x19C00] =	vst v63  }
0x5b: {  	s17 =	sadd.s32 $0x5000, s14;
	s16 =	simm.s32 $0x1800  }
0x5c: {  	[tilespmem:s16], [sflag:$0x7] =	stream.linear.gather [hbm4b:s17+s3], $0x100, $0x38;
	[tilespmem:$0x19C00] =	vst v63  }
0x5d: {  	_ =	swait.ge [sflag:s6], $0x1500  }
0x5e: {  	[sflag:s6] =	ssyncset.done $0x0  }
0x5f: {  	s18 =	simm.s32 $0x1;
	[sflag:s6] =	ssyncadd.s32 $0xFFFFEB00  }
0x60: {  	_ =	swait.ge [sflag:s18], $0x8000  }
0x61: {  	s19 =	simm.s32 $0x4000;
	[sflag:s18] =	ssyncset.done $0x0  }
0x62: {  	s20 =	simm.s32 $0x4;
	s21 =	simm.s32 $0x80000;
	[sflag:s18] =	ssyncadd.s32 $0xFFFF8000  }
0x63: {  	[hbm4b:s4+s19] =	stream.strided.scatter [tilespmem:s8], [sflag:$0x4], $0x8000, s21, s19, $0x38;
	[tilespmem:$0x19C00] =	vst v63  }
0x64: {  	_ =	swait.ge [sflag:s20], $0x8000  }
0x65: {  	s22 =	sld [smem:$0x7D9]  }
0x66: {  	[sflag:s20] =	ssyncset.done $0x0  }
0x67: {  	s23 =	sld [smem:$0x7DA];
	[sflag:s20] =	ssyncadd.s32 $0xFFFF8000  }
0x68: {  	[tilespmem:s8], [sflag:$0x1] =	stream.indirect.gather [hbm4b:s1+s7], $0x80, s22, s7, $0xb8;
	[tilespmem:$0x19C00] =	vst v63  }
0x69: {  	s22 =	simm.s32 $0x2  }
0x6a: {  	[tilespmem:s9], [sflag:$0x1] =	stream.indirect.gather [hbm4b:s1+s7], $0x80, s23, s7, $0xb8;
	[tilespmem:$0x19C00] =	vst v63  }
0x6b: {  	_ =	swait.ge [sflag:s22], $0x8000  }
0x6c: {  	[sflag:s22] =	ssyncset.done $0x0  }
0x6d: {  	s23 =	simm.s32 $0x5;
	s24 =	rddreg [dreg:$0x4];
	[sflag:s22] =	ssyncadd.s32 $0xFFFF8000  }
0x6e: {  	[hbm4b:s24+s19] =	stream.strided.scatter [tilespmem:s10], [sflag:$0x5], $0x8000, s21, s19, $0x38;
	[tilespmem:$0x19C00] =	vst v63  }
0x6f: {  	_ =	swait.ge [sflag:s23], $0x8000  }
0x70: {  	[sflag:s23] =	ssyncset.done $0x0  }
0x71: {  	s26 =	sld [smem:$0x7DB];
	[sflag:s23] =	ssyncadd.s32 $0xFFFF8000  }
0x72: {  	[tilespmem:s10], [sflag:$0x2] =	stream.indirect.gather [hbm4b:s1+s7], $0x80, s15, s7, $0xb8;
	[tilespmem:$0x19C00] =	vst v63  }
0x73: {  	s24 =	simm.s32 $0x3  }
0x74: {  	[tilespmem:s11], [sflag:$0x2] =	stream.indirect.gather [hbm4b:s1+s7], $0x80, s26, s7, $0xb8;
	[tilespmem:$0x19C00] =	vst v63  }
0x75: {  	_ =	swait.ge [sflag:s24], $0x8000  }
0x76: {  	[sflag:s24] =	ssyncset.done $0x0  }
0x77: {  	s25 =	rddreg [dreg:$0x5];
	[sflag:s24] =	ssyncadd.s32 $0xFFFF8000  }
0x78: {  	[hbm4b:s25+s19] =	stream.strided.scatter [tilespmem:s12], [sflag:$0x6], $0x8000, s21, s19, $0x38;
	[tilespmem:$0x19C00] =	vst v63  }
0x79: {  	s25 =	simm.s32 $0x6  }
0x7a: {  	_ =	swait.ge [sflag:s25], $0x8000  }
0x7b: {  	s26 =	sld [smem:$0x7DC]  }
0x7c: {  	[sflag:s25] =	ssyncset.done $0x0  }
0x7d: {  	s28 =	sld [smem:$0x7DD];
	[sflag:s25] =	ssyncadd.s32 $0xFFFF8000  }
0x7e: {  	[tilespmem:s12], [sflag:$0x3] =	stream.indirect.gather [hbm4b:s1+s7], $0x80, s26, s7, $0xb8;
	[tilespmem:$0x19C00] =	vst v63  }
0x7f: {  	_ = 	snop  }
0x80: {  	[tilespmem:s13], [sflag:$0x3] =	stream.indirect.gather [hbm4b:s1+s7], $0x80, s28, s7, $0xb8;
	[tilespmem:$0x19C00] =	vst v63  }
0x81: {  	_ =	swait.ge [sflag:s18], $0x8000  }
0x82: {  	[sflag:s18] =	ssyncset.done $0x0  }
0x83: {  	s0 =	rddreg [dreg:$0x6];
	[sflag:s18] =	ssyncadd.s32 $0xFFFF8000  }
0x84: {  	[hbm4b:s0+s19] =	stream.strided.scatter [tilespmem:s8], [sflag:$0x4], $0x8000, s21, s19, $0x38;
	[tilespmem:$0x19C00] =	vst v63  }
0x85: {  	_ =	swait.ge [sflag:s20], $0x8000  }
0x86: {  	s0 =	sld [smem:$0x7DE]  }
0x87: {  	[sflag:s20] =	ssyncset.done $0x0  }
0x88: {  	s28 =	sld [smem:$0x7DF];
	[sflag:s20] =	ssyncadd.s32 $0xFFFF8000  }
0x89: {  	[tilespmem:s8], [sflag:$0x1] =	stream.indirect.gather [hbm4b:s1+s7], $0x80, s0, s7, $0xb8;
	[tilespmem:$0x19C00] =	vst v63  }
0x8a: {  	_ = 	snop  }
0x8b: {  	[tilespmem:s9], [sflag:$0x1] =	stream.indirect.gather [hbm4b:s1+s7], $0x80, s28, s7, $0xb8;
	[tilespmem:$0x19C00] =	vst v63  }
0x8c: {  	_ =	swait.ge [sflag:s22], $0x8000  }
0x8d: {  	[sflag:s22] =	ssyncset.done $0x0  }
0x8e: {  	s0 =	rddreg [dreg:$0x7];
	[sflag:s22] =	ssyncadd.s32 $0xFFFF8000  }
0x8f: {  	[hbm4b:s0+s19] =	stream.strided.scatter [tilespmem:s10], [sflag:$0x5], $0x8000, s21, s19, $0x38;
	[tilespmem:$0x19C00] =	vst v63  }
0x90: {  	_ =	swait.ge [sflag:s23], $0x8000  }
0x91: {  	s0 =	sld [smem:$0x7E0]  }
0x92: {  	[sflag:s23] =	ssyncset.done $0x0  }
0x93: {  	s28 =	sld [smem:$0x7E1];
	[sflag:s23] =	ssyncadd.s32 $0xFFFF8000  }
0x94: {  	[tilespmem:s10], [sflag:$0x2] =	stream.indirect.gather [hbm4b:s1+s7], $0x80, s0, s7, $0xb8;
	[tilespmem:$0x19C00] =	vst v63  }
0x95: {  	_ = 	snop  }
0x96: {  	[tilespmem:s11], [sflag:$0x2] =	stream.indirect.gather [hbm4b:s1+s7], $0x80, s28, s7, $0xb8;
	[tilespmem:$0x19C00] =	vst v63  }
0x97: {  	_ =	swait.ge [sflag:s24], $0x8000  }
0x98: {  	[sflag:s24] =	ssyncset.done $0x0  }
0x99: {  	s0 =	rddreg [dreg:$0x8];
	[sflag:s24] =	ssyncadd.s32 $0xFFFF8000  }
0x9a: {  	[hbm4b:s0+s19] =	stream.strided.scatter [tilespmem:s12], [sflag:$0x6], $0x8000, s21, s19, $0x38;
	[tilespmem:$0x19C00] =	vst v63  }
0x9b: {  	_ =	swait.ge [sflag:s25], $0x8000  }
0x9c: {  	s0 =	sld [smem:$0x7E2]  }
0x9d: {  	[sflag:s25] =	ssyncset.done $0x0  }
0x9e: {  	s28 =	sld [smem:$0x7E3];
	[sflag:s25] =	ssyncadd.s32 $0xFFFF8000  }
0x9f: {  	[tilespmem:s12], [sflag:$0x3] =	stream.indirect.gather [hbm4b:s1+s7], $0x80, s0, s7, $0xb8;
	[tilespmem:$0x19C00] =	vst v63  }
0xa0: {  	_ = 	snop  }
0xa1: {  	[tilespmem:s13], [sflag:$0x3] =	stream.indirect.gather [hbm4b:s1+s7], $0x80, s28, s7, $0xb8;
	[tilespmem:$0x19C00] =	vst v63  }
0xa2: {  	_ =	swait.ge [sflag:s18], $0x8000  }
0xa3: {  	[sflag:s18] =	ssyncset.done $0x0  }
0xa4: {  	s0 =	rddreg [dreg:$0x9];
	[sflag:s18] =	ssyncadd.s32 $0xFFFF8000  }
0xa5: {  	[hbm4b:s0+s19] =	stream.strided.scatter [tilespmem:s8], [sflag:$0x4], $0x8000, s21, s19, $0x38;
	[tilespmem:$0x19C00] =	vst v63  }
0xa6: {  	_ =	swait.ge [sflag:s20], $0x8000  }
0xa7: {  	s0 =	sld [smem:$0x7E4]  }
0xa8: {  	[sflag:s20] =	ssyncset.done $0x0  }
0xa9: {  	s28 =	sld [smem:$0x7E5];
	[sflag:s20] =	ssyncadd.s32 $0xFFFF8000  }
0xaa: {  	[tilespmem:s8], [sflag:$0x1] =	stream.indirect.gather [hbm4b:s1+s7], $0x80, s0, s7, $0xb8;
	[tilespmem:$0x19C00] =	vst v63  }
0xab: {  	_ = 	snop  }
0xac: {  	[tilespmem:s9], [sflag:$0x1] =	stream.indirect.gather [hbm4b:s1+s7], $0x80, s28, s7, $0xb8;
	[tilespmem:$0x19C00] =	vst v63  }
0xad: {  	_ =	swait.ge [sflag:s22], $0x8000  }
0xae: {  	[sflag:s22] =	ssyncset.done $0x0  }
0xaf: {  	s0 =	rddreg [dreg:$0xa];
	[sflag:s22] =	ssyncadd.s32 $0xFFFF8000  }
0xb0: {  	[hbm4b:s0+s19] =	stream.strided.scatter [tilespmem:s10], [sflag:$0x5], $0x8000, s21, s19, $0x38;
	[tilespmem:$0x19C00] =	vst v63  }
0xb1: {  	_ =	swait.ge [sflag:s23], $0x8000  }
0xb2: {  	s0 =	sld [smem:$0x7E6]  }
0xb3: {  	[sflag:s23] =	ssyncset.done $0x0  }
0xb4: {  	s28 =	sld [smem:$0x7E7];
	[sflag:s23] =	ssyncadd.s32 $0xFFFF8000  }
0xb5: {  	[tilespmem:s10], [sflag:$0x2] =	stream.indirect.gather [hbm4b:s1+s7], $0x80, s0, s7, $0xb8;
	[tilespmem:$0x19C00] =	vst v63  }
0xb6: {  	_ = 	snop  }
0xb7: {  	[tilespmem:s11], [sflag:$0x2] =	stream.indirect.gather [hbm4b:s1+s7], $0x80, s28, s7, $0xb8;
	[tilespmem:$0x19C00] =	vst v63  }
0xb8: {  	_ =	swait.ge [sflag:s24], $0x8000  }
0xb9: {  	[sflag:s24] =	ssyncset.done $0x0  }
0xba: {  	s0 =	rddreg [dreg:$0xb];
	[sflag:s24] =	ssyncadd.s32 $0xFFFF8000  }
0xbb: {  	[hbm4b:s0+s19] =	stream.strided.scatter [tilespmem:s12], [sflag:$0x6], $0x8000, s21, s19, $0x38;
	[tilespmem:$0x19C00] =	vst v63  }
0xbc: {  	_ =	swait.ge [sflag:s25], $0x8000  }
0xbd: {  	s0 =	sld [smem:$0x7E8]  }
0xbe: {  	[sflag:s25] =	ssyncset.done $0x0  }
0xbf: {  	s28 =	sld [smem:$0x7E9];
	[sflag:s25] =	ssyncadd.s32 $0xFFFF8000  }
0xc0: {  	[tilespmem:s12], [sflag:$0x3] =	stream.indirect.gather [hbm4b:s1+s7], $0x80, s0, s7, $0xb8;
	[tilespmem:$0x19C00] =	vst v63  }
0xc1: {  	_ = 	snop  }
0xc2: {  	[tilespmem:s13], [sflag:$0x3] =	stream.indirect.gather [hbm4b:s1+s7], $0x80, s28, s7, $0xb8;
	[tilespmem:$0x19C00] =	vst v63  }
0xc3: {  	_ =	swait.ge [sflag:s18], $0x8000  }
0xc4: {  	[sflag:s18] =	ssyncset.done $0x0  }
0xc5: {  	s0 =	rddreg [dreg:$0xc];
	[sflag:s18] =	ssyncadd.s32 $0xFFFF8000  }
0xc6: {  	[hbm4b:s0+s19] =	stream.strided.scatter [tilespmem:s8], [sflag:$0x4], $0x8000, s21, s19, $0x38;
	[tilespmem:$0x19C00] =	vst v63  }
0xc7: {  	_ =	swait.ge [sflag:s20], $0x8000  }
0xc8: {  	s0 =	sld [smem:$0x7EA]  }
0xc9: {  	[sflag:s20] =	ssyncset.done $0x0  }
0xca: {  	s28 =	sld [smem:$0x7EB];
	[sflag:s20] =	ssyncadd.s32 $0xFFFF8000  }
0xcb: {  	[tilespmem:s8], [sflag:$0x1] =	stream.indirect.gather [hbm4b:s1+s7], $0x80, s0, s7, $0xb8;
	[tilespmem:$0x19C00] =	vst v63  }
0xcc: {  	_ = 	snop  }
0xcd: {  	[tilespmem:s9], [sflag:$0x1] =	stream.indirect.gather [hbm4b:s1+s7], $0x80, s28, s7, $0xb8;
	[tilespmem:$0x19C00] =	vst v63  }
0xce: {  	_ =	swait.ge [sflag:s22], $0x8000  }
0xcf: {  	[sflag:s22] =	ssyncset.done $0x0  }
0xd0: {  	s0 =	rddreg [dreg:$0xd];
	[sflag:s22] =	ssyncadd.s32 $0xFFFF8000  }
0xd1: {  	[hbm4b:s0+s19] =	stream.strided.scatter [tilespmem:s10], [sflag:$0x5], $0x8000, s21, s19, $0x38;
	[tilespmem:$0x19C00] =	vst v63  }
0xd2: {  	_ =	swait.ge [sflag:s23], $0x8000  }
0xd3: {  	s0 =	sld [smem:$0x7EC]  }
0xd4: {  	[sflag:s23] =	ssyncset.done $0x0  }
0xd5: {  	s28 =	sld [smem:$0x7ED];
	[sflag:s23] =	ssyncadd.s32 $0xFFFF8000  }
0xd6: {  	[tilespmem:s10], [sflag:$0x2] =	stream.indirect.gather [hbm4b:s1+s7], $0x80, s0, s7, $0xb8;
	[tilespmem:$0x19C00] =	vst v63  }
0xd7: {  	_ = 	snop  }
0xd8: {  	[tilespmem:s11], [sflag:$0x2] =	stream.indirect.gather [hbm4b:s1+s7], $0x80, s28, s7, $0xb8;
	[tilespmem:$0x19C00] =	vst v63  }
0xd9: {  	_ =	swait.ge [sflag:s24], $0x8000  }
0xda: {  	[sflag:s24] =	ssyncset.done $0x0  }
0xdb: {  	s0 =	rddreg [dreg:$0xe];
	[sflag:s24] =	ssyncadd.s32 $0xFFFF8000  }
0xdc: {  	[hbm4b:s0+s19] =	stream.strided.scatter [tilespmem:s12], [sflag:$0x6], $0x8000, s21, s19, $0x38;
	[tilespmem:$0x19C00] =	vst v63  }
0xdd: {  	_ =	swait.ge [sflag:s25], $0x8000  }
0xde: {  	s0 =	sld [smem:$0x7EE]  }
0xdf: {  	[sflag:s25] =	ssyncset.done $0x0  }
0xe0: {  	s28 =	sld [smem:$0x7EF];
	[sflag:s25] =	ssyncadd.s32 $0xFFFF8000  }
0xe1: {  	[tilespmem:s12], [sflag:$0x3] =	stream.indirect.gather [hbm4b:s1+s7], $0x80, s0, s7, $0xb8;
	[tilespmem:$0x19C00] =	vst v63  }
0xe2: {  	_ = 	snop  }
0xe3: {  	[tilespmem:s13], [sflag:$0x3] =	stream.indirect.gather [hbm4b:s1+s7], $0x80, s28, s7, $0xb8;
	[tilespmem:$0x19C00] =	vst v63  }
0xe4: {  	_ =	swait.ge [sflag:s18], $0x8000  }
0xe5: {  	[sflag:s18] =	ssyncset.done $0x0  }
0xe6: {  	s0 =	rddreg [dreg:$0xf];
	[sflag:s18] =	ssyncadd.s32 $0xFFFF8000  }
0xe7: {  	[hbm4b:s0+s19] =	stream.strided.scatter [tilespmem:s8], [sflag:$0x4], $0x8000, s21, s19, $0x38;
	[tilespmem:$0x19C00] =	vst v63  }
0xe8: {  	_ =	swait.ge [sflag:s20], $0x8000  }
0xe9: {  	s0 =	sld [smem:$0x7F0]  }
0xea: {  	[sflag:s20] =	ssyncset.done $0x0  }
0xeb: {  	s28 =	sld [smem:$0x7F1];
	[sflag:s20] =	ssyncadd.s32 $0xFFFF8000  }
0xec: {  	[tilespmem:s8], [sflag:$0x1] =	stream.indirect.gather [hbm4b:s1+s7], $0x80, s0, s7, $0xb8;
	[tilespmem:$0x19C00] =	vst v63  }
0xed: {  	_ = 	snop  }
0xee: {  	[tilespmem:s9], [sflag:$0x1] =	stream.indirect.gather [hbm4b:s1+s7], $0x80, s28, s7, $0xb8;
	[tilespmem:$0x19C00] =	vst v63  }
0xef: {  	_ =	swait.ge [sflag:s22], $0x8000  }
0xf0: {  	[sflag:s22] =	ssyncset.done $0x0  }
0xf1: {  	s0 =	rddreg [dreg:$0x10];
	[sflag:s22] =	ssyncadd.s32 $0xFFFF8000  }
0xf2: {  	[hbm4b:s0+s19] =	stream.strided.scatter [tilespmem:s10], [sflag:$0x5], $0x8000, s21, s19, $0x38;
	[tilespmem:$0x19C00] =	vst v63  }
0xf3: {  	_ =	swait.ge [sflag:s23], $0x8000  }
0xf4: {  	s0 =	sld [smem:$0x7F2]  }
0xf5: {  	[sflag:s23] =	ssyncset.done $0x0  }
0xf6: {  	s28 =	sld [smem:$0x7F3];
	[sflag:s23] =	ssyncadd.s32 $0xFFFF8000  }
0xf7: {  	[tilespmem:s10], [sflag:$0x2] =	stream.indirect.gather [hbm4b:s1+s7], $0x80, s0, s7, $0xb8;
	[tilespmem:$0x19C00] =	vst v63  }
0xf8: {  	_ = 	snop  }
0xf9: {  	[tilespmem:s11], [sflag:$0x2] =	stream.indirect.gather [hbm4b:s1+s7], $0x80, s28, s7, $0xb8;
	[tilespmem:$0x19C00] =	vst v63  }
0xfa: {  	_ =	swait.ge [sflag:s24], $0x8000  }
0xfb: {  	[sflag:s24] =	ssyncset.done $0x0  }
0xfc: {  	s0 =	rddreg [dreg:$0x11];
	[sflag:s24] =	ssyncadd.s32 $0xFFFF8000  }
0xfd: {  	[hbm4b:s0+s19] =	stream.strided.scatter [tilespmem:s12], [sflag:$0x6], $0x8000, s21, s19, $0x38;
	[tilespmem:$0x19C00] =	vst v63  }
0xfe: {  	_ =	swait.ge [sflag:s25], $0x8000  }
0xff: {  	s0 =	sld [smem:$0x7F4]  }
0x100: {  	[sflag:s25] =	ssyncset.done $0x0  }
0x101: {  	s28 =	sld [smem:$0x7F5];
	[sflag:s25] =	ssyncadd.s32 $0xFFFF8000  }
0x102: {  	[tilespmem:s12], [sflag:$0x3] =	stream.indirect.gather [hbm4b:s1+s7], $0x80, s0, s7, $0xb8;
	[tilespmem:$0x19C00] =	vst v63  }
0x103: {  	_ = 	snop  }
0x104: {  	[tilespmem:s13], [sflag:$0x3] =	stream.indirect.gather [hbm4b:s1+s7], $0x80, s28, s7, $0xb8;
	[tilespmem:$0x19C00] =	vst v63  }
0x105: {  	_ =	swait.ge [sflag:s18], $0x8000  }
0x106: {  	[sflag:s18] =	ssyncset.done $0x0  }
0x107: {  	s0 =	rddreg [dreg:$0x12];
	[sflag:s18] =	ssyncadd.s32 $0xFFFF8000  }
0x108: {  	[hbm4b:s0+s19] =	stream.strided.scatter [tilespmem:s8], [sflag:$0x4], $0x8000, s21, s19, $0x38;
	[tilespmem:$0x19C00] =	vst v63  }
0x109: {  	_ =	swait.ge [sflag:s20], $0x8000  }
0x10a: {  	s0 =	sld [smem:$0x7F6]  }
0x10b: {  	[sflag:s20] =	ssyncset.done $0x0  }
0x10c: {  	s28 =	sld [smem:$0x7F7];
	[sflag:s20] =	ssyncadd.s32 $0xFFFF8000  }
0x10d: {  	[tilespmem:s8], [sflag:$0x1] =	stream.indirect.gather [hbm4b:s1+s7], $0x80, s0, s7, $0xb8;
	[tilespmem:$0x19C00] =	vst v63  }
0x10e: {  	_ = 	snop  }
0x10f: {  	[tilespmem:s9], [sflag:$0x1] =	stream.indirect.gather [hbm4b:s1+s7], $0x80, s28, s7, $0xb8;
	[tilespmem:$0x19C00] =	vst v63  }
0x110: {  	_ =	swait.ge [sflag:s22], $0x8000  }
0x111: {  	[sflag:s22] =	ssyncset.done $0x0  }
0x112: {  	s0 =	rddreg [dreg:$0x13];
	[sflag:s22] =	ssyncadd.s32 $0xFFFF8000  }
0x113: {  	[hbm4b:s0+s19] =	stream.strided.scatter [tilespmem:s10], [sflag:$0x5], $0x8000, s21, s19, $0x38;
	[tilespmem:$0x19C00] =	vst v63  }
0x114: {  	_ =	swait.ge [sflag:s23], $0x8000  }
0x115: {  	s0 =	sld [smem:$0x7F8]  }
0x116: {  	[sflag:s23] =	ssyncset.done $0x0  }
0x117: {  	s28 =	sld [smem:$0x7F9];
	[sflag:s23] =	ssyncadd.s32 $0xFFFF8000  }
0x118: {  	[tilespmem:s10], [sflag:$0x2] =	stream.indirect.gather [hbm4b:s1+s7], $0x80, s0, s7, $0xb8;
	[tilespmem:$0x19C00] =	vst v63  }
0x119: {  	_ = 	snop  }
0x11a: {  	[tilespmem:s11], [sflag:$0x2] =	stream.indirect.gather [hbm4b:s1+s7], $0x80, s28, s7, $0xb8;
	[tilespmem:$0x19C00] =	vst v63  }
0x11b: {  	_ =	swait.ge [sflag:s24], $0x8000  }
0x11c: {  	[sflag:s24] =	ssyncset.done $0x0  }
0x11d: {  	s0 =	rddreg [dreg:$0x14];
	[sflag:s24] =	ssyncadd.s32 $0xFFFF8000  }
0x11e: {  	[hbm4b:s0+s19] =	stream.strided.scatter [tilespmem:s12], [sflag:$0x6], $0x8000, s21, s19, $0x38;
	[tilespmem:$0x19C00] =	vst v63  }
0x11f: {  	_ =	swait.ge [sflag:s25], $0x8000  }
0x120: {  	s0 =	sld [smem:$0x7FA]  }
0x121: {  	[sflag:s25] =	ssyncset.done $0x0  }
0x122: {  	s28 =	sld [smem:$0x7FB];
	[sflag:s25] =	ssyncadd.s32 $0xFFFF8000  }
0x123: {  	[tilespmem:s12], [sflag:$0x3] =	stream.indirect.gather [hbm4b:s1+s7], $0x80, s0, s7, $0xb8;
	[tilespmem:$0x19C00] =	vst v63  }
0x124: {  	_ = 	snop  }
0x125: {  	[tilespmem:s13], [sflag:$0x3] =	stream.indirect.gather [hbm4b:s1+s7], $0x80, s28, s7, $0xb8;
	[tilespmem:$0x19C00] =	vst v63  }
0x126: {  	_ =	swait.ge [sflag:s18], $0x8000  }
0x127: {  	[sflag:s18] =	ssyncset.done $0x0  }
0x128: {  	s0 =	rddreg [dreg:$0x15];
	[sflag:s18] =	ssyncadd.s32 $0xFFFF8000  }
0x129: {  	[hbm4b:s0+s19] =	stream.strided.scatter [tilespmem:s8], [sflag:$0x4], $0x8000, s21, s19, $0x38;
	[tilespmem:$0x19C00] =	vst v63  }
0x12a: {  	_ =	swait.ge [sflag:s20], $0x8000  }
0x12b: {  	s0 =	sld [smem:$0x7FC]  }
0x12c: {  	[sflag:s20] =	ssyncset.done $0x0  }
0x12d: {  	s28 =	sld [smem:$0x7FD];
	[sflag:s20] =	ssyncadd.s32 $0xFFFF8000  }
0x12e: {  	[tilespmem:s8], [sflag:$0x1] =	stream.indirect.gather [hbm4b:s1+s7], $0x80, s0, s7, $0xb8;
	[tilespmem:$0x19C00] =	vst v63  }
0x12f: {  	_ = 	snop  }
0x130: {  	[tilespmem:s9], [sflag:$0x1] =	stream.indirect.gather [hbm4b:s1+s7], $0x80, s28, s7, $0xb8;
	[tilespmem:$0x19C00] =	vst v63  }
0x131: {  	_ =	swait.ge [sflag:s22], $0x8000  }
0x132: {  	[sflag:s22] =	ssyncset.done $0x0  }
0x133: {  	s0 =	rddreg [dreg:$0x16];
	[sflag:s22] =	ssyncadd.s32 $0xFFFF8000  }
0x134: {  	[hbm4b:s0+s19] =	stream.strided.scatter [tilespmem:s10], [sflag:$0x5], $0x8000, s21, s19, $0x38;
	[tilespmem:$0x19C00] =	vst v63  }
0x135: {  	_ =	swait.ge [sflag:s23], $0x8000  }
0x136: {  	[sflag:s23] =	ssyncset.done $0x0  }
0x137: {  	s26 =	simm.s32 $0x1600;
	[sflag:s23] =	ssyncadd.s32 $0xFFFF8000  }
0x138: {  	[tilespmem:s10], [sflag:$0x2] =	stream.indirect.gather [hbm4b:s1+s7], $0x80, s26, s7, $0xb8;
	[tilespmem:$0x19C00] =	vst v63  }
0x139: {  	s28 =	simm.s32 $0x1680  }
0x13a: {  	[tilespmem:s11], [sflag:$0x2] =	stream.indirect.gather [hbm4b:s1+s7], $0x80, s28, s7, $0xb8;
	[tilespmem:$0x19C00] =	vst v63  }
0x13b: {  	_ =	swait.ge [sflag:s24], $0x8000  }
0x13c: {  	[sflag:s24] =	ssyncset.done $0x0  }
0x13d: {  	s29 =	rddreg [dreg:$0x17];
	[sflag:s24] =	ssyncadd.s32 $0xFFFF8000  }
0x13e: {  	[hbm4b:s29+s19] =	stream.strided.scatter [tilespmem:s12], [sflag:$0x6], $0x8000, s21, s19, $0x38;
	[tilespmem:$0x19C00] =	vst v63  }
0x13f: {  	_ =	swait.ge [sflag:s25], $0x8000  }
0x140: {  	[sflag:s25] =	ssyncset.done $0x0  }
0x141: {  	s29 =	simm.s32 $0x1700;
	[sflag:s25] =	ssyncadd.s32 $0xFFFF8000  }
0x142: {  	[tilespmem:s12], [sflag:$0x3] =	stream.indirect.gather [hbm4b:s1+s7], $0x80, s29, s7, $0xb8;
	[tilespmem:$0x19C00] =	vst v63  }
0x143: {  	s30 =	simm.s32 $0x1780  }
0x144: {  	[tilespmem:s13], [sflag:$0x3] =	stream.indirect.gather [hbm4b:s1+s7], $0x80, s30, s7, $0xb8;
	[tilespmem:$0x19C00] =	vst v63  }
0x145: {  	_ =	swait.ge [sflag:s18], $0x8000  }
0x146: {  	[sflag:s18] =	ssyncset.done $0x0  }
0x147: {  	s31 =	rddreg [dreg:$0x18];
	[sflag:s18] =	ssyncadd.s32 $0xFFFF8000  }
0x148: {  	[hbm4b:s31+s19] =	stream.strided.scatter [tilespmem:s8], [sflag:$0x4], $0x8000, s21, s19, $0x38;
	[tilespmem:$0x19C00] =	vst v63  }
0x149: {  	_ =	swait.ge [sflag:s20], $0x8000  }
0x14a: {  	[sflag:s20] =	ssyncset.done $0x0  }
0x14b: {  	[sflag:s20] =	ssyncadd.s32 $0xFFFF8000  }
0x14c: {  	[tilespmem:s8], [sflag:$0x1] =	stream.indirect.gather [hbm4b:s1+s7], $0x80, s16, s7, $0xb8;
	[tilespmem:$0x19C00] =	vst v63  }
0x14d: {  	s31 =	simm.s32 $0x1880  }
0x14e: {  	[tilespmem:s9], [sflag:$0x1] =	stream.indirect.gather [hbm4b:s1+s7], $0x80, s31, s7, $0xb8;
	[tilespmem:$0x19C00] =	vst v63  }
0x14f: {  	_ =	swait.ge [sflag:s22], $0x8000  }
0x150: {  	[sflag:s22] =	ssyncset.done $0x0  }
0x151: {  	s26 =	rddreg [dreg:$0x19];
	[sflag:s22] =	ssyncadd.s32 $0xFFFF8000  }
0x152: {  	[hbm4b:s26+s19] =	stream.strided.scatter [tilespmem:s10], [sflag:$0x5], $0x8000, s21, s19, $0x38;
	[tilespmem:$0x19C00] =	vst v63  }
0x153: {  	_ =	swait.ge [sflag:s24], $0x8000  }
0x154: {  	[sflag:s24] =	ssyncset.done $0x0  }
0x155: {  	s26 =	rddreg [dreg:$0x1a];
	[sflag:s24] =	ssyncadd.s32 $0xFFFF8000  }
0x156: {  	[hbm4b:s26+s19] =	stream.strided.scatter [tilespmem:s12], [sflag:$0x6], $0x8000, s21, s19, $0x38;
	[tilespmem:$0x19C00] =	vst v63  }
0x157: {  	_ =	swait.ge [sflag:s18], $0x8000  }
0x158: {  	[sflag:s18] =	ssyncset.done $0x0  }
0x159: {  	s26 =	rddreg [dreg:$0x1b];
	[sflag:s18] =	ssyncadd.s32 $0xFFFF8000  }
0x15a: {  	[hbm4b:s26+s19] =	stream.strided.scatter [tilespmem:s8], [sflag:$0x4], $0x8000, s21, s19, $0x38;
	[tilespmem:$0x19C00] =	vst v63  }
0x15b: {  	s26 =	ssub.s32 $0x2, s2  }
0x15c: {  	s2 =	sshrl.u32 s26, $0x1  }
0x15d: {  	_ =	swait.ge [sflag:s23], $0x8000;
	s0 =	ssub.s32 s26, s2  }
0x15e: {  	[sflag:s23] =	ssyncset.done $0x0;
	s0 =	smax.u32 s0, $0x1  }
0x15f: {  	[sflag:s23] =	ssyncadd.s32 $0xFFFF8000;
	p0 =	sne.s32 s0, $0x1  }
.Ltmp0:
0x160: {  	_ =	swait.ge [sflag:s25], $0x8000;
	(pc) =	sbr.rel @!p0 .LBB2_2-.Ltmp0, $4  }
0x161: {  	[sflag:s25] =	ssyncset.done $0x0  }
0x162: {  	[sflag:s25] =	ssyncadd.s32 $0xFFFF8000  }
0x163: {  	_ =	swait.ge [sflag:s20], $0x8000  }
0x164: {  	s2 =	sadd.s32 $0xFFFFFFFF, s0;
	[sflag:s20] =	ssyncset.done $0x0  }
.LBB2_1:
0x165: {  	[sflag:s20] =	ssyncadd.s32 $0xFFFF8000  }
0x166: {  	[tilespmem:s3], [sflag:$0x7] =	stream.linear.gather [hbm4b:s5+s3], $0x400, $0x38;
	[tilespmem:$0x19C00] =	vst v63  }
0x167: {  	_ =	swait.ge [sflag:s6], $0x400  }
0x168: {  	[sflag:s6] =	ssyncset.done $0x0  }
0x169: {  	[sflag:s6] =	ssyncadd.s32 $0xFFFFFC00  }
0x16a: {  	[tilespmem:s8], [sflag:$0x1] =	stream.indirect.gather [hbm4b:s1+s7], $0x80, s3, s7, $0xb8;
	[tilespmem:$0x19C00] =	vst v63  }
0x16b: {  	s0 =	rddreg [dreg:$0x1c]  }
0x16c: {  	[tilespmem:s9], [sflag:$0x1] =	stream.indirect.gather [hbm4b:s1+s7], $0x80, s7, s7, $0xb8;
	[tilespmem:$0x19C00] =	vst v63  }
0x16d: {  	s26 =	rddreg [dreg:$0x1d]  }
0x16e: {  	[tilespmem:s10], [sflag:$0x2] =	stream.indirect.gather [hbm4b:s1+s7], $0x80, s0, s7, $0xb8;
	[tilespmem:$0x19C00] =	vst v63  }
0x16f: {  	s0 =	rddreg [dreg:$0x1e]  }
0x170: {  	[tilespmem:s11], [sflag:$0x2] =	stream.indirect.gather [hbm4b:s1+s7], $0x80, s26, s7, $0xb8;
	[tilespmem:$0x19C00] =	vst v63  }
0x171: {  	s26 =	rddreg [dreg:$0x1f]  }
0x172: {  	[tilespmem:s12], [sflag:$0x3] =	stream.indirect.gather [hbm4b:s1+s7], $0x80, s0, s7, $0xb8;
	[tilespmem:$0x19C00] =	vst v63  }
0x173: {  	s0 =	sld [smem:$0x7D8]  }
0x174: {  	[tilespmem:s13], [sflag:$0x3] =	stream.indirect.gather [hbm4b:s1+s7], $0x80, s26, s7, $0xb8;
	[tilespmem:$0x19C00] =	vst v63  }
0x175: {  	_ = 	snop  }
0x176: {  	[tilespmem:s15], [sflag:$0x7] =	stream.strided.gather [hbm4b:s14+s15], $0x1400, s0, s15, $0x38;
	[tilespmem:$0x19C00] =	vst v63  }
0x177: {  	_ = 	snop  }
0x178: {  	[tilespmem:s16], [sflag:$0x7] =	stream.linear.gather [hbm4b:s17+s3], $0x100, $0x38;
	[tilespmem:$0x19C00] =	vst v63  }
0x179: {  	_ =	swait.ge [sflag:s6], $0x1500  }
0x17a: {  	[sflag:s6] =	ssyncset.done $0x0  }
0x17b: {  	[sflag:s6] =	ssyncadd.s32 $0xFFFFEB00  }
0x17c: {  	_ =	swait.ge [sflag:s18], $0x8000  }
0x17d: {  	[sflag:s18] =	ssyncset.done $0x0  }
0x17e: {  	[sflag:s18] =	ssyncadd.s32 $0xFFFF8000  }
0x17f: {  	[hbm4b:s4+s19] =	stream.strided.scatter [tilespmem:s8], [sflag:$0x4], $0x8000, s21, s19, $0x38;
	[tilespmem:$0x19C00] =	vst v63  }
0x180: {  	_ =	swait.ge [sflag:s20], $0x8000  }
0x181: {  	s0 =	sld [smem:$0x7D9]  }
0x182: {  	[sflag:s20] =	ssyncset.done $0x0  }
0x183: {  	s26 =	sld [smem:$0x7DA];
	[sflag:s20] =	ssyncadd.s32 $0xFFFF8000  }
0x184: {  	[tilespmem:s8], [sflag:$0x1] =	stream.indirect.gather [hbm4b:s1+s7], $0x80, s0, s7, $0xb8;
	[tilespmem:$0x19C00] =	vst v63  }
0x185: {  	_ = 	snop  }
0x186: {  	[tilespmem:s9], [sflag:$0x1] =	stream.indirect.gather [hbm4b:s1+s7], $0x80, s26, s7, $0xb8;
	[tilespmem:$0x19C00] =	vst v63  }
0x187: {  	_ =	swait.ge [sflag:s22], $0x8000  }
0x188: {  	[sflag:s22] =	ssyncset.done $0x0  }
0x189: {  	s26 =	rddreg [dreg:$0x4];
	[sflag:s22] =	ssyncadd.s32 $0xFFFF8000  }
0x18a: {  	[hbm4b:s26+s19] =	stream.strided.scatter [tilespmem:s10], [sflag:$0x5], $0x8000, s21, s19, $0x38;
	[tilespmem:$0x19C00] =	vst v63  }
0x18b: {  	_ =	swait.ge [sflag:s23], $0x8000  }
0x18c: {  	[sflag:s23] =	ssyncset.done $0x0  }
0x18d: {  	s26 =	sld [smem:$0x7DB];
	[sflag:s23] =	ssyncadd.s32 $0xFFFF8000  }
0x18e: {  	[tilespmem:s10], [sflag:$0x2] =	stream.indirect.gather [hbm4b:s1+s7], $0x80, s15, s7, $0xb8;
	[tilespmem:$0x19C00] =	vst v63  }
0x18f: {  	_ = 	snop  }
0x190: {  	[tilespmem:s11], [sflag:$0x2] =	stream.indirect.gather [hbm4b:s1+s7], $0x80, s26, s7, $0xb8;
	[tilespmem:$0x19C00] =	vst v63  }
0x191: {  	_ =	swait.ge [sflag:s24], $0x8000  }
0x192: {  	[sflag:s24] =	ssyncset.done $0x0  }
0x193: {  	s26 =	rddreg [dreg:$0x5];
	[sflag:s24] =	ssyncadd.s32 $0xFFFF8000  }
0x194: {  	[hbm4b:s26+s19] =	stream.strided.scatter [tilespmem:s12], [sflag:$0x6], $0x8000, s21, s19, $0x38;
	[tilespmem:$0x19C00] =	vst v63  }
0x195: {  	_ =	swait.ge [sflag:s25], $0x8000  }
0x196: {  	s0 =	sld [smem:$0x7DC]  }
0x197: {  	[sflag:s25] =	ssyncset.done $0x0  }
0x198: {  	s26 =	sld [smem:$0x7DD];
	[sflag:s25] =	ssyncadd.s32 $0xFFFF8000  }
0x199: {  	[tilespmem:s12], [sflag:$0x3] =	stream.indirect.gather [hbm4b:s1+s7], $0x80, s0, s7, $0xb8;
	[tilespmem:$0x19C00] =	vst v63  }
0x19a: {  	_ = 	snop  }
0x19b: {  	[tilespmem:s13], [sflag:$0x3] =	stream.indirect.gather [hbm4b:s1+s7], $0x80, s26, s7, $0xb8;
	[tilespmem:$0x19C00] =	vst v63  }
0x19c: {  	_ =	swait.ge [sflag:s18], $0x8000  }
0x19d: {  	[sflag:s18] =	ssyncset.done $0x0  }
0x19e: {  	s26 =	rddreg [dreg:$0x6];
	[sflag:s18] =	ssyncadd.s32 $0xFFFF8000  }
0x19f: {  	[hbm4b:s26+s19] =	stream.strided.scatter [tilespmem:s8], [sflag:$0x4], $0x8000, s21, s19, $0x38;
	[tilespmem:$0x19C00] =	vst v63  }
0x1a0: {  	_ =	swait.ge [sflag:s20], $0x8000  }
0x1a1: {  	s0 =	sld [smem:$0x7DE]  }
0x1a2: {  	[sflag:s20] =	ssyncset.done $0x0  }
0x1a3: {  	s26 =	sld [smem:$0x7DF];
	[sflag:s20] =	ssyncadd.s32 $0xFFFF8000  }
0x1a4: {  	[tilespmem:s8], [sflag:$0x1] =	stream.indirect.gather [hbm4b:s1+s7], $0x80, s0, s7, $0xb8;
	[tilespmem:$0x19C00] =	vst v63  }
0x1a5: {  	_ = 	snop  }
0x1a6: {  	[tilespmem:s9], [sflag:$0x1] =	stream.indirect.gather [hbm4b:s1+s7], $0x80, s26, s7, $0xb8;
	[tilespmem:$0x19C00] =	vst v63  }
0x1a7: {  	_ =	swait.ge [sflag:s22], $0x8000  }
0x1a8: {  	[sflag:s22] =	ssyncset.done $0x0  }
0x1a9: {  	s26 =	rddreg [dreg:$0x7];
	[sflag:s22] =	ssyncadd.s32 $0xFFFF8000  }
0x1aa: {  	[hbm4b:s26+s19] =	stream.strided.scatter [tilespmem:s10], [sflag:$0x5], $0x8000, s21, s19, $0x38;
	[tilespmem:$0x19C00] =	vst v63  }
0x1ab: {  	_ =	swait.ge [sflag:s23], $0x8000  }
0x1ac: {  	s0 =	sld [smem:$0x7E0]  }
0x1ad: {  	[sflag:s23] =	ssyncset.done $0x0  }
0x1ae: {  	s26 =	sld [smem:$0x7E1];
	[sflag:s23] =	ssyncadd.s32 $0xFFFF8000  }
0x1af: {  	[tilespmem:s10], [sflag:$0x2] =	stream.indirect.gather [hbm4b:s1+s7], $0x80, s0, s7, $0xb8;
	[tilespmem:$0x19C00] =	vst v63  }
0x1b0: {  	_ = 	snop  }
0x1b1: {  	[tilespmem:s11], [sflag:$0x2] =	stream.indirect.gather [hbm4b:s1+s7], $0x80, s26, s7, $0xb8;
	[tilespmem:$0x19C00] =	vst v63  }
0x1b2: {  	_ =	swait.ge [sflag:s24], $0x8000  }
0x1b3: {  	[sflag:s24] =	ssyncset.done $0x0  }
0x1b4: {  	s26 =	rddreg [dreg:$0x8];
	[sflag:s24] =	ssyncadd.s32 $0xFFFF8000  }
0x1b5: {  	[hbm4b:s26+s19] =	stream.strided.scatter [tilespmem:s12], [sflag:$0x6], $0x8000, s21, s19, $0x38;
	[tilespmem:$0x19C00] =	vst v63  }
0x1b6: {  	_ =	swait.ge [sflag:s25], $0x8000  }
0x1b7: {  	s0 =	sld [smem:$0x7E2]  }
0x1b8: {  	[sflag:s25] =	ssyncset.done $0x0  }
0x1b9: {  	s26 =	sld [smem:$0x7E3];
	[sflag:s25] =	ssyncadd.s32 $0xFFFF8000  }
0x1ba: {  	[tilespmem:s12], [sflag:$0x3] =	stream.indirect.gather [hbm4b:s1+s7], $0x80, s0, s7, $0xb8;
	[tilespmem:$0x19C00] =	vst v63  }
0x1bb: {  	_ = 	snop  }
0x1bc: {  	[tilespmem:s13], [sflag:$0x3] =	stream.indirect.gather [hbm4b:s1+s7], $0x80, s26, s7, $0xb8;
	[tilespmem:$0x19C00] =	vst v63  }
0x1bd: {  	_ =	swait.ge [sflag:s18], $0x8000  }
0x1be: {  	[sflag:s18] =	ssyncset.done $0x0  }
0x1bf: {  	s26 =	rddreg [dreg:$0x9];
	[sflag:s18] =	ssyncadd.s32 $0xFFFF8000  }
0x1c0: {  	[hbm4b:s26+s19] =	stream.strided.scatter [tilespmem:s8], [sflag:$0x4], $0x8000, s21, s19, $0x38;
	[tilespmem:$0x19C00] =	vst v63  }
0x1c1: {  	_ =	swait.ge [sflag:s20], $0x8000  }
0x1c2: {  	s0 =	sld [smem:$0x7E4]  }
0x1c3: {  	[sflag:s20] =	ssyncset.done $0x0  }
0x1c4: {  	s26 =	sld [smem:$0x7E5];
	[sflag:s20] =	ssyncadd.s32 $0xFFFF8000  }
0x1c5: {  	[tilespmem:s8], [sflag:$0x1] =	stream.indirect.gather [hbm4b:s1+s7], $0x80, s0, s7, $0xb8;
	[tilespmem:$0x19C00] =	vst v63  }
0x1c6: {  	_ = 	snop  }
0x1c7: {  	[tilespmem:s9], [sflag:$0x1] =	stream.indirect.gather [hbm4b:s1+s7], $0x80, s26, s7, $0xb8;
	[tilespmem:$0x19C00] =	vst v63  }
0x1c8: {  	_ =	swait.ge [sflag:s22], $0x8000  }
0x1c9: {  	[sflag:s22] =	ssyncset.done $0x0  }
0x1ca: {  	s26 =	rddreg [dreg:$0xa];
	[sflag:s22] =	ssyncadd.s32 $0xFFFF8000  }
0x1cb: {  	[hbm4b:s26+s19] =	stream.strided.scatter [tilespmem:s10], [sflag:$0x5], $0x8000, s21, s19, $0x38;
	[tilespmem:$0x19C00] =	vst v63  }
0x1cc: {  	_ =	swait.ge [sflag:s23], $0x8000  }
0x1cd: {  	s0 =	sld [smem:$0x7E6]  }
0x1ce: {  	[sflag:s23] =	ssyncset.done $0x0  }
0x1cf: {  	s26 =	sld [smem:$0x7E7];
	[sflag:s23] =	ssyncadd.s32 $0xFFFF8000  }
0x1d0: {  	[tilespmem:s10], [sflag:$0x2] =	stream.indirect.gather [hbm4b:s1+s7], $0x80, s0, s7, $0xb8;
	[tilespmem:$0x19C00] =	vst v63  }
0x1d1: {  	_ = 	snop  }
0x1d2: {  	[tilespmem:s11], [sflag:$0x2] =	stream.indirect.gather [hbm4b:s1+s7], $0x80, s26, s7, $0xb8;
	[tilespmem:$0x19C00] =	vst v63  }
0x1d3: {  	_ =	swait.ge [sflag:s24], $0x8000  }
0x1d4: {  	[sflag:s24] =	ssyncset.done $0x0  }
0x1d5: {  	s26 =	rddreg [dreg:$0xb];
	[sflag:s24] =	ssyncadd.s32 $0xFFFF8000  }
0x1d6: {  	[hbm4b:s26+s19] =	stream.strided.scatter [tilespmem:s12], [sflag:$0x6], $0x8000, s21, s19, $0x38;
	[tilespmem:$0x19C00] =	vst v63  }
0x1d7: {  	_ =	swait.ge [sflag:s25], $0x8000  }
0x1d8: {  	s0 =	sld [smem:$0x7E8]  }
0x1d9: {  	[sflag:s25] =	ssyncset.done $0x0  }
0x1da: {  	s26 =	sld [smem:$0x7E9];
	[sflag:s25] =	ssyncadd.s32 $0xFFFF8000  }
0x1db: {  	[tilespmem:s12], [sflag:$0x3] =	stream.indirect.gather [hbm4b:s1+s7], $0x80, s0, s7, $0xb8;
	[tilespmem:$0x19C00] =	vst v63  }
0x1dc: {  	_ = 	snop  }
0x1dd: {  	[tilespmem:s13], [sflag:$0x3] =	stream.indirect.gather [hbm4b:s1+s7], $0x80, s26, s7, $0xb8;
	[tilespmem:$0x19C00] =	vst v63  }
0x1de: {  	_ =	swait.ge [sflag:s18], $0x8000  }
0x1df: {  	[sflag:s18] =	ssyncset.done $0x0  }
0x1e0: {  	s26 =	rddreg [dreg:$0xc];
	[sflag:s18] =	ssyncadd.s32 $0xFFFF8000  }
0x1e1: {  	[hbm4b:s26+s19] =	stream.strided.scatter [tilespmem:s8], [sflag:$0x4], $0x8000, s21, s19, $0x38;
	[tilespmem:$0x19C00] =	vst v63  }
0x1e2: {  	_ =	swait.ge [sflag:s20], $0x8000  }
0x1e3: {  	s0 =	sld [smem:$0x7EA]  }
0x1e4: {  	[sflag:s20] =	ssyncset.done $0x0  }
0x1e5: {  	s26 =	sld [smem:$0x7EB];
	[sflag:s20] =	ssyncadd.s32 $0xFFFF8000  }
0x1e6: {  	[tilespmem:s8], [sflag:$0x1] =	stream.indirect.gather [hbm4b:s1+s7], $0x80, s0, s7, $0xb8;
	[tilespmem:$0x19C00] =	vst v63  }
0x1e7: {  	_ = 	snop  }
0x1e8: {  	[tilespmem:s9], [sflag:$0x1] =	stream.indirect.gather [hbm4b:s1+s7], $0x80, s26, s7, $0xb8;
	[tilespmem:$0x19C00] =	vst v63  }
0x1e9: {  	_ =	swait.ge [sflag:s22], $0x8000  }
0x1ea: {  	[sflag:s22] =	ssyncset.done $0x0  }
0x1eb: {  	s26 =	rddreg [dreg:$0xd];
	[sflag:s22] =	ssyncadd.s32 $0xFFFF8000  }
0x1ec: {  	[hbm4b:s26+s19] =	stream.strided.scatter [tilespmem:s10], [sflag:$0x5], $0x8000, s21, s19, $0x38;
	[tilespmem:$0x19C00] =	vst v63  }
0x1ed: {  	_ =	swait.ge [sflag:s23], $0x8000  }
0x1ee: {  	s0 =	sld [smem:$0x7EC]  }
0x1ef: {  	[sflag:s23] =	ssyncset.done $0x0  }
0x1f0: {  	s26 =	sld [smem:$0x7ED];
	[sflag:s23] =	ssyncadd.s32 $0xFFFF8000  }
0x1f1: {  	[tilespmem:s10], [sflag:$0x2] =	stream.indirect.gather [hbm4b:s1+s7], $0x80, s0, s7, $0xb8;
	[tilespmem:$0x19C00] =	vst v63  }
0x1f2: {  	_ = 	snop  }
0x1f3: {  	[tilespmem:s11], [sflag:$0x2] =	stream.indirect.gather [hbm4b:s1+s7], $0x80, s26, s7, $0xb8;
	[tilespmem:$0x19C00] =	vst v63  }
0x1f4: {  	_ =	swait.ge [sflag:s24], $0x8000  }
0x1f5: {  	[sflag:s24] =	ssyncset.done $0x0  }
0x1f6: {  	s26 =	rddreg [dreg:$0xe];
	[sflag:s24] =	ssyncadd.s32 $0xFFFF8000  }
0x1f7: {  	[hbm4b:s26+s19] =	stream.strided.scatter [tilespmem:s12], [sflag:$0x6], $0x8000, s21, s19, $0x38;
	[tilespmem:$0x19C00] =	vst v63  }
0x1f8: {  	_ =	swait.ge [sflag:s25], $0x8000  }
0x1f9: {  	s0 =	sld [smem:$0x7EE]  }
0x1fa: {  	[sflag:s25] =	ssyncset.done $0x0  }
0x1fb: {  	s26 =	sld [smem:$0x7EF];
	[sflag:s25] =	ssyncadd.s32 $0xFFFF8000  }
0x1fc: {  	[tilespmem:s12], [sflag:$0x3] =	stream.indirect.gather [hbm4b:s1+s7], $0x80, s0, s7, $0xb8;
	[tilespmem:$0x19C00] =	vst v63  }
0x1fd: {  	_ = 	snop  }
0x1fe: {  	[tilespmem:s13], [sflag:$0x3] =	stream.indirect.gather [hbm4b:s1+s7], $0x80, s26, s7, $0xb8;
	[tilespmem:$0x19C00] =	vst v63  }
0x1ff: {  	_ =	swait.ge [sflag:s18], $0x8000  }
0x200: {  	[sflag:s18] =	ssyncset.done $0x0  }
0x201: {  	s26 =	rddreg [dreg:$0xf];
	[sflag:s18] =	ssyncadd.s32 $0xFFFF8000  }
0x202: {  	[hbm4b:s26+s19] =	stream.strided.scatter [tilespmem:s8], [sflag:$0x4], $0x8000, s21, s19, $0x38;
	[tilespmem:$0x19C00] =	vst v63  }
0x203: {  	_ =	swait.ge [sflag:s20], $0x8000  }
0x204: {  	s0 =	sld [smem:$0x7F0]  }
0x205: {  	[sflag:s20] =	ssyncset.done $0x0  }
0x206: {  	s26 =	sld [smem:$0x7F1];
	[sflag:s20] =	ssyncadd.s32 $0xFFFF8000  }
0x207: {  	[tilespmem:s8], [sflag:$0x1] =	stream.indirect.gather [hbm4b:s1+s7], $0x80, s0, s7, $0xb8;
	[tilespmem:$0x19C00] =	vst v63  }
0x208: {  	_ = 	snop  }
0x209: {  	[tilespmem:s9], [sflag:$0x1] =	stream.indirect.gather [hbm4b:s1+s7], $0x80, s26, s7, $0xb8;
	[tilespmem:$0x19C00] =	vst v63  }
0x20a: {  	_ =	swait.ge [sflag:s22], $0x8000  }
0x20b: {  	[sflag:s22] =	ssyncset.done $0x0  }
0x20c: {  	s26 =	rddreg [dreg:$0x10];
	[sflag:s22] =	ssyncadd.s32 $0xFFFF8000  }
0x20d: {  	[hbm4b:s26+s19] =	stream.strided.scatter [tilespmem:s10], [sflag:$0x5], $0x8000, s21, s19, $0x38;
	[tilespmem:$0x19C00] =	vst v63  }
0x20e: {  	_ =	swait.ge [sflag:s23], $0x8000  }
0x20f: {  	s0 =	sld [smem:$0x7F2]  }
0x210: {  	[sflag:s23] =	ssyncset.done $0x0  }
0x211: {  	s26 =	sld [smem:$0x7F3];
	[sflag:s23] =	ssyncadd.s32 $0xFFFF8000  }
0x212: {  	[tilespmem:s10], [sflag:$0x2] =	stream.indirect.gather [hbm4b:s1+s7], $0x80, s0, s7, $0xb8;
	[tilespmem:$0x19C00] =	vst v63  }
0x213: {  	_ = 	snop  }
0x214: {  	[tilespmem:s11], [sflag:$0x2] =	stream.indirect.gather [hbm4b:s1+s7], $0x80, s26, s7, $0xb8;
	[tilespmem:$0x19C00] =	vst v63  }
0x215: {  	_ =	swait.ge [sflag:s24], $0x8000  }
0x216: {  	[sflag:s24] =	ssyncset.done $0x0  }
0x217: {  	s26 =	rddreg [dreg:$0x11];
	[sflag:s24] =	ssyncadd.s32 $0xFFFF8000  }
0x218: {  	[hbm4b:s26+s19] =	stream.strided.scatter [tilespmem:s12], [sflag:$0x6], $0x8000, s21, s19, $0x38;
	[tilespmem:$0x19C00] =	vst v63  }
0x219: {  	_ =	swait.ge [sflag:s25], $0x8000  }
0x21a: {  	s0 =	sld [smem:$0x7F4]  }
0x21b: {  	[sflag:s25] =	ssyncset.done $0x0  }
0x21c: {  	s26 =	sld [smem:$0x7F5];
	[sflag:s25] =	ssyncadd.s32 $0xFFFF8000  }
0x21d: {  	[tilespmem:s12], [sflag:$0x3] =	stream.indirect.gather [hbm4b:s1+s7], $0x80, s0, s7, $0xb8;
	[tilespmem:$0x19C00] =	vst v63  }
0x21e: {  	_ = 	snop  }
0x21f: {  	[tilespmem:s13], [sflag:$0x3] =	stream.indirect.gather [hbm4b:s1+s7], $0x80, s26, s7, $0xb8;
	[tilespmem:$0x19C00] =	vst v63  }
0x220: {  	_ =	swait.ge [sflag:s18], $0x8000  }
0x221: {  	[sflag:s18] =	ssyncset.done $0x0  }
0x222: {  	s26 =	rddreg [dreg:$0x12];
	[sflag:s18] =	ssyncadd.s32 $0xFFFF8000  }
0x223: {  	[hbm4b:s26+s19] =	stream.strided.scatter [tilespmem:s8], [sflag:$0x4], $0x8000, s21, s19, $0x38;
	[tilespmem:$0x19C00] =	vst v63  }
0x224: {  	_ =	swait.ge [sflag:s20], $0x8000  }
0x225: {  	s0 =	sld [smem:$0x7F6]  }
0x226: {  	[sflag:s20] =	ssyncset.done $0x0  }
0x227: {  	s26 =	sld [smem:$0x7F7];
	[sflag:s20] =	ssyncadd.s32 $0xFFFF8000  }
0x228: {  	[tilespmem:s8], [sflag:$0x1] =	stream.indirect.gather [hbm4b:s1+s7], $0x80, s0, s7, $0xb8;
	[tilespmem:$0x19C00] =	vst v63  }
0x229: {  	_ = 	snop  }
0x22a: {  	[tilespmem:s9], [sflag:$0x1] =	stream.indirect.gather [hbm4b:s1+s7], $0x80, s26, s7, $0xb8;
	[tilespmem:$0x19C00] =	vst v63  }
0x22b: {  	_ =	swait.ge [sflag:s22], $0x8000  }
0x22c: {  	[sflag:s22] =	ssyncset.done $0x0  }
0x22d: {  	s26 =	rddreg [dreg:$0x13];
	[sflag:s22] =	ssyncadd.s32 $0xFFFF8000  }
0x22e: {  	[hbm4b:s26+s19] =	stream.strided.scatter [tilespmem:s10], [sflag:$0x5], $0x8000, s21, s19, $0x38;
	[tilespmem:$0x19C00] =	vst v63  }
0x22f: {  	_ =	swait.ge [sflag:s23], $0x8000  }
0x230: {  	s0 =	sld [smem:$0x7F8]  }
0x231: {  	[sflag:s23] =	ssyncset.done $0x0  }
0x232: {  	s26 =	sld [smem:$0x7F9];
	[sflag:s23] =	ssyncadd.s32 $0xFFFF8000  }
0x233: {  	[tilespmem:s10], [sflag:$0x2] =	stream.indirect.gather [hbm4b:s1+s7], $0x80, s0, s7, $0xb8;
	[tilespmem:$0x19C00] =	vst v63  }
0x234: {  	_ = 	snop  }
0x235: {  	[tilespmem:s11], [sflag:$0x2] =	stream.indirect.gather [hbm4b:s1+s7], $0x80, s26, s7, $0xb8;
	[tilespmem:$0x19C00] =	vst v63  }
0x236: {  	_ =	swait.ge [sflag:s24], $0x8000  }
0x237: {  	[sflag:s24] =	ssyncset.done $0x0  }
0x238: {  	s26 =	rddreg [dreg:$0x14];
	[sflag:s24] =	ssyncadd.s32 $0xFFFF8000  }
0x239: {  	[hbm4b:s26+s19] =	stream.strided.scatter [tilespmem:s12], [sflag:$0x6], $0x8000, s21, s19, $0x38;
	[tilespmem:$0x19C00] =	vst v63  }
0x23a: {  	_ =	swait.ge [sflag:s25], $0x8000  }
0x23b: {  	s0 =	sld [smem:$0x7FA]  }
0x23c: {  	[sflag:s25] =	ssyncset.done $0x0  }
0x23d: {  	s26 =	sld [smem:$0x7FB];
	[sflag:s25] =	ssyncadd.s32 $0xFFFF8000  }
0x23e: {  	[tilespmem:s12], [sflag:$0x3] =	stream.indirect.gather [hbm4b:s1+s7], $0x80, s0, s7, $0xb8;
	[tilespmem:$0x19C00] =	vst v63  }
0x23f: {  	_ = 	snop  }
0x240: {  	[tilespmem:s13], [sflag:$0x3] =	stream.indirect.gather [hbm4b:s1+s7], $0x80, s26, s7, $0xb8;
	[tilespmem:$0x19C00] =	vst v63  }
0x241: {  	_ =	swait.ge [sflag:s18], $0x8000  }
0x242: {  	[sflag:s18] =	ssyncset.done $0x0  }
0x243: {  	s26 =	rddreg [dreg:$0x15];
	[sflag:s18] =	ssyncadd.s32 $0xFFFF8000  }
0x244: {  	[hbm4b:s26+s19] =	stream.strided.scatter [tilespmem:s8], [sflag:$0x4], $0x8000, s21, s19, $0x38;
	[tilespmem:$0x19C00] =	vst v63  }
0x245: {  	_ =	swait.ge [sflag:s20], $0x8000  }
0x246: {  	s0 =	sld [smem:$0x7FC]  }
0x247: {  	[sflag:s20] =	ssyncset.done $0x0  }
0x248: {  	s26 =	sld [smem:$0x7FD];
	[sflag:s20] =	ssyncadd.s32 $0xFFFF8000  }
0x249: {  	[tilespmem:s8], [sflag:$0x1] =	stream.indirect.gather [hbm4b:s1+s7], $0x80, s0, s7, $0xb8;
	[tilespmem:$0x19C00] =	vst v63  }
0x24a: {  	_ = 	snop  }
0x24b: {  	[tilespmem:s9], [sflag:$0x1] =	stream.indirect.gather [hbm4b:s1+s7], $0x80, s26, s7, $0xb8;
	[tilespmem:$0x19C00] =	vst v63  }
0x24c: {  	_ =	swait.ge [sflag:s22], $0x8000  }
0x24d: {  	[sflag:s22] =	ssyncset.done $0x0  }
0x24e: {  	s26 =	rddreg [dreg:$0x16];
	[sflag:s22] =	ssyncadd.s32 $0xFFFF8000  }
0x24f: {  	[hbm4b:s26+s19] =	stream.strided.scatter [tilespmem:s10], [sflag:$0x5], $0x8000, s21, s19, $0x38;
	[tilespmem:$0x19C00] =	vst v63  }
0x250: {  	_ =	swait.ge [sflag:s23], $0x8000  }
0x251: {  	[sflag:s23] =	ssyncset.done $0x0  }
0x252: {  	s26 =	simm.s32 $0x1600;
	[sflag:s23] =	ssyncadd.s32 $0xFFFF8000  }
0x253: {  	[tilespmem:s10], [sflag:$0x2] =	stream.indirect.gather [hbm4b:s1+s7], $0x80, s26, s7, $0xb8;
	[tilespmem:$0x19C00] =	vst v63  }
0x254: {  	_ = 	snop  }
0x255: {  	[tilespmem:s11], [sflag:$0x2] =	stream.indirect.gather [hbm4b:s1+s7], $0x80, s28, s7, $0xb8;
	[tilespmem:$0x19C00] =	vst v63  }
0x256: {  	_ =	swait.ge [sflag:s24], $0x8000  }
0x257: {  	[sflag:s24] =	ssyncset.done $0x0  }
0x258: {  	s26 =	rddreg [dreg:$0x17];
	[sflag:s24] =	ssyncadd.s32 $0xFFFF8000  }
0x259: {  	[hbm4b:s26+s19] =	stream.strided.scatter [tilespmem:s12], [sflag:$0x6], $0x8000, s21, s19, $0x38;
	[tilespmem:$0x19C00] =	vst v63  }
0x25a: {  	_ =	swait.ge [sflag:s25], $0x8000  }
0x25b: {  	[sflag:s25] =	ssyncset.done $0x0  }
0x25c: {  	[sflag:s25] =	ssyncadd.s32 $0xFFFF8000  }
0x25d: {  	[tilespmem:s12], [sflag:$0x3] =	stream.indirect.gather [hbm4b:s1+s7], $0x80, s29, s7, $0xb8;
	[tilespmem:$0x19C00] =	vst v63  }
0x25e: {  	_ = 	snop  }
0x25f: {  	[tilespmem:s13], [sflag:$0x3] =	stream.indirect.gather [hbm4b:s1+s7], $0x80, s30, s7, $0xb8;
	[tilespmem:$0x19C00] =	vst v63  }
0x260: {  	_ =	swait.ge [sflag:s18], $0x8000  }
0x261: {  	[sflag:s18] =	ssyncset.done $0x0  }
0x262: {  	s26 =	rddreg [dreg:$0x18];
	[sflag:s18] =	ssyncadd.s32 $0xFFFF8000  }
0x263: {  	[hbm4b:s26+s19] =	stream.strided.scatter [tilespmem:s8], [sflag:$0x4], $0x8000, s21, s19, $0x38;
	[tilespmem:$0x19C00] =	vst v63  }
0x264: {  	_ =	swait.ge [sflag:s20], $0x8000  }
0x265: {  	[sflag:s20] =	ssyncset.done $0x0  }
0x266: {  	[sflag:s20] =	ssyncadd.s32 $0xFFFF8000  }
0x267: {  	[tilespmem:s8], [sflag:$0x1] =	stream.indirect.gather [hbm4b:s1+s7], $0x80, s16, s7, $0xb8;
	[tilespmem:$0x19C00] =	vst v63  }
0x268: {  	_ = 	snop  }
0x269: {  	[tilespmem:s9], [sflag:$0x1] =	stream.indirect.gather [hbm4b:s1+s7], $0x80, s31, s7, $0xb8;
	[tilespmem:$0x19C00] =	vst v63  }
0x26a: {  	_ =	swait.ge [sflag:s22], $0x8000  }
0x26b: {  	[sflag:s22] =	ssyncset.done $0x0  }
0x26c: {  	s26 =	rddreg [dreg:$0x19];
	[sflag:s22] =	ssyncadd.s32 $0xFFFF8000  }
0x26d: {  	[hbm4b:s26+s19] =	stream.strided.scatter [tilespmem:s10], [sflag:$0x5], $0x8000, s21, s19, $0x38;
	[tilespmem:$0x19C00] =	vst v63  }
0x26e: {  	_ =	swait.ge [sflag:s24], $0x8000  }
0x26f: {  	[sflag:s24] =	ssyncset.done $0x0  }
0x270: {  	s26 =	rddreg [dreg:$0x1a];
	[sflag:s24] =	ssyncadd.s32 $0xFFFF8000  }
0x271: {  	[hbm4b:s26+s19] =	stream.strided.scatter [tilespmem:s12], [sflag:$0x6], $0x8000, s21, s19, $0x38;
	[tilespmem:$0x19C00] =	vst v63  }
0x272: {  	_ =	swait.ge [sflag:s18], $0x8000  }
0x273: {  	[sflag:s18] =	ssyncset.done $0x0  }
0x274: {  	s26 =	rddreg [dreg:$0x1b];
	[sflag:s18] =	ssyncadd.s32 $0xFFFF8000  }
0x275: {  	[hbm4b:s26+s19] =	stream.strided.scatter [tilespmem:s8], [sflag:$0x4], $0x8000, s21, s19, $0x38;
	[tilespmem:$0x19C00] =	vst v63  }
0x276: {  	_ =	swait.ge [sflag:s23], $0x8000  }
0x277: {  	[sflag:s23] =	ssyncset.done $0x0  }
0x278: {  	p0 =	sne.s32 s2, $0x1;
	[sflag:s23] =	ssyncadd.s32 $0xFFFF8000  }
.Ltmp1:
0x279: {  	_ =	swait.ge [sflag:s25], $0x8000;
	(pc) =	sbr.rel @p0 .LBB2_1-.Ltmp1, $4  }
0x27a: {  	[sflag:s25] =	ssyncset.done $0x0  }
0x27b: {  	[sflag:s25] =	ssyncadd.s32 $0xFFFF8000  }
0x27c: {  	_ =	swait.ge [sflag:s20], $0x8000  }
0x27d: {  	s2 =	sadd.s32 $0xFFFFFFFF, s2;
	[sflag:s20] =	ssyncset.done $0x0  }
.LBB2_2:
0x27e: {  	[sflag:s20] =	ssyncadd.s32 $0xFFFF8000  }
0x27f: {  	_ =	sfence.sel $0x180000  }
0x280: {  	[bflag:$0x0] =	sbarrier.arrive $0xFFFF  }
0x281: {  	_ =	strace $0x90000047  }
0x282: {  	s0 =	stileid.u32;
	[bflag:$0x2] =	sbarrier.arrive $0xFFFF  }
0x283: {  	p0 =	sne.s32 s0, $0x0;
	s0 =	rddreg [dreg:$0x3]  }
0x284: {  	s0 =	sadd.s32 @!p0 $0x100000, s0  }
0x285: {  	[sflag:s0] =	ssyncadd.tile.s32 @!p0 $0x1;
	_ =	shalt  }
.Lfunc_end2:
_tile_overlayer_lowered:
.L_overlay_start_2:
0x286: {  	(tag) =	ssettag $0x2  }
0x287: {  	s0 =	rddreg [dreg:$0x0];
	s2 =	stileid.u32  }
0x288: {  	s1 =	rddreg [dreg:$0x1];
	p0 =	sne.s32 s2, $0x0  }
0x289: {  	s3 =	rddreg [dreg:$0x2];
	[bflag:$0x3] =	sbarrier.arrive $0xFFFF;
	s2 =	simm.s32 @!p0 $0x1C07  }
0x28a: {  	[timem:s3], [sflag:s2] =	dma.local @!p0 [hbm:s0], s1  }
0x28b: {  	s0 =	simm.s32 @!p0 $0x7  }
0x28c: {  	_ =	swait.ge @!p0 [sflag:s0], s1  }
0x28d: {  	s1 =	ssub.s32 @!p0 $0x0, s1;
	[sflag:s0] =	ssyncset.done @!p0 $0x0  }
0x28e: {  	[sflag:s0] =	ssyncadd.s32 @!p0 s1  }
0x28f: {  	[bflag:$0x3] =	sbarrier.arrive $0xFFFF  }
0x290: {  	_ =	shalt  }

</sc_bundles>
